<compile_context>
chip_gen: v7x
topology: tpu7x:2x2x1
jax: 0.10.2.dev20260603
libtpu: 0.0.44.dev20260713+nightly
codegen_flags: <defaults>
</compile_context>

<pallas_src>
import functools

import jax
import jax.numpy as jnp
from jax import lax
from jax.experimental import pallas as pl
from jax.experimental.pallas import tpu as pltpu
from jax.experimental.pallas import tpu_sc as plsc

KNN = 20
NEG_SLOPE = 0.2

SC_CORES = 2
SC_SUBCORES = 16
SC_WORKERS = SC_CORES * SC_SUBCORES
SC_ROWS_PER_CHUNK = 4


def _lrelu(v):
    return jnp.maximum(v, NEG_SLOPE * v)




def _feat_body(xt_ref, w1_ref, w2a_ref, w2b_ref, yt_ref, zt_ref, wt_ref):
    xt = xt_ref[0]
    dn = (((1,), (1,)), ((), ()))
    yt = lax.dot_general(xt, w1_ref[...], dn, preferred_element_type=jnp.float32)
    yt_ref[0] = yt
    yt16 = yt.astype(jnp.bfloat16)
    zt_ref[0] = lax.dot_general(yt16, w2a_ref[...], dn,
                                preferred_element_type=jnp.float32)
    wt_ref[0] = lax.dot_general(yt16, w2b_ref[...], dn,
                                preferred_element_type=jnp.float32)


def _knn_body(ytf_ref, ytb_ref, idx_ref, d_ref):
    b = pl.program_id(0)
    yf = ytf_ref[0]
    yb = ytb_ref[0]
    m, c = yb.shape
    n = yf.shape[0]
    dn = (((1,), (1,)), ((), ()))
    inner = lax.dot_general(yb.astype(jnp.bfloat16), yf.astype(jnp.bfloat16),
                            dn, preferred_element_type=jnp.float32)
    sq_row = jnp.sum(yf * yf, axis=1)[None, :]
    sq_col = jnp.sum(yb * yb, axis=1)[:, None]
    d_ref[...] = (2.0 * inner - sq_col) - sq_row
    col = lax.broadcasted_iota(jnp.int32, (m, n), 1)
    for k in range(KNN):
        d = d_ref[...]
        mx = jnp.max(d, axis=1, keepdims=True)
        hit = d >= mx
        a = jnp.min(jnp.where(hit, col, n), axis=1, keepdims=True)
        idx_ref[0, :, k:k + 1] = a + b * n
        d_ref[...] = jnp.where(hit & (col == a), -jnp.inf, d)


def _sc_attention(zt, yt, wt, gidx, bn, c):
    rows_per_worker = bn // SC_WORKERS
    r = SC_ROWS_PER_CHUNK
    n_chunks = rows_per_worker // r
    mesh = plsc.VectorSubcoreMesh(core_axis_name="c", subcore_axis_name="s")

    @functools.partial(
        pl.kernel,
        mesh=mesh,
        out_type=jax.ShapeDtypeStruct((bn, c), jnp.float32),
        scratch_types=[
            pltpu.VMEM((r * KNN,), jnp.int32),
            pltpu.VMEM((r * KNN, c), jnp.float32),
            pltpu.VMEM((r * KNN, c), jnp.float32),
            pltpu.VMEM((r, c), jnp.float32),
            pltpu.VMEM((r, c), jnp.float32),
            pltpu.SemaphoreType.DMA,
            pltpu.SemaphoreType.DMA,
        ],
    )
    def att(zt_hbm, yt_hbm, wt_hbm, gidx_hbm, out_hbm,
            idx_v, z_v, y_v, w_v, o_v, sem_z, sem_y):
        wid = lax.axis_index("s") * SC_CORES + lax.axis_index("c")
        base0 = wid * rows_per_worker

        def chunk(ci, carry):
            base = base0 + ci * r
            pltpu.sync_copy(gidx_hbm.at[pl.ds(base * KNN, r * KNN)], idx_v)
            cp_z = pltpu.async_copy(zt_hbm.at[idx_v], z_v, sem_z)
            cp_y = pltpu.async_copy(yt_hbm.at[idx_v], y_v, sem_y)
            pltpu.sync_copy(wt_hbm.at[pl.ds(base, r)], w_v)
            cp_z.wait()
            cp_y.wait()

            def row(ri, carry2):
                def chan(c16, carry3):
                    co = c16 * 16
                    wv = w_v[ri, pl.ds(co, 16)]
                    es = []
                    mx = jnp.full((16,), -jnp.inf, jnp.float32)
                    for k in range(KNN):
                        e = _lrelu(z_v[ri * KNN + k, pl.ds(co, 16)] + wv)
                        es.append(e)
                        mx = jnp.maximum(mx, e)
                    s = jnp.zeros((16,), jnp.float32)
                    o = jnp.zeros((16,), jnp.float32)
                    for k in range(KNN):
                        p = jnp.exp(es[k] - mx)
                        s = s + p
                        o = o + p * y_v[ri * KNN + k, pl.ds(co, 16)]
                    o_v[ri, pl.ds(co, 16)] = _lrelu(o / s)
                    return carry3

                return lax.fori_loop(0, c // 16, chan, carry2)

            lax.fori_loop(0, r, row, 0)
            pltpu.sync_copy(o_v, out_hbm.at[pl.ds(base, r)])
            return carry

        lax.fori_loop(0, n_chunks, chunk, 0)

    return att(zt, yt, wt, gidx)


def kernel(x, W1, W2):
    b, cin, n = x.shape
    c = W1.shape[0]
    xt = jnp.transpose(x, (0, 2, 1)).astype(jnp.bfloat16)
    w1_16 = W1.astype(jnp.bfloat16)
    w2a = W2[:, :c].astype(jnp.bfloat16)
    w2b = W2[:, c:].astype(jnp.bfloat16)

    yt, zt, wt = pl.pallas_call(
        _feat_body,
        grid=(b,),
        in_specs=[
            pl.BlockSpec((1, n, cin), lambda i: (i, 0, 0)),
            pl.BlockSpec((c, cin), lambda i: (0, 0)),
            pl.BlockSpec((c, c), lambda i: (0, 0)),
            pl.BlockSpec((c, c), lambda i: (0, 0)),
        ],
        out_specs=[
            pl.BlockSpec((1, n, c), lambda i: (i, 0, 0)),
            pl.BlockSpec((1, n, c), lambda i: (i, 0, 0)),
            pl.BlockSpec((1, n, c), lambda i: (i, 0, 0)),
        ],
        out_shape=[
            jax.ShapeDtypeStruct((b, n, c), jnp.float32),
            jax.ShapeDtypeStruct((b, n, c), jnp.float32),
            jax.ShapeDtypeStruct((b, n, c), jnp.float32),
        ],
    )(xt, w1_16, w2a, w2b)

    m = 256
    outs = []
    for i in range(b):
        yt_i = lax.slice_in_dim(yt, i, i + 1, axis=0)
        gidx_i = pl.pallas_call(
            _knn_body,
            grid=(1, n // m),
            in_specs=[
                pl.BlockSpec((1, n, c), lambda i, j: (i, 0, 0)),
                pl.BlockSpec((1, m, c), lambda i, j: (i, j, 0)),
            ],
            out_specs=pl.BlockSpec((1, m, KNN), lambda i, j: (i, j, 0)),
            out_shape=jax.ShapeDtypeStruct((1, n, KNN), jnp.int32),
            scratch_shapes=[pltpu.VMEM((m, n), jnp.float32)],
            compiler_params=pltpu.CompilerParams(
                dimension_semantics=("parallel", "parallel")),
        )(yt_i, yt_i)
        outs.append(_sc_attention(
            zt[i], yt[i], wt[i], gidx_i.reshape(n * KNN), n, c))
    outt = jnp.stack(outs)
    return jnp.transpose(outt, (0, 2, 1))

# --- scband reference (transcript-rebuilt; emitter-appended) ---
"""Pipeline reference for scband-graph-attention-88888643158207 (READ-ONLY COPY).

The authoritative reference and input builder live on the scoring server;
editing this copy changes nothing except your own understanding.
"""

import jax, jax.numpy as jnp
import numpy as np

K = 20
NEG_SLOPE = 0.2


def _leaky_relu(x, s=NEG_SLOPE):
    return jnp.where(x >= 0, x, s * x)


def setup_inputs(seed: int = 0):
    key = jax.random.key(seed)
    k1, k2, k3 = jax.random.split(key, 3)
    B, CIN, COUT, N = 4, 128, 128, 4096
    x = jax.random.normal(k1, (B, CIN, N), dtype=jnp.float32)
    W1 = jax.random.normal(k2, (COUT, CIN), dtype=jnp.float32) / np.sqrt(CIN)
    W2 = jax.random.normal(k3, (COUT, 2 * COUT), dtype=jnp.float32) / np.sqrt(2 * COUT)
    return {"x": x, "W1": W1, "W2": W2}


def reference(x, W1, W2):
    # conv1: 1x1 conv (pointwise linear), no bias
    y = jnp.einsum('oc,bcn->bon', W1, x)                      # [B,COUT,N]
    # neighboring: kNN in feature space of y
    yt = jnp.transpose(y, (0, 2, 1))                          # [B,N,C]
    sq = jnp.sum(yt * yt, axis=-1)                            # [B,N]
    inner = jnp.einsum('bnc,bmc->bnm', yt, yt)                # [B,N,N]
    neg_dist = 2.0 * inner - sq[:, :, None] - sq[:, None, :]  # negative squared distance
    idx = jax.lax.top_k(neg_dist, K)[1]                       # [B,N,K] int32
    # gather neighbor features
    n_feat = jax.vmap(lambda f, i: f[i])(yt, idx)             # [B,N,K,C]
    n_feat = jnp.transpose(n_feat, (0, 3, 2, 1))              # [B,C,K,N]
    # concat neighbor feats with repeated center feats along channel dim
    y_rep = jnp.broadcast_to(y[:, :, None, :], n_feat.shape)  # [B,C,K,N]
    ny = jnp.concatenate([n_feat, y_rep], axis=1)             # [B,2C,K,N]
    # conv2: pointwise linear + lrelu, then softmax over neighbor dim
    e = _leaky_relu(jnp.einsum('od,bdkn->bokn', W2, ny))      # [B,C,K,N]
    e = jax.nn.softmax(e, axis=2)
    out = jnp.sum(e * n_feat, axis=2)                         # [B,C,N]
    return _leaky_relu(out)

if __name__ == "__main__":
    import jax
    _d = setup_inputs()
    print(jax.jit(kernel)(*tuple(_d.values())))

</pallas_src>

<mosaic_0001>
#map = affine_map<(d0, d1) -> (0, 0)>
#map1 = affine_map<(d0, d1) -> (0)>
module attributes {stable_mosaic.version = 14 : i64} {
  func.func @att(%arg0: i32, %arg1: i32, %arg2: memref<4096x128xf32, #tpu.memory_space<hbm>>, %arg3: memref<4096x128xf32, #tpu.memory_space<hbm>>, %arg4: memref<4096x128xf32, #tpu.memory_space<hbm>>, %arg5: memref<81920xi32, #tpu.memory_space<hbm>>, %arg6: memref<4096x128xf32, #tpu.memory_space<hbm>>, %arg7: memref<80xi32, #tpu.memory_space<vmem>>, %arg8: memref<80x128xf32, #tpu.memory_space<vmem>>, %arg9: memref<80x128xf32, #tpu.memory_space<vmem>>, %arg10: memref<4x128xf32, #tpu.memory_space<vmem>>, %arg11: memref<4x128xf32, #tpu.memory_space<vmem>>, %arg12: memref<!tpu.dma_semaphore, #tpu.memory_space<semaphore_mem>>, %arg13: memref<!tpu.dma_semaphore, #tpu.memory_space<semaphore_mem>>) attributes {dimension_semantics = [#tpu.dimension_semantics<core_parallel>, #tpu.dimension_semantics<subcore_parallel>], iteration_bounds = array<i64: 2, 16>, scalar_prefetch = 0 : i64, scratch_operands = 7 : i64, tpu.core_type = #tpu.core_type<sc_vector_subcore>, window_params = [{transform_indices = #map}, {transform_indices = #map}, {transform_indices = #map}, {transform_indices = #map1}, {transform_indices = #map}]} {
    %mul3A = arith.constant 2 : i32
    %mul3A_0 = arith.muli %arg1, %mul3A : i32
    %add3A = arith.addi %mul3A_0, %arg0 : i32
    %mul3A_1 = arith.constant 128 : i32
    %mul3A_2 = arith.muli %add3A, %mul3A_1 : i32
    %scan3A = arith.constant 0 : i32
    %scan3A_3 = arith.constant 0 : i32
    %scan3A_4 = arith.constant 32 : i32
    %scan3A_5 = arith.addi %scan3A_3, %scan3A_4 : i32
    %scan3A_6 = arith.constant 1 : i32
    scf.for %scan3A_8 = %scan3A_3 to %scan3A_5 step %scan3A_6  : i32 {
      %mul3A_9 = arith.constant 4 : i32
      %mul3A_10 = arith.muli %scan3A_8, %mul3A_9 : i32
      %add3A_11 = arith.addi %mul3A_2, %mul3A_10 : i32
      %mul3A_12 = arith.constant 20 : i32
      %mul3A_13 = arith.muli %add3A_11, %mul3A_12 : i32
      "tpu.region"() ({
        %run_scoped3A = tpu.sem_alloc : memref<!tpu.dma_semaphore, #tpu.memory_space<semaphore_mem>>
        %dma_start3A_30 = tpu.memref_slice %arg5[%mul3A_13] : memref<81920xi32, #tpu.memory_space<hbm>> -> memref<80xi32, #tpu.memory_space<hbm>>
        %dma_start3A_31 = tpu.memref_slice %arg5[%mul3A_13] : memref<81920xi32, #tpu.memory_space<hbm>> -> memref<80xi32, #tpu.memory_space<hbm>>
        tpu.enqueue_dma source(%dma_start3A_31 : memref<80xi32, #tpu.memory_space<hbm>>) target(%arg7 : memref<80xi32, #tpu.memory_space<vmem>>) target_semaphore(%run_scoped3A : memref<!tpu.dma_semaphore, #tpu.memory_space<semaphore_mem>>)
        %dma_wait3A_32 = tpu.memref_slice %arg5[%mul3A_13] : memref<81920xi32, #tpu.memory_space<hbm>> -> memref<80xi32, #tpu.memory_space<hbm>>
        %dma_wait3A_33 = tpu.memref_slice %arg5[%mul3A_13] : memref<81920xi32, #tpu.memory_space<hbm>> -> memref<80xi32, #tpu.memory_space<hbm>>
        tpu.wait_dma2 semaphore(%run_scoped3A : memref<!tpu.dma_semaphore, #tpu.memory_space<semaphore_mem>>) src(%dma_wait3A_33 : memref<80xi32, #tpu.memory_space<hbm>>) dst(%arg7 : memref<80xi32, #tpu.memory_space<vmem>>)
        tpu.yield
      }) : () -> ()
      %dma_start3A = arith.constant 0 : i32
      %dma_start3A_14 = arith.constant 0 : i32
      %dma_start3A_15 = tpu.memref_slice %arg2[%dma_start3A, %dma_start3A_14] : memref<4096x128xf32, #tpu.memory_space<hbm>> -> memref<4096x128xf32, #tpu.memory_space<hbm>>
      tpu.enqueue_indirect_dma source(%dma_start3A_15 : memref<4096x128xf32, #tpu.memory_space<hbm>>) target(%arg8 : memref<80x128xf32, #tpu.memory_space<vmem>>) offsets(%arg7 : memref<80xi32, #tpu.memory_space<vmem>>) semaphore(%arg12 : memref<!tpu.dma_semaphore, #tpu.memory_space<semaphore_mem>>)
      %dma_start3A_16 = arith.constant 0 : i32
      %dma_start3A_17 = arith.constant 0 : i32
      %dma_start3A_18 = tpu.memref_slice %arg3[%dma_start3A_16, %dma_start3A_17] : memref<4096x128xf32, #tpu.memory_space<hbm>> -> memref<4096x128xf32, #tpu.memory_space<hbm>>
      tpu.enqueue_indirect_dma source(%dma_start3A_18 : memref<4096x128xf32, #tpu.memory_space<hbm>>) target(%arg9 : memref<80x128xf32, #tpu.memory_space<vmem>>) offsets(%arg7 : memref<80xi32, #tpu.memory_space<vmem>>) semaphore(%arg13 : memref<!tpu.dma_semaphore, #tpu.memory_space<semaphore_mem>>)
      "tpu.region"() ({
        %run_scoped3A = tpu.sem_alloc : memref<!tpu.dma_semaphore, #tpu.memory_space<semaphore_mem>>
        %dma_start3A_30 = arith.constant 0 : i32
        %dma_start3A_31 = tpu.memref_slice %arg4[%add3A_11, %dma_start3A_30] : memref<4096x128xf32, #tpu.memory_space<hbm>> -> memref<4x128xf32, #tpu.memory_space<hbm>>
        %dma_start3A_32 = arith.constant 0 : i32
        %dma_start3A_33 = tpu.memref_slice %arg4[%add3A_11, %dma_start3A_32] : memref<4096x128xf32, #tpu.memory_space<hbm>> -> memref<4x128xf32, #tpu.memory_space<hbm>>
        tpu.enqueue_dma source(%dma_start3A_33 : memref<4x128xf32, #tpu.memory_space<hbm>>) target(%arg10 : memref<4x128xf32, #tpu.memory_space<vmem>>) target_semaphore(%run_scoped3A : memref<!tpu.dma_semaphore, #tpu.memory_space<semaphore_mem>>)
        %dma_wait3A_34 = arith.constant 0 : i32
        %dma_wait3A_35 = tpu.memref_slice %arg4[%add3A_11, %dma_wait3A_34] : memref<4096x128xf32, #tpu.memory_space<hbm>> -> memref<4x128xf32, #tpu.memory_space<hbm>>
        %dma_wait3A_36 = arith.constant 0 : i32
        %dma_wait3A_37 = tpu.memref_slice %arg4[%add3A_11, %dma_wait3A_36] : memref<4096x128xf32, #tpu.memory_space<hbm>> -> memref<4x128xf32, #tpu.memory_space<hbm>>
        tpu.wait_dma2 semaphore(%run_scoped3A : memref<!tpu.dma_semaphore, #tpu.memory_space<semaphore_mem>>) src(%dma_wait3A_37 : memref<4x128xf32, #tpu.memory_space<hbm>>) dst(%arg10 : memref<4x128xf32, #tpu.memory_space<vmem>>)
        tpu.yield
      }) : () -> ()
      %dma_wait3A = arith.constant 0 : i32
      %dma_wait3A_19 = arith.constant 0 : i32
      %dma_wait3A_20 = tpu.memref_slice %arg2[%dma_wait3A, %dma_wait3A_19] : memref<4096x128xf32, #tpu.memory_space<hbm>> -> memref<4096x128xf32, #tpu.memory_space<hbm>>
      tpu.wait_indirect_dma semaphore(%arg12 : memref<!tpu.dma_semaphore, #tpu.memory_space<semaphore_mem>>) src(%dma_wait3A_20 : memref<4096x128xf32, #tpu.memory_space<hbm>>) dst(%arg8 : memref<80x128xf32, #tpu.memory_space<vmem>>)
      %dma_wait3A_21 = arith.constant 0 : i32
      %dma_wait3A_22 = arith.constant 0 : i32
      %dma_wait3A_23 = tpu.memref_slice %arg3[%dma_wait3A_21, %dma_wait3A_22] : memref<4096x128xf32, #tpu.memory_space<hbm>> -> memref<4096x128xf32, #tpu.memory_space<hbm>>
      tpu.wait_indirect_dma semaphore(%arg13 : memref<!tpu.dma_semaphore, #tpu.memory_space<semaphore_mem>>) src(%dma_wait3A_23 : memref<4096x128xf32, #tpu.memory_space<hbm>>) dst(%arg9 : memref<80x128xf32, #tpu.memory_space<vmem>>)
      %scan3A_24 = arith.constant 0 : i32
      %scan3A_25 = arith.constant 0 : i32
      %scan3A_26 = arith.constant 4 : i32
      %scan3A_27 = arith.addi %scan3A_25, %scan3A_26 : i32
      %scan3A_28 = arith.constant 1 : i32
      scf.for %scan3A_30 = %scan3A_25 to %scan3A_27 step %scan3A_28  : i32 {
        %scan3A_31 = arith.constant 0 : i32
        %scan3A_32 = arith.constant 8 : i32
        %scan3A_33 = arith.addi %scan3A_31, %scan3A_32 : i32
        %scan3A_34 = arith.constant 1 : i32
        scf.for %scan3A_36 = %scan3A_31 to %scan3A_33 step %scan3A_34  : i32 {
          %mul3A_37 = arith.constant 16 : i32
          %mul3A_38 = arith.muli %scan3A_36, %mul3A_37 : i32
          %get3A = arith.index_cast %scan3A_30 : i32 to index
          %get3A_39 = arith.index_cast %mul3A_38 : i32 to index
          %get3A_40 = tpu.vector_load %arg10[%get3A, %get3A_39] {strides = array<i32>} : memref<4x128xf32, #tpu.memory_space<vmem>>, vector<1x16xf32>,
          %get3A_41 = vector.shape_cast %get3A_40 : vector<1x16xf32> to vector<16xf32>
          %broadcast_in_dim3A = arith.constant 0xFF800000 : f32
          %broadcast_in_dim3A_42 = vector.broadcast %broadcast_in_dim3A : f32 to vector<16xf32>
          %mul3A_43 = arith.constant 20 : i32
          %mul3A_44 = arith.muli %scan3A_30, %mul3A_43 : i32
          %add3A_45 = arith.constant 0 : i32
          %add3A_46 = arith.addi %mul3A_44, %add3A_45 : i32
          %get3A_47 = arith.index_cast %add3A_46 : i32 to index
          %get3A_48 = arith.index_cast %mul3A_38 : i32 to index
          %get3A_49 = tpu.vector_load %arg8[%get3A_47, %get3A_48] {strides = array<i32>} : memref<80x128xf32, #tpu.memory_space<vmem>>, vector<1x16xf32>,
          %get3A_50 = vector.shape_cast %get3A_49 : vector<1x16xf32> to vector<16xf32>
          %add3A_51 = arith.addf %get3A_50, %get3A_41 : vector<16xf32>
          %mul3A_52 = arith.constant 2.000000e-01 : f32
          %mul3A_53 = vector.broadcast %mul3A_52 : f32 to vector<16xf32>
          %mul3A_54 = arith.mulf %mul3A_53, %add3A_51 : vector<16xf32>
          %max3A = arith.maximumf %add3A_51, %mul3A_54 : vector<16xf32>
          %max3A_55 = arith.maximumf %broadcast_in_dim3A_42, %max3A : vector<16xf32>
          %mul3A_56 = arith.constant 20 : i32
          %mul3A_57 = arith.muli %scan3A_30, %mul3A_56 : i32
          %add3A_58 = arith.constant 1 : i32
          %add3A_59 = arith.addi %mul3A_57, %add3A_58 : i32
          %get3A_60 = arith.index_cast %add3A_59 : i32 to index
          %get3A_61 = arith.index_cast %mul3A_38 : i32 to index
          %get3A_62 = tpu.vector_load %arg8[%get3A_60, %get3A_61] {strides = array<i32>} : memref<80x128xf32, #tpu.memory_space<vmem>>, vector<1x16xf32>,
          %get3A_63 = vector.shape_cast %get3A_62 : vector<1x16xf32> to vector<16xf32>
          %add3A_64 = arith.addf %get3A_63, %get3A_41 : vector<16xf32>
          %mul3A_65 = arith.constant 2.000000e-01 : f32
          %mul3A_66 = vector.broadcast %mul3A_65 : f32 to vector<16xf32>
          %mul3A_67 = arith.mulf %mul3A_66, %add3A_64 : vector<16xf32>
          %max3A_68 = arith.maximumf %add3A_64, %mul3A_67 : vector<16xf32>
          %max3A_69 = arith.maximumf %max3A_55, %max3A_68 : vector<16xf32>
          %mul3A_70 = arith.constant 20 : i32
          %mul3A_71 = arith.muli %scan3A_30, %mul3A_70 : i32
          %add3A_72 = arith.constant 2 : i32
          %add3A_73 = arith.addi %mul3A_71, %add3A_72 : i32
          %get3A_74 = arith.index_cast %add3A_73 : i32 to index
          %get3A_75 = arith.index_cast %mul3A_38 : i32 to index
          %get3A_76 = tpu.vector_load %arg8[%get3A_74, %get3A_75] {strides = array<i32>} : memref<80x128xf32, #tpu.memory_space<vmem>>, vector<1x16xf32>,
          %get3A_77 = vector.shape_cast %get3A_76 : vector<1x16xf32> to vector<16xf32>
          %add3A_78 = arith.addf %get3A_77, %get3A_41 : vector<16xf32>
          %mul3A_79 = arith.constant 2.000000e-01 : f32
          %mul3A_80 = vector.broadcast %mul3A_79 : f32 to vector<16xf32>
          %mul3A_81 = arith.mulf %mul3A_80, %add3A_78 : vector<16xf32>
          %max3A_82 = arith.maximumf %add3A_78, %mul3A_81 : vector<16xf32>
          %max3A_83 = arith.maximumf %max3A_69, %max3A_82 : vector<16xf32>
          %mul3A_84 = arith.constant 20 : i32
          %mul3A_85 = arith.muli %scan3A_30, %mul3A_84 : i32
          %add3A_86 = arith.constant 3 : i32
          %add3A_87 = arith.addi %mul3A_85, %add3A_86 : i32
          %get3A_88 = arith.index_cast %add3A_87 : i32 to index
          %get3A_89 = arith.index_cast %mul3A_38 : i32 to index
          %get3A_90 = tpu.vector_load %arg8[%get3A_88, %get3A_89] {strides = array<i32>} : memref<80x128xf32, #tpu.memory_space<vmem>>, vector<1x16xf32>,
          %get3A_91 = vector.shape_cast %get3A_90 : vector<1x16xf32> to vector<16xf32>
          %add3A_92 = arith.addf %get3A_91, %get3A_41 : vector<16xf32>
          %mul3A_93 = arith.constant 2.000000e-01 : f32
          %mul3A_94 = vector.broadcast %mul3A_93 : f32 to vector<16xf32>
          %mul3A_95 = arith.mulf %mul3A_94, %add3A_92 : vector<16xf32>
          %max3A_96 = arith.maximumf %add3A_92, %mul3A_95 : vector<16xf32>
          %max3A_97 = arith.maximumf %max3A_83, %max3A_96 : vector<16xf32>
          %mul3A_98 = arith.constant 20 : i32
          %mul3A_99 = arith.muli %scan3A_30, %mul3A_98 : i32
          %add3A_100 = arith.constant 4 : i32
          %add3A_101 = arith.addi %mul3A_99, %add3A_100 : i32
          %get3A_102 = arith.index_cast %add3A_101 : i32 to index
          %get3A_103 = arith.index_cast %mul3A_38 : i32 to index
          %get3A_104 = tpu.vector_load %arg8[%get3A_102, %get3A_103] {strides = array<i32>} : memref<80x128xf32, #tpu.memory_space<vmem>>, vector<1x16xf32>,
          %get3A_105 = vector.shape_cast %get3A_104 : vector<1x16xf32> to vector<16xf32>
          %add3A_106 = arith.addf %get3A_105, %get3A_41 : vector<16xf32>
          %mul3A_107 = arith.constant 2.000000e-01 : f32
          %mul3A_108 = vector.broadcast %mul3A_107 : f32 to vector<16xf32>
          %mul3A_109 = arith.mulf %mul3A_108, %add3A_106 : vector<16xf32>
          %max3A_110 = arith.maximumf %add3A_106, %mul3A_109 : vector<16xf32>
          %max3A_111 = arith.maximumf %max3A_97, %max3A_110 : vector<16xf32>
          %mul3A_112 = arith.constant 20 : i32
          %mul3A_113 = arith.muli %scan3A_30, %mul3A_112 : i32
          %add3A_114 = arith.constant 5 : i32
          %add3A_115 = arith.addi %mul3A_113, %add3A_114 : i32
          %get3A_116 = arith.index_cast %add3A_115 : i32 to index
          %get3A_117 = arith.index_cast %mul3A_38 : i32 to index
          %get3A_118 = tpu.vector_load %arg8[%get3A_116, %get3A_117] {strides = array<i32>} : memref<80x128xf32, #tpu.memory_space<vmem>>, vector<1x16xf32>,
          %get3A_119 = vector.shape_cast %get3A_118 : vector<1x16xf32> to vector<16xf32>
          %add3A_120 = arith.addf %get3A_119, %get3A_41 : vector<16xf32>
          %mul3A_121 = arith.constant 2.000000e-01 : f32
          %mul3A_122 = vector.broadcast %mul3A_121 : f32 to vector<16xf32>
          %mul3A_123 = arith.mulf %mul3A_122, %add3A_120 : vector<16xf32>
          %max3A_124 = arith.maximumf %add3A_120, %mul3A_123 : vector<16xf32>
          %max3A_125 = arith.maximumf %max3A_111, %max3A_124 : vector<16xf32>
          %mul3A_126 = arith.constant 20 : i32
          %mul3A_127 = arith.muli %scan3A_30, %mul3A_126 : i32
          %add3A_128 = arith.constant 6 : i32
          %add3A_129 = arith.addi %mul3A_127, %add3A_128 : i32
          %get3A_130 = arith.index_cast %add3A_129 : i32 to index
          %get3A_131 = arith.index_cast %mul3A_38 : i32 to index
          %get3A_132 = tpu.vector_load %arg8[%get3A_130, %get3A_131] {strides = array<i32>} : memref<80x128xf32, #tpu.memory_space<vmem>>, vector<1x16xf32>,
          %get3A_133 = vector.shape_cast %get3A_132 : vector<1x16xf32> to vector<16xf32>
          %add3A_134 = arith.addf %get3A_133, %get3A_41 : vector<16xf32>
          %mul3A_135 = arith.constant 2.000000e-01 : f32
          %mul3A_136 = vector.broadcast %mul3A_135 : f32 to vector<16xf32>
          %mul3A_137 = arith.mulf %mul3A_136, %add3A_134 : vector<16xf32>
          %max3A_138 = arith.maximumf %add3A_134, %mul3A_137 : vector<16xf32>
          %max3A_139 = arith.maximumf %max3A_125, %max3A_138 : vector<16xf32>
          %mul3A_140 = arith.constant 20 : i32
          %mul3A_141 = arith.muli %scan3A_30, %mul3A_140 : i32
          %add3A_142 = arith.constant 7 : i32
          %add3A_143 = arith.addi %mul3A_141, %add3A_142 : i32
          %get3A_144 = arith.index_cast %add3A_143 : i32 to index
          %get3A_145 = arith.index_cast %mul3A_38 : i32 to index
          %get3A_146 = tpu.vector_load %arg8[%get3A_144, %get3A_145] {strides = array<i32>} : memref<80x128xf32, #tpu.memory_space<vmem>>, vector<1x16xf32>,
          %get3A_147 = vector.shape_cast %get3A_146 : vector<1x16xf32> to vector<16xf32>
          %add3A_148 = arith.addf %get3A_147, %get3A_41 : vector<16xf32>
          %mul3A_149 = arith.constant 2.000000e-01 : f32
          %mul3A_150 = vector.broadcast %mul3A_149 : f32 to vector<16xf32>
          %mul3A_151 = arith.mulf %mul3A_150, %add3A_148 : vector<16xf32>
          %max3A_152 = arith.maximumf %add3A_148, %mul3A_151 : vector<16xf32>
          %max3A_153 = arith.maximumf %max3A_139, %max3A_152 : vector<16xf32>
          %mul3A_154 = arith.constant 20 : i32
          %mul3A_155 = arith.muli %scan3A_30, %mul3A_154 : i32
          %add3A_156 = arith.constant 8 : i32
          %add3A_157 = arith.addi %mul3A_155, %add3A_156 : i32
          %get3A_158 = arith.index_cast %add3A_157 : i32 to index
          %get3A_159 = arith.index_cast %mul3A_38 : i32 to index
          %get3A_160 = tpu.vector_load %arg8[%get3A_158, %get3A_159] {strides = array<i32>} : memref<80x128xf32, #tpu.memory_space<vmem>>, vector<1x16xf32>,
          %get3A_161 = vector.shape_cast %get3A_160 : vector<1x16xf32> to vector<16xf32>
          %add3A_162 = arith.addf %get3A_161, %get3A_41 : vector<16xf32>
          %mul3A_163 = arith.constant 2.000000e-01 : f32
          %mul3A_164 = vector.broadcast %mul3A_163 : f32 to vector<16xf32>
          %mul3A_165 = arith.mulf %mul3A_164, %add3A_162 : vector<16xf32>
          %max3A_166 = arith.maximumf %add3A_162, %mul3A_165 : vector<16xf32>
          %max3A_167 = arith.maximumf %max3A_153, %max3A_166 : vector<16xf32>
          %mul3A_168 = arith.constant 20 : i32
          %mul3A_169 = arith.muli %scan3A_30, %mul3A_168 : i32
          %add3A_170 = arith.constant 9 : i32
          %add3A_171 = arith.addi %mul3A_169, %add3A_170 : i32
          %get3A_172 = arith.index_cast %add3A_171 : i32 to index
          %get3A_173 = arith.index_cast %mul3A_38 : i32 to index
          %get3A_174 = tpu.vector_load %arg8[%get3A_172, %get3A_173] {strides = array<i32>} : memref<80x128xf32, #tpu.memory_space<vmem>>, vector<1x16xf32>,
          %get3A_175 = vector.shape_cast %get3A_174 : vector<1x16xf32> to vector<16xf32>
          %add3A_176 = arith.addf %get3A_175, %get3A_41 : vector<16xf32>
          %mul3A_177 = arith.constant 2.000000e-01 : f32
          %mul3A_178 = vector.broadcast %mul3A_177 : f32 to vector<16xf32>
          %mul3A_179 = arith.mulf %mul3A_178, %add3A_176 : vector<16xf32>
          %max3A_180 = arith.maximumf %add3A_176, %mul3A_179 : vector<16xf32>
          %max3A_181 = arith.maximumf %max3A_167, %max3A_180 : vector<16xf32>
          %mul3A_182 = arith.constant 20 : i32
          %mul3A_183 = arith.muli %scan3A_30, %mul3A_182 : i32
          %add3A_184 = arith.constant 10 : i32
          %add3A_185 = arith.addi %mul3A_183, %add3A_184 : i32
          %get3A_186 = arith.index_cast %add3A_185 : i32 to index
          %get3A_187 = arith.index_cast %mul3A_38 : i32 to index
          %get3A_188 = tpu.vector_load %arg8[%get3A_186, %get3A_187] {strides = array<i32>} : memref<80x128xf32, #tpu.memory_space<vmem>>, vector<1x16xf32>,
          %get3A_189 = vector.shape_cast %get3A_188 : vector<1x16xf32> to vector<16xf32>
          %add3A_190 = arith.addf %get3A_189, %get3A_41 : vector<16xf32>
          %mul3A_191 = arith.constant 2.000000e-01 : f32
          %mul3A_192 = vector.broadcast %mul3A_191 : f32 to vector<16xf32>
          %mul3A_193 = arith.mulf %mul3A_192, %add3A_190 : vector<16xf32>
          %max3A_194 = arith.maximumf %add3A_190, %mul3A_193 : vector<16xf32>
          %max3A_195 = arith.maximumf %max3A_181, %max3A_194 : vector<16xf32>
          %mul3A_196 = arith.constant 20 : i32
          %mul3A_197 = arith.muli %scan3A_30, %mul3A_196 : i32
          %add3A_198 = arith.constant 11 : i32
          %add3A_199 = arith.addi %mul3A_197, %add3A_198 : i32
          %get3A_200 = arith.index_cast %add3A_199 : i32 to index
          %get3A_201 = arith.index_cast %mul3A_38 : i32 to index
          %get3A_202 = tpu.vector_load %arg8[%get3A_200, %get3A_201] {strides = array<i32>} : memref<80x128xf32, #tpu.memory_space<vmem>>, vector<1x16xf32>,
          %get3A_203 = vector.shape_cast %get3A_202 : vector<1x16xf32> to vector<16xf32>
          %add3A_204 = arith.addf %get3A_203, %get3A_41 : vector<16xf32>
          %mul3A_205 = arith.constant 2.000000e-01 : f32
          %mul3A_206 = vector.broadcast %mul3A_205 : f32 to vector<16xf32>
          %mul3A_207 = arith.mulf %mul3A_206, %add3A_204 : vector<16xf32>
          %max3A_208 = arith.maximumf %add3A_204, %mul3A_207 : vector<16xf32>
          %max3A_209 = arith.maximumf %max3A_195, %max3A_208 : vector<16xf32>
          %mul3A_210 = arith.constant 20 : i32
          %mul3A_211 = arith.muli %scan3A_30, %mul3A_210 : i32
          %add3A_212 = arith.constant 12 : i32
          %add3A_213 = arith.addi %mul3A_211, %add3A_212 : i32
          %get3A_214 = arith.index_cast %add3A_213 : i32 to index
          %get3A_215 = arith.index_cast %mul3A_38 : i32 to index
          %get3A_216 = tpu.vector_load %arg8[%get3A_214, %get3A_215] {strides = array<i32>} : memref<80x128xf32, #tpu.memory_space<vmem>>, vector<1x16xf32>,
          %get3A_217 = vector.shape_cast %get3A_216 : vector<1x16xf32> to vector<16xf32>
          %add3A_218 = arith.addf %get3A_217, %get3A_41 : vector<16xf32>
          %mul3A_219 = arith.constant 2.000000e-01 : f32
          %mul3A_220 = vector.broadcast %mul3A_219 : f32 to vector<16xf32>
          %mul3A_221 = arith.mulf %mul3A_220, %add3A_218 : vector<16xf32>
          %max3A_222 = arith.maximumf %add3A_218, %mul3A_221 : vector<16xf32>
          %max3A_223 = arith.maximumf %max3A_209, %max3A_222 : vector<16xf32>
          %mul3A_224 = arith.constant 20 : i32
          %mul3A_225 = arith.muli %scan3A_30, %mul3A_224 : i32
          %add3A_226 = arith.constant 13 : i32
          %add3A_227 = arith.addi %mul3A_225, %add3A_226 : i32
          %get3A_228 = arith.index_cast %add3A_227 : i32 to index
          %get3A_229 = arith.index_cast %mul3A_38 : i32 to index
          %get3A_230 = tpu.vector_load %arg8[%get3A_228, %get3A_229] {strides = array<i32>} : memref<80x128xf32, #tpu.memory_space<vmem>>, vector<1x16xf32>,
          %get3A_231 = vector.shape_cast %get3A_230 : vector<1x16xf32> to vector<16xf32>
          %add3A_232 = arith.addf %get3A_231, %get3A_41 : vector<16xf32>
          %mul3A_233 = arith.constant 2.000000e-01 : f32
          %mul3A_234 = vector.broadcast %mul3A_233 : f32 to vector<16xf32>
          %mul3A_235 = arith.mulf %mul3A_234, %add3A_232 : vector<16xf32>
          %max3A_236 = arith.maximumf %add3A_232, %mul3A_235 : vector<16xf32>
          %max3A_237 = arith.maximumf %max3A_223, %max3A_236 : vector<16xf32>
          %mul3A_238 = arith.constant 20 : i32
          %mul3A_239 = arith.muli %scan3A_30, %mul3A_238 : i32
          %add3A_240 = arith.constant 14 : i32
          %add3A_241 = arith.addi %mul3A_239, %add3A_240 : i32
          %get3A_242 = arith.index_cast %add3A_241 : i32 to index
          %get3A_243 = arith.index_cast %mul3A_38 : i32 to index
          %get3A_244 = tpu.vector_load %arg8[%get3A_242, %get3A_243] {strides = array<i32>} : memref<80x128xf32, #tpu.memory_space<vmem>>, vector<1x16xf32>,
          %get3A_245 = vector.shape_cast %get3A_244 : vector<1x16xf32> to vector<16xf32>
          %add3A_246 = arith.addf %get3A_245, %get3A_41 : vector<16xf32>
          %mul3A_247 = arith.constant 2.000000e-01 : f32
          %mul3A_248 = vector.broadcast %mul3A_247 : f32 to vector<16xf32>
          %mul3A_249 = arith.mulf %mul3A_248, %add3A_246 : vector<16xf32>
          %max3A_250 = arith.maximumf %add3A_246, %mul3A_249 : vector<16xf32>
          %max3A_251 = arith.maximumf %max3A_237, %max3A_250 : vector<16xf32>
          %mul3A_252 = arith.constant 20 : i32
          %mul3A_253 = arith.muli %scan3A_30, %mul3A_252 : i32
          %add3A_254 = arith.constant 15 : i32
          %add3A_255 = arith.addi %mul3A_253, %add3A_254 : i32
          %get3A_256 = arith.index_cast %add3A_255 : i32 to index
          %get3A_257 = arith.index_cast %mul3A_38 : i32 to index
          %get3A_258 = tpu.vector_load %arg8[%get3A_256, %get3A_257] {strides = array<i32>} : memref<80x128xf32, #tpu.memory_space<vmem>>, vector<1x16xf32>,
          %get3A_259 = vector.shape_cast %get3A_258 : vector<1x16xf32> to vector<16xf32>
          %add3A_260 = arith.addf %get3A_259, %get3A_41 : vector<16xf32>
          %mul3A_261 = arith.constant 2.000000e-01 : f32
          %mul3A_262 = vector.broadcast %mul3A_261 : f32 to vector<16xf32>
          %mul3A_263 = arith.mulf %mul3A_262, %add3A_260 : vector<16xf32>
          %max3A_264 = arith.maximumf %add3A_260, %mul3A_263 : vector<16xf32>
          %max3A_265 = arith.maximumf %max3A_251, %max3A_264 : vector<16xf32>
          %mul3A_266 = arith.constant 20 : i32
          %mul3A_267 = arith.muli %scan3A_30, %mul3A_266 : i32
          %add3A_268 = arith.constant 16 : i32
          %add3A_269 = arith.addi %mul3A_267, %add3A_268 : i32
          %get3A_270 = arith.index_cast %add3A_269 : i32 to index
          %get3A_271 = arith.index_cast %mul3A_38 : i32 to index
          %get3A_272 = tpu.vector_load %arg8[%get3A_270, %get3A_271] {strides = array<i32>} : memref<80x128xf32, #tpu.memory_space<vmem>>, vector<1x16xf32>,
          %get3A_273 = vector.shape_cast %get3A_272 : vector<1x16xf32> to vector<16xf32>
          %add3A_274 = arith.addf %get3A_273, %get3A_41 : vector<16xf32>
          %mul3A_275 = arith.constant 2.000000e-01 : f32
          %mul3A_276 = vector.broadcast %mul3A_275 : f32 to vector<16xf32>
          %mul3A_277 = arith.mulf %mul3A_276, %add3A_274 : vector<16xf32>
          %max3A_278 = arith.maximumf %add3A_274, %mul3A_277 : vector<16xf32>
          %max3A_279 = arith.maximumf %max3A_265, %max3A_278 : vector<16xf32>
          %mul3A_280 = arith.constant 20 : i32
          %mul3A_281 = arith.muli %scan3A_30, %mul3A_280 : i32
          %add3A_282 = arith.constant 17 : i32
          %add3A_283 = arith.addi %mul3A_281, %add3A_282 : i32
          %get3A_284 = arith.index_cast %add3A_283 : i32 to index
          %get3A_285 = arith.index_cast %mul3A_38 : i32 to index
          %get3A_286 = tpu.vector_load %arg8[%get3A_284, %get3A_285] {strides = array<i32>} : memref<80x128xf32, #tpu.memory_space<vmem>>, vector<1x16xf32>,
          %get3A_287 = vector.shape_cast %get3A_286 : vector<1x16xf32> to vector<16xf32>
          %add3A_288 = arith.addf %get3A_287, %get3A_41 : vector<16xf32>
          %mul3A_289 = arith.constant 2.000000e-01 : f32
          %mul3A_290 = vector.broadcast %mul3A_289 : f32 to vector<16xf32>
          %mul3A_291 = arith.mulf %mul3A_290, %add3A_288 : vector<16xf32>
          %max3A_292 = arith.maximumf %add3A_288, %mul3A_291 : vector<16xf32>
          %max3A_293 = arith.maximumf %max3A_279, %max3A_292 : vector<16xf32>
          %mul3A_294 = arith.constant 20 : i32
          %mul3A_295 = arith.muli %scan3A_30, %mul3A_294 : i32
          %add3A_296 = arith.constant 18 : i32
          %add3A_297 = arith.addi %mul3A_295, %add3A_296 : i32
          %get3A_298 = arith.index_cast %add3A_297 : i32 to index
          %get3A_299 = arith.index_cast %mul3A_38 : i32 to index
          %get3A_300 = tpu.vector_load %arg8[%get3A_298, %get3A_299] {strides = array<i32>} : memref<80x128xf32, #tpu.memory_space<vmem>>, vector<1x16xf32>,
          %get3A_301 = vector.shape_cast %get3A_300 : vector<1x16xf32> to vector<16xf32>
          %add3A_302 = arith.addf %get3A_301, %get3A_41 : vector<16xf32>
          %mul3A_303 = arith.constant 2.000000e-01 : f32
          %mul3A_304 = vector.broadcast %mul3A_303 : f32 to vector<16xf32>
          %mul3A_305 = arith.mulf %mul3A_304, %add3A_302 : vector<16xf32>
          %max3A_306 = arith.maximumf %add3A_302, %mul3A_305 : vector<16xf32>
          %max3A_307 = arith.maximumf %max3A_293, %max3A_306 : vector<16xf32>
          %mul3A_308 = arith.constant 20 : i32
          %mul3A_309 = arith.muli %scan3A_30, %mul3A_308 : i32
          %add3A_310 = arith.constant 19 : i32
          %add3A_311 = arith.addi %mul3A_309, %add3A_310 : i32
          %get3A_312 = arith.index_cast %add3A_311 : i32 to index
          %get3A_313 = arith.index_cast %mul3A_38 : i32 to index
          %get3A_314 = tpu.vector_load %arg8[%get3A_312, %get3A_313] {strides = array<i32>} : memref<80x128xf32, #tpu.memory_space<vmem>>, vector<1x16xf32>,
          %get3A_315 = vector.shape_cast %get3A_314 : vector<1x16xf32> to vector<16xf32>
          %add3A_316 = arith.addf %get3A_315, %get3A_41 : vector<16xf32>
          %mul3A_317 = arith.constant 2.000000e-01 : f32
          %mul3A_318 = vector.broadcast %mul3A_317 : f32 to vector<16xf32>
          %mul3A_319 = arith.mulf %mul3A_318, %add3A_316 : vector<16xf32>
          %max3A_320 = arith.maximumf %add3A_316, %mul3A_319 : vector<16xf32>
          %max3A_321 = arith.maximumf %max3A_307, %max3A_320 : vector<16xf32>
          %broadcast_in_dim3A_322 = arith.constant 0.000000e+00 : f32
          %broadcast_in_dim3A_323 = vector.broadcast %broadcast_in_dim3A_322 : f32 to vector<16xf32>
          %broadcast_in_dim3A_324 = arith.constant 0.000000e+00 : f32
          %broadcast_in_dim3A_325 = vector.broadcast %broadcast_in_dim3A_324 : f32 to vector<16xf32>
          %sub3A = arith.subf %max3A, %max3A_321 : vector<16xf32>
          %exp3A = math.exp %sub3A : vector<16xf32>
          %add3A_326 = arith.addf %broadcast_in_dim3A_323, %exp3A : vector<16xf32>
          %mul3A_327 = arith.constant 20 : i32
          %mul3A_328 = arith.muli %scan3A_30, %mul3A_327 : i32
          %add3A_329 = arith.constant 0 : i32
          %add3A_330 = arith.addi %mul3A_328, %add3A_329 : i32
          %get3A_331 = arith.index_cast %add3A_330 : i32 to index
          %get3A_332 = arith.index_cast %mul3A_38 : i32 to index
          %get3A_333 = tpu.vector_load %arg9[%get3A_331, %get3A_332] {strides = array<i32>} : memref<80x128xf32, #tpu.memory_space<vmem>>, vector<1x16xf32>,
          %get3A_334 = vector.shape_cast %get3A_333 : vector<1x16xf32> to vector<16xf32>
          %mul3A_335 = arith.mulf %exp3A, %get3A_334 : vector<16xf32>
          %add3A_336 = arith.addf %broadcast_in_dim3A_325, %mul3A_335 : vector<16xf32>
          %sub3A_337 = arith.subf %max3A_68, %max3A_321 : vector<16xf32>
          %exp3A_338 = math.exp %sub3A_337 : vector<16xf32>
          %add3A_339 = arith.addf %add3A_326, %exp3A_338 : vector<16xf32>
          %mul3A_340 = arith.constant 20 : i32
          %mul3A_341 = arith.muli %scan3A_30, %mul3A_340 : i32
          %add3A_342 = arith.constant 1 : i32
          %add3A_343 = arith.addi %mul3A_341, %add3A_342 : i32
          %get3A_344 = arith.index_cast %add3A_343 : i32 to index
          %get3A_345 = arith.index_cast %mul3A_38 : i32 to index
          %get3A_346 = tpu.vector_load %arg9[%get3A_344, %get3A_345] {strides = array<i32>} : memref<80x128xf32, #tpu.memory_space<vmem>>, vector<1x16xf32>,
          %get3A_347 = vector.shape_cast %get3A_346 : vector<1x16xf32> to vector<16xf32>
          %mul3A_348 = arith.mulf %exp3A_338, %get3A_347 : vector<16xf32>
          %add3A_349 = arith.addf %add3A_336, %mul3A_348 : vector<16xf32>
          %sub3A_350 = arith.subf %max3A_82, %max3A_321 : vector<16xf32>
          %exp3A_351 = math.exp %sub3A_350 : vector<16xf32>
          %add3A_352 = arith.addf %add3A_339, %exp3A_351 : vector<16xf32>
          %mul3A_353 = arith.constant 20 : i32
          %mul3A_354 = arith.muli %scan3A_30, %mul3A_353 : i32
          %add3A_355 = arith.constant 2 : i32
          %add3A_356 = arith.addi %mul3A_354, %add3A_355 : i32
          %get3A_357 = arith.index_cast %add3A_356 : i32 to index
          %get3A_358 = arith.index_cast %mul3A_38 : i32 to index
          %get3A_359 = tpu.vector_load %arg9[%get3A_357, %get3A_358] {strides = array<i32>} : memref<80x128xf32, #tpu.memory_space<vmem>>, vector<1x16xf32>,
          %get3A_360 = vector.shape_cast %get3A_359 : vector<1x16xf32> to vector<16xf32>
          %mul3A_361 = arith.mulf %exp3A_351, %get3A_360 : vector<16xf32>
          %add3A_362 = arith.addf %add3A_349, %mul3A_361 : vector<16xf32>
          %sub3A_363 = arith.subf %max3A_96, %max3A_321 : vector<16xf32>
          %exp3A_364 = math.exp %sub3A_363 : vector<16xf32>
          %add3A_365 = arith.addf %add3A_352, %exp3A_364 : vector<16xf32>
          %mul3A_366 = arith.constant 20 : i32
          %mul3A_367 = arith.muli %scan3A_30, %mul3A_366 : i32
          %add3A_368 = arith.constant 3 : i32
          %add3A_369 = arith.addi %mul3A_367, %add3A_368 : i32
          %get3A_370 = arith.index_cast %add3A_369 : i32 to index
          %get3A_371 = arith.index_cast %mul3A_38 : i32 to index
          %get3A_372 = tpu.vector_load %arg9[%get3A_370, %get3A_371] {strides = array<i32>} : memref<80x128xf32, #tpu.memory_space<vmem>>, vector<1x16xf32>,
          %get3A_373 = vector.shape_cast %get3A_372 : vector<1x16xf32> to vector<16xf32>
          %mul3A_374 = arith.mulf %exp3A_364, %get3A_373 : vector<16xf32>
          %add3A_375 = arith.addf %add3A_362, %mul3A_374 : vector<16xf32>
          %sub3A_376 = arith.subf %max3A_110, %max3A_321 : vector<16xf32>
          %exp3A_377 = math.exp %sub3A_376 : vector<16xf32>
          %add3A_378 = arith.addf %add3A_365, %exp3A_377 : vector<16xf32>
          %mul3A_379 = arith.constant 20 : i32
          %mul3A_380 = arith.muli %scan3A_30, %mul3A_379 : i32
          %add3A_381 = arith.constant 4 : i32
          %add3A_382 = arith.addi %mul3A_380, %add3A_381 : i32
          %get3A_383 = arith.index_cast %add3A_382 : i32 to index
          %get3A_384 = arith.index_cast %mul3A_38 : i32 to index
          %get3A_385 = tpu.vector_load %arg9[%get3A_383, %get3A_384] {strides = array<i32>} : memref<80x128xf32, #tpu.memory_space<vmem>>, vector<1x16xf32>,
          %get3A_386 = vector.shape_cast %get3A_385 : vector<1x16xf32> to vector<16xf32>
          %mul3A_387 = arith.mulf %exp3A_377, %get3A_386 : vector<16xf32>
          %add3A_388 = arith.addf %add3A_375, %mul3A_387 : vector<16xf32>
          %sub3A_389 = arith.subf %max3A_124, %max3A_321 : vector<16xf32>
          %exp3A_390 = math.exp %sub3A_389 : vector<16xf32>
          %add3A_391 = arith.addf %add3A_378, %exp3A_390 : vector<16xf32>
          %mul3A_392 = arith.constant 20 : i32
          %mul3A_393 = arith.muli %scan3A_30, %mul3A_392 : i32
          %add3A_394 = arith.constant 5 : i32
          %add3A_395 = arith.addi %mul3A_393, %add3A_394 : i32
          %get3A_396 = arith.index_cast %add3A_395 : i32 to index
          %get3A_397 = arith.index_cast %mul3A_38 : i32 to index
          %get3A_398 = tpu.vector_load %arg9[%get3A_396, %get3A_397] {strides = array<i32>} : memref<80x128xf32, #tpu.memory_space<vmem>>, vector<1x16xf32>,
          %get3A_399 = vector.shape_cast %get3A_398 : vector<1x16xf32> to vector<16xf32>
          %mul3A_400 = arith.mulf %exp3A_390, %get3A_399 : vector<16xf32>
          %add3A_401 = arith.addf %add3A_388, %mul3A_400 : vector<16xf32>
          %sub3A_402 = arith.subf %max3A_138, %max3A_321 : vector<16xf32>
          %exp3A_403 = math.exp %sub3A_402 : vector<16xf32>
          %add3A_404 = arith.addf %add3A_391, %exp3A_403 : vector<16xf32>
          %mul3A_405 = arith.constant 20 : i32
          %mul3A_406 = arith.muli %scan3A_30, %mul3A_405 : i32
          %add3A_407 = arith.constant 6 : i32
          %add3A_408 = arith.addi %mul3A_406, %add3A_407 : i32
          %get3A_409 = arith.index_cast %add3A_408 : i32 to index
          %get3A_410 = arith.index_cast %mul3A_38 : i32 to index
          %get3A_411 = tpu.vector_load %arg9[%get3A_409, %get3A_410] {strides = array<i32>} : memref<80x128xf32, #tpu.memory_space<vmem>>, vector<1x16xf32>,
          %get3A_412 = vector.shape_cast %get3A_411 : vector<1x16xf32> to vector<16xf32>
          %mul3A_413 = arith.mulf %exp3A_403, %get3A_412 : vector<16xf32>
          %add3A_414 = arith.addf %add3A_401, %mul3A_413 : vector<16xf32>
          %sub3A_415 = arith.subf %max3A_152, %max3A_321 : vector<16xf32>
          %exp3A_416 = math.exp %sub3A_415 : vector<16xf32>
          %add3A_417 = arith.addf %add3A_404, %exp3A_416 : vector<16xf32>
          %mul3A_418 = arith.constant 20 : i32
          %mul3A_419 = arith.muli %scan3A_30, %mul3A_418 : i32
          %add3A_420 = arith.constant 7 : i32
          %add3A_421 = arith.addi %mul3A_419, %add3A_420 : i32
          %get3A_422 = arith.index_cast %add3A_421 : i32 to index
          %get3A_423 = arith.index_cast %mul3A_38 : i32 to index
          %get3A_424 = tpu.vector_load %arg9[%get3A_422, %get3A_423] {strides = array<i32>} : memref<80x128xf32, #tpu.memory_space<vmem>>, vector<1x16xf32>,
          %get3A_425 = vector.shape_cast %get3A_424 : vector<1x16xf32> to vector<16xf32>
          %mul3A_426 = arith.mulf %exp3A_416, %get3A_425 : vector<16xf32>
          %add3A_427 = arith.addf %add3A_414, %mul3A_426 : vector<16xf32>
          %sub3A_428 = arith.subf %max3A_166, %max3A_321 : vector<16xf32>
          %exp3A_429 = math.exp %sub3A_428 : vector<16xf32>
          %add3A_430 = arith.addf %add3A_417, %exp3A_429 : vector<16xf32>
          %mul3A_431 = arith.constant 20 : i32
          %mul3A_432 = arith.muli %scan3A_30, %mul3A_431 : i32
          %add3A_433 = arith.constant 8 : i32
          %add3A_434 = arith.addi %mul3A_432, %add3A_433 : i32
          %get3A_435 = arith.index_cast %add3A_434 : i32 to index
          %get3A_436 = arith.index_cast %mul3A_38 : i32 to index
          %get3A_437 = tpu.vector_load %arg9[%get3A_435, %get3A_436] {strides = array<i32>} : memref<80x128xf32, #tpu.memory_space<vmem>>, vector<1x16xf32>,
          %get3A_438 = vector.shape_cast %get3A_437 : vector<1x16xf32> to vector<16xf32>
          %mul3A_439 = arith.mulf %exp3A_429, %get3A_438 : vector<16xf32>
          %add3A_440 = arith.addf %add3A_427, %mul3A_439 : vector<16xf32>
          %sub3A_441 = arith.subf %max3A_180, %max3A_321 : vector<16xf32>
          %exp3A_442 = math.exp %sub3A_441 : vector<16xf32>
          %add3A_443 = arith.addf %add3A_430, %exp3A_442 : vector<16xf32>
          %mul3A_444 = arith.constant 20 : i32
          %mul3A_445 = arith.muli %scan3A_30, %mul3A_444 : i32
          %add3A_446 = arith.constant 9 : i32
          %add3A_447 = arith.addi %mul3A_445, %add3A_446 : i32
          %get3A_448 = arith.index_cast %add3A_447 : i32 to index
          %get3A_449 = arith.index_cast %mul3A_38 : i32 to index
          %get3A_450 = tpu.vector_load %arg9[%get3A_448, %get3A_449] {strides = array<i32>} : memref<80x128xf32, #tpu.memory_space<vmem>>, vector<1x16xf32>,
          %get3A_451 = vector.shape_cast %get3A_450 : vector<1x16xf32> to vector<16xf32>
          %mul3A_452 = arith.mulf %exp3A_442, %get3A_451 : vector<16xf32>
          %add3A_453 = arith.addf %add3A_440, %mul3A_452 : vector<16xf32>
          %sub3A_454 = arith.subf %max3A_194, %max3A_321 : vector<16xf32>
          %exp3A_455 = math.exp %sub3A_454 : vector<16xf32>
          %add3A_456 = arith.addf %add3A_443, %exp3A_455 : vector<16xf32>
          %mul3A_457 = arith.constant 20 : i32
          %mul3A_458 = arith.muli %scan3A_30, %mul3A_457 : i32
          %add3A_459 = arith.constant 10 : i32
          %add3A_460 = arith.addi %mul3A_458, %add3A_459 : i32
          %get3A_461 = arith.index_cast %add3A_460 : i32 to index
          %get3A_462 = arith.index_cast %mul3A_38 : i32 to index
          %get3A_463 = tpu.vector_load %arg9[%get3A_461, %get3A_462] {strides = array<i32>} : memref<80x128xf32, #tpu.memory_space<vmem>>, vector<1x16xf32>,
          %get3A_464 = vector.shape_cast %get3A_463 : vector<1x16xf32> to vector<16xf32>
          %mul3A_465 = arith.mulf %exp3A_455, %get3A_464 : vector<16xf32>
          %add3A_466 = arith.addf %add3A_453, %mul3A_465 : vector<16xf32>
          %sub3A_467 = arith.subf %max3A_208, %max3A_321 : vector<16xf32>
          %exp3A_468 = math.exp %sub3A_467 : vector<16xf32>
          %add3A_469 = arith.addf %add3A_456, %exp3A_468 : vector<16xf32>
          %mul3A_470 = arith.constant 20 : i32
          %mul3A_471 = arith.muli %scan3A_30, %mul3A_470 : i32
          %add3A_472 = arith.constant 11 : i32
          %add3A_473 = arith.addi %mul3A_471, %add3A_472 : i32
          %get3A_474 = arith.index_cast %add3A_473 : i32 to index
          %get3A_475 = arith.index_cast %mul3A_38 : i32 to index
          %get3A_476 = tpu.vector_load %arg9[%get3A_474, %get3A_475] {strides = array<i32>} : memref<80x128xf32, #tpu.memory_space<vmem>>, vector<1x16xf32>,
          %get3A_477 = vector.shape_cast %get3A_476 : vector<1x16xf32> to vector<16xf32>
          %mul3A_478 = arith.mulf %exp3A_468, %get3A_477 : vector<16xf32>
          %add3A_479 = arith.addf %add3A_466, %mul3A_478 : vector<16xf32>
          %sub3A_480 = arith.subf %max3A_222, %max3A_321 : vector<16xf32>
          %exp3A_481 = math.exp %sub3A_480 : vector<16xf32>
          %add3A_482 = arith.addf %add3A_469, %exp3A_481 : vector<16xf32>
          %mul3A_483 = arith.constant 20 : i32
          %mul3A_484 = arith.muli %scan3A_30, %mul3A_483 : i32
          %add3A_485 = arith.constant 12 : i32
          %add3A_486 = arith.addi %mul3A_484, %add3A_485 : i32
          %get3A_487 = arith.index_cast %add3A_486 : i32 to index
          %get3A_488 = arith.index_cast %mul3A_38 : i32 to index
          %get3A_489 = tpu.vector_load %arg9[%get3A_487, %get3A_488] {strides = array<i32>} : memref<80x128xf32, #tpu.memory_space<vmem>>, vector<1x16xf32>,
          %get3A_490 = vector.shape_cast %get3A_489 : vector<1x16xf32> to vector<16xf32>
          %mul3A_491 = arith.mulf %exp3A_481, %get3A_490 : vector<16xf32>
          %add3A_492 = arith.addf %add3A_479, %mul3A_491 : vector<16xf32>
          %sub3A_493 = arith.subf %max3A_236, %max3A_321 : vector<16xf32>
          %exp3A_494 = math.exp %sub3A_493 : vector<16xf32>
          %add3A_495 = arith.addf %add3A_482, %exp3A_494 : vector<16xf32>
          %mul3A_496 = arith.constant 20 : i32
          %mul3A_497 = arith.muli %scan3A_30, %mul3A_496 : i32
          %add3A_498 = arith.constant 13 : i32
          %add3A_499 = arith.addi %mul3A_497, %add3A_498 : i32
          %get3A_500 = arith.index_cast %add3A_499 : i32 to index
          %get3A_501 = arith.index_cast %mul3A_38 : i32 to index
          %get3A_502 = tpu.vector_load %arg9[%get3A_500, %get3A_501] {strides = array<i32>} : memref<80x128xf32, #tpu.memory_space<vmem>>, vector<1x16xf32>,
          %get3A_503 = vector.shape_cast %get3A_502 : vector<1x16xf32> to vector<16xf32>
          %mul3A_504 = arith.mulf %exp3A_494, %get3A_503 : vector<16xf32>
          %add3A_505 = arith.addf %add3A_492, %mul3A_504 : vector<16xf32>
          %sub3A_506 = arith.subf %max3A_250, %max3A_321 : vector<16xf32>
          %exp3A_507 = math.exp %sub3A_506 : vector<16xf32>
          %add3A_508 = arith.addf %add3A_495, %exp3A_507 : vector<16xf32>
          %mul3A_509 = arith.constant 20 : i32
          %mul3A_510 = arith.muli %scan3A_30, %mul3A_509 : i32
          %add3A_511 = arith.constant 14 : i32
          %add3A_512 = arith.addi %mul3A_510, %add3A_511 : i32
          %get3A_513 = arith.index_cast %add3A_512 : i32 to index
          %get3A_514 = arith.index_cast %mul3A_38 : i32 to index
          %get3A_515 = tpu.vector_load %arg9[%get3A_513, %get3A_514] {strides = array<i32>} : memref<80x128xf32, #tpu.memory_space<vmem>>, vector<1x16xf32>,
          %get3A_516 = vector.shape_cast %get3A_515 : vector<1x16xf32> to vector<16xf32>
          %mul3A_517 = arith.mulf %exp3A_507, %get3A_516 : vector<16xf32>
          %add3A_518 = arith.addf %add3A_505, %mul3A_517 : vector<16xf32>
          %sub3A_519 = arith.subf %max3A_264, %max3A_321 : vector<16xf32>
          %exp3A_520 = math.exp %sub3A_519 : vector<16xf32>
          %add3A_521 = arith.addf %add3A_508, %exp3A_520 : vector<16xf32>
          %mul3A_522 = arith.constant 20 : i32
          %mul3A_523 = arith.muli %scan3A_30, %mul3A_522 : i32
          %add3A_524 = arith.constant 15 : i32
          %add3A_525 = arith.addi %mul3A_523, %add3A_524 : i32
          %get3A_526 = arith.index_cast %add3A_525 : i32 to index
          %get3A_527 = arith.index_cast %mul3A_38 : i32 to index
          %get3A_528 = tpu.vector_load %arg9[%get3A_526, %get3A_527] {strides = array<i32>} : memref<80x128xf32, #tpu.memory_space<vmem>>, vector<1x16xf32>,
          %get3A_529 = vector.shape_cast %get3A_528 : vector<1x16xf32> to vector<16xf32>
          %mul3A_530 = arith.mulf %exp3A_520, %get3A_529 : vector<16xf32>
          %add3A_531 = arith.addf %add3A_518, %mul3A_530 : vector<16xf32>
          %sub3A_532 = arith.subf %max3A_278, %max3A_321 : vector<16xf32>
          %exp3A_533 = math.exp %sub3A_532 : vector<16xf32>
          %add3A_534 = arith.addf %add3A_521, %exp3A_533 : vector<16xf32>
          %mul3A_535 = arith.constant 20 : i32
          %mul3A_536 = arith.muli %scan3A_30, %mul3A_535 : i32
          %add3A_537 = arith.constant 16 : i32
          %add3A_538 = arith.addi %mul3A_536, %add3A_537 : i32
          %get3A_539 = arith.index_cast %add3A_538 : i32 to index
          %get3A_540 = arith.index_cast %mul3A_38 : i32 to index
          %get3A_541 = tpu.vector_load %arg9[%get3A_539, %get3A_540] {strides = array<i32>} : memref<80x128xf32, #tpu.memory_space<vmem>>, vector<1x16xf32>,
          %get3A_542 = vector.shape_cast %get3A_541 : vector<1x16xf32> to vector<16xf32>
          %mul3A_543 = arith.mulf %exp3A_533, %get3A_542 : vector<16xf32>
          %add3A_544 = arith.addf %add3A_531, %mul3A_543 : vector<16xf32>
          %sub3A_545 = arith.subf %max3A_292, %max3A_321 : vector<16xf32>
          %exp3A_546 = math.exp %sub3A_545 : vector<16xf32>
          %add3A_547 = arith.addf %add3A_534, %exp3A_546 : vector<16xf32>
          %mul3A_548 = arith.constant 20 : i32
          %mul3A_549 = arith.muli %scan3A_30, %mul3A_548 : i32
          %add3A_550 = arith.constant 17 : i32
          %add3A_551 = arith.addi %mul3A_549, %add3A_550 : i32
          %get3A_552 = arith.index_cast %add3A_551 : i32 to index
          %get3A_553 = arith.index_cast %mul3A_38 : i32 to index
          %get3A_554 = tpu.vector_load %arg9[%get3A_552, %get3A_553] {strides = array<i32>} : memref<80x128xf32, #tpu.memory_space<vmem>>, vector<1x16xf32>,
          %get3A_555 = vector.shape_cast %get3A_554 : vector<1x16xf32> to vector<16xf32>
          %mul3A_556 = arith.mulf %exp3A_546, %get3A_555 : vector<16xf32>
          %add3A_557 = arith.addf %add3A_544, %mul3A_556 : vector<16xf32>
          %sub3A_558 = arith.subf %max3A_306, %max3A_321 : vector<16xf32>
          %exp3A_559 = math.exp %sub3A_558 : vector<16xf32>
          %add3A_560 = arith.addf %add3A_547, %exp3A_559 : vector<16xf32>
          %mul3A_561 = arith.constant 20 : i32
          %mul3A_562 = arith.muli %scan3A_30, %mul3A_561 : i32
          %add3A_563 = arith.constant 18 : i32
          %add3A_564 = arith.addi %mul3A_562, %add3A_563 : i32
          %get3A_565 = arith.index_cast %add3A_564 : i32 to index
          %get3A_566 = arith.index_cast %mul3A_38 : i32 to index
          %get3A_567 = tpu.vector_load %arg9[%get3A_565, %get3A_566] {strides = array<i32>} : memref<80x128xf32, #tpu.memory_space<vmem>>, vector<1x16xf32>,
          %get3A_568 = vector.shape_cast %get3A_567 : vector<1x16xf32> to vector<16xf32>
          %mul3A_569 = arith.mulf %exp3A_559, %get3A_568 : vector<16xf32>
          %add3A_570 = arith.addf %add3A_557, %mul3A_569 : vector<16xf32>
          %sub3A_571 = arith.subf %max3A_320, %max3A_321 : vector<16xf32>
          %exp3A_572 = math.exp %sub3A_571 : vector<16xf32>
          %add3A_573 = arith.addf %add3A_560, %exp3A_572 : vector<16xf32>
          %mul3A_574 = arith.constant 20 : i32
          %mul3A_575 = arith.muli %scan3A_30, %mul3A_574 : i32
          %add3A_576 = arith.constant 19 : i32
          %add3A_577 = arith.addi %mul3A_575, %add3A_576 : i32
          %get3A_578 = arith.index_cast %add3A_577 : i32 to index
          %get3A_579 = arith.index_cast %mul3A_38 : i32 to index
          %get3A_580 = tpu.vector_load %arg9[%get3A_578, %get3A_579] {strides = array<i32>} : memref<80x128xf32, #tpu.memory_space<vmem>>, vector<1x16xf32>,
          %get3A_581 = vector.shape_cast %get3A_580 : vector<1x16xf32> to vector<16xf32>
          %mul3A_582 = arith.mulf %exp3A_572, %get3A_581 : vector<16xf32>
          %add3A_583 = arith.addf %add3A_570, %mul3A_582 : vector<16xf32>
          %div3A = arith.divf %add3A_583, %add3A_573 : vector<16xf32>
          %mul3A_584 = arith.constant 2.000000e-01 : f32
          %mul3A_585 = vector.broadcast %mul3A_584 : f32 to vector<16xf32>
          %mul3A_586 = arith.mulf %mul3A_585, %div3A : vector<16xf32>
          %max3A_587 = arith.maximumf %div3A, %mul3A_586 : vector<16xf32>
          %swap3A = arith.index_cast %scan3A_30 : i32 to index
          %swap3A_588 = arith.index_cast %mul3A_38 : i32 to index
          %swap3A_589 = tpu.vector_load %arg11[%swap3A, %swap3A_588] {strides = array<i32>} : memref<4x128xf32, #tpu.memory_space<vmem>>, vector<1x16xf32>,
          %swap3A_590 = vector.shape_cast %swap3A_589 : vector<1x16xf32> to vector<16xf32>
          %swap3A_591 = vector.shape_cast %max3A_587 : vector<16xf32> to vector<1x16xf32>
          tpu.vector_store %arg11[%swap3A, %swap3A_588], %swap3A_591 {strides = array<i32>} : memref<4x128xf32, #tpu.memory_space<vmem>>, vector<1x16xf32>,
        }
        %scan3A_35 = arith.constant 8 : i32
      }
      %scan3A_29 = arith.constant 4 : i32
      "tpu.region"() ({
        %run_scoped3A = tpu.sem_alloc : memref<!tpu.dma_semaphore, #tpu.memory_space<semaphore_mem>>
        %dma_start3A_30 = arith.constant 0 : i32
        %dma_start3A_31 = tpu.memref_slice %arg6[%add3A_11, %dma_start3A_30] : memref<4096x128xf32, #tpu.memory_space<hbm>> -> memref<4x128xf32, #tpu.memory_space<hbm>>
        %dma_start3A_32 = arith.constant 0 : i32
        %dma_start3A_33 = tpu.memref_slice %arg6[%add3A_11, %dma_start3A_32] : memref<4096x128xf32, #tpu.memory_space<hbm>> -> memref<4x128xf32, #tpu.memory_space<hbm>>
        tpu.enqueue_dma source(%arg11 : memref<4x128xf32, #tpu.memory_space<vmem>>) target(%dma_start3A_33 : memref<4x128xf32, #tpu.memory_space<hbm>>) target_semaphore(%run_scoped3A : memref<!tpu.dma_semaphore, #tpu.memory_space<semaphore_mem>>)
        %dma_wait3A_34 = arith.constant 0 : i32
        %dma_wait3A_35 = tpu.memref_slice %arg6[%add3A_11, %dma_wait3A_34] : memref<4096x128xf32, #tpu.memory_space<hbm>> -> memref<4x128xf32, #tpu.memory_space<hbm>>
        %dma_wait3A_36 = arith.constant 0 : i32
        %dma_wait3A_37 = tpu.memref_slice %arg6[%add3A_11, %dma_wait3A_36] : memref<4096x128xf32, #tpu.memory_space<hbm>> -> memref<4x128xf32, #tpu.memory_space<hbm>>
        tpu.wait_dma2 semaphore(%run_scoped3A : memref<!tpu.dma_semaphore, #tpu.memory_space<semaphore_mem>>) src(%arg11 : memref<4x128xf32, #tpu.memory_space<vmem>>) dst(%dma_wait3A_37 : memref<4x128xf32, #tpu.memory_space<hbm>>)
        tpu.yield
      }) : () -> ()
    }
    %scan3A_7 = arith.constant 32 : i32
    return
  }
}

#map = affine_map<(d0, d1) -> (0, 0)>
#map1 = affine_map<(d0, d1) -> (0)>
module attributes {stable_mosaic.version = 14 : i64} {
  func.func @att(%arg0: i32, %arg1: i32, %arg2: memref<4096x128xf32, #tpu.memory_space<hbm>>, %arg3: memref<4096x128xf32, #tpu.memory_space<hbm>>, %arg4: memref<4096x128xf32, #tpu.memory_space<hbm>>, %arg5: memref<81920xi32, #tpu.memory_space<hbm>>, %arg6: memref<4096x128xf32, #tpu.memory_space<hbm>>, %arg7: memref<80xi32, #tpu.memory_space<vmem>>, %arg8: memref<80x128xf32, #tpu.memory_space<vmem>>, %arg9: memref<80x128xf32, #tpu.memory_space<vmem>>, %arg10: memref<4x128xf32, #tpu.memory_space<vmem>>, %arg11: memref<4x128xf32, #tpu.memory_space<vmem>>, %arg12: memref<!tpu.dma_semaphore, #tpu.memory_space<semaphore_mem>>, %arg13: memref<!tpu.dma_semaphore, #tpu.memory_space<semaphore_mem>>) attributes {dimension_semantics = [#tpu.dimension_semantics<core_parallel>, #tpu.dimension_semantics<subcore_parallel>], iteration_bounds = array<i64: 2, 16>, scalar_prefetch = 0 : i64, scratch_operands = 7 : i64, tpu.core_type = #tpu.core_type<sc_vector_subcore>, window_params = [{transform_indices = #map}, {transform_indices = #map}, {transform_indices = #map}, {transform_indices = #map1}, {transform_indices = #map}]} {
    %mul3A = arith.constant 2 : i32
    %mul3A_0 = arith.muli %arg1, %mul3A : i32
    %add3A = arith.addi %mul3A_0, %arg0 : i32
    %mul3A_1 = arith.constant 128 : i32
    %mul3A_2 = arith.muli %add3A, %mul3A_1 : i32
    %scan3A = arith.constant 0 : i32
    %scan3A_3 = arith.constant 0 : i32
    %scan3A_4 = arith.constant 32 : i32
    %scan3A_5 = arith.addi %scan3A_3, %scan3A_4 : i32
    %scan3A_6 = arith.constant 1 : i32
    scf.for %scan3A_8 = %scan3A_3 to %scan3A_5 step %scan3A_6  : i32 {
      %mul3A_9 = arith.constant 4 : i32
      %mul3A_10 = arith.muli %scan3A_8, %mul3A_9 : i32
      %add3A_11 = arith.addi %mul3A_2, %mul3A_10 : i32
      %mul3A_12 = arith.constant 20 : i32
      %mul3A_13 = arith.muli %add3A_11, %mul3A_12 : i32
      "tpu.region"() ({
        %run_scoped3A = tpu.sem_alloc : memref<!tpu.dma_semaphore, #tpu.memory_space<semaphore_mem>>
        %dma_start3A_30 = tpu.memref_slice %arg5[%mul3A_13] : memref<81920xi32, #tpu.memory_space<hbm>> -> memref<80xi32, #tpu.memory_space<hbm>>
        %dma_start3A_31 = tpu.memref_slice %arg5[%mul3A_13] : memref<81920xi32, #tpu.memory_space<hbm>> -> memref<80xi32, #tpu.memory_space<hbm>>
        tpu.enqueue_dma source(%dma_start3A_31 : memref<80xi32, #tpu.memory_space<hbm>>) target(%arg7 : memref<80xi32, #tpu.memory_space<vmem>>) target_semaphore(%run_scoped3A : memref<!tpu.dma_semaphore, #tpu.memory_space<semaphore_mem>>)
        %dma_wait3A_32 = tpu.memref_slice %arg5[%mul3A_13] : memref<81920xi32, #tpu.memory_space<hbm>> -> memref<80xi32, #tpu.memory_space<hbm>>
        %dma_wait3A_33 = tpu.memref_slice %arg5[%mul3A_13] : memref<81920xi32, #tpu.memory_space<hbm>> -> memref<80xi32, #tpu.memory_space<hbm>>
        tpu.wait_dma2 semaphore(%run_scoped3A : memref<!tpu.dma_semaphore, #tpu.memory_space<semaphore_mem>>) src(%dma_wait3A_33 : memref<80xi32, #tpu.memory_space<hbm>>) dst(%arg7 : memref<80xi32, #tpu.memory_space<vmem>>)
        tpu.yield
      }) : () -> ()
      %dma_start3A = arith.constant 0 : i32
      %dma_start3A_14 = arith.constant 0 : i32
      %dma_start3A_15 = tpu.memref_slice %arg2[%dma_start3A, %dma_start3A_14] : memref<4096x128xf32, #tpu.memory_space<hbm>> -> memref<4096x128xf32, #tpu.memory_space<hbm>>
      tpu.enqueue_indirect_dma source(%dma_start3A_15 : memref<4096x128xf32, #tpu.memory_space<hbm>>) target(%arg8 : memref<80x128xf32, #tpu.memory_space<vmem>>) offsets(%arg7 : memref<80xi32, #tpu.memory_space<vmem>>) semaphore(%arg12 : memref<!tpu.dma_semaphore, #tpu.memory_space<semaphore_mem>>)
      %dma_start3A_16 = arith.constant 0 : i32
      %dma_start3A_17 = arith.constant 0 : i32
      %dma_start3A_18 = tpu.memref_slice %arg3[%dma_start3A_16, %dma_start3A_17] : memref<4096x128xf32, #tpu.memory_space<hbm>> -> memref<4096x128xf32, #tpu.memory_space<hbm>>
      tpu.enqueue_indirect_dma source(%dma_start3A_18 : memref<4096x128xf32, #tpu.memory_space<hbm>>) target(%arg9 : memref<80x128xf32, #tpu.memory_space<vmem>>) offsets(%arg7 : memref<80xi32, #tpu.memory_space<vmem>>) semaphore(%arg13 : memref<!tpu.dma_semaphore, #tpu.memory_space<semaphore_mem>>)
      "tpu.region"() ({
        %run_scoped3A = tpu.sem_alloc : memref<!tpu.dma_semaphore, #tpu.memory_space<semaphore_mem>>
        %dma_start3A_30 = arith.constant 0 : i32
        %dma_start3A_31 = tpu.memref_slice %arg4[%add3A_11, %dma_start3A_30] : memref<4096x128xf32, #tpu.memory_space<hbm>> -> memref<4x128xf32, #tpu.memory_space<hbm>>
        %dma_start3A_32 = arith.constant 0 : i32
        %dma_start3A_33 = tpu.memref_slice %arg4[%add3A_11, %dma_start3A_32] : memref<4096x128xf32, #tpu.memory_space<hbm>> -> memref<4x128xf32, #tpu.memory_space<hbm>>
        tpu.enqueue_dma source(%dma_start3A_33 : memref<4x128xf32, #tpu.memory_space<hbm>>) target(%arg10 : memref<4x128xf32, #tpu.memory_space<vmem>>) target_semaphore(%run_scoped3A : memref<!tpu.dma_semaphore, #tpu.memory_space<semaphore_mem>>)
        %dma_wait3A_34 = arith.constant 0 : i32
        %dma_wait3A_35 = tpu.memref_slice %arg4[%add3A_11, %dma_wait3A_34] : memref<4096x128xf32, #tpu.memory_space<hbm>> -> memref<4x128xf32, #tpu.memory_space<hbm>>
        %dma_wait3A_36 = arith.constant 0 : i32
        %dma_wait3A_37 = tpu.memref_slice %arg4[%add3A_11, %dma_wait3A_36] : memref<4096x128xf32, #tpu.memory_space<hbm>> -> memref<4x128xf32, #tpu.memory_space<hbm>>
        tpu.wait_dma2 semaphore(%run_scoped3A : memref<!tpu.dma_semaphore, #tpu.memory_space<semaphore_mem>>) src(%dma_wait3A_37 : memref<4x128xf32, #tpu.memory_space<hbm>>) dst(%arg10 : memref<4x128xf32, #tpu.memory_space<vmem>>)
        tpu.yield
      }) : () -> ()
      %dma_wait3A = arith.constant 0 : i32
      %dma_wait3A_19 = arith.constant 0 : i32
      %dma_wait3A_20 = tpu.memref_slice %arg2[%dma_wait3A, %dma_wait3A_19] : memref<4096x128xf32, #tpu.memory_space<hbm>> -> memref<4096x128xf32, #tpu.memory_space<hbm>>
      tpu.wait_indirect_dma semaphore(%arg12 : memref<!tpu.dma_semaphore, #tpu.memory_space<semaphore_mem>>) src(%dma_wait3A_20 : memref<4096x128xf32, #tpu.memory_space<hbm>>) dst(%arg8 : memref<80x128xf32, #tpu.memory_space<vmem>>)
      %dma_wait3A_21 = arith.constant 0 : i32
      %dma_wait3A_22 = arith.constant 0 : i32
      %dma_wait3A_23 = tpu.memref_slice %arg3[%dma_wait3A_21, %dma_wait3A_22] : memref<4096x128xf32, #tpu.memory_space<hbm>> -> memref<4096x128xf32, #tpu.memory_space<hbm>>
      tpu.wait_indirect_dma semaphore(%arg13 : memref<!tpu.dma_semaphore, #tpu.memory_space<semaphore_mem>>) src(%dma_wait3A_23 : memref<4096x128xf32, #tpu.memory_space<hbm>>) dst(%arg9 : memref<80x128xf32, #tpu.memory_space<vmem>>)
      %scan3A_24 = arith.constant 0 : i32
      %scan3A_25 = arith.constant 0 : i32
      %scan3A_26 = arith.constant 4 : i32
      %scan3A_27 = arith.addi %scan3A_25, %scan3A_26 : i32
      %scan3A_28 = arith.constant 1 : i32
      scf.for %scan3A_30 = %scan3A_25 to %scan3A_27 step %scan3A_28  : i32 {
        %scan3A_31 = arith.constant 0 : i32
        %scan3A_32 = arith.constant 8 : i32
        %scan3A_33 = arith.addi %scan3A_31, %scan3A_32 : i32
        %scan3A_34 = arith.constant 1 : i32
        scf.for %scan3A_36 = %scan3A_31 to %scan3A_33 step %scan3A_34  : i32 {
          %mul3A_37 = arith.constant 16 : i32
          %mul3A_38 = arith.muli %scan3A_36, %mul3A_37 : i32
          %get3A = arith.index_cast %scan3A_30 : i32 to index
          %get3A_39 = arith.index_cast %mul3A_38 : i32 to index
          %get3A_40 = tpu.vector_load %arg10[%get3A, %get3A_39] {strides = array<i32>} : memref<4x128xf32, #tpu.memory_space<vmem>>, vector<1x16xf32>,
          %get3A_41 = vector.shape_cast %get3A_40 : vector<1x16xf32> to vector<16xf32>
          %broadcast_in_dim3A = arith.constant 0xFF800000 : f32
          %broadcast_in_dim3A_42 = vector.broadcast %broadcast_in_dim3A : f32 to vector<16xf32>
          %mul3A_43 = arith.constant 20 : i32
          %mul3A_44 = arith.muli %scan3A_30, %mul3A_43 : i32
          %add3A_45 = arith.constant 0 : i32
          %add3A_46 = arith.addi %mul3A_44, %add3A_45 : i32
          %get3A_47 = arith.index_cast %add3A_46 : i32 to index
          %get3A_48 = arith.index_cast %mul3A_38 : i32 to index
          %get3A_49 = tpu.vector_load %arg8[%get3A_47, %get3A_48] {strides = array<i32>} : memref<80x128xf32, #tpu.memory_space<vmem>>, vector<1x16xf32>,
          %get3A_50 = vector.shape_cast %get3A_49 : vector<1x16xf32> to vector<16xf32>
          %add3A_51 = arith.addf %get3A_50, %get3A_41 : vector<16xf32>
          %mul3A_52 = arith.constant 2.000000e-01 : f32
          %mul3A_53 = vector.broadcast %mul3A_52 : f32 to vector<16xf32>
          %mul3A_54 = arith.mulf %mul3A_53, %add3A_51 : vector<16xf32>
          %max3A = arith.maximumf %add3A_51, %mul3A_54 : vector<16xf32>
          %max3A_55 = arith.maximumf %broadcast_in_dim3A_42, %max3A : vector<16xf32>
          %mul3A_56 = arith.constant 20 : i32
          %mul3A_57 = arith.muli %scan3A_30, %mul3A_56 : i32
          %add3A_58 = arith.constant 1 : i32
          %add3A_59 = arith.addi %mul3A_57, %add3A_58 : i32
          %get3A_60 = arith.index_cast %add3A_59 : i32 to index
          %get3A_61 = arith.index_cast %mul3A_38 : i32 to index
          %get3A_62 = tpu.vector_load %arg8[%get3A_60, %get3A_61] {strides = array<i32>} : memref<80x128xf32, #tpu.memory_space<vmem>>, vector<1x16xf32>,
          %get3A_63 = vector.shape_cast %get3A_62 : vector<1x16xf32> to vector<16xf32>
          %add3A_64 = arith.addf %get3A_63, %get3A_41 : vector<16xf32>
          %mul3A_65 = arith.constant 2.000000e-01 : f32
          %mul3A_66 = vector.broadcast %mul3A_65 : f32 to vector<16xf32>
          %mul3A_67 = arith.mulf %mul3A_66, %add3A_64 : vector<16xf32>
          %max3A_68 = arith.maximumf %add3A_64, %mul3A_67 : vector<16xf32>
          %max3A_69 = arith.maximumf %max3A_55, %max3A_68 : vector<16xf32>
          %mul3A_70 = arith.constant 20 : i32
          %mul3A_71 = arith.muli %scan3A_30, %mul3A_70 : i32
          %add3A_72 = arith.constant 2 : i32
          %add3A_73 = arith.addi %mul3A_71, %add3A_72 : i32
          %get3A_74 = arith.index_cast %add3A_73 : i32 to index
          %get3A_75 = arith.index_cast %mul3A_38 : i32 to index
          %get3A_76 = tpu.vector_load %arg8[%get3A_74, %get3A_75] {strides = array<i32>} : memref<80x128xf32, #tpu.memory_space<vmem>>, vector<1x16xf32>,
          %get3A_77 = vector.shape_cast %get3A_76 : vector<1x16xf32> to vector<16xf32>
          %add3A_78 = arith.addf %get3A_77, %get3A_41 : vector<16xf32>
          %mul3A_79 = arith.constant 2.000000e-01 : f32
          %mul3A_80 = vector.broadcast %mul3A_79 : f32 to vector<16xf32>
          %mul3A_81 = arith.mulf %mul3A_80, %add3A_78 : vector<16xf32>
          %max3A_82 = arith.maximumf %add3A_78, %mul3A_81 : vector<16xf32>
          %max3A_83 = arith.maximumf %max3A_69, %max3A_82 : vector<16xf32>
          %mul3A_84 = arith.constant 20 : i32
          %mul3A_85 = arith.muli %scan3A_30, %mul3A_84 : i32
          %add3A_86 = arith.constant 3 : i32
          %add3A_87 = arith.addi %mul3A_85, %add3A_86 : i32
          %get3A_88 = arith.index_cast %add3A_87 : i32 to index
          %get3A_89 = arith.index_cast %mul3A_38 : i32 to index
          %get3A_90 = tpu.vector_load %arg8[%get3A_88, %get3A_89] {strides = array<i32>} : memref<80x128xf32, #tpu.memory_space<vmem>>, vector<1x16xf32>,
          %get3A_91 = vector.shape_cast %get3A_90 : vector<1x16xf32> to vector<16xf32>
          %add3A_92 = arith.addf %get3A_91, %get3A_41 : vector<16xf32>
          %mul3A_93 = arith.constant 2.000000e-01 : f32
          %mul3A_94 = vector.broadcast %mul3A_93 : f32 to vector<16xf32>
          %mul3A_95 = arith.mulf %mul3A_94, %add3A_92 : vector<16xf32>
          %max3A_96 = arith.maximumf %add3A_92, %mul3A_95 : vector<16xf32>
          %max3A_97 = arith.maximumf %max3A_83, %max3A_96 : vector<16xf32>
          %mul3A_98 = arith.constant 20 : i32
          %mul3A_99 = arith.muli %scan3A_30, %mul3A_98 : i32
          %add3A_100 = arith.constant 4 : i32
          %add3A_101 = arith.addi %mul3A_99, %add3A_100 : i32
          %get3A_102 = arith.index_cast %add3A_101 : i32 to index
          %get3A_103 = arith.index_cast %mul3A_38 : i32 to index
          %get3A_104 = tpu.vector_load %arg8[%get3A_102, %get3A_103] {strides = array<i32>} : memref<80x128xf32, #tpu.memory_space<vmem>>, vector<1x16xf32>,
          %get3A_105 = vector.shape_cast %get3A_104 : vector<1x16xf32> to vector<16xf32>
          %add3A_106 = arith.addf %get3A_105, %get3A_41 : vector<16xf32>
          %mul3A_107 = arith.constant 2.000000e-01 : f32
          %mul3A_108 = vector.broadcast %mul3A_107 : f32 to vector<16xf32>
          %mul3A_109 = arith.mulf %mul3A_108, %add3A_106 : vector<16xf32>
          %max3A_110 = arith.maximumf %add3A_106, %mul3A_109 : vector<16xf32>
          %max3A_111 = arith.maximumf %max3A_97, %max3A_110 : vector<16xf32>
          %mul3A_112 = arith.constant 20 : i32
          %mul3A_113 = arith.muli %scan3A_30, %mul3A_112 : i32
          %add3A_114 = arith.constant 5 : i32
          %add3A_115 = arith.addi %mul3A_113, %add3A_114 : i32
          %get3A_116 = arith.index_cast %add3A_115 : i32 to index
          %get3A_117 = arith.index_cast %mul3A_38 : i32 to index
          %get3A_118 = tpu.vector_load %arg8[%get3A_116, %get3A_117] {strides = array<i32>} : memref<80x128xf32, #tpu.memory_space<vmem>>, vector<1x16xf32>,
          %get3A_119 = vector.shape_cast %get3A_118 : vector<1x16xf32> to vector<16xf32>
          %add3A_120 = arith.addf %get3A_119, %get3A_41 : vector<16xf32>
          %mul3A_121 = arith.constant 2.000000e-01 : f32
          %mul3A_122 = vector.broadcast %mul3A_121 : f32 to vector<16xf32>
          %mul3A_123 = arith.mulf %mul3A_122, %add3A_120 : vector<16xf32>
          %max3A_124 = arith.maximumf %add3A_120, %mul3A_123 : vector<16xf32>
          %max3A_125 = arith.maximumf %max3A_111, %max3A_124 : vector<16xf32>
          %mul3A_126 = arith.constant 20 : i32
          %mul3A_127 = arith.muli %scan3A_30, %mul3A_126 : i32
          %add3A_128 = arith.constant 6 : i32
          %add3A_129 = arith.addi %mul3A_127, %add3A_128 : i32
          %get3A_130 = arith.index_cast %add3A_129 : i32 to index
          %get3A_131 = arith.index_cast %mul3A_38 : i32 to index
          %get3A_132 = tpu.vector_load %arg8[%get3A_130, %get3A_131] {strides = array<i32>} : memref<80x128xf32, #tpu.memory_space<vmem>>, vector<1x16xf32>,
          %get3A_133 = vector.shape_cast %get3A_132 : vector<1x16xf32> to vector<16xf32>
          %add3A_134 = arith.addf %get3A_133, %get3A_41 : vector<16xf32>
          %mul3A_135 = arith.constant 2.000000e-01 : f32
          %mul3A_136 = vector.broadcast %mul3A_135 : f32 to vector<16xf32>
          %mul3A_137 = arith.mulf %mul3A_136, %add3A_134 : vector<16xf32>
          %max3A_138 = arith.maximumf %add3A_134, %mul3A_137 : vector<16xf32>
          %max3A_139 = arith.maximumf %max3A_125, %max3A_138 : vector<16xf32>
          %mul3A_140 = arith.constant 20 : i32
          %mul3A_141 = arith.muli %scan3A_30, %mul3A_140 : i32
          %add3A_142 = arith.constant 7 : i32
          %add3A_143 = arith.addi %mul3A_141, %add3A_142 : i32
          %get3A_144 = arith.index_cast %add3A_143 : i32 to index
          %get3A_145 = arith.index_cast %mul3A_38 : i32 to index
          %get3A_146 = tpu.vector_load %arg8[%get3A_144, %get3A_145] {strides = array<i32>} : memref<80x128xf32, #tpu.memory_space<vmem>>, vector<1x16xf32>,
          %get3A_147 = vector.shape_cast %get3A_146 : vector<1x16xf32> to vector<16xf32>
          %add3A_148 = arith.addf %get3A_147, %get3A_41 : vector<16xf32>
          %mul3A_149 = arith.constant 2.000000e-01 : f32
          %mul3A_150 = vector.broadcast %mul3A_149 : f32 to vector<16xf32>
          %mul3A_151 = arith.mulf %mul3A_150, %add3A_148 : vector<16xf32>
          %max3A_152 = arith.maximumf %add3A_148, %mul3A_151 : vector<16xf32>
          %max3A_153 = arith.maximumf %max3A_139, %max3A_152 : vector<16xf32>
          %mul3A_154 = arith.constant 20 : i32
          %mul3A_155 = arith.muli %scan3A_30, %mul3A_154 : i32
          %add3A_156 = arith.constant 8 : i32
          %add3A_157 = arith.addi %mul3A_155, %add3A_156 : i32
          %get3A_158 = arith.index_cast %add3A_157 : i32 to index
          %get3A_159 = arith.index_cast %mul3A_38 : i32 to index
          %get3A_160 = tpu.vector_load %arg8[%get3A_158, %get3A_159] {strides = array<i32>} : memref<80x128xf32, #tpu.memory_space<vmem>>, vector<1x16xf32>,
          %get3A_161 = vector.shape_cast %get3A_160 : vector<1x16xf32> to vector<16xf32>
          %add3A_162 = arith.addf %get3A_161, %get3A_41 : vector<16xf32>
          %mul3A_163 = arith.constant 2.000000e-01 : f32
          %mul3A_164 = vector.broadcast %mul3A_163 : f32 to vector<16xf32>
          %mul3A_165 = arith.mulf %mul3A_164, %add3A_162 : vector<16xf32>
          %max3A_166 = arith.maximumf %add3A_162, %mul3A_165 : vector<16xf32>
          %max3A_167 = arith.maximumf %max3A_153, %max3A_166 : vector<16xf32>
          %mul3A_168 = arith.constant 20 : i32
          %mul3A_169 = arith.muli %scan3A_30, %mul3A_168 : i32
          %add3A_170 = arith.constant 9 : i32
          %add3A_171 = arith.addi %mul3A_169, %add3A_170 : i32
          %get3A_172 = arith.index_cast %add3A_171 : i32 to index
          %get3A_173 = arith.index_cast %mul3A_38 : i32 to index
          %get3A_174 = tpu.vector_load %arg8[%get3A_172, %get3A_173] {strides = array<i32>} : memref<80x128xf32, #tpu.memory_space<vmem>>, vector<1x16xf32>,
          %get3A_175 = vector.shape_cast %get3A_174 : vector<1x16xf32> to vector<16xf32>
          %add3A_176 = arith.addf %get3A_175, %get3A_41 : vector<16xf32>
          %mul3A_177 = arith.constant 2.000000e-01 : f32
          %mul3A_178 = vector.broadcast %mul3A_177 : f32 to vector<16xf32>
          %mul3A_179 = arith.mulf %mul3A_178, %add3A_176 : vector<16xf32>
          %max3A_180 = arith.maximumf %add3A_176, %mul3A_179 : vector<16xf32>
          %max3A_181 = arith.maximumf %max3A_167, %max3A_180 : vector<16xf32>
          %mul3A_182 = arith.constant 20 : i32
          %mul3A_183 = arith.muli %scan3A_30, %mul3A_182 : i32
          %add3A_184 = arith.constant 10 : i32
          %add3A_185 = arith.addi %mul3A_183, %add3A_184 : i32
          %get3A_186 = arith.index_cast %add3A_185 : i32 to index
          %get3A_187 = arith.index_cast %mul3A_38 : i32 to index
          %get3A_188 = tpu.vector_load %arg8[%get3A_186, %get3A_187] {strides = array<i32>} : memref<80x128xf32, #tpu.memory_space<vmem>>, vector<1x16xf32>,
          %get3A_189 = vector.shape_cast %get3A_188 : vector<1x16xf32> to vector<16xf32>
          %add3A_190 = arith.addf %get3A_189, %get3A_41 : vector<16xf32>
          %mul3A_191 = arith.constant 2.000000e-01 : f32
          %mul3A_192 = vector.broadcast %mul3A_191 : f32 to vector<16xf32>
          %mul3A_193 = arith.mulf %mul3A_192, %add3A_190 : vector<16xf32>
          %max3A_194 = arith.maximumf %add3A_190, %mul3A_193 : vector<16xf32>
          %max3A_195 = arith.maximumf %max3A_181, %max3A_194 : vector<16xf32>
          %mul3A_196 = arith.constant 20 : i32
          %mul3A_197 = arith.muli %scan3A_30, %mul3A_196 : i32
          %add3A_198 = arith.constant 11 : i32
          %add3A_199 = arith.addi %mul3A_197, %add3A_198 : i32
          %get3A_200 = arith.index_cast %add3A_199 : i32 to index
          %get3A_201 = arith.index_cast %mul3A_38 : i32 to index
          %get3A_202 = tpu.vector_load %arg8[%get3A_200, %get3A_201] {strides = array<i32>} : memref<80x128xf32, #tpu.memory_space<vmem>>, vector<1x16xf32>,
          %get3A_203 = vector.shape_cast %get3A_202 : vector<1x16xf32> to vector<16xf32>
          %add3A_204 = arith.addf %get3A_203, %get3A_41 : vector<16xf32>
          %mul3A_205 = arith.constant 2.000000e-01 : f32
          %mul3A_206 = vector.broadcast %mul3A_205 : f32 to vector<16xf32>
          %mul3A_207 = arith.mulf %mul3A_206, %add3A_204 : vector<16xf32>
          %max3A_208 = arith.maximumf %add3A_204, %mul3A_207 : vector<16xf32>
          %max3A_209 = arith.maximumf %max3A_195, %max3A_208 : vector<16xf32>
          %mul3A_210 = arith.constant 20 : i32
          %mul3A_211 = arith.muli %scan3A_30, %mul3A_210 : i32
          %add3A_212 = arith.constant 12 : i32
          %add3A_213 = arith.addi %mul3A_211, %add3A_212 : i32
          %get3A_214 = arith.index_cast %add3A_213 : i32 to index
          %get3A_215 = arith.index_cast %mul3A_38 : i32 to index
          %get3A_216 = tpu.vector_load %arg8[%get3A_214, %get3A_215] {strides = array<i32>} : memref<80x128xf32, #tpu.memory_space<vmem>>, vector<1x16xf32>,
          %get3A_217 = vector.shape_cast %get3A_216 : vector<1x16xf32> to vector<16xf32>
          %add3A_218 = arith.addf %get3A_217, %get3A_41 : vector<16xf32>
          %mul3A_219 = arith.constant 2.000000e-01 : f32
          %mul3A_220 = vector.broadcast %mul3A_219 : f32 to vector<16xf32>
          %mul3A_221 = arith.mulf %mul3A_220, %add3A_218 : vector<16xf32>
          %max3A_222 = arith.maximumf %add3A_218, %mul3A_221 : vector<16xf32>
          %max3A_223 = arith.maximumf %max3A_209, %max3A_222 : vector<16xf32>
          %mul3A_224 = arith.constant 20 : i32
          %mul3A_225 = arith.muli %scan3A_30, %mul3A_224 : i32
          %add3A_226 = arith.constant 13 : i32
          %add3A_227 = arith.addi %mul3A_225, %add3A_226 : i32
          %get3A_228 = arith.index_cast %add3A_227 : i32 to index
          %get3A_229 = arith.index_cast %mul3A_38 : i32 to index
          %get3A_230 = tpu.vector_load %arg8[%get3A_228, %get3A_229] {strides = array<i32>} : memref<80x128xf32, #tpu.memory_space<vmem>>, vector<1x16xf32>,
          %get3A_231 = vector.shape_cast %get3A_230 : vector<1x16xf32> to vector<16xf32>
          %add3A_232 = arith.addf %get3A_231, %get3A_41 : vector<16xf32>
          %mul3A_233 = arith.constant 2.000000e-01 : f32
          %mul3A_234 = vector.broadcast %mul3A_233 : f32 to vector<16xf32>
          %mul3A_235 = arith.mulf %mul3A_234, %add3A_232 : vector<16xf32>
          %max3A_236 = arith.maximumf %add3A_232, %mul3A_235 : vector<16xf32>
          %max3A_237 = arith.maximumf %max3A_223, %max3A_236 : vector<16xf32>
          %mul3A_238 = arith.constant 20 : i32
          %mul3A_239 = arith.muli %scan3A_30, %mul3A_238 : i32
          %add3A_240 = arith.constant 14 : i32
          %add3A_241 = arith.addi %mul3A_239, %add3A_240 : i32
          %get3A_242 = arith.index_cast %add3A_241 : i32 to index
          %get3A_243 = arith.index_cast %mul3A_38 : i32 to index
          %get3A_244 = tpu.vector_load %arg8[%get3A_242, %get3A_243] {strides = array<i32>} : memref<80x128xf32, #tpu.memory_space<vmem>>, vector<1x16xf32>,
          %get3A_245 = vector.shape_cast %get3A_244 : vector<1x16xf32> to vector<16xf32>
          %add3A_246 = arith.addf %get3A_245, %get3A_41 : vector<16xf32>
          %mul3A_247 = arith.constant 2.000000e-01 : f32
          %mul3A_248 = vector.broadcast %mul3A_247 : f32 to vector<16xf32>
          %mul3A_249 = arith.mulf %mul3A_248, %add3A_246 : vector<16xf32>
          %max3A_250 = arith.maximumf %add3A_246, %mul3A_249 : vector<16xf32>
          %max3A_251 = arith.maximumf %max3A_237, %max3A_250 : vector<16xf32>
          %mul3A_252 = arith.constant 20 : i32
          %mul3A_253 = arith.muli %scan3A_30, %mul3A_252 : i32
          %add3A_254 = arith.constant 15 : i32
          %add3A_255 = arith.addi %mul3A_253, %add3A_254 : i32
          %get3A_256 = arith.index_cast %add3A_255 : i32 to index
          %get3A_257 = arith.index_cast %mul3A_38 : i32 to index
          %get3A_258 = tpu.vector_load %arg8[%get3A_256, %get3A_257] {strides = array<i32>} : memref<80x128xf32, #tpu.memory_space<vmem>>, vector<1x16xf32>,
          %get3A_259 = vector.shape_cast %get3A_258 : vector<1x16xf32> to vector<16xf32>
          %add3A_260 = arith.addf %get3A_259, %get3A_41 : vector<16xf32>
          %mul3A_261 = arith.constant 2.000000e-01 : f32
          %mul3A_262 = vector.broadcast %mul3A_261 : f32 to vector<16xf32>
          %mul3A_263 = arith.mulf %mul3A_262, %add3A_260 : vector<16xf32>
          %max3A_264 = arith.maximumf %add3A_260, %mul3A_263 : vector<16xf32>
          %max3A_265 = arith.maximumf %max3A_251, %max3A_264 : vector<16xf32>
          %mul3A_266 = arith.constant 20 : i32
          %mul3A_267 = arith.muli %scan3A_30, %mul3A_266 : i32
          %add3A_268 = arith.constant 16 : i32
          %add3A_269 = arith.addi %mul3A_267, %add3A_268 : i32
          %get3A_270 = arith.index_cast %add3A_269 : i32 to index
          %get3A_271 = arith.index_cast %mul3A_38 : i32 to index
          %get3A_272 = tpu.vector_load %arg8[%get3A_270, %get3A_271] {strides = array<i32>} : memref<80x128xf32, #tpu.memory_space<vmem>>, vector<1x16xf32>,
          %get3A_273 = vector.shape_cast %get3A_272 : vector<1x16xf32> to vector<16xf32>
          %add3A_274 = arith.addf %get3A_273, %get3A_41 : vector<16xf32>
          %mul3A_275 = arith.constant 2.000000e-01 : f32
          %mul3A_276 = vector.broadcast %mul3A_275 : f32 to vector<16xf32>
          %mul3A_277 = arith.mulf %mul3A_276, %add3A_274 : vector<16xf32>
          %max3A_278 = arith.maximumf %add3A_274, %mul3A_277 : vector<16xf32>
          %max3A_279 = arith.maximumf %max3A_265, %max3A_278 : vector<16xf32>
          %mul3A_280 = arith.constant 20 : i32
          %mul3A_281 = arith.muli %scan3A_30, %mul3A_280 : i32
          %add3A_282 = arith.constant 17 : i32
          %add3A_283 = arith.addi %mul3A_281, %add3A_282 : i32
          %get3A_284 = arith.index_cast %add3A_283 : i32 to index
          %get3A_285 = arith.index_cast %mul3A_38 : i32 to index
          %get3A_286 = tpu.vector_load %arg8[%get3A_284, %get3A_285] {strides = array<i32>} : memref<80x128xf32, #tpu.memory_space<vmem>>, vector<1x16xf32>,
          %get3A_287 = vector.shape_cast %get3A_286 : vector<1x16xf32> to vector<16xf32>
          %add3A_288 = arith.addf %get3A_287, %get3A_41 : vector<16xf32>
          %mul3A_289 = arith.constant 2.000000e-01 : f32
          %mul3A_290 = vector.broadcast %mul3A_289 : f32 to vector<16xf32>
          %mul3A_291 = arith.mulf %mul3A_290, %add3A_288 : vector<16xf32>
          %max3A_292 = arith.maximumf %add3A_288, %mul3A_291 : vector<16xf32>
          %max3A_293 = arith.maximumf %max3A_279, %max3A_292 : vector<16xf32>
          %mul3A_294 = arith.constant 20 : i32
          %mul3A_295 = arith.muli %scan3A_30, %mul3A_294 : i32
          %add3A_296 = arith.constant 18 : i32
          %add3A_297 = arith.addi %mul3A_295, %add3A_296 : i32
          %get3A_298 = arith.index_cast %add3A_297 : i32 to index
          %get3A_299 = arith.index_cast %mul3A_38 : i32 to index
          %get3A_300 = tpu.vector_load %arg8[%get3A_298, %get3A_299] {strides = array<i32>} : memref<80x128xf32, #tpu.memory_space<vmem>>, vector<1x16xf32>,
          %get3A_301 = vector.shape_cast %get3A_300 : vector<1x16xf32> to vector<16xf32>
          %add3A_302 = arith.addf %get3A_301, %get3A_41 : vector<16xf32>
          %mul3A_303 = arith.constant 2.000000e-01 : f32
          %mul3A_304 = vector.broadcast %mul3A_303 : f32 to vector<16xf32>
          %mul3A_305 = arith.mulf %mul3A_304, %add3A_302 : vector<16xf32>
          %max3A_306 = arith.maximumf %add3A_302, %mul3A_305 : vector<16xf32>
          %max3A_307 = arith.maximumf %max3A_293, %max3A_306 : vector<16xf32>
          %mul3A_308 = arith.constant 20 : i32
          %mul3A_309 = arith.muli %scan3A_30, %mul3A_308 : i32
          %add3A_310 = arith.constant 19 : i32
          %add3A_311 = arith.addi %mul3A_309, %add3A_310 : i32
          %get3A_312 = arith.index_cast %add3A_311 : i32 to index
          %get3A_313 = arith.index_cast %mul3A_38 : i32 to index
          %get3A_314 = tpu.vector_load %arg8[%get3A_312, %get3A_313] {strides = array<i32>} : memref<80x128xf32, #tpu.memory_space<vmem>>, vector<1x16xf32>,
          %get3A_315 = vector.shape_cast %get3A_314 : vector<1x16xf32> to vector<16xf32>
          %add3A_316 = arith.addf %get3A_315, %get3A_41 : vector<16xf32>
          %mul3A_317 = arith.constant 2.000000e-01 : f32
          %mul3A_318 = vector.broadcast %mul3A_317 : f32 to vector<16xf32>
          %mul3A_319 = arith.mulf %mul3A_318, %add3A_316 : vector<16xf32>
          %max3A_320 = arith.maximumf %add3A_316, %mul3A_319 : vector<16xf32>
          %max3A_321 = arith.maximumf %max3A_307, %max3A_320 : vector<16xf32>
          %broadcast_in_dim3A_322 = arith.constant 0.000000e+00 : f32
          %broadcast_in_dim3A_323 = vector.broadcast %broadcast_in_dim3A_322 : f32 to vector<16xf32>
          %broadcast_in_dim3A_324 = arith.constant 0.000000e+00 : f32
          %broadcast_in_dim3A_325 = vector.broadcast %broadcast_in_dim3A_324 : f32 to vector<16xf32>
          %sub3A = arith.subf %max3A, %max3A_321 : vector<16xf32>
          %exp3A = math.exp %sub3A : vector<16xf32>
          %add3A_326 = arith.addf %broadcast_in_dim3A_323, %exp3A : vector<16xf32>
          %mul3A_327 = arith.constant 20 : i32
          %mul3A_328 = arith.muli %scan3A_30, %mul3A_327 : i32
          %add3A_329 = arith.constant 0 : i32
          %add3A_330 = arith.addi %mul3A_328, %add3A_329 : i32
          %get3A_331 = arith.index_cast %add3A_330 : i32 to index
          %get3A_332 = arith.index_cast %mul3A_38 : i32 to index
          %get3A_333 = tpu.vector_load %arg9[%get3A_331, %get3A_332] {strides = array<i32>} : memref<80x128xf32, #tpu.memory_space<vmem>>, vector<1x16xf32>,
          %get3A_334 = vector.shape_cast %get3A_333 : vector<1x16xf32> to vector<16xf32>
          %mul3A_335 = arith.mulf %exp3A, %get3A_334 : vector<16xf32>
          %add3A_336 = arith.addf %broadcast_in_dim3A_325, %mul3A_335 : vector<16xf32>
          %sub3A_337 = arith.subf %max3A_68, %max3A_321 : vector<16xf32>
          %exp3A_338 = math.exp %sub3A_337 : vector<16xf32>
          %add3A_339 = arith.addf %add3A_326, %exp3A_338 : vector<16xf32>
          %mul3A_340 = arith.constant 20 : i32
          %mul3A_341 = arith.muli %scan3A_30, %mul3A_340 : i32
          %add3A_342 = arith.constant 1 : i32
          %add3A_343 = arith.addi %mul3A_341, %add3A_342 : i32
          %get3A_344 = arith.index_cast %add3A_343 : i32 to index
          %get3A_345 = arith.index_cast %mul3A_38 : i32 to index
          %get3A_346 = tpu.vector_load %arg9[%get3A_344, %get3A_345] {strides = array<i32>} : memref<80x128xf32, #tpu.memory_space<vmem>>, vector<1x16xf32>,
          %get3A_347 = vector.shape_cast %get3A_346 : vector<1x16xf32> to vector<16xf32>
          %mul3A_348 = arith.mulf %exp3A_338, %get3A_347 : vector<16xf32>
          %add3A_349 = arith.addf %add3A_336, %mul3A_348 : vector<16xf32>
          %sub3A_350 = arith.subf %max3A_82, %max3A_321 : vector<16xf32>
          %exp3A_351 = math.exp %sub3A_350 : vector<16xf32>
          %add3A_352 = arith.addf %add3A_339, %exp3A_351 : vector<16xf32>
          %mul3A_353 = arith.constant 20 : i32
          %mul3A_354 = arith.muli %scan3A_30, %mul3A_353 : i32
          %add3A_355 = arith.constant 2 : i32
          %add3A_356 = arith.addi %mul3A_354, %add3A_355 : i32
          %get3A_357 = arith.index_cast %add3A_356 : i32 to index
          %get3A_358 = arith.index_cast %mul3A_38 : i32 to index
          %get3A_359 = tpu.vector_load %arg9[%get3A_357, %get3A_358] {strides = array<i32>} : memref<80x128xf32, #tpu.memory_space<vmem>>, vector<1x16xf32>,
          %get3A_360 = vector.shape_cast %get3A_359 : vector<1x16xf32> to vector<16xf32>
          %mul3A_361 = arith.mulf %exp3A_351, %get3A_360 : vector<16xf32>
          %add3A_362 = arith.addf %add3A_349, %mul3A_361 : vector<16xf32>
          %sub3A_363 = arith.subf %max3A_96, %max3A_321 : vector<16xf32>
          %exp3A_364 = math.exp %sub3A_363 : vector<16xf32>
          %add3A_365 = arith.addf %add3A_352, %exp3A_364 : vector<16xf32>
          %mul3A_366 = arith.constant 20 : i32
          %mul3A_367 = arith.muli %scan3A_30, %mul3A_366 : i32
          %add3A_368 = arith.constant 3 : i32
          %add3A_369 = arith.addi %mul3A_367, %add3A_368 : i32
          %get3A_370 = arith.index_cast %add3A_369 : i32 to index
          %get3A_371 = arith.index_cast %mul3A_38 : i32 to index
          %get3A_372 = tpu.vector_load %arg9[%get3A_370, %get3A_371] {strides = array<i32>} : memref<80x128xf32, #tpu.memory_space<vmem>>, vector<1x16xf32>,
          %get3A_373 = vector.shape_cast %get3A_372 : vector<1x16xf32> to vector<16xf32>
          %mul3A_374 = arith.mulf %exp3A_364, %get3A_373 : vector<16xf32>
          %add3A_375 = arith.addf %add3A_362, %mul3A_374 : vector<16xf32>
          %sub3A_376 = arith.subf %max3A_110, %max3A_321 : vector<16xf32>
          %exp3A_377 = math.exp %sub3A_376 : vector<16xf32>
          %add3A_378 = arith.addf %add3A_365, %exp3A_377 : vector<16xf32>
          %mul3A_379 = arith.constant 20 : i32
          %mul3A_380 = arith.muli %scan3A_30, %mul3A_379 : i32
          %add3A_381 = arith.constant 4 : i32
          %add3A_382 = arith.addi %mul3A_380, %add3A_381 : i32
          %get3A_383 = arith.index_cast %add3A_382 : i32 to index
          %get3A_384 = arith.index_cast %mul3A_38 : i32 to index
          %get3A_385 = tpu.vector_load %arg9[%get3A_383, %get3A_384] {strides = array<i32>} : memref<80x128xf32, #tpu.memory_space<vmem>>, vector<1x16xf32>,
          %get3A_386 = vector.shape_cast %get3A_385 : vector<1x16xf32> to vector<16xf32>
          %mul3A_387 = arith.mulf %exp3A_377, %get3A_386 : vector<16xf32>
          %add3A_388 = arith.addf %add3A_375, %mul3A_387 : vector<16xf32>
          %sub3A_389 = arith.subf %max3A_124, %max3A_321 : vector<16xf32>
          %exp3A_390 = math.exp %sub3A_389 : vector<16xf32>
          %add3A_391 = arith.addf %add3A_378, %exp3A_390 : vector<16xf32>
          %mul3A_392 = arith.constant 20 : i32
          %mul3A_393 = arith.muli %scan3A_30, %mul3A_392 : i32
          %add3A_394 = arith.constant 5 : i32
          %add3A_395 = arith.addi %mul3A_393, %add3A_394 : i32
          %get3A_396 = arith.index_cast %add3A_395 : i32 to index
          %get3A_397 = arith.index_cast %mul3A_38 : i32 to index
          %get3A_398 = tpu.vector_load %arg9[%get3A_396, %get3A_397] {strides = array<i32>} : memref<80x128xf32, #tpu.memory_space<vmem>>, vector<1x16xf32>,
          %get3A_399 = vector.shape_cast %get3A_398 : vector<1x16xf32> to vector<16xf32>
          %mul3A_400 = arith.mulf %exp3A_390, %get3A_399 : vector<16xf32>
          %add3A_401 = arith.addf %add3A_388, %mul3A_400 : vector<16xf32>
          %sub3A_402 = arith.subf %max3A_138, %max3A_321 : vector<16xf32>
          %exp3A_403 = math.exp %sub3A_402 : vector<16xf32>
          %add3A_404 = arith.addf %add3A_391, %exp3A_403 : vector<16xf32>
          %mul3A_405 = arith.constant 20 : i32
          %mul3A_406 = arith.muli %scan3A_30, %mul3A_405 : i32
          %add3A_407 = arith.constant 6 : i32
          %add3A_408 = arith.addi %mul3A_406, %add3A_407 : i32
          %get3A_409 = arith.index_cast %add3A_408 : i32 to index
          %get3A_410 = arith.index_cast %mul3A_38 : i32 to index
          %get3A_411 = tpu.vector_load %arg9[%get3A_409, %get3A_410] {strides = array<i32>} : memref<80x128xf32, #tpu.memory_space<vmem>>, vector<1x16xf32>,
          %get3A_412 = vector.shape_cast %get3A_411 : vector<1x16xf32> to vector<16xf32>
          %mul3A_413 = arith.mulf %exp3A_403, %get3A_412 : vector<16xf32>
          %add3A_414 = arith.addf %add3A_401, %mul3A_413 : vector<16xf32>
          %sub3A_415 = arith.subf %max3A_152, %max3A_321 : vector<16xf32>
          %exp3A_416 = math.exp %sub3A_415 : vector<16xf32>
          %add3A_417 = arith.addf %add3A_404, %exp3A_416 : vector<16xf32>
          %mul3A_418 = arith.constant 20 : i32
          %mul3A_419 = arith.muli %scan3A_30, %mul3A_418 : i32
          %add3A_420 = arith.constant 7 : i32
          %add3A_421 = arith.addi %mul3A_419, %add3A_420 : i32
          %get3A_422 = arith.index_cast %add3A_421 : i32 to index
          %get3A_423 = arith.index_cast %mul3A_38 : i32 to index
          %get3A_424 = tpu.vector_load %arg9[%get3A_422, %get3A_423] {strides = array<i32>} : memref<80x128xf32, #tpu.memory_space<vmem>>, vector<1x16xf32>,
          %get3A_425 = vector.shape_cast %get3A_424 : vector<1x16xf32> to vector<16xf32>
          %mul3A_426 = arith.mulf %exp3A_416, %get3A_425 : vector<16xf32>
          %add3A_427 = arith.addf %add3A_414, %mul3A_426 : vector<16xf32>
          %sub3A_428 = arith.subf %max3A_166, %max3A_321 : vector<16xf32>
          %exp3A_429 = math.exp %sub3A_428 : vector<16xf32>
          %add3A_430 = arith.addf %add3A_417, %exp3A_429 : vector<16xf32>
          %mul3A_431 = arith.constant 20 : i32
          %mul3A_432 = arith.muli %scan3A_30, %mul3A_431 : i32
          %add3A_433 = arith.constant 8 : i32
          %add3A_434 = arith.addi %mul3A_432, %add3A_433 : i32
          %get3A_435 = arith.index_cast %add3A_434 : i32 to index
          %get3A_436 = arith.index_cast %mul3A_38 : i32 to index
          %get3A_437 = tpu.vector_load %arg9[%get3A_435, %get3A_436] {strides = array<i32>} : memref<80x128xf32, #tpu.memory_space<vmem>>, vector<1x16xf32>,
          %get3A_438 = vector.shape_cast %get3A_437 : vector<1x16xf32> to vector<16xf32>
          %mul3A_439 = arith.mulf %exp3A_429, %get3A_438 : vector<16xf32>
          %add3A_440 = arith.addf %add3A_427, %mul3A_439 : vector<16xf32>
          %sub3A_441 = arith.subf %max3A_180, %max3A_321 : vector<16xf32>
          %exp3A_442 = math.exp %sub3A_441 : vector<16xf32>
          %add3A_443 = arith.addf %add3A_430, %exp3A_442 : vector<16xf32>
          %mul3A_444 = arith.constant 20 : i32
          %mul3A_445 = arith.muli %scan3A_30, %mul3A_444 : i32
          %add3A_446 = arith.constant 9 : i32
          %add3A_447 = arith.addi %mul3A_445, %add3A_446 : i32
          %get3A_448 = arith.index_cast %add3A_447 : i32 to index
          %get3A_449 = arith.index_cast %mul3A_38 : i32 to index
          %get3A_450 = tpu.vector_load %arg9[%get3A_448, %get3A_449] {strides = array<i32>} : memref<80x128xf32, #tpu.memory_space<vmem>>, vector<1x16xf32>,
          %get3A_451 = vector.shape_cast %get3A_450 : vector<1x16xf32> to vector<16xf32>
          %mul3A_452 = arith.mulf %exp3A_442, %get3A_451 : vector<16xf32>
          %add3A_453 = arith.addf %add3A_440, %mul3A_452 : vector<16xf32>
          %sub3A_454 = arith.subf %max3A_194, %max3A_321 : vector<16xf32>
          %exp3A_455 = math.exp %sub3A_454 : vector<16xf32>
          %add3A_456 = arith.addf %add3A_443, %exp3A_455 : vector<16xf32>
          %mul3A_457 = arith.constant 20 : i32
          %mul3A_458 = arith.muli %scan3A_30, %mul3A_457 : i32
          %add3A_459 = arith.constant 10 : i32
          %add3A_460 = arith.addi %mul3A_458, %add3A_459 : i32
          %get3A_461 = arith.index_cast %add3A_460 : i32 to index
          %get3A_462 = arith.index_cast %mul3A_38 : i32 to index
          %get3A_463 = tpu.vector_load %arg9[%get3A_461, %get3A_462] {strides = array<i32>} : memref<80x128xf32, #tpu.memory_space<vmem>>, vector<1x16xf32>,
          %get3A_464 = vector.shape_cast %get3A_463 : vector<1x16xf32> to vector<16xf32>
          %mul3A_465 = arith.mulf %exp3A_455, %get3A_464 : vector<16xf32>
          %add3A_466 = arith.addf %add3A_453, %mul3A_465 : vector<16xf32>
          %sub3A_467 = arith.subf %max3A_208, %max3A_321 : vector<16xf32>
          %exp3A_468 = math.exp %sub3A_467 : vector<16xf32>
          %add3A_469 = arith.addf %add3A_456, %exp3A_468 : vector<16xf32>
          %mul3A_470 = arith.constant 20 : i32
          %mul3A_471 = arith.muli %scan3A_30, %mul3A_470 : i32
          %add3A_472 = arith.constant 11 : i32
          %add3A_473 = arith.addi %mul3A_471, %add3A_472 : i32
          %get3A_474 = arith.index_cast %add3A_473 : i32 to index
          %get3A_475 = arith.index_cast %mul3A_38 : i32 to index
          %get3A_476 = tpu.vector_load %arg9[%get3A_474, %get3A_475] {strides = array<i32>} : memref<80x128xf32, #tpu.memory_space<vmem>>, vector<1x16xf32>,
          %get3A_477 = vector.shape_cast %get3A_476 : vector<1x16xf32> to vector<16xf32>
          %mul3A_478 = arith.mulf %exp3A_468, %get3A_477 : vector<16xf32>
          %add3A_479 = arith.addf %add3A_466, %mul3A_478 : vector<16xf32>
          %sub3A_480 = arith.subf %max3A_222, %max3A_321 : vector<16xf32>
          %exp3A_481 = math.exp %sub3A_480 : vector<16xf32>
          %add3A_482 = arith.addf %add3A_469, %exp3A_481 : vector<16xf32>
          %mul3A_483 = arith.constant 20 : i32
          %mul3A_484 = arith.muli %scan3A_30, %mul3A_483 : i32
          %add3A_485 = arith.constant 12 : i32
          %add3A_486 = arith.addi %mul3A_484, %add3A_485 : i32
          %get3A_487 = arith.index_cast %add3A_486 : i32 to index
          %get3A_488 = arith.index_cast %mul3A_38 : i32 to index
          %get3A_489 = tpu.vector_load %arg9[%get3A_487, %get3A_488] {strides = array<i32>} : memref<80x128xf32, #tpu.memory_space<vmem>>, vector<1x16xf32>,
          %get3A_490 = vector.shape_cast %get3A_489 : vector<1x16xf32> to vector<16xf32>
          %mul3A_491 = arith.mulf %exp3A_481, %get3A_490 : vector<16xf32>
          %add3A_492 = arith.addf %add3A_479, %mul3A_491 : vector<16xf32>
          %sub3A_493 = arith.subf %max3A_236, %max3A_321 : vector<16xf32>
          %exp3A_494 = math.exp %sub3A_493 : vector<16xf32>
          %add3A_495 = arith.addf %add3A_482, %exp3A_494 : vector<16xf32>
          %mul3A_496 = arith.constant 20 : i32
          %mul3A_497 = arith.muli %scan3A_30, %mul3A_496 : i32
          %add3A_498 = arith.constant 13 : i32
          %add3A_499 = arith.addi %mul3A_497, %add3A_498 : i32
          %get3A_500 = arith.index_cast %add3A_499 : i32 to index
          %get3A_501 = arith.index_cast %mul3A_38 : i32 to index
          %get3A_502 = tpu.vector_load %arg9[%get3A_500, %get3A_501] {strides = array<i32>} : memref<80x128xf32, #tpu.memory_space<vmem>>, vector<1x16xf32>,
          %get3A_503 = vector.shape_cast %get3A_502 : vector<1x16xf32> to vector<16xf32>
          %mul3A_504 = arith.mulf %exp3A_494, %get3A_503 : vector<16xf32>
          %add3A_505 = arith.addf %add3A_492, %mul3A_504 : vector<16xf32>
          %sub3A_506 = arith.subf %max3A_250, %max3A_321 : vector<16xf32>
          %exp3A_507 = math.exp %sub3A_506 : vector<16xf32>
          %add3A_508 = arith.addf %add3A_495, %exp3A_507 : vector<16xf32>
          %mul3A_509 = arith.constant 20 : i32
          %mul3A_510 = arith.muli %scan3A_30, %mul3A_509 : i32
          %add3A_511 = arith.constant 14 : i32
          %add3A_512 = arith.addi %mul3A_510, %add3A_511 : i32
          %get3A_513 = arith.index_cast %add3A_512 : i32 to index
          %get3A_514 = arith.index_cast %mul3A_38 : i32 to index
          %get3A_515 = tpu.vector_load %arg9[%get3A_513, %get3A_514] {strides = array<i32>} : memref<80x128xf32, #tpu.memory_space<vmem>>, vector<1x16xf32>,
          %get3A_516 = vector.shape_cast %get3A_515 : vector<1x16xf32> to vector<16xf32>
          %mul3A_517 = arith.mulf %exp3A_507, %get3A_516 : vector<16xf32>
          %add3A_518 = arith.addf %add3A_505, %mul3A_517 : vector<16xf32>
          %sub3A_519 = arith.subf %max3A_264, %max3A_321 : vector<16xf32>
          %exp3A_520 = math.exp %sub3A_519 : vector<16xf32>
          %add3A_521 = arith.addf %add3A_508, %exp3A_520 : vector<16xf32>
          %mul3A_522 = arith.constant 20 : i32
          %mul3A_523 = arith.muli %scan3A_30, %mul3A_522 : i32
          %add3A_524 = arith.constant 15 : i32
          %add3A_525 = arith.addi %mul3A_523, %add3A_524 : i32
          %get3A_526 = arith.index_cast %add3A_525 : i32 to index
          %get3A_527 = arith.index_cast %mul3A_38 : i32 to index
          %get3A_528 = tpu.vector_load %arg9[%get3A_526, %get3A_527] {strides = array<i32>} : memref<80x128xf32, #tpu.memory_space<vmem>>, vector<1x16xf32>,
          %get3A_529 = vector.shape_cast %get3A_528 : vector<1x16xf32> to vector<16xf32>
          %mul3A_530 = arith.mulf %exp3A_520, %get3A_529 : vector<16xf32>
          %add3A_531 = arith.addf %add3A_518, %mul3A_530 : vector<16xf32>
          %sub3A_532 = arith.subf %max3A_278, %max3A_321 : vector<16xf32>
          %exp3A_533 = math.exp %sub3A_532 : vector<16xf32>
          %add3A_534 = arith.addf %add3A_521, %exp3A_533 : vector<16xf32>
          %mul3A_535 = arith.constant 20 : i32
          %mul3A_536 = arith.muli %scan3A_30, %mul3A_535 : i32
          %add3A_537 = arith.constant 16 : i32
          %add3A_538 = arith.addi %mul3A_536, %add3A_537 : i32
          %get3A_539 = arith.index_cast %add3A_538 : i32 to index
          %get3A_540 = arith.index_cast %mul3A_38 : i32 to index
          %get3A_541 = tpu.vector_load %arg9[%get3A_539, %get3A_540] {strides = array<i32>} : memref<80x128xf32, #tpu.memory_space<vmem>>, vector<1x16xf32>,
          %get3A_542 = vector.shape_cast %get3A_541 : vector<1x16xf32> to vector<16xf32>
          %mul3A_543 = arith.mulf %exp3A_533, %get3A_542 : vector<16xf32>
          %add3A_544 = arith.addf %add3A_531, %mul3A_543 : vector<16xf32>
          %sub3A_545 = arith.subf %max3A_292, %max3A_321 : vector<16xf32>
          %exp3A_546 = math.exp %sub3A_545 : vector<16xf32>
          %add3A_547 = arith.addf %add3A_534, %exp3A_546 : vector<16xf32>
          %mul3A_548 = arith.constant 20 : i32
          %mul3A_549 = arith.muli %scan3A_30, %mul3A_548 : i32
          %add3A_550 = arith.constant 17 : i32
          %add3A_551 = arith.addi %mul3A_549, %add3A_550 : i32
          %get3A_552 = arith.index_cast %add3A_551 : i32 to index
          %get3A_553 = arith.index_cast %mul3A_38 : i32 to index
          %get3A_554 = tpu.vector_load %arg9[%get3A_552, %get3A_553] {strides = array<i32>} : memref<80x128xf32, #tpu.memory_space<vmem>>, vector<1x16xf32>,
          %get3A_555 = vector.shape_cast %get3A_554 : vector<1x16xf32> to vector<16xf32>
          %mul3A_556 = arith.mulf %exp3A_546, %get3A_555 : vector<16xf32>
          %add3A_557 = arith.addf %add3A_544, %mul3A_556 : vector<16xf32>
          %sub3A_558 = arith.subf %max3A_306, %max3A_321 : vector<16xf32>
          %exp3A_559 = math.exp %sub3A_558 : vector<16xf32>
          %add3A_560 = arith.addf %add3A_547, %exp3A_559 : vector<16xf32>
          %mul3A_561 = arith.constant 20 : i32
          %mul3A_562 = arith.muli %scan3A_30, %mul3A_561 : i32
          %add3A_563 = arith.constant 18 : i32
          %add3A_564 = arith.addi %mul3A_562, %add3A_563 : i32
          %get3A_565 = arith.index_cast %add3A_564 : i32 to index
          %get3A_566 = arith.index_cast %mul3A_38 : i32 to index
          %get3A_567 = tpu.vector_load %arg9[%get3A_565, %get3A_566] {strides = array<i32>} : memref<80x128xf32, #tpu.memory_space<vmem>>, vector<1x16xf32>,
          %get3A_568 = vector.shape_cast %get3A_567 : vector<1x16xf32> to vector<16xf32>
          %mul3A_569 = arith.mulf %exp3A_559, %get3A_568 : vector<16xf32>
          %add3A_570 = arith.addf %add3A_557, %mul3A_569 : vector<16xf32>
          %sub3A_571 = arith.subf %max3A_320, %max3A_321 : vector<16xf32>
          %exp3A_572 = math.exp %sub3A_571 : vector<16xf32>
          %add3A_573 = arith.addf %add3A_560, %exp3A_572 : vector<16xf32>
          %mul3A_574 = arith.constant 20 : i32
          %mul3A_575 = arith.muli %scan3A_30, %mul3A_574 : i32
          %add3A_576 = arith.constant 19 : i32
          %add3A_577 = arith.addi %mul3A_575, %add3A_576 : i32
          %get3A_578 = arith.index_cast %add3A_577 : i32 to index
          %get3A_579 = arith.index_cast %mul3A_38 : i32 to index
          %get3A_580 = tpu.vector_load %arg9[%get3A_578, %get3A_579] {strides = array<i32>} : memref<80x128xf32, #tpu.memory_space<vmem>>, vector<1x16xf32>,
          %get3A_581 = vector.shape_cast %get3A_580 : vector<1x16xf32> to vector<16xf32>
          %mul3A_582 = arith.mulf %exp3A_572, %get3A_581 : vector<16xf32>
          %add3A_583 = arith.addf %add3A_570, %mul3A_582 : vector<16xf32>
          %div3A = arith.divf %add3A_583, %add3A_573 : vector<16xf32>
          %mul3A_584 = arith.constant 2.000000e-01 : f32
          %mul3A_585 = vector.broadcast %mul3A_584 : f32 to vector<16xf32>
          %mul3A_586 = arith.mulf %mul3A_585, %div3A : vector<16xf32>
          %max3A_587 = arith.maximumf %div3A, %mul3A_586 : vector<16xf32>
          %swap3A = arith.index_cast %scan3A_30 : i32 to index
          %swap3A_588 = arith.index_cast %mul3A_38 : i32 to index
          %swap3A_589 = tpu.vector_load %arg11[%swap3A, %swap3A_588] {strides = array<i32>} : memref<4x128xf32, #tpu.memory_space<vmem>>, vector<1x16xf32>,
          %swap3A_590 = vector.shape_cast %swap3A_589 : vector<1x16xf32> to vector<16xf32>
          %swap3A_591 = vector.shape_cast %max3A_587 : vector<16xf32> to vector<1x16xf32>
          tpu.vector_store %arg11[%swap3A, %swap3A_588], %swap3A_591 {strides = array<i32>} : memref<4x128xf32, #tpu.memory_space<vmem>>, vector<1x16xf32>,
        }
        %scan3A_35 = arith.constant 8 : i32
      }
      %scan3A_29 = arith.constant 4 : i32
      "tpu.region"() ({
        %run_scoped3A = tpu.sem_alloc : memref<!tpu.dma_semaphore, #tpu.memory_space<semaphore_mem>>
        %dma_start3A_30 = arith.constant 0 : i32
        %dma_start3A_31 = tpu.memref_slice %arg6[%add3A_11, %dma_start3A_30] : memref<4096x128xf32, #tpu.memory_space<hbm>> -> memref<4x128xf32, #tpu.memory_space<hbm>>
        %dma_start3A_32 = arith.constant 0 : i32
        %dma_start3A_33 = tpu.memref_slice %arg6[%add3A_11, %dma_start3A_32] : memref<4096x128xf32, #tpu.memory_space<hbm>> -> memref<4x128xf32, #tpu.memory_space<hbm>>
        tpu.enqueue_dma source(%arg11 : memref<4x128xf32, #tpu.memory_space<vmem>>) target(%dma_start3A_33 : memref<4x128xf32, #tpu.memory_space<hbm>>) target_semaphore(%run_scoped3A : memref<!tpu.dma_semaphore, #tpu.memory_space<semaphore_mem>>)
        %dma_wait3A_34 = arith.constant 0 : i32
        %dma_wait3A_35 = tpu.memref_slice %arg6[%add3A_11, %dma_wait3A_34] : memref<4096x128xf32, #tpu.memory_space<hbm>> -> memref<4x128xf32, #tpu.memory_space<hbm>>
        %dma_wait3A_36 = arith.constant 0 : i32
        %dma_wait3A_37 = tpu.memref_slice %arg6[%add3A_11, %dma_wait3A_36] : memref<4096x128xf32, #tpu.memory_space<hbm>> -> memref<4x128xf32, #tpu.memory_space<hbm>>
        tpu.wait_dma2 semaphore(%run_scoped3A : memref<!tpu.dma_semaphore, #tpu.memory_space<semaphore_mem>>) src(%arg11 : memref<4x128xf32, #tpu.memory_space<vmem>>) dst(%dma_wait3A_37 : memref<4x128xf32, #tpu.memory_space<hbm>>)
        tpu.yield
      }) : () -> ()
    }
    %scan3A_7 = arith.constant 32 : i32
    return
  }
}

#map = affine_map<(d0, d1) -> (0, 0)>
#map1 = affine_map<(d0, d1) -> (0)>
module attributes {stable_mosaic.version = 14 : i64} {
  func.func @att(%arg0: i32, %arg1: i32, %arg2: memref<4096x128xf32, #tpu.memory_space<hbm>>, %arg3: memref<4096x128xf32, #tpu.memory_space<hbm>>, %arg4: memref<4096x128xf32, #tpu.memory_space<hbm>>, %arg5: memref<81920xi32, #tpu.memory_space<hbm>>, %arg6: memref<4096x128xf32, #tpu.memory_space<hbm>>, %arg7: memref<80xi32, #tpu.memory_space<vmem>>, %arg8: memref<80x128xf32, #tpu.memory_space<vmem>>, %arg9: memref<80x128xf32, #tpu.memory_space<vmem>>, %arg10: memref<4x128xf32, #tpu.memory_space<vmem>>, %arg11: memref<4x128xf32, #tpu.memory_space<vmem>>, %arg12: memref<!tpu.dma_semaphore, #tpu.memory_space<semaphore_mem>>, %arg13: memref<!tpu.dma_semaphore, #tpu.memory_space<semaphore_mem>>) attributes {dimension_semantics = [#tpu.dimension_semantics<core_parallel>, #tpu.dimension_semantics<subcore_parallel>], iteration_bounds = array<i64: 2, 16>, scalar_prefetch = 0 : i64, scratch_operands = 7 : i64, tpu.core_type = #tpu.core_type<sc_vector_subcore>, window_params = [{transform_indices = #map}, {transform_indices = #map}, {transform_indices = #map}, {transform_indices = #map1}, {transform_indices = #map}]} {
    %mul3A = arith.constant 2 : i32
    %mul3A_0 = arith.muli %arg1, %mul3A : i32
    %add3A = arith.addi %mul3A_0, %arg0 : i32
    %mul3A_1 = arith.constant 128 : i32
    %mul3A_2 = arith.muli %add3A, %mul3A_1 : i32
    %scan3A = arith.constant 0 : i32
    %scan3A_3 = arith.constant 0 : i32
    %scan3A_4 = arith.constant 32 : i32
    %scan3A_5 = arith.addi %scan3A_3, %scan3A_4 : i32
    %scan3A_6 = arith.constant 1 : i32
    scf.for %scan3A_8 = %scan3A_3 to %scan3A_5 step %scan3A_6  : i32 {
      %mul3A_9 = arith.constant 4 : i32
      %mul3A_10 = arith.muli %scan3A_8, %mul3A_9 : i32
      %add3A_11 = arith.addi %mul3A_2, %mul3A_10 : i32
      %mul3A_12 = arith.constant 20 : i32
      %mul3A_13 = arith.muli %add3A_11, %mul3A_12 : i32
      "tpu.region"() ({
        %run_scoped3A = tpu.sem_alloc : memref<!tpu.dma_semaphore, #tpu.memory_space<semaphore_mem>>
        %dma_start3A_30 = tpu.memref_slice %arg5[%mul3A_13] : memref<81920xi32, #tpu.memory_space<hbm>> -> memref<80xi32, #tpu.memory_space<hbm>>
        %dma_start3A_31 = tpu.memref_slice %arg5[%mul3A_13] : memref<81920xi32, #tpu.memory_space<hbm>> -> memref<80xi32, #tpu.memory_space<hbm>>
        tpu.enqueue_dma source(%dma_start3A_31 : memref<80xi32, #tpu.memory_space<hbm>>) target(%arg7 : memref<80xi32, #tpu.memory_space<vmem>>) target_semaphore(%run_scoped3A : memref<!tpu.dma_semaphore, #tpu.memory_space<semaphore_mem>>)
        %dma_wait3A_32 = tpu.memref_slice %arg5[%mul3A_13] : memref<81920xi32, #tpu.memory_space<hbm>> -> memref<80xi32, #tpu.memory_space<hbm>>
        %dma_wait3A_33 = tpu.memref_slice %arg5[%mul3A_13] : memref<81920xi32, #tpu.memory_space<hbm>> -> memref<80xi32, #tpu.memory_space<hbm>>
        tpu.wait_dma2 semaphore(%run_scoped3A : memref<!tpu.dma_semaphore, #tpu.memory_space<semaphore_mem>>) src(%dma_wait3A_33 : memref<80xi32, #tpu.memory_space<hbm>>) dst(%arg7 : memref<80xi32, #tpu.memory_space<vmem>>)
        tpu.yield
      }) : () -> ()
      %dma_start3A = arith.constant 0 : i32
      %dma_start3A_14 = arith.constant 0 : i32
      %dma_start3A_15 = tpu.memref_slice %arg2[%dma_start3A, %dma_start3A_14] : memref<4096x128xf32, #tpu.memory_space<hbm>> -> memref<4096x128xf32, #tpu.memory_space<hbm>>
      tpu.enqueue_indirect_dma source(%dma_start3A_15 : memref<4096x128xf32, #tpu.memory_space<hbm>>) target(%arg8 : memref<80x128xf32, #tpu.memory_space<vmem>>) offsets(%arg7 : memref<80xi32, #tpu.memory_space<vmem>>) semaphore(%arg12 : memref<!tpu.dma_semaphore, #tpu.memory_space<semaphore_mem>>)
      %dma_start3A_16 = arith.constant 0 : i32
      %dma_start3A_17 = arith.constant 0 : i32
      %dma_start3A_18 = tpu.memref_slice %arg3[%dma_start3A_16, %dma_start3A_17] : memref<4096x128xf32, #tpu.memory_space<hbm>> -> memref<4096x128xf32, #tpu.memory_space<hbm>>
      tpu.enqueue_indirect_dma source(%dma_start3A_18 : memref<4096x128xf32, #tpu.memory_space<hbm>>) target(%arg9 : memref<80x128xf32, #tpu.memory_space<vmem>>) offsets(%arg7 : memref<80xi32, #tpu.memory_space<vmem>>) semaphore(%arg13 : memref<!tpu.dma_semaphore, #tpu.memory_space<semaphore_mem>>)
      "tpu.region"() ({
        %run_scoped3A = tpu.sem_alloc : memref<!tpu.dma_semaphore, #tpu.memory_space<semaphore_mem>>
        %dma_start3A_30 = arith.constant 0 : i32
        %dma_start3A_31 = tpu.memref_slice %arg4[%add3A_11, %dma_start3A_30] : memref<4096x128xf32, #tpu.memory_space<hbm>> -> memref<4x128xf32, #tpu.memory_space<hbm>>
        %dma_start3A_32 = arith.constant 0 : i32
        %dma_start3A_33 = tpu.memref_slice %arg4[%add3A_11, %dma_start3A_32] : memref<4096x128xf32, #tpu.memory_space<hbm>> -> memref<4x128xf32, #tpu.memory_space<hbm>>
        tpu.enqueue_dma source(%dma_start3A_33 : memref<4x128xf32, #tpu.memory_space<hbm>>) target(%arg10 : memref<4x128xf32, #tpu.memory_space<vmem>>) target_semaphore(%run_scoped3A : memref<!tpu.dma_semaphore, #tpu.memory_space<semaphore_mem>>)
        %dma_wait3A_34 = arith.constant 0 : i32
        %dma_wait3A_35 = tpu.memref_slice %arg4[%add3A_11, %dma_wait3A_34] : memref<4096x128xf32, #tpu.memory_space<hbm>> -> memref<4x128xf32, #tpu.memory_space<hbm>>
        %dma_wait3A_36 = arith.constant 0 : i32
        %dma_wait3A_37 = tpu.memref_slice %arg4[%add3A_11, %dma_wait3A_36] : memref<4096x128xf32, #tpu.memory_space<hbm>> -> memref<4x128xf32, #tpu.memory_space<hbm>>
        tpu.wait_dma2 semaphore(%run_scoped3A : memref<!tpu.dma_semaphore, #tpu.memory_space<semaphore_mem>>) src(%dma_wait3A_37 : memref<4x128xf32, #tpu.memory_space<hbm>>) dst(%arg10 : memref<4x128xf32, #tpu.memory_space<vmem>>)
        tpu.yield
      }) : () -> ()
      %dma_wait3A = arith.constant 0 : i32
      %dma_wait3A_19 = arith.constant 0 : i32
      %dma_wait3A_20 = tpu.memref_slice %arg2[%dma_wait3A, %dma_wait3A_19] : memref<4096x128xf32, #tpu.memory_space<hbm>> -> memref<4096x128xf32, #tpu.memory_space<hbm>>
      tpu.wait_indirect_dma semaphore(%arg12 : memref<!tpu.dma_semaphore, #tpu.memory_space<semaphore_mem>>) src(%dma_wait3A_20 : memref<4096x128xf32, #tpu.memory_space<hbm>>) dst(%arg8 : memref<80x128xf32, #tpu.memory_space<vmem>>)
      %dma_wait3A_21 = arith.constant 0 : i32
      %dma_wait3A_22 = arith.constant 0 : i32
      %dma_wait3A_23 = tpu.memref_slice %arg3[%dma_wait3A_21, %dma_wait3A_22] : memref<4096x128xf32, #tpu.memory_space<hbm>> -> memref<4096x128xf32, #tpu.memory_space<hbm>>
      tpu.wait_indirect_dma semaphore(%arg13 : memref<!tpu.dma_semaphore, #tpu.memory_space<semaphore_mem>>) src(%dma_wait3A_23 : memref<4096x128xf32, #tpu.memory_space<hbm>>) dst(%arg9 : memref<80x128xf32, #tpu.memory_space<vmem>>)
      %scan3A_24 = arith.constant 0 : i32
      %scan3A_25 = arith.constant 0 : i32
      %scan3A_26 = arith.constant 4 : i32
      %scan3A_27 = arith.addi %scan3A_25, %scan3A_26 : i32
      %scan3A_28 = arith.constant 1 : i32
      scf.for %scan3A_30 = %scan3A_25 to %scan3A_27 step %scan3A_28  : i32 {
        %scan3A_31 = arith.constant 0 : i32
        %scan3A_32 = arith.constant 8 : i32
        %scan3A_33 = arith.addi %scan3A_31, %scan3A_32 : i32
        %scan3A_34 = arith.constant 1 : i32
        scf.for %scan3A_36 = %scan3A_31 to %scan3A_33 step %scan3A_34  : i32 {
          %mul3A_37 = arith.constant 16 : i32
          %mul3A_38 = arith.muli %scan3A_36, %mul3A_37 : i32
          %get3A = arith.index_cast %scan3A_30 : i32 to index
          %get3A_39 = arith.index_cast %mul3A_38 : i32 to index
          %get3A_40 = tpu.vector_load %arg10[%get3A, %get3A_39] {strides = array<i32>} : memref<4x128xf32, #tpu.memory_space<vmem>>, vector<1x16xf32>,
          %get3A_41 = vector.shape_cast %get3A_40 : vector<1x16xf32> to vector<16xf32>
          %broadcast_in_dim3A = arith.constant 0xFF800000 : f32
          %broadcast_in_dim3A_42 = vector.broadcast %broadcast_in_dim3A : f32 to vector<16xf32>
          %mul3A_43 = arith.constant 20 : i32
          %mul3A_44 = arith.muli %scan3A_30, %mul3A_43 : i32
          %add3A_45 = arith.constant 0 : i32
          %add3A_46 = arith.addi %mul3A_44, %add3A_45 : i32
          %get3A_47 = arith.index_cast %add3A_46 : i32 to index
          %get3A_48 = arith.index_cast %mul3A_38 : i32 to index
          %get3A_49 = tpu.vector_load %arg8[%get3A_47, %get3A_48] {strides = array<i32>} : memref<80x128xf32, #tpu.memory_space<vmem>>, vector<1x16xf32>,
          %get3A_50 = vector.shape_cast %get3A_49 : vector<1x16xf32> to vector<16xf32>
          %add3A_51 = arith.addf %get3A_50, %get3A_41 : vector<16xf32>
          %mul3A_52 = arith.constant 2.000000e-01 : f32
          %mul3A_53 = vector.broadcast %mul3A_52 : f32 to vector<16xf32>
          %mul3A_54 = arith.mulf %mul3A_53, %add3A_51 : vector<16xf32>
          %max3A = arith.maximumf %add3A_51, %mul3A_54 : vector<16xf32>
          %max3A_55 = arith.maximumf %broadcast_in_dim3A_42, %max3A : vector<16xf32>
          %mul3A_56 = arith.constant 20 : i32
          %mul3A_57 = arith.muli %scan3A_30, %mul3A_56 : i32
          %add3A_58 = arith.constant 1 : i32
          %add3A_59 = arith.addi %mul3A_57, %add3A_58 : i32
          %get3A_60 = arith.index_cast %add3A_59 : i32 to index
          %get3A_61 = arith.index_cast %mul3A_38 : i32 to index
          %get3A_62 = tpu.vector_load %arg8[%get3A_60, %get3A_61] {strides = array<i32>} : memref<80x128xf32, #tpu.memory_space<vmem>>, vector<1x16xf32>,
          %get3A_63 = vector.shape_cast %get3A_62 : vector<1x16xf32> to vector<16xf32>
          %add3A_64 = arith.addf %get3A_63, %get3A_41 : vector<16xf32>
          %mul3A_65 = arith.constant 2.000000e-01 : f32
          %mul3A_66 = vector.broadcast %mul3A_65 : f32 to vector<16xf32>
          %mul3A_67 = arith.mulf %mul3A_66, %add3A_64 : vector<16xf32>
          %max3A_68 = arith.maximumf %add3A_64, %mul3A_67 : vector<16xf32>
          %max3A_69 = arith.maximumf %max3A_55, %max3A_68 : vector<16xf32>
          %mul3A_70 = arith.constant 20 : i32
          %mul3A_71 = arith.muli %scan3A_30, %mul3A_70 : i32
          %add3A_72 = arith.constant 2 : i32
          %add3A_73 = arith.addi %mul3A_71, %add3A_72 : i32
          %get3A_74 = arith.index_cast %add3A_73 : i32 to index
          %get3A_75 = arith.index_cast %mul3A_38 : i32 to index
          %get3A_76 = tpu.vector_load %arg8[%get3A_74, %get3A_75] {strides = array<i32>} : memref<80x128xf32, #tpu.memory_space<vmem>>, vector<1x16xf32>,
          %get3A_77 = vector.shape_cast %get3A_76 : vector<1x16xf32> to vector<16xf32>
          %add3A_78 = arith.addf %get3A_77, %get3A_41 : vector<16xf32>
          %mul3A_79 = arith.constant 2.000000e-01 : f32
          %mul3A_80 = vector.broadcast %mul3A_79 : f32 to vector<16xf32>
          %mul3A_81 = arith.mulf %mul3A_80, %add3A_78 : vector<16xf32>
          %max3A_82 = arith.maximumf %add3A_78, %mul3A_81 : vector<16xf32>
          %max3A_83 = arith.maximumf %max3A_69, %max3A_82 : vector<16xf32>
          %mul3A_84 = arith.constant 20 : i32
          %mul3A_85 = arith.muli %scan3A_30, %mul3A_84 : i32
          %add3A_86 = arith.constant 3 : i32
          %add3A_87 = arith.addi %mul3A_85, %add3A_86 : i32
          %get3A_88 = arith.index_cast %add3A_87 : i32 to index
          %get3A_89 = arith.index_cast %mul3A_38 : i32 to index
          %get3A_90 = tpu.vector_load %arg8[%get3A_88, %get3A_89] {strides = array<i32>} : memref<80x128xf32, #tpu.memory_space<vmem>>, vector<1x16xf32>,
          %get3A_91 = vector.shape_cast %get3A_90 : vector<1x16xf32> to vector<16xf32>
          %add3A_92 = arith.addf %get3A_91, %get3A_41 : vector<16xf32>
          %mul3A_93 = arith.constant 2.000000e-01 : f32
          %mul3A_94 = vector.broadcast %mul3A_93 : f32 to vector<16xf32>
          %mul3A_95 = arith.mulf %mul3A_94, %add3A_92 : vector<16xf32>
          %max3A_96 = arith.maximumf %add3A_92, %mul3A_95 : vector<16xf32>
          %max3A_97 = arith.maximumf %max3A_83, %max3A_96 : vector<16xf32>
          %mul3A_98 = arith.constant 20 : i32
          %mul3A_99 = arith.muli %scan3A_30, %mul3A_98 : i32
          %add3A_100 = arith.constant 4 : i32
          %add3A_101 = arith.addi %mul3A_99, %add3A_100 : i32
          %get3A_102 = arith.index_cast %add3A_101 : i32 to index
          %get3A_103 = arith.index_cast %mul3A_38 : i32 to index
          %get3A_104 = tpu.vector_load %arg8[%get3A_102, %get3A_103] {strides = array<i32>} : memref<80x128xf32, #tpu.memory_space<vmem>>, vector<1x16xf32>,
          %get3A_105 = vector.shape_cast %get3A_104 : vector<1x16xf32> to vector<16xf32>
          %add3A_106 = arith.addf %get3A_105, %get3A_41 : vector<16xf32>
          %mul3A_107 = arith.constant 2.000000e-01 : f32
          %mul3A_108 = vector.broadcast %mul3A_107 : f32 to vector<16xf32>
          %mul3A_109 = arith.mulf %mul3A_108, %add3A_106 : vector<16xf32>
          %max3A_110 = arith.maximumf %add3A_106, %mul3A_109 : vector<16xf32>
          %max3A_111 = arith.maximumf %max3A_97, %max3A_110 : vector<16xf32>
          %mul3A_112 = arith.constant 20 : i32
          %mul3A_113 = arith.muli %scan3A_30, %mul3A_112 : i32
          %add3A_114 = arith.constant 5 : i32
          %add3A_115 = arith.addi %mul3A_113, %add3A_114 : i32
          %get3A_116 = arith.index_cast %add3A_115 : i32 to index
          %get3A_117 = arith.index_cast %mul3A_38 : i32 to index
          %get3A_118 = tpu.vector_load %arg8[%get3A_116, %get3A_117] {strides = array<i32>} : memref<80x128xf32, #tpu.memory_space<vmem>>, vector<1x16xf32>,
          %get3A_119 = vector.shape_cast %get3A_118 : vector<1x16xf32> to vector<16xf32>
          %add3A_120 = arith.addf %get3A_119, %get3A_41 : vector<16xf32>
          %mul3A_121 = arith.constant 2.000000e-01 : f32
          %mul3A_122 = vector.broadcast %mul3A_121 : f32 to vector<16xf32>
          %mul3A_123 = arith.mulf %mul3A_122, %add3A_120 : vector<16xf32>
          %max3A_124 = arith.maximumf %add3A_120, %mul3A_123 : vector<16xf32>
          %max3A_125 = arith.maximumf %max3A_111, %max3A_124 : vector<16xf32>
          %mul3A_126 = arith.constant 20 : i32
          %mul3A_127 = arith.muli %scan3A_30, %mul3A_126 : i32
          %add3A_128 = arith.constant 6 : i32
          %add3A_129 = arith.addi %mul3A_127, %add3A_128 : i32
          %get3A_130 = arith.index_cast %add3A_129 : i32 to index
          %get3A_131 = arith.index_cast %mul3A_38 : i32 to index
          %get3A_132 = tpu.vector_load %arg8[%get3A_130, %get3A_131] {strides = array<i32>} : memref<80x128xf32, #tpu.memory_space<vmem>>, vector<1x16xf32>,
          %get3A_133 = vector.shape_cast %get3A_132 : vector<1x16xf32> to vector<16xf32>
          %add3A_134 = arith.addf %get3A_133, %get3A_41 : vector<16xf32>
          %mul3A_135 = arith.constant 2.000000e-01 : f32
          %mul3A_136 = vector.broadcast %mul3A_135 : f32 to vector<16xf32>
          %mul3A_137 = arith.mulf %mul3A_136, %add3A_134 : vector<16xf32>
          %max3A_138 = arith.maximumf %add3A_134, %mul3A_137 : vector<16xf32>
          %max3A_139 = arith.maximumf %max3A_125, %max3A_138 : vector<16xf32>
          %mul3A_140 = arith.constant 20 : i32
          %mul3A_141 = arith.muli %scan3A_30, %mul3A_140 : i32
          %add3A_142 = arith.constant 7 : i32
          %add3A_143 = arith.addi %mul3A_141, %add3A_142 : i32
          %get3A_144 = arith.index_cast %add3A_143 : i32 to index
          %get3A_145 = arith.index_cast %mul3A_38 : i32 to index
          %get3A_146 = tpu.vector_load %arg8[%get3A_144, %get3A_145] {strides = array<i32>} : memref<80x128xf32, #tpu.memory_space<vmem>>, vector<1x16xf32>,
          %get3A_147 = vector.shape_cast %get3A_146 : vector<1x16xf32> to vector<16xf32>
          %add3A_148 = arith.addf %get3A_147, %get3A_41 : vector<16xf32>
          %mul3A_149 = arith.constant 2.000000e-01 : f32
          %mul3A_150 = vector.broadcast %mul3A_149 : f32 to vector<16xf32>
          %mul3A_151 = arith.mulf %mul3A_150, %add3A_148 : vector<16xf32>
          %max3A_152 = arith.maximumf %add3A_148, %mul3A_151 : vector<16xf32>
          %max3A_153 = arith.maximumf %max3A_139, %max3A_152 : vector<16xf32>
          %mul3A_154 = arith.constant 20 : i32
          %mul3A_155 = arith.muli %scan3A_30, %mul3A_154 : i32
          %add3A_156 = arith.constant 8 : i32
          %add3A_157 = arith.addi %mul3A_155, %add3A_156 : i32
          %get3A_158 = arith.index_cast %add3A_157 : i32 to index
          %get3A_159 = arith.index_cast %mul3A_38 : i32 to index
          %get3A_160 = tpu.vector_load %arg8[%get3A_158, %get3A_159] {strides = array<i32>} : memref<80x128xf32, #tpu.memory_space<vmem>>, vector<1x16xf32>,
          %get3A_161 = vector.shape_cast %get3A_160 : vector<1x16xf32> to vector<16xf32>
          %add3A_162 = arith.addf %get3A_161, %get3A_41 : vector<16xf32>
          %mul3A_163 = arith.constant 2.000000e-01 : f32
          %mul3A_164 = vector.broadcast %mul3A_163 : f32 to vector<16xf32>
          %mul3A_165 = arith.mulf %mul3A_164, %add3A_162 : vector<16xf32>
          %max3A_166 = arith.maximumf %add3A_162, %mul3A_165 : vector<16xf32>
          %max3A_167 = arith.maximumf %max3A_153, %max3A_166 : vector<16xf32>
          %mul3A_168 = arith.constant 20 : i32
          %mul3A_169 = arith.muli %scan3A_30, %mul3A_168 : i32
          %add3A_170 = arith.constant 9 : i32
          %add3A_171 = arith.addi %mul3A_169, %add3A_170 : i32
          %get3A_172 = arith.index_cast %add3A_171 : i32 to index
          %get3A_173 = arith.index_cast %mul3A_38 : i32 to index
          %get3A_174 = tpu.vector_load %arg8[%get3A_172, %get3A_173] {strides = array<i32>} : memref<80x128xf32, #tpu.memory_space<vmem>>, vector<1x16xf32>,
          %get3A_175 = vector.shape_cast %get3A_174 : vector<1x16xf32> to vector<16xf32>
          %add3A_176 = arith.addf %get3A_175, %get3A_41 : vector<16xf32>
          %mul3A_177 = arith.constant 2.000000e-01 : f32
          %mul3A_178 = vector.broadcast %mul3A_177 : f32 to vector<16xf32>
          %mul3A_179 = arith.mulf %mul3A_178, %add3A_176 : vector<16xf32>
          %max3A_180 = arith.maximumf %add3A_176, %mul3A_179 : vector<16xf32>
          %max3A_181 = arith.maximumf %max3A_167, %max3A_180 : vector<16xf32>
          %mul3A_182 = arith.constant 20 : i32
          %mul3A_183 = arith.muli %scan3A_30, %mul3A_182 : i32
          %add3A_184 = arith.constant 10 : i32
          %add3A_185 = arith.addi %mul3A_183, %add3A_184 : i32
          %get3A_186 = arith.index_cast %add3A_185 : i32 to index
          %get3A_187 = arith.index_cast %mul3A_38 : i32 to index
          %get3A_188 = tpu.vector_load %arg8[%get3A_186, %get3A_187] {strides = array<i32>} : memref<80x128xf32, #tpu.memory_space<vmem>>, vector<1x16xf32>,
          %get3A_189 = vector.shape_cast %get3A_188 : vector<1x16xf32> to vector<16xf32>
          %add3A_190 = arith.addf %get3A_189, %get3A_41 : vector<16xf32>
          %mul3A_191 = arith.constant 2.000000e-01 : f32
          %mul3A_192 = vector.broadcast %mul3A_191 : f32 to vector<16xf32>
          %mul3A_193 = arith.mulf %mul3A_192, %add3A_190 : vector<16xf32>
          %max3A_194 = arith.maximumf %add3A_190, %mul3A_193 : vector<16xf32>
          %max3A_195 = arith.maximumf %max3A_181, %max3A_194 : vector<16xf32>
          %mul3A_196 = arith.constant 20 : i32
          %mul3A_197 = arith.muli %scan3A_30, %mul3A_196 : i32
          %add3A_198 = arith.constant 11 : i32
          %add3A_199 = arith.addi %mul3A_197, %add3A_198 : i32
          %get3A_200 = arith.index_cast %add3A_199 : i32 to index
          %get3A_201 = arith.index_cast %mul3A_38 : i32 to index
          %get3A_202 = tpu.vector_load %arg8[%get3A_200, %get3A_201] {strides = array<i32>} : memref<80x128xf32, #tpu.memory_space<vmem>>, vector<1x16xf32>,
          %get3A_203 = vector.shape_cast %get3A_202 : vector<1x16xf32> to vector<16xf32>
          %add3A_204 = arith.addf %get3A_203, %get3A_41 : vector<16xf32>
          %mul3A_205 = arith.constant 2.000000e-01 : f32
          %mul3A_206 = vector.broadcast %mul3A_205 : f32 to vector<16xf32>
          %mul3A_207 = arith.mulf %mul3A_206, %add3A_204 : vector<16xf32>
          %max3A_208 = arith.maximumf %add3A_204, %mul3A_207 : vector<16xf32>
          %max3A_209 = arith.maximumf %max3A_195, %max3A_208 : vector<16xf32>
          %mul3A_210 = arith.constant 20 : i32
          %mul3A_211 = arith.muli %scan3A_30, %mul3A_210 : i32
          %add3A_212 = arith.constant 12 : i32
          %add3A_213 = arith.addi %mul3A_211, %add3A_212 : i32
          %get3A_214 = arith.index_cast %add3A_213 : i32 to index
          %get3A_215 = arith.index_cast %mul3A_38 : i32 to index
          %get3A_216 = tpu.vector_load %arg8[%get3A_214, %get3A_215] {strides = array<i32>} : memref<80x128xf32, #tpu.memory_space<vmem>>, vector<1x16xf32>,
          %get3A_217 = vector.shape_cast %get3A_216 : vector<1x16xf32> to vector<16xf32>
          %add3A_218 = arith.addf %get3A_217, %get3A_41 : vector<16xf32>
          %mul3A_219 = arith.constant 2.000000e-01 : f32
          %mul3A_220 = vector.broadcast %mul3A_219 : f32 to vector<16xf32>
          %mul3A_221 = arith.mulf %mul3A_220, %add3A_218 : vector<16xf32>
          %max3A_222 = arith.maximumf %add3A_218, %mul3A_221 : vector<16xf32>
          %max3A_223 = arith.maximumf %max3A_209, %max3A_222 : vector<16xf32>
          %mul3A_224 = arith.constant 20 : i32
          %mul3A_225 = arith.muli %scan3A_30, %mul3A_224 : i32
          %add3A_226 = arith.constant 13 : i32
          %add3A_227 = arith.addi %mul3A_225, %add3A_226 : i32
          %get3A_228 = arith.index_cast %add3A_227 : i32 to index
          %get3A_229 = arith.index_cast %mul3A_38 : i32 to index
          %get3A_230 = tpu.vector_load %arg8[%get3A_228, %get3A_229] {strides = array<i32>} : memref<80x128xf32, #tpu.memory_space<vmem>>, vector<1x16xf32>,
          %get3A_231 = vector.shape_cast %get3A_230 : vector<1x16xf32> to vector<16xf32>
          %add3A_232 = arith.addf %get3A_231, %get3A_41 : vector<16xf32>
          %mul3A_233 = arith.constant 2.000000e-01 : f32
          %mul3A_234 = vector.broadcast %mul3A_233 : f32 to vector<16xf32>
          %mul3A_235 = arith.mulf %mul3A_234, %add3A_232 : vector<16xf32>
          %max3A_236 = arith.maximumf %add3A_232, %mul3A_235 : vector<16xf32>
          %max3A_237 = arith.maximumf %max3A_223, %max3A_236 : vector<16xf32>
          %mul3A_238 = arith.constant 20 : i32
          %mul3A_239 = arith.muli %scan3A_30, %mul3A_238 : i32
          %add3A_240 = arith.constant 14 : i32
          %add3A_241 = arith.addi %mul3A_239, %add3A_240 : i32
          %get3A_242 = arith.index_cast %add3A_241 : i32 to index
          %get3A_243 = arith.index_cast %mul3A_38 : i32 to index
          %get3A_244 = tpu.vector_load %arg8[%get3A_242, %get3A_243] {strides = array<i32>} : memref<80x128xf32, #tpu.memory_space<vmem>>, vector<1x16xf32>,
          %get3A_245 = vector.shape_cast %get3A_244 : vector<1x16xf32> to vector<16xf32>
          %add3A_246 = arith.addf %get3A_245, %get3A_41 : vector<16xf32>
          %mul3A_247 = arith.constant 2.000000e-01 : f32
          %mul3A_248 = vector.broadcast %mul3A_247 : f32 to vector<16xf32>
          %mul3A_249 = arith.mulf %mul3A_248, %add3A_246 : vector<16xf32>
          %max3A_250 = arith.maximumf %add3A_246, %mul3A_249 : vector<16xf32>
          %max3A_251 = arith.maximumf %max3A_237, %max3A_250 : vector<16xf32>
          %mul3A_252 = arith.constant 20 : i32
          %mul3A_253 = arith.muli %scan3A_30, %mul3A_252 : i32
          %add3A_254 = arith.constant 15 : i32
          %add3A_255 = arith.addi %mul3A_253, %add3A_254 : i32
          %get3A_256 = arith.index_cast %add3A_255 : i32 to index
          %get3A_257 = arith.index_cast %mul3A_38 : i32 to index
          %get3A_258 = tpu.vector_load %arg8[%get3A_256, %get3A_257] {strides = array<i32>} : memref<80x128xf32, #tpu.memory_space<vmem>>, vector<1x16xf32>,
          %get3A_259 = vector.shape_cast %get3A_258 : vector<1x16xf32> to vector<16xf32>
          %add3A_260 = arith.addf %get3A_259, %get3A_41 : vector<16xf32>
          %mul3A_261 = arith.constant 2.000000e-01 : f32
          %mul3A_262 = vector.broadcast %mul3A_261 : f32 to vector<16xf32>
          %mul3A_263 = arith.mulf %mul3A_262, %add3A_260 : vector<16xf32>
          %max3A_264 = arith.maximumf %add3A_260, %mul3A_263 : vector<16xf32>
          %max3A_265 = arith.maximumf %max3A_251, %max3A_264 : vector<16xf32>
          %mul3A_266 = arith.constant 20 : i32
          %mul3A_267 = arith.muli %scan3A_30, %mul3A_266 : i32
          %add3A_268 = arith.constant 16 : i32
          %add3A_269 = arith.addi %mul3A_267, %add3A_268 : i32
          %get3A_270 = arith.index_cast %add3A_269 : i32 to index
          %get3A_271 = arith.index_cast %mul3A_38 : i32 to index
          %get3A_272 = tpu.vector_load %arg8[%get3A_270, %get3A_271] {strides = array<i32>} : memref<80x128xf32, #tpu.memory_space<vmem>>, vector<1x16xf32>,
          %get3A_273 = vector.shape_cast %get3A_272 : vector<1x16xf32> to vector<16xf32>
          %add3A_274 = arith.addf %get3A_273, %get3A_41 : vector<16xf32>
          %mul3A_275 = arith.constant 2.000000e-01 : f32
          %mul3A_276 = vector.broadcast %mul3A_275 : f32 to vector<16xf32>
          %mul3A_277 = arith.mulf %mul3A_276, %add3A_274 : vector<16xf32>
          %max3A_278 = arith.maximumf %add3A_274, %mul3A_277 : vector<16xf32>
          %max3A_279 = arith.maximumf %max3A_265, %max3A_278 : vector<16xf32>
          %mul3A_280 = arith.constant 20 : i32
          %mul3A_281 = arith.muli %scan3A_30, %mul3A_280 : i32
          %add3A_282 = arith.constant 17 : i32
          %add3A_283 = arith.addi %mul3A_281, %add3A_282 : i32
          %get3A_284 = arith.index_cast %add3A_283 : i32 to index
          %get3A_285 = arith.index_cast %mul3A_38 : i32 to index
          %get3A_286 = tpu.vector_load %arg8[%get3A_284, %get3A_285] {strides = array<i32>} : memref<80x128xf32, #tpu.memory_space<vmem>>, vector<1x16xf32>,
          %get3A_287 = vector.shape_cast %get3A_286 : vector<1x16xf32> to vector<16xf32>
          %add3A_288 = arith.addf %get3A_287, %get3A_41 : vector<16xf32>
          %mul3A_289 = arith.constant 2.000000e-01 : f32
          %mul3A_290 = vector.broadcast %mul3A_289 : f32 to vector<16xf32>
          %mul3A_291 = arith.mulf %mul3A_290, %add3A_288 : vector<16xf32>
          %max3A_292 = arith.maximumf %add3A_288, %mul3A_291 : vector<16xf32>
          %max3A_293 = arith.maximumf %max3A_279, %max3A_292 : vector<16xf32>
          %mul3A_294 = arith.constant 20 : i32
          %mul3A_295 = arith.muli %scan3A_30, %mul3A_294 : i32
          %add3A_296 = arith.constant 18 : i32
          %add3A_297 = arith.addi %mul3A_295, %add3A_296 : i32
          %get3A_298 = arith.index_cast %add3A_297 : i32 to index
          %get3A_299 = arith.index_cast %mul3A_38 : i32 to index
          %get3A_300 = tpu.vector_load %arg8[%get3A_298, %get3A_299] {strides = array<i32>} : memref<80x128xf32, #tpu.memory_space<vmem>>, vector<1x16xf32>,
          %get3A_301 = vector.shape_cast %get3A_300 : vector<1x16xf32> to vector<16xf32>
          %add3A_302 = arith.addf %get3A_301, %get3A_41 : vector<16xf32>
          %mul3A_303 = arith.constant 2.000000e-01 : f32
          %mul3A_304 = vector.broadcast %mul3A_303 : f32 to vector<16xf32>
          %mul3A_305 = arith.mulf %mul3A_304, %add3A_302 : vector<16xf32>
          %max3A_306 = arith.maximumf %add3A_302, %mul3A_305 : vector<16xf32>
          %max3A_307 = arith.maximumf %max3A_293, %max3A_306 : vector<16xf32>
          %mul3A_308 = arith.constant 20 : i32
          %mul3A_309 = arith.muli %scan3A_30, %mul3A_308 : i32
          %add3A_310 = arith.constant 19 : i32
          %add3A_311 = arith.addi %mul3A_309, %add3A_310 : i32
          %get3A_312 = arith.index_cast %add3A_311 : i32 to index
          %get3A_313 = arith.index_cast %mul3A_38 : i32 to index
          %get3A_314 = tpu.vector_load %arg8[%get3A_312, %get3A_313] {strides = array<i32>} : memref<80x128xf32, #tpu.memory_space<vmem>>, vector<1x16xf32>,
          %get3A_315 = vector.shape_cast %get3A_314 : vector<1x16xf32> to vector<16xf32>
          %add3A_316 = arith.addf %get3A_315, %get3A_41 : vector<16xf32>
          %mul3A_317 = arith.constant 2.000000e-01 : f32
          %mul3A_318 = vector.broadcast %mul3A_317 : f32 to vector<16xf32>
          %mul3A_319 = arith.mulf %mul3A_318, %add3A_316 : vector<16xf32>
          %max3A_320 = arith.maximumf %add3A_316, %mul3A_319 : vector<16xf32>
          %max3A_321 = arith.maximumf %max3A_307, %max3A_320 : vector<16xf32>
          %broadcast_in_dim3A_322 = arith.constant 0.000000e+00 : f32
          %broadcast_in_dim3A_323 = vector.broadcast %broadcast_in_dim3A_322 : f32 to vector<16xf32>
          %broadcast_in_dim3A_324 = arith.constant 0.000000e+00 : f32
          %broadcast_in_dim3A_325 = vector.broadcast %broadcast_in_dim3A_324 : f32 to vector<16xf32>
          %sub3A = arith.subf %max3A, %max3A_321 : vector<16xf32>
          %exp3A = math.exp %sub3A : vector<16xf32>
          %add3A_326 = arith.addf %broadcast_in_dim3A_323, %exp3A : vector<16xf32>
          %mul3A_327 = arith.constant 20 : i32
          %mul3A_328 = arith.muli %scan3A_30, %mul3A_327 : i32
          %add3A_329 = arith.constant 0 : i32
          %add3A_330 = arith.addi %mul3A_328, %add3A_329 : i32
          %get3A_331 = arith.index_cast %add3A_330 : i32 to index
          %get3A_332 = arith.index_cast %mul3A_38 : i32 to index
          %get3A_333 = tpu.vector_load %arg9[%get3A_331, %get3A_332] {strides = array<i32>} : memref<80x128xf32, #tpu.memory_space<vmem>>, vector<1x16xf32>,
          %get3A_334 = vector.shape_cast %get3A_333 : vector<1x16xf32> to vector<16xf32>
          %mul3A_335 = arith.mulf %exp3A, %get3A_334 : vector<16xf32>
          %add3A_336 = arith.addf %broadcast_in_dim3A_325, %mul3A_335 : vector<16xf32>
          %sub3A_337 = arith.subf %max3A_68, %max3A_321 : vector<16xf32>
          %exp3A_338 = math.exp %sub3A_337 : vector<16xf32>
          %add3A_339 = arith.addf %add3A_326, %exp3A_338 : vector<16xf32>
          %mul3A_340 = arith.constant 20 : i32
          %mul3A_341 = arith.muli %scan3A_30, %mul3A_340 : i32
          %add3A_342 = arith.constant 1 : i32
          %add3A_343 = arith.addi %mul3A_341, %add3A_342 : i32
          %get3A_344 = arith.index_cast %add3A_343 : i32 to index
          %get3A_345 = arith.index_cast %mul3A_38 : i32 to index
          %get3A_346 = tpu.vector_load %arg9[%get3A_344, %get3A_345] {strides = array<i32>} : memref<80x128xf32, #tpu.memory_space<vmem>>, vector<1x16xf32>,
          %get3A_347 = vector.shape_cast %get3A_346 : vector<1x16xf32> to vector<16xf32>
          %mul3A_348 = arith.mulf %exp3A_338, %get3A_347 : vector<16xf32>
          %add3A_349 = arith.addf %add3A_336, %mul3A_348 : vector<16xf32>
          %sub3A_350 = arith.subf %max3A_82, %max3A_321 : vector<16xf32>
          %exp3A_351 = math.exp %sub3A_350 : vector<16xf32>
          %add3A_352 = arith.addf %add3A_339, %exp3A_351 : vector<16xf32>
          %mul3A_353 = arith.constant 20 : i32
          %mul3A_354 = arith.muli %scan3A_30, %mul3A_353 : i32
          %add3A_355 = arith.constant 2 : i32
          %add3A_356 = arith.addi %mul3A_354, %add3A_355 : i32
          %get3A_357 = arith.index_cast %add3A_356 : i32 to index
          %get3A_358 = arith.index_cast %mul3A_38 : i32 to index
          %get3A_359 = tpu.vector_load %arg9[%get3A_357, %get3A_358] {strides = array<i32>} : memref<80x128xf32, #tpu.memory_space<vmem>>, vector<1x16xf32>,
          %get3A_360 = vector.shape_cast %get3A_359 : vector<1x16xf32> to vector<16xf32>
          %mul3A_361 = arith.mulf %exp3A_351, %get3A_360 : vector<16xf32>
          %add3A_362 = arith.addf %add3A_349, %mul3A_361 : vector<16xf32>
          %sub3A_363 = arith.subf %max3A_96, %max3A_321 : vector<16xf32>
          %exp3A_364 = math.exp %sub3A_363 : vector<16xf32>
          %add3A_365 = arith.addf %add3A_352, %exp3A_364 : vector<16xf32>
          %mul3A_366 = arith.constant 20 : i32
          %mul3A_367 = arith.muli %scan3A_30, %mul3A_366 : i32
          %add3A_368 = arith.constant 3 : i32
          %add3A_369 = arith.addi %mul3A_367, %add3A_368 : i32
          %get3A_370 = arith.index_cast %add3A_369 : i32 to index
          %get3A_371 = arith.index_cast %mul3A_38 : i32 to index
          %get3A_372 = tpu.vector_load %arg9[%get3A_370, %get3A_371] {strides = array<i32>} : memref<80x128xf32, #tpu.memory_space<vmem>>, vector<1x16xf32>,
          %get3A_373 = vector.shape_cast %get3A_372 : vector<1x16xf32> to vector<16xf32>
          %mul3A_374 = arith.mulf %exp3A_364, %get3A_373 : vector<16xf32>
          %add3A_375 = arith.addf %add3A_362, %mul3A_374 : vector<16xf32>
          %sub3A_376 = arith.subf %max3A_110, %max3A_321 : vector<16xf32>
          %exp3A_377 = math.exp %sub3A_376 : vector<16xf32>
          %add3A_378 = arith.addf %add3A_365, %exp3A_377 : vector<16xf32>
          %mul3A_379 = arith.constant 20 : i32
          %mul3A_380 = arith.muli %scan3A_30, %mul3A_379 : i32
          %add3A_381 = arith.constant 4 : i32
          %add3A_382 = arith.addi %mul3A_380, %add3A_381 : i32
          %get3A_383 = arith.index_cast %add3A_382 : i32 to index
          %get3A_384 = arith.index_cast %mul3A_38 : i32 to index
          %get3A_385 = tpu.vector_load %arg9[%get3A_383, %get3A_384] {strides = array<i32>} : memref<80x128xf32, #tpu.memory_space<vmem>>, vector<1x16xf32>,
          %get3A_386 = vector.shape_cast %get3A_385 : vector<1x16xf32> to vector<16xf32>
          %mul3A_387 = arith.mulf %exp3A_377, %get3A_386 : vector<16xf32>
          %add3A_388 = arith.addf %add3A_375, %mul3A_387 : vector<16xf32>
          %sub3A_389 = arith.subf %max3A_124, %max3A_321 : vector<16xf32>
          %exp3A_390 = math.exp %sub3A_389 : vector<16xf32>
          %add3A_391 = arith.addf %add3A_378, %exp3A_390 : vector<16xf32>
          %mul3A_392 = arith.constant 20 : i32
          %mul3A_393 = arith.muli %scan3A_30, %mul3A_392 : i32
          %add3A_394 = arith.constant 5 : i32
          %add3A_395 = arith.addi %mul3A_393, %add3A_394 : i32
          %get3A_396 = arith.index_cast %add3A_395 : i32 to index
          %get3A_397 = arith.index_cast %mul3A_38 : i32 to index
          %get3A_398 = tpu.vector_load %arg9[%get3A_396, %get3A_397] {strides = array<i32>} : memref<80x128xf32, #tpu.memory_space<vmem>>, vector<1x16xf32>,
          %get3A_399 = vector.shape_cast %get3A_398 : vector<1x16xf32> to vector<16xf32>
          %mul3A_400 = arith.mulf %exp3A_390, %get3A_399 : vector<16xf32>
          %add3A_401 = arith.addf %add3A_388, %mul3A_400 : vector<16xf32>
          %sub3A_402 = arith.subf %max3A_138, %max3A_321 : vector<16xf32>
          %exp3A_403 = math.exp %sub3A_402 : vector<16xf32>
          %add3A_404 = arith.addf %add3A_391, %exp3A_403 : vector<16xf32>
          %mul3A_405 = arith.constant 20 : i32
          %mul3A_406 = arith.muli %scan3A_30, %mul3A_405 : i32
          %add3A_407 = arith.constant 6 : i32
          %add3A_408 = arith.addi %mul3A_406, %add3A_407 : i32
          %get3A_409 = arith.index_cast %add3A_408 : i32 to index
          %get3A_410 = arith.index_cast %mul3A_38 : i32 to index
          %get3A_411 = tpu.vector_load %arg9[%get3A_409, %get3A_410] {strides = array<i32>} : memref<80x128xf32, #tpu.memory_space<vmem>>, vector<1x16xf32>,
          %get3A_412 = vector.shape_cast %get3A_411 : vector<1x16xf32> to vector<16xf32>
          %mul3A_413 = arith.mulf %exp3A_403, %get3A_412 : vector<16xf32>
          %add3A_414 = arith.addf %add3A_401, %mul3A_413 : vector<16xf32>
          %sub3A_415 = arith.subf %max3A_152, %max3A_321 : vector<16xf32>
          %exp3A_416 = math.exp %sub3A_415 : vector<16xf32>
          %add3A_417 = arith.addf %add3A_404, %exp3A_416 : vector<16xf32>
          %mul3A_418 = arith.constant 20 : i32
          %mul3A_419 = arith.muli %scan3A_30, %mul3A_418 : i32
          %add3A_420 = arith.constant 7 : i32
          %add3A_421 = arith.addi %mul3A_419, %add3A_420 : i32
          %get3A_422 = arith.index_cast %add3A_421 : i32 to index
          %get3A_423 = arith.index_cast %mul3A_38 : i32 to index
          %get3A_424 = tpu.vector_load %arg9[%get3A_422, %get3A_423] {strides = array<i32>} : memref<80x128xf32, #tpu.memory_space<vmem>>, vector<1x16xf32>,
          %get3A_425 = vector.shape_cast %get3A_424 : vector<1x16xf32> to vector<16xf32>
          %mul3A_426 = arith.mulf %exp3A_416, %get3A_425 : vector<16xf32>
          %add3A_427 = arith.addf %add3A_414, %mul3A_426 : vector<16xf32>
          %sub3A_428 = arith.subf %max3A_166, %max3A_321 : vector<16xf32>
          %exp3A_429 = math.exp %sub3A_428 : vector<16xf32>
          %add3A_430 = arith.addf %add3A_417, %exp3A_429 : vector<16xf32>
          %mul3A_431 = arith.constant 20 : i32
          %mul3A_432 = arith.muli %scan3A_30, %mul3A_431 : i32
          %add3A_433 = arith.constant 8 : i32
          %add3A_434 = arith.addi %mul3A_432, %add3A_433 : i32
          %get3A_435 = arith.index_cast %add3A_434 : i32 to index
          %get3A_436 = arith.index_cast %mul3A_38 : i32 to index
          %get3A_437 = tpu.vector_load %arg9[%get3A_435, %get3A_436] {strides = array<i32>} : memref<80x128xf32, #tpu.memory_space<vmem>>, vector<1x16xf32>,
          %get3A_438 = vector.shape_cast %get3A_437 : vector<1x16xf32> to vector<16xf32>
          %mul3A_439 = arith.mulf %exp3A_429, %get3A_438 : vector<16xf32>
          %add3A_440 = arith.addf %add3A_427, %mul3A_439 : vector<16xf32>
          %sub3A_441 = arith.subf %max3A_180, %max3A_321 : vector<16xf32>
          %exp3A_442 = math.exp %sub3A_441 : vector<16xf32>
          %add3A_443 = arith.addf %add3A_430, %exp3A_442 : vector<16xf32>
          %mul3A_444 = arith.constant 20 : i32
          %mul3A_445 = arith.muli %scan3A_30, %mul3A_444 : i32
          %add3A_446 = arith.constant 9 : i32
          %add3A_447 = arith.addi %mul3A_445, %add3A_446 : i32
          %get3A_448 = arith.index_cast %add3A_447 : i32 to index
          %get3A_449 = arith.index_cast %mul3A_38 : i32 to index
          %get3A_450 = tpu.vector_load %arg9[%get3A_448, %get3A_449] {strides = array<i32>} : memref<80x128xf32, #tpu.memory_space<vmem>>, vector<1x16xf32>,
          %get3A_451 = vector.shape_cast %get3A_450 : vector<1x16xf32> to vector<16xf32>
          %mul3A_452 = arith.mulf %exp3A_442, %get3A_451 : vector<16xf32>
          %add3A_453 = arith.addf %add3A_440, %mul3A_452 : vector<16xf32>
          %sub3A_454 = arith.subf %max3A_194, %max3A_321 : vector<16xf32>
          %exp3A_455 = math.exp %sub3A_454 : vector<16xf32>
          %add3A_456 = arith.addf %add3A_443, %exp3A_455 : vector<16xf32>
          %mul3A_457 = arith.constant 20 : i32
          %mul3A_458 = arith.muli %scan3A_30, %mul3A_457 : i32
          %add3A_459 = arith.constant 10 : i32
          %add3A_460 = arith.addi %mul3A_458, %add3A_459 : i32
          %get3A_461 = arith.index_cast %add3A_460 : i32 to index
          %get3A_462 = arith.index_cast %mul3A_38 : i32 to index
          %get3A_463 = tpu.vector_load %arg9[%get3A_461, %get3A_462] {strides = array<i32>} : memref<80x128xf32, #tpu.memory_space<vmem>>, vector<1x16xf32>,
          %get3A_464 = vector.shape_cast %get3A_463 : vector<1x16xf32> to vector<16xf32>
          %mul3A_465 = arith.mulf %exp3A_455, %get3A_464 : vector<16xf32>
          %add3A_466 = arith.addf %add3A_453, %mul3A_465 : vector<16xf32>
          %sub3A_467 = arith.subf %max3A_208, %max3A_321 : vector<16xf32>
          %exp3A_468 = math.exp %sub3A_467 : vector<16xf32>
          %add3A_469 = arith.addf %add3A_456, %exp3A_468 : vector<16xf32>
          %mul3A_470 = arith.constant 20 : i32
          %mul3A_471 = arith.muli %scan3A_30, %mul3A_470 : i32
          %add3A_472 = arith.constant 11 : i32
          %add3A_473 = arith.addi %mul3A_471, %add3A_472 : i32
          %get3A_474 = arith.index_cast %add3A_473 : i32 to index
          %get3A_475 = arith.index_cast %mul3A_38 : i32 to index
          %get3A_476 = tpu.vector_load %arg9[%get3A_474, %get3A_475] {strides = array<i32>} : memref<80x128xf32, #tpu.memory_space<vmem>>, vector<1x16xf32>,
          %get3A_477 = vector.shape_cast %get3A_476 : vector<1x16xf32> to vector<16xf32>
          %mul3A_478 = arith.mulf %exp3A_468, %get3A_477 : vector<16xf32>
          %add3A_479 = arith.addf %add3A_466, %mul3A_478 : vector<16xf32>
          %sub3A_480 = arith.subf %max3A_222, %max3A_321 : vector<16xf32>
          %exp3A_481 = math.exp %sub3A_480 : vector<16xf32>
          %add3A_482 = arith.addf %add3A_469, %exp3A_481 : vector<16xf32>
          %mul3A_483 = arith.constant 20 : i32
          %mul3A_484 = arith.muli %scan3A_30, %mul3A_483 : i32
          %add3A_485 = arith.constant 12 : i32
          %add3A_486 = arith.addi %mul3A_484, %add3A_485 : i32
          %get3A_487 = arith.index_cast %add3A_486 : i32 to index
          %get3A_488 = arith.index_cast %mul3A_38 : i32 to index
          %get3A_489 = tpu.vector_load %arg9[%get3A_487, %get3A_488] {strides = array<i32>} : memref<80x128xf32, #tpu.memory_space<vmem>>, vector<1x16xf32>,
          %get3A_490 = vector.shape_cast %get3A_489 : vector<1x16xf32> to vector<16xf32>
          %mul3A_491 = arith.mulf %exp3A_481, %get3A_490 : vector<16xf32>
          %add3A_492 = arith.addf %add3A_479, %mul3A_491 : vector<16xf32>
          %sub3A_493 = arith.subf %max3A_236, %max3A_321 : vector<16xf32>
          %exp3A_494 = math.exp %sub3A_493 : vector<16xf32>
          %add3A_495 = arith.addf %add3A_482, %exp3A_494 : vector<16xf32>
          %mul3A_496 = arith.constant 20 : i32
          %mul3A_497 = arith.muli %scan3A_30, %mul3A_496 : i32
          %add3A_498 = arith.constant 13 : i32
          %add3A_499 = arith.addi %mul3A_497, %add3A_498 : i32
          %get3A_500 = arith.index_cast %add3A_499 : i32 to index
          %get3A_501 = arith.index_cast %mul3A_38 : i32 to index
          %get3A_502 = tpu.vector_load %arg9[%get3A_500, %get3A_501] {strides = array<i32>} : memref<80x128xf32, #tpu.memory_space<vmem>>, vector<1x16xf32>,
          %get3A_503 = vector.shape_cast %get3A_502 : vector<1x16xf32> to vector<16xf32>
          %mul3A_504 = arith.mulf %exp3A_494, %get3A_503 : vector<16xf32>
          %add3A_505 = arith.addf %add3A_492, %mul3A_504 : vector<16xf32>
          %sub3A_506 = arith.subf %max3A_250, %max3A_321 : vector<16xf32>
          %exp3A_507 = math.exp %sub3A_506 : vector<16xf32>
          %add3A_508 = arith.addf %add3A_495, %exp3A_507 : vector<16xf32>
          %mul3A_509 = arith.constant 20 : i32
          %mul3A_510 = arith.muli %scan3A_30, %mul3A_509 : i32
          %add3A_511 = arith.constant 14 : i32
          %add3A_512 = arith.addi %mul3A_510, %add3A_511 : i32
          %get3A_513 = arith.index_cast %add3A_512 : i32 to index
          %get3A_514 = arith.index_cast %mul3A_38 : i32 to index
          %get3A_515 = tpu.vector_load %arg9[%get3A_513, %get3A_514] {strides = array<i32>} : memref<80x128xf32, #tpu.memory_space<vmem>>, vector<1x16xf32>,
          %get3A_516 = vector.shape_cast %get3A_515 : vector<1x16xf32> to vector<16xf32>
          %mul3A_517 = arith.mulf %exp3A_507, %get3A_516 : vector<16xf32>
          %add3A_518 = arith.addf %add3A_505, %mul3A_517 : vector<16xf32>
          %sub3A_519 = arith.subf %max3A_264, %max3A_321 : vector<16xf32>
          %exp3A_520 = math.exp %sub3A_519 : vector<16xf32>
          %add3A_521 = arith.addf %add3A_508, %exp3A_520 : vector<16xf32>
          %mul3A_522 = arith.constant 20 : i32
          %mul3A_523 = arith.muli %scan3A_30, %mul3A_522 : i32
          %add3A_524 = arith.constant 15 : i32
          %add3A_525 = arith.addi %mul3A_523, %add3A_524 : i32
          %get3A_526 = arith.index_cast %add3A_525 : i32 to index
          %get3A_527 = arith.index_cast %mul3A_38 : i32 to index
          %get3A_528 = tpu.vector_load %arg9[%get3A_526, %get3A_527] {strides = array<i32>} : memref<80x128xf32, #tpu.memory_space<vmem>>, vector<1x16xf32>,
          %get3A_529 = vector.shape_cast %get3A_528 : vector<1x16xf32> to vector<16xf32>
          %mul3A_530 = arith.mulf %exp3A_520, %get3A_529 : vector<16xf32>
          %add3A_531 = arith.addf %add3A_518, %mul3A_530 : vector<16xf32>
          %sub3A_532 = arith.subf %max3A_278, %max3A_321 : vector<16xf32>
          %exp3A_533 = math.exp %sub3A_532 : vector<16xf32>
          %add3A_534 = arith.addf %add3A_521, %exp3A_533 : vector<16xf32>
          %mul3A_535 = arith.constant 20 : i32
          %mul3A_536 = arith.muli %scan3A_30, %mul3A_535 : i32
          %add3A_537 = arith.constant 16 : i32
          %add3A_538 = arith.addi %mul3A_536, %add3A_537 : i32
          %get3A_539 = arith.index_cast %add3A_538 : i32 to index
          %get3A_540 = arith.index_cast %mul3A_38 : i32 to index
          %get3A_541 = tpu.vector_load %arg9[%get3A_539, %get3A_540] {strides = array<i32>} : memref<80x128xf32, #tpu.memory_space<vmem>>, vector<1x16xf32>,
          %get3A_542 = vector.shape_cast %get3A_541 : vector<1x16xf32> to vector<16xf32>
          %mul3A_543 = arith.mulf %exp3A_533, %get3A_542 : vector<16xf32>
          %add3A_544 = arith.addf %add3A_531, %mul3A_543 : vector<16xf32>
          %sub3A_545 = arith.subf %max3A_292, %max3A_321 : vector<16xf32>
          %exp3A_546 = math.exp %sub3A_545 : vector<16xf32>
          %add3A_547 = arith.addf %add3A_534, %exp3A_546 : vector<16xf32>
          %mul3A_548 = arith.constant 20 : i32
          %mul3A_549 = arith.muli %scan3A_30, %mul3A_548 : i32
          %add3A_550 = arith.constant 17 : i32
          %add3A_551 = arith.addi %mul3A_549, %add3A_550 : i32
          %get3A_552 = arith.index_cast %add3A_551 : i32 to index
          %get3A_553 = arith.index_cast %mul3A_38 : i32 to index
          %get3A_554 = tpu.vector_load %arg9[%get3A_552, %get3A_553] {strides = array<i32>} : memref<80x128xf32, #tpu.memory_space<vmem>>, vector<1x16xf32>,
          %get3A_555 = vector.shape_cast %get3A_554 : vector<1x16xf32> to vector<16xf32>
          %mul3A_556 = arith.mulf %exp3A_546, %get3A_555 : vector<16xf32>
          %add3A_557 = arith.addf %add3A_544, %mul3A_556 : vector<16xf32>
          %sub3A_558 = arith.subf %max3A_306, %max3A_321 : vector<16xf32>
          %exp3A_559 = math.exp %sub3A_558 : vector<16xf32>
          %add3A_560 = arith.addf %add3A_547, %exp3A_559 : vector<16xf32>
          %mul3A_561 = arith.constant 20 : i32
          %mul3A_562 = arith.muli %scan3A_30, %mul3A_561 : i32
          %add3A_563 = arith.constant 18 : i32
          %add3A_564 = arith.addi %mul3A_562, %add3A_563 : i32
          %get3A_565 = arith.index_cast %add3A_564 : i32 to index
          %get3A_566 = arith.index_cast %mul3A_38 : i32 to index
          %get3A_567 = tpu.vector_load %arg9[%get3A_565, %get3A_566] {strides = array<i32>} : memref<80x128xf32, #tpu.memory_space<vmem>>, vector<1x16xf32>,
          %get3A_568 = vector.shape_cast %get3A_567 : vector<1x16xf32> to vector<16xf32>
          %mul3A_569 = arith.mulf %exp3A_559, %get3A_568 : vector<16xf32>
          %add3A_570 = arith.addf %add3A_557, %mul3A_569 : vector<16xf32>
          %sub3A_571 = arith.subf %max3A_320, %max3A_321 : vector<16xf32>
          %exp3A_572 = math.exp %sub3A_571 : vector<16xf32>
          %add3A_573 = arith.addf %add3A_560, %exp3A_572 : vector<16xf32>
          %mul3A_574 = arith.constant 20 : i32
          %mul3A_575 = arith.muli %scan3A_30, %mul3A_574 : i32
          %add3A_576 = arith.constant 19 : i32
          %add3A_577 = arith.addi %mul3A_575, %add3A_576 : i32
          %get3A_578 = arith.index_cast %add3A_577 : i32 to index
          %get3A_579 = arith.index_cast %mul3A_38 : i32 to index
          %get3A_580 = tpu.vector_load %arg9[%get3A_578, %get3A_579] {strides = array<i32>} : memref<80x128xf32, #tpu.memory_space<vmem>>, vector<1x16xf32>,
          %get3A_581 = vector.shape_cast %get3A_580 : vector<1x16xf32> to vector<16xf32>
          %mul3A_582 = arith.mulf %exp3A_572, %get3A_581 : vector<16xf32>
          %add3A_583 = arith.addf %add3A_570, %mul3A_582 : vector<16xf32>
          %div3A = arith.divf %add3A_583, %add3A_573 : vector<16xf32>
          %mul3A_584 = arith.constant 2.000000e-01 : f32
          %mul3A_585 = vector.broadcast %mul3A_584 : f32 to vector<16xf32>
          %mul3A_586 = arith.mulf %mul3A_585, %div3A : vector<16xf32>
          %max3A_587 = arith.maximumf %div3A, %mul3A_586 : vector<16xf32>
          %swap3A = arith.index_cast %scan3A_30 : i32 to index
          %swap3A_588 = arith.index_cast %mul3A_38 : i32 to index
          %swap3A_589 = tpu.vector_load %arg11[%swap3A, %swap3A_588] {strides = array<i32>} : memref<4x128xf32, #tpu.memory_space<vmem>>, vector<1x16xf32>,
          %swap3A_590 = vector.shape_cast %swap3A_589 : vector<1x16xf32> to vector<16xf32>
          %swap3A_591 = vector.shape_cast %max3A_587 : vector<16xf32> to vector<1x16xf32>
          tpu.vector_store %arg11[%swap3A, %swap3A_588], %swap3A_591 {strides = array<i32>} : memref<4x128xf32, #tpu.memory_space<vmem>>, vector<1x16xf32>,
        }
        %scan3A_35 = arith.constant 8 : i32
      }
      %scan3A_29 = arith.constant 4 : i32
      "tpu.region"() ({
        %run_scoped3A = tpu.sem_alloc : memref<!tpu.dma_semaphore, #tpu.memory_space<semaphore_mem>>
        %dma_start3A_30 = arith.constant 0 : i32
        %dma_start3A_31 = tpu.memref_slice %arg6[%add3A_11, %dma_start3A_30] : memref<4096x128xf32, #tpu.memory_space<hbm>> -> memref<4x128xf32, #tpu.memory_space<hbm>>
        %dma_start3A_32 = arith.constant 0 : i32
        %dma_start3A_33 = tpu.memref_slice %arg6[%add3A_11, %dma_start3A_32] : memref<4096x128xf32, #tpu.memory_space<hbm>> -> memref<4x128xf32, #tpu.memory_space<hbm>>
        tpu.enqueue_dma source(%arg11 : memref<4x128xf32, #tpu.memory_space<vmem>>) target(%dma_start3A_33 : memref<4x128xf32, #tpu.memory_space<hbm>>) target_semaphore(%run_scoped3A : memref<!tpu.dma_semaphore, #tpu.memory_space<semaphore_mem>>)
        %dma_wait3A_34 = arith.constant 0 : i32
        %dma_wait3A_35 = tpu.memref_slice %arg6[%add3A_11, %dma_wait3A_34] : memref<4096x128xf32, #tpu.memory_space<hbm>> -> memref<4x128xf32, #tpu.memory_space<hbm>>
        %dma_wait3A_36 = arith.constant 0 : i32
        %dma_wait3A_37 = tpu.memref_slice %arg6[%add3A_11, %dma_wait3A_36] : memref<4096x128xf32, #tpu.memory_space<hbm>> -> memref<4x128xf32, #tpu.memory_space<hbm>>
        tpu.wait_dma2 semaphore(%run_scoped3A : memref<!tpu.dma_semaphore, #tpu.memory_space<semaphore_mem>>) src(%arg11 : memref<4x128xf32, #tpu.memory_space<vmem>>) dst(%dma_wait3A_37 : memref<4x128xf32, #tpu.memory_space<hbm>>)
        tpu.yield
      }) : () -> ()
    }
    %scan3A_7 = arith.constant 32 : i32
    return
  }
}

#map = affine_map<(d0, d1) -> (0, 0)>
#map1 = affine_map<(d0, d1) -> (0)>
module attributes {stable_mosaic.version = 14 : i64} {
  func.func @att(%arg0: i32, %arg1: i32, %arg2: memref<4096x128xf32, #tpu.memory_space<hbm>>, %arg3: memref<4096x128xf32, #tpu.memory_space<hbm>>, %arg4: memref<4096x128xf32, #tpu.memory_space<hbm>>, %arg5: memref<81920xi32, #tpu.memory_space<hbm>>, %arg6: memref<4096x128xf32, #tpu.memory_space<hbm>>, %arg7: memref<80xi32, #tpu.memory_space<vmem>>, %arg8: memref<80x128xf32, #tpu.memory_space<vmem>>, %arg9: memref<80x128xf32, #tpu.memory_space<vmem>>, %arg10: memref<4x128xf32, #tpu.memory_space<vmem>>, %arg11: memref<4x128xf32, #tpu.memory_space<vmem>>, %arg12: memref<!tpu.dma_semaphore, #tpu.memory_space<semaphore_mem>>, %arg13: memref<!tpu.dma_semaphore, #tpu.memory_space<semaphore_mem>>) attributes {dimension_semantics = [#tpu.dimension_semantics<core_parallel>, #tpu.dimension_semantics<subcore_parallel>], iteration_bounds = array<i64: 2, 16>, scalar_prefetch = 0 : i64, scratch_operands = 7 : i64, tpu.core_type = #tpu.core_type<sc_vector_subcore>, window_params = [{transform_indices = #map}, {transform_indices = #map}, {transform_indices = #map}, {transform_indices = #map1}, {transform_indices = #map}]} {
    %mul3A = arith.constant 2 : i32
    %mul3A_0 = arith.muli %arg1, %mul3A : i32
    %add3A = arith.addi %mul3A_0, %arg0 : i32
    %mul3A_1 = arith.constant 128 : i32
    %mul3A_2 = arith.muli %add3A, %mul3A_1 : i32
    %scan3A = arith.constant 0 : i32
    %scan3A_3 = arith.constant 0 : i32
    %scan3A_4 = arith.constant 32 : i32
    %scan3A_5 = arith.addi %scan3A_3, %scan3A_4 : i32
    %scan3A_6 = arith.constant 1 : i32
    scf.for %scan3A_8 = %scan3A_3 to %scan3A_5 step %scan3A_6  : i32 {
      %mul3A_9 = arith.constant 4 : i32
      %mul3A_10 = arith.muli %scan3A_8, %mul3A_9 : i32
      %add3A_11 = arith.addi %mul3A_2, %mul3A_10 : i32
      %mul3A_12 = arith.constant 20 : i32
      %mul3A_13 = arith.muli %add3A_11, %mul3A_12 : i32
      "tpu.region"() ({
        %run_scoped3A = tpu.sem_alloc : memref<!tpu.dma_semaphore, #tpu.memory_space<semaphore_mem>>
        %dma_start3A_30 = tpu.memref_slice %arg5[%mul3A_13] : memref<81920xi32, #tpu.memory_space<hbm>> -> memref<80xi32, #tpu.memory_space<hbm>>
        %dma_start3A_31 = tpu.memref_slice %arg5[%mul3A_13] : memref<81920xi32, #tpu.memory_space<hbm>> -> memref<80xi32, #tpu.memory_space<hbm>>
        tpu.enqueue_dma source(%dma_start3A_31 : memref<80xi32, #tpu.memory_space<hbm>>) target(%arg7 : memref<80xi32, #tpu.memory_space<vmem>>) target_semaphore(%run_scoped3A : memref<!tpu.dma_semaphore, #tpu.memory_space<semaphore_mem>>)
        %dma_wait3A_32 = tpu.memref_slice %arg5[%mul3A_13] : memref<81920xi32, #tpu.memory_space<hbm>> -> memref<80xi32, #tpu.memory_space<hbm>>
        %dma_wait3A_33 = tpu.memref_slice %arg5[%mul3A_13] : memref<81920xi32, #tpu.memory_space<hbm>> -> memref<80xi32, #tpu.memory_space<hbm>>
        tpu.wait_dma2 semaphore(%run_scoped3A : memref<!tpu.dma_semaphore, #tpu.memory_space<semaphore_mem>>) src(%dma_wait3A_33 : memref<80xi32, #tpu.memory_space<hbm>>) dst(%arg7 : memref<80xi32, #tpu.memory_space<vmem>>)
        tpu.yield
      }) : () -> ()
      %dma_start3A = arith.constant 0 : i32
      %dma_start3A_14 = arith.constant 0 : i32
      %dma_start3A_15 = tpu.memref_slice %arg2[%dma_start3A, %dma_start3A_14] : memref<4096x128xf32, #tpu.memory_space<hbm>> -> memref<4096x128xf32, #tpu.memory_space<hbm>>
      tpu.enqueue_indirect_dma source(%dma_start3A_15 : memref<4096x128xf32, #tpu.memory_space<hbm>>) target(%arg8 : memref<80x128xf32, #tpu.memory_space<vmem>>) offsets(%arg7 : memref<80xi32, #tpu.memory_space<vmem>>) semaphore(%arg12 : memref<!tpu.dma_semaphore, #tpu.memory_space<semaphore_mem>>)
      %dma_start3A_16 = arith.constant 0 : i32
      %dma_start3A_17 = arith.constant 0 : i32
      %dma_start3A_18 = tpu.memref_slice %arg3[%dma_start3A_16, %dma_start3A_17] : memref<4096x128xf32, #tpu.memory_space<hbm>> -> memref<4096x128xf32, #tpu.memory_space<hbm>>
      tpu.enqueue_indirect_dma source(%dma_start3A_18 : memref<4096x128xf32, #tpu.memory_space<hbm>>) target(%arg9 : memref<80x128xf32, #tpu.memory_space<vmem>>) offsets(%arg7 : memref<80xi32, #tpu.memory_space<vmem>>) semaphore(%arg13 : memref<!tpu.dma_semaphore, #tpu.memory_space<semaphore_mem>>)
      "tpu.region"() ({
        %run_scoped3A = tpu.sem_alloc : memref<!tpu.dma_semaphore, #tpu.memory_space<semaphore_mem>>
        %dma_start3A_30 = arith.constant 0 : i32
        %dma_start3A_31 = tpu.memref_slice %arg4[%add3A_11, %dma_start3A_30] : memref<4096x128xf32, #tpu.memory_space<hbm>> -> memref<4x128xf32, #tpu.memory_space<hbm>>
        %dma_start3A_32 = arith.constant 0 : i32
        %dma_start3A_33 = tpu.memref_slice %arg4[%add3A_11, %dma_start3A_32] : memref<4096x128xf32, #tpu.memory_space<hbm>> -> memref<4x128xf32, #tpu.memory_space<hbm>>
        tpu.enqueue_dma source(%dma_start3A_33 : memref<4x128xf32, #tpu.memory_space<hbm>>) target(%arg10 : memref<4x128xf32, #tpu.memory_space<vmem>>) target_semaphore(%run_scoped3A : memref<!tpu.dma_semaphore, #tpu.memory_space<semaphore_mem>>)
        %dma_wait3A_34 = arith.constant 0 : i32
        %dma_wait3A_35 = tpu.memref_slice %arg4[%add3A_11, %dma_wait3A_34] : memref<4096x128xf32, #tpu.memory_space<hbm>> -> memref<4x128xf32, #tpu.memory_space<hbm>>
        %dma_wait3A_36 = arith.constant 0 : i32
        %dma_wait3A_37 = tpu.memref_slice %arg4[%add3A_11, %dma_wait3A_36] : memref<4096x128xf32, #tpu.memory_space<hbm>> -> memref<4x128xf32, #tpu.memory_space<hbm>>
        tpu.wait_dma2 semaphore(%run_scoped3A : memref<!tpu.dma_semaphore, #tpu.memory_space<semaphore_mem>>) src(%dma_wait3A_37 : memref<4x128xf32, #tpu.memory_space<hbm>>) dst(%arg10 : memref<4x128xf32, #tpu.memory_space<vmem>>)
        tpu.yield
      }) : () -> ()
      %dma_wait3A = arith.constant 0 : i32
      %dma_wait3A_19 = arith.constant 0 : i32
      %dma_wait3A_20 = tpu.memref_slice %arg2[%dma_wait3A, %dma_wait3A_19] : memref<4096x128xf32, #tpu.memory_space<hbm>> -> memref<4096x128xf32, #tpu.memory_space<hbm>>
      tpu.wait_indirect_dma semaphore(%arg12 : memref<!tpu.dma_semaphore, #tpu.memory_space<semaphore_mem>>) src(%dma_wait3A_20 : memref<4096x128xf32, #tpu.memory_space<hbm>>) dst(%arg8 : memref<80x128xf32, #tpu.memory_space<vmem>>)
      %dma_wait3A_21 = arith.constant 0 : i32
      %dma_wait3A_22 = arith.constant 0 : i32
      %dma_wait3A_23 = tpu.memref_slice %arg3[%dma_wait3A_21, %dma_wait3A_22] : memref<4096x128xf32, #tpu.memory_space<hbm>> -> memref<4096x128xf32, #tpu.memory_space<hbm>>
      tpu.wait_indirect_dma semaphore(%arg13 : memref<!tpu.dma_semaphore, #tpu.memory_space<semaphore_mem>>) src(%dma_wait3A_23 : memref<4096x128xf32, #tpu.memory_space<hbm>>) dst(%arg9 : memref<80x128xf32, #tpu.memory_space<vmem>>)
      %scan3A_24 = arith.constant 0 : i32
      %scan3A_25 = arith.constant 0 : i32
      %scan3A_26 = arith.constant 4 : i32
      %scan3A_27 = arith.addi %scan3A_25, %scan3A_26 : i32
      %scan3A_28 = arith.constant 1 : i32
      scf.for %scan3A_30 = %scan3A_25 to %scan3A_27 step %scan3A_28  : i32 {
        %scan3A_31 = arith.constant 0 : i32
        %scan3A_32 = arith.constant 8 : i32
        %scan3A_33 = arith.addi %scan3A_31, %scan3A_32 : i32
        %scan3A_34 = arith.constant 1 : i32
        scf.for %scan3A_36 = %scan3A_31 to %scan3A_33 step %scan3A_34  : i32 {
          %mul3A_37 = arith.constant 16 : i32
          %mul3A_38 = arith.muli %scan3A_36, %mul3A_37 : i32
          %get3A = arith.index_cast %scan3A_30 : i32 to index
          %get3A_39 = arith.index_cast %mul3A_38 : i32 to index
          %get3A_40 = tpu.vector_load %arg10[%get3A, %get3A_39] {strides = array<i32>} : memref<4x128xf32, #tpu.memory_space<vmem>>, vector<1x16xf32>,
          %get3A_41 = vector.shape_cast %get3A_40 : vector<1x16xf32> to vector<16xf32>
          %broadcast_in_dim3A = arith.constant 0xFF800000 : f32
          %broadcast_in_dim3A_42 = vector.broadcast %broadcast_in_dim3A : f32 to vector<16xf32>
          %mul3A_43 = arith.constant 20 : i32
          %mul3A_44 = arith.muli %scan3A_30, %mul3A_43 : i32
          %add3A_45 = arith.constant 0 : i32
          %add3A_46 = arith.addi %mul3A_44, %add3A_45 : i32
          %get3A_47 = arith.index_cast %add3A_46 : i32 to index
          %get3A_48 = arith.index_cast %mul3A_38 : i32 to index
          %get3A_49 = tpu.vector_load %arg8[%get3A_47, %get3A_48] {strides = array<i32>} : memref<80x128xf32, #tpu.memory_space<vmem>>, vector<1x16xf32>,
          %get3A_50 = vector.shape_cast %get3A_49 : vector<1x16xf32> to vector<16xf32>
          %add3A_51 = arith.addf %get3A_50, %get3A_41 : vector<16xf32>
          %mul3A_52 = arith.constant 2.000000e-01 : f32
          %mul3A_53 = vector.broadcast %mul3A_52 : f32 to vector<16xf32>
          %mul3A_54 = arith.mulf %mul3A_53, %add3A_51 : vector<16xf32>
          %max3A = arith.maximumf %add3A_51, %mul3A_54 : vector<16xf32>
          %max3A_55 = arith.maximumf %broadcast_in_dim3A_42, %max3A : vector<16xf32>
          %mul3A_56 = arith.constant 20 : i32
          %mul3A_57 = arith.muli %scan3A_30, %mul3A_56 : i32
          %add3A_58 = arith.constant 1 : i32
          %add3A_59 = arith.addi %mul3A_57, %add3A_58 : i32
          %get3A_60 = arith.index_cast %add3A_59 : i32 to index
          %get3A_61 = arith.index_cast %mul3A_38 : i32 to index
          %get3A_62 = tpu.vector_load %arg8[%get3A_60, %get3A_61] {strides = array<i32>} : memref<80x128xf32, #tpu.memory_space<vmem>>, vector<1x16xf32>,
          %get3A_63 = vector.shape_cast %get3A_62 : vector<1x16xf32> to vector<16xf32>
          %add3A_64 = arith.addf %get3A_63, %get3A_41 : vector<16xf32>
          %mul3A_65 = arith.constant 2.000000e-01 : f32
          %mul3A_66 = vector.broadcast %mul3A_65 : f32 to vector<16xf32>
          %mul3A_67 = arith.mulf %mul3A_66, %add3A_64 : vector<16xf32>
          %max3A_68 = arith.maximumf %add3A_64, %mul3A_67 : vector<16xf32>
          %max3A_69 = arith.maximumf %max3A_55, %max3A_68 : vector<16xf32>
          %mul3A_70 = arith.constant 20 : i32
          %mul3A_71 = arith.muli %scan3A_30, %mul3A_70 : i32
          %add3A_72 = arith.constant 2 : i32
          %add3A_73 = arith.addi %mul3A_71, %add3A_72 : i32
          %get3A_74 = arith.index_cast %add3A_73 : i32 to index
          %get3A_75 = arith.index_cast %mul3A_38 : i32 to index
          %get3A_76 = tpu.vector_load %arg8[%get3A_74, %get3A_75] {strides = array<i32>} : memref<80x128xf32, #tpu.memory_space<vmem>>, vector<1x16xf32>,
          %get3A_77 = vector.shape_cast %get3A_76 : vector<1x16xf32> to vector<16xf32>
          %add3A_78 = arith.addf %get3A_77, %get3A_41 : vector<16xf32>
          %mul3A_79 = arith.constant 2.000000e-01 : f32
          %mul3A_80 = vector.broadcast %mul3A_79 : f32 to vector<16xf32>
          %mul3A_81 = arith.mulf %mul3A_80, %add3A_78 : vector<16xf32>
          %max3A_82 = arith.maximumf %add3A_78, %mul3A_81 : vector<16xf32>
          %max3A_83 = arith.maximumf %max3A_69, %max3A_82 : vector<16xf32>
          %mul3A_84 = arith.constant 20 : i32
          %mul3A_85 = arith.muli %scan3A_30, %mul3A_84 : i32
          %add3A_86 = arith.constant 3 : i32
          %add3A_87 = arith.addi %mul3A_85, %add3A_86 : i32
          %get3A_88 = arith.index_cast %add3A_87 : i32 to index
          %get3A_89 = arith.index_cast %mul3A_38 : i32 to index
          %get3A_90 = tpu.vector_load %arg8[%get3A_88, %get3A_89] {strides = array<i32>} : memref<80x128xf32, #tpu.memory_space<vmem>>, vector<1x16xf32>,
          %get3A_91 = vector.shape_cast %get3A_90 : vector<1x16xf32> to vector<16xf32>
          %add3A_92 = arith.addf %get3A_91, %get3A_41 : vector<16xf32>
          %mul3A_93 = arith.constant 2.000000e-01 : f32
          %mul3A_94 = vector.broadcast %mul3A_93 : f32 to vector<16xf32>
          %mul3A_95 = arith.mulf %mul3A_94, %add3A_92 : vector<16xf32>
          %max3A_96 = arith.maximumf %add3A_92, %mul3A_95 : vector<16xf32>
          %max3A_97 = arith.maximumf %max3A_83, %max3A_96 : vector<16xf32>
          %mul3A_98 = arith.constant 20 : i32
          %mul3A_99 = arith.muli %scan3A_30, %mul3A_98 : i32
          %add3A_100 = arith.constant 4 : i32
          %add3A_101 = arith.addi %mul3A_99, %add3A_100 : i32
          %get3A_102 = arith.index_cast %add3A_101 : i32 to index
          %get3A_103 = arith.index_cast %mul3A_38 : i32 to index
          %get3A_104 = tpu.vector_load %arg8[%get3A_102, %get3A_103] {strides = array<i32>} : memref<80x128xf32, #tpu.memory_space<vmem>>, vector<1x16xf32>,
          %get3A_105 = vector.shape_cast %get3A_104 : vector<1x16xf32> to vector<16xf32>
          %add3A_106 = arith.addf %get3A_105, %get3A_41 : vector<16xf32>
          %mul3A_107 = arith.constant 2.000000e-01 : f32
          %mul3A_108 = vector.broadcast %mul3A_107 : f32 to vector<16xf32>
          %mul3A_109 = arith.mulf %mul3A_108, %add3A_106 : vector<16xf32>
          %max3A_110 = arith.maximumf %add3A_106, %mul3A_109 : vector<16xf32>
          %max3A_111 = arith.maximumf %max3A_97, %max3A_110 : vector<16xf32>
          %mul3A_112 = arith.constant 20 : i32
          %mul3A_113 = arith.muli %scan3A_30, %mul3A_112 : i32
          %add3A_114 = arith.constant 5 : i32
          %add3A_115 = arith.addi %mul3A_113, %add3A_114 : i32
          %get3A_116 = arith.index_cast %add3A_115 : i32 to index
          %get3A_117 = arith.index_cast %mul3A_38 : i32 to index
          %get3A_118 = tpu.vector_load %arg8[%get3A_116, %get3A_117] {strides = array<i32>} : memref<80x128xf32, #tpu.memory_space<vmem>>, vector<1x16xf32>,
          %get3A_119 = vector.shape_cast %get3A_118 : vector<1x16xf32> to vector<16xf32>
          %add3A_120 = arith.addf %get3A_119, %get3A_41 : vector<16xf32>
          %mul3A_121 = arith.constant 2.000000e-01 : f32
          %mul3A_122 = vector.broadcast %mul3A_121 : f32 to vector<16xf32>
          %mul3A_123 = arith.mulf %mul3A_122, %add3A_120 : vector<16xf32>
          %max3A_124 = arith.maximumf %add3A_120, %mul3A_123 : vector<16xf32>
          %max3A_125 = arith.maximumf %max3A_111, %max3A_124 : vector<16xf32>
          %mul3A_126 = arith.constant 20 : i32
          %mul3A_127 = arith.muli %scan3A_30, %mul3A_126 : i32
          %add3A_128 = arith.constant 6 : i32
          %add3A_129 = arith.addi %mul3A_127, %add3A_128 : i32
          %get3A_130 = arith.index_cast %add3A_129 : i32 to index
          %get3A_131 = arith.index_cast %mul3A_38 : i32 to index
          %get3A_132 = tpu.vector_load %arg8[%get3A_130, %get3A_131] {strides = array<i32>} : memref<80x128xf32, #tpu.memory_space<vmem>>, vector<1x16xf32>,
          %get3A_133 = vector.shape_cast %get3A_132 : vector<1x16xf32> to vector<16xf32>
          %add3A_134 = arith.addf %get3A_133, %get3A_41 : vector<16xf32>
          %mul3A_135 = arith.constant 2.000000e-01 : f32
          %mul3A_136 = vector.broadcast %mul3A_135 : f32 to vector<16xf32>
          %mul3A_137 = arith.mulf %mul3A_136, %add3A_134 : vector<16xf32>
          %max3A_138 = arith.maximumf %add3A_134, %mul3A_137 : vector<16xf32>
          %max3A_139 = arith.maximumf %max3A_125, %max3A_138 : vector<16xf32>
          %mul3A_140 = arith.constant 20 : i32
          %mul3A_141 = arith.muli %scan3A_30, %mul3A_140 : i32
          %add3A_142 = arith.constant 7 : i32
          %add3A_143 = arith.addi %mul3A_141, %add3A_142 : i32
          %get3A_144 = arith.index_cast %add3A_143 : i32 to index
          %get3A_145 = arith.index_cast %mul3A_38 : i32 to index
          %get3A_146 = tpu.vector_load %arg8[%get3A_144, %get3A_145] {strides = array<i32>} : memref<80x128xf32, #tpu.memory_space<vmem>>, vector<1x16xf32>,
          %get3A_147 = vector.shape_cast %get3A_146 : vector<1x16xf32> to vector<16xf32>
          %add3A_148 = arith.addf %get3A_147, %get3A_41 : vector<16xf32>
          %mul3A_149 = arith.constant 2.000000e-01 : f32
          %mul3A_150 = vector.broadcast %mul3A_149 : f32 to vector<16xf32>
          %mul3A_151 = arith.mulf %mul3A_150, %add3A_148 : vector<16xf32>
          %max3A_152 = arith.maximumf %add3A_148, %mul3A_151 : vector<16xf32>
          %max3A_153 = arith.maximumf %max3A_139, %max3A_152 : vector<16xf32>
          %mul3A_154 = arith.constant 20 : i32
          %mul3A_155 = arith.muli %scan3A_30, %mul3A_154 : i32
          %add3A_156 = arith.constant 8 : i32
          %add3A_157 = arith.addi %mul3A_155, %add3A_156 : i32
          %get3A_158 = arith.index_cast %add3A_157 : i32 to index
          %get3A_159 = arith.index_cast %mul3A_38 : i32 to index
          %get3A_160 = tpu.vector_load %arg8[%get3A_158, %get3A_159] {strides = array<i32>} : memref<80x128xf32, #tpu.memory_space<vmem>>, vector<1x16xf32>,
          %get3A_161 = vector.shape_cast %get3A_160 : vector<1x16xf32> to vector<16xf32>
          %add3A_162 = arith.addf %get3A_161, %get3A_41 : vector<16xf32>
          %mul3A_163 = arith.constant 2.000000e-01 : f32
          %mul3A_164 = vector.broadcast %mul3A_163 : f32 to vector<16xf32>
          %mul3A_165 = arith.mulf %mul3A_164, %add3A_162 : vector<16xf32>
          %max3A_166 = arith.maximumf %add3A_162, %mul3A_165 : vector<16xf32>
          %max3A_167 = arith.maximumf %max3A_153, %max3A_166 : vector<16xf32>
          %mul3A_168 = arith.constant 20 : i32
          %mul3A_169 = arith.muli %scan3A_30, %mul3A_168 : i32
          %add3A_170 = arith.constant 9 : i32
          %add3A_171 = arith.addi %mul3A_169, %add3A_170 : i32
          %get3A_172 = arith.index_cast %add3A_171 : i32 to index
          %get3A_173 = arith.index_cast %mul3A_38 : i32 to index
          %get3A_174 = tpu.vector_load %arg8[%get3A_172, %get3A_173] {strides = array<i32>} : memref<80x128xf32, #tpu.memory_space<vmem>>, vector<1x16xf32>,
          %get3A_175 = vector.shape_cast %get3A_174 : vector<1x16xf32> to vector<16xf32>
          %add3A_176 = arith.addf %get3A_175, %get3A_41 : vector<16xf32>
          %mul3A_177 = arith.constant 2.000000e-01 : f32
          %mul3A_178 = vector.broadcast %mul3A_177 : f32 to vector<16xf32>
          %mul3A_179 = arith.mulf %mul3A_178, %add3A_176 : vector<16xf32>
          %max3A_180 = arith.maximumf %add3A_176, %mul3A_179 : vector<16xf32>
          %max3A_181 = arith.maximumf %max3A_167, %max3A_180 : vector<16xf32>
          %mul3A_182 = arith.constant 20 : i32
          %mul3A_183 = arith.muli %scan3A_30, %mul3A_182 : i32
          %add3A_184 = arith.constant 10 : i32
          %add3A_185 = arith.addi %mul3A_183, %add3A_184 : i32
          %get3A_186 = arith.index_cast %add3A_185 : i32 to index
          %get3A_187 = arith.index_cast %mul3A_38 : i32 to index
          %get3A_188 = tpu.vector_load %arg8[%get3A_186, %get3A_187] {strides = array<i32>} : memref<80x128xf32, #tpu.memory_space<vmem>>, vector<1x16xf32>,
          %get3A_189 = vector.shape_cast %get3A_188 : vector<1x16xf32> to vector<16xf32>
          %add3A_190 = arith.addf %get3A_189, %get3A_41 : vector<16xf32>
          %mul3A_191 = arith.constant 2.000000e-01 : f32
          %mul3A_192 = vector.broadcast %mul3A_191 : f32 to vector<16xf32>
          %mul3A_193 = arith.mulf %mul3A_192, %add3A_190 : vector<16xf32>
          %max3A_194 = arith.maximumf %add3A_190, %mul3A_193 : vector<16xf32>
          %max3A_195 = arith.maximumf %max3A_181, %max3A_194 : vector<16xf32>
          %mul3A_196 = arith.constant 20 : i32
          %mul3A_197 = arith.muli %scan3A_30, %mul3A_196 : i32
          %add3A_198 = arith.constant 11 : i32
          %add3A_199 = arith.addi %mul3A_197, %add3A_198 : i32
          %get3A_200 = arith.index_cast %add3A_199 : i32 to index
          %get3A_201 = arith.index_cast %mul3A_38 : i32 to index
          %get3A_202 = tpu.vector_load %arg8[%get3A_200, %get3A_201] {strides = array<i32>} : memref<80x128xf32, #tpu.memory_space<vmem>>, vector<1x16xf32>,
          %get3A_203 = vector.shape_cast %get3A_202 : vector<1x16xf32> to vector<16xf32>
          %add3A_204 = arith.addf %get3A_203, %get3A_41 : vector<16xf32>
          %mul3A_205 = arith.constant 2.000000e-01 : f32
          %mul3A_206 = vector.broadcast %mul3A_205 : f32 to vector<16xf32>
          %mul3A_207 = arith.mulf %mul3A_206, %add3A_204 : vector<16xf32>
          %max3A_208 = arith.maximumf %add3A_204, %mul3A_207 : vector<16xf32>
          %max3A_209 = arith.maximumf %max3A_195, %max3A_208 : vector<16xf32>
          %mul3A_210 = arith.constant 20 : i32
          %mul3A_211 = arith.muli %scan3A_30, %mul3A_210 : i32
          %add3A_212 = arith.constant 12 : i32
          %add3A_213 = arith.addi %mul3A_211, %add3A_212 : i32
          %get3A_214 = arith.index_cast %add3A_213 : i32 to index
          %get3A_215 = arith.index_cast %mul3A_38 : i32 to index
          %get3A_216 = tpu.vector_load %arg8[%get3A_214, %get3A_215] {strides = array<i32>} : memref<80x128xf32, #tpu.memory_space<vmem>>, vector<1x16xf32>,
          %get3A_217 = vector.shape_cast %get3A_216 : vector<1x16xf32> to vector<16xf32>
          %add3A_218 = arith.addf %get3A_217, %get3A_41 : vector<16xf32>
          %mul3A_219 = arith.constant 2.000000e-01 : f32
          %mul3A_220 = vector.broadcast %mul3A_219 : f32 to vector<16xf32>
          %mul3A_221 = arith.mulf %mul3A_220, %add3A_218 : vector<16xf32>
          %max3A_222 = arith.maximumf %add3A_218, %mul3A_221 : vector<16xf32>
          %max3A_223 = arith.maximumf %max3A_209, %max3A_222 : vector<16xf32>
          %mul3A_224 = arith.constant 20 : i32
          %mul3A_225 = arith.muli %scan3A_30, %mul3A_224 : i32
          %add3A_226 = arith.constant 13 : i32
          %add3A_227 = arith.addi %mul3A_225, %add3A_226 : i32
          %get3A_228 = arith.index_cast %add3A_227 : i32 to index
          %get3A_229 = arith.index_cast %mul3A_38 : i32 to index
          %get3A_230 = tpu.vector_load %arg8[%get3A_228, %get3A_229] {strides = array<i32>} : memref<80x128xf32, #tpu.memory_space<vmem>>, vector<1x16xf32>,
          %get3A_231 = vector.shape_cast %get3A_230 : vector<1x16xf32> to vector<16xf32>
          %add3A_232 = arith.addf %get3A_231, %get3A_41 : vector<16xf32>
          %mul3A_233 = arith.constant 2.000000e-01 : f32
          %mul3A_234 = vector.broadcast %mul3A_233 : f32 to vector<16xf32>
          %mul3A_235 = arith.mulf %mul3A_234, %add3A_232 : vector<16xf32>
          %max3A_236 = arith.maximumf %add3A_232, %mul3A_235 : vector<16xf32>
          %max3A_237 = arith.maximumf %max3A_223, %max3A_236 : vector<16xf32>
          %mul3A_238 = arith.constant 20 : i32
          %mul3A_239 = arith.muli %scan3A_30, %mul3A_238 : i32
          %add3A_240 = arith.constant 14 : i32
          %add3A_241 = arith.addi %mul3A_239, %add3A_240 : i32
          %get3A_242 = arith.index_cast %add3A_241 : i32 to index
          %get3A_243 = arith.index_cast %mul3A_38 : i32 to index
          %get3A_244 = tpu.vector_load %arg8[%get3A_242, %get3A_243] {strides = array<i32>} : memref<80x128xf32, #tpu.memory_space<vmem>>, vector<1x16xf32>,
          %get3A_245 = vector.shape_cast %get3A_244 : vector<1x16xf32> to vector<16xf32>
          %add3A_246 = arith.addf %get3A_245, %get3A_41 : vector<16xf32>
          %mul3A_247 = arith.constant 2.000000e-01 : f32
          %mul3A_248 = vector.broadcast %mul3A_247 : f32 to vector<16xf32>
          %mul3A_249 = arith.mulf %mul3A_248, %add3A_246 : vector<16xf32>
          %max3A_250 = arith.maximumf %add3A_246, %mul3A_249 : vector<16xf32>
          %max3A_251 = arith.maximumf %max3A_237, %max3A_250 : vector<16xf32>
          %mul3A_252 = arith.constant 20 : i32
          %mul3A_253 = arith.muli %scan3A_30, %mul3A_252 : i32
          %add3A_254 = arith.constant 15 : i32
          %add3A_255 = arith.addi %mul3A_253, %add3A_254 : i32
          %get3A_256 = arith.index_cast %add3A_255 : i32 to index
          %get3A_257 = arith.index_cast %mul3A_38 : i32 to index
          %get3A_258 = tpu.vector_load %arg8[%get3A_256, %get3A_257] {strides = array<i32>} : memref<80x128xf32, #tpu.memory_space<vmem>>, vector<1x16xf32>,
          %get3A_259 = vector.shape_cast %get3A_258 : vector<1x16xf32> to vector<16xf32>
          %add3A_260 = arith.addf %get3A_259, %get3A_41 : vector<16xf32>
          %mul3A_261 = arith.constant 2.000000e-01 : f32
          %mul3A_262 = vector.broadcast %mul3A_261 : f32 to vector<16xf32>
          %mul3A_263 = arith.mulf %mul3A_262, %add3A_260 : vector<16xf32>
          %max3A_264 = arith.maximumf %add3A_260, %mul3A_263 : vector<16xf32>
          %max3A_265 = arith.maximumf %max3A_251, %max3A_264 : vector<16xf32>
          %mul3A_266 = arith.constant 20 : i32
          %mul3A_267 = arith.muli %scan3A_30, %mul3A_266 : i32
          %add3A_268 = arith.constant 16 : i32
          %add3A_269 = arith.addi %mul3A_267, %add3A_268 : i32
          %get3A_270 = arith.index_cast %add3A_269 : i32 to index
          %get3A_271 = arith.index_cast %mul3A_38 : i32 to index
          %get3A_272 = tpu.vector_load %arg8[%get3A_270, %get3A_271] {strides = array<i32>} : memref<80x128xf32, #tpu.memory_space<vmem>>, vector<1x16xf32>,
          %get3A_273 = vector.shape_cast %get3A_272 : vector<1x16xf32> to vector<16xf32>
          %add3A_274 = arith.addf %get3A_273, %get3A_41 : vector<16xf32>
          %mul3A_275 = arith.constant 2.000000e-01 : f32
          %mul3A_276 = vector.broadcast %mul3A_275 : f32 to vector<16xf32>
          %mul3A_277 = arith.mulf %mul3A_276, %add3A_274 : vector<16xf32>
          %max3A_278 = arith.maximumf %add3A_274, %mul3A_277 : vector<16xf32>
          %max3A_279 = arith.maximumf %max3A_265, %max3A_278 : vector<16xf32>
          %mul3A_280 = arith.constant 20 : i32
          %mul3A_281 = arith.muli %scan3A_30, %mul3A_280 : i32
          %add3A_282 = arith.constant 17 : i32
          %add3A_283 = arith.addi %mul3A_281, %add3A_282 : i32
          %get3A_284 = arith.index_cast %add3A_283 : i32 to index
          %get3A_285 = arith.index_cast %mul3A_38 : i32 to index
          %get3A_286 = tpu.vector_load %arg8[%get3A_284, %get3A_285] {strides = array<i32>} : memref<80x128xf32, #tpu.memory_space<vmem>>, vector<1x16xf32>,
          %get3A_287 = vector.shape_cast %get3A_286 : vector<1x16xf32> to vector<16xf32>
          %add3A_288 = arith.addf %get3A_287, %get3A_41 : vector<16xf32>
          %mul3A_289 = arith.constant 2.000000e-01 : f32
          %mul3A_290 = vector.broadcast %mul3A_289 : f32 to vector<16xf32>
          %mul3A_291 = arith.mulf %mul3A_290, %add3A_288 : vector<16xf32>
          %max3A_292 = arith.maximumf %add3A_288, %mul3A_291 : vector<16xf32>
          %max3A_293 = arith.maximumf %max3A_279, %max3A_292 : vector<16xf32>
          %mul3A_294 = arith.constant 20 : i32
          %mul3A_295 = arith.muli %scan3A_30, %mul3A_294 : i32
          %add3A_296 = arith.constant 18 : i32
          %add3A_297 = arith.addi %mul3A_295, %add3A_296 : i32
          %get3A_298 = arith.index_cast %add3A_297 : i32 to index
          %get3A_299 = arith.index_cast %mul3A_38 : i32 to index
          %get3A_300 = tpu.vector_load %arg8[%get3A_298, %get3A_299] {strides = array<i32>} : memref<80x128xf32, #tpu.memory_space<vmem>>, vector<1x16xf32>,
          %get3A_301 = vector.shape_cast %get3A_300 : vector<1x16xf32> to vector<16xf32>
          %add3A_302 = arith.addf %get3A_301, %get3A_41 : vector<16xf32>
          %mul3A_303 = arith.constant 2.000000e-01 : f32
          %mul3A_304 = vector.broadcast %mul3A_303 : f32 to vector<16xf32>
          %mul3A_305 = arith.mulf %mul3A_304, %add3A_302 : vector<16xf32>
          %max3A_306 = arith.maximumf %add3A_302, %mul3A_305 : vector<16xf32>
          %max3A_307 = arith.maximumf %max3A_293, %max3A_306 : vector<16xf32>
          %mul3A_308 = arith.constant 20 : i32
          %mul3A_309 = arith.muli %scan3A_30, %mul3A_308 : i32
          %add3A_310 = arith.constant 19 : i32
          %add3A_311 = arith.addi %mul3A_309, %add3A_310 : i32
          %get3A_312 = arith.index_cast %add3A_311 : i32 to index
          %get3A_313 = arith.index_cast %mul3A_38 : i32 to index
          %get3A_314 = tpu.vector_load %arg8[%get3A_312, %get3A_313] {strides = array<i32>} : memref<80x128xf32, #tpu.memory_space<vmem>>, vector<1x16xf32>,
          %get3A_315 = vector.shape_cast %get3A_314 : vector<1x16xf32> to vector<16xf32>
          %add3A_316 = arith.addf %get3A_315, %get3A_41 : vector<16xf32>
          %mul3A_317 = arith.constant 2.000000e-01 : f32
          %mul3A_318 = vector.broadcast %mul3A_317 : f32 to vector<16xf32>
          %mul3A_319 = arith.mulf %mul3A_318, %add3A_316 : vector<16xf32>
          %max3A_320 = arith.maximumf %add3A_316, %mul3A_319 : vector<16xf32>
          %max3A_321 = arith.maximumf %max3A_307, %max3A_320 : vector<16xf32>
          %broadcast_in_dim3A_322 = arith.constant 0.000000e+00 : f32
          %broadcast_in_dim3A_323 = vector.broadcast %broadcast_in_dim3A_322 : f32 to vector<16xf32>
          %broadcast_in_dim3A_324 = arith.constant 0.000000e+00 : f32
          %broadcast_in_dim3A_325 = vector.broadcast %broadcast_in_dim3A_324 : f32 to vector<16xf32>
          %sub3A = arith.subf %max3A, %max3A_321 : vector<16xf32>
          %exp3A = math.exp %sub3A : vector<16xf32>
          %add3A_326 = arith.addf %broadcast_in_dim3A_323, %exp3A : vector<16xf32>
          %mul3A_327 = arith.constant 20 : i32
          %mul3A_328 = arith.muli %scan3A_30, %mul3A_327 : i32
          %add3A_329 = arith.constant 0 : i32
          %add3A_330 = arith.addi %mul3A_328, %add3A_329 : i32
          %get3A_331 = arith.index_cast %add3A_330 : i32 to index
          %get3A_332 = arith.index_cast %mul3A_38 : i32 to index
          %get3A_333 = tpu.vector_load %arg9[%get3A_331, %get3A_332] {strides = array<i32>} : memref<80x128xf32, #tpu.memory_space<vmem>>, vector<1x16xf32>,
          %get3A_334 = vector.shape_cast %get3A_333 : vector<1x16xf32> to vector<16xf32>
          %mul3A_335 = arith.mulf %exp3A, %get3A_334 : vector<16xf32>
          %add3A_336 = arith.addf %broadcast_in_dim3A_325, %mul3A_335 : vector<16xf32>
          %sub3A_337 = arith.subf %max3A_68, %max3A_321 : vector<16xf32>
          %exp3A_338 = math.exp %sub3A_337 : vector<16xf32>
          %add3A_339 = arith.addf %add3A_326, %exp3A_338 : vector<16xf32>
          %mul3A_340 = arith.constant 20 : i32
          %mul3A_341 = arith.muli %scan3A_30, %mul3A_340 : i32
          %add3A_342 = arith.constant 1 : i32
          %add3A_343 = arith.addi %mul3A_341, %add3A_342 : i32
          %get3A_344 = arith.index_cast %add3A_343 : i32 to index
          %get3A_345 = arith.index_cast %mul3A_38 : i32 to index
          %get3A_346 = tpu.vector_load %arg9[%get3A_344, %get3A_345] {strides = array<i32>} : memref<80x128xf32, #tpu.memory_space<vmem>>, vector<1x16xf32>,
          %get3A_347 = vector.shape_cast %get3A_346 : vector<1x16xf32> to vector<16xf32>
          %mul3A_348 = arith.mulf %exp3A_338, %get3A_347 : vector<16xf32>
          %add3A_349 = arith.addf %add3A_336, %mul3A_348 : vector<16xf32>
          %sub3A_350 = arith.subf %max3A_82, %max3A_321 : vector<16xf32>
          %exp3A_351 = math.exp %sub3A_350 : vector<16xf32>
          %add3A_352 = arith.addf %add3A_339, %exp3A_351 : vector<16xf32>
          %mul3A_353 = arith.constant 20 : i32
          %mul3A_354 = arith.muli %scan3A_30, %mul3A_353 : i32
          %add3A_355 = arith.constant 2 : i32
          %add3A_356 = arith.addi %mul3A_354, %add3A_355 : i32
          %get3A_357 = arith.index_cast %add3A_356 : i32 to index
          %get3A_358 = arith.index_cast %mul3A_38 : i32 to index
          %get3A_359 = tpu.vector_load %arg9[%get3A_357, %get3A_358] {strides = array<i32>} : memref<80x128xf32, #tpu.memory_space<vmem>>, vector<1x16xf32>,
          %get3A_360 = vector.shape_cast %get3A_359 : vector<1x16xf32> to vector<16xf32>
          %mul3A_361 = arith.mulf %exp3A_351, %get3A_360 : vector<16xf32>
          %add3A_362 = arith.addf %add3A_349, %mul3A_361 : vector<16xf32>
          %sub3A_363 = arith.subf %max3A_96, %max3A_321 : vector<16xf32>
          %exp3A_364 = math.exp %sub3A_363 : vector<16xf32>
          %add3A_365 = arith.addf %add3A_352, %exp3A_364 : vector<16xf32>
          %mul3A_366 = arith.constant 20 : i32
          %mul3A_367 = arith.muli %scan3A_30, %mul3A_366 : i32
          %add3A_368 = arith.constant 3 : i32
          %add3A_369 = arith.addi %mul3A_367, %add3A_368 : i32
          %get3A_370 = arith.index_cast %add3A_369 : i32 to index
          %get3A_371 = arith.index_cast %mul3A_38 : i32 to index
          %get3A_372 = tpu.vector_load %arg9[%get3A_370, %get3A_371] {strides = array<i32>} : memref<80x128xf32, #tpu.memory_space<vmem>>, vector<1x16xf32>,
          %get3A_373 = vector.shape_cast %get3A_372 : vector<1x16xf32> to vector<16xf32>
          %mul3A_374 = arith.mulf %exp3A_364, %get3A_373 : vector<16xf32>
          %add3A_375 = arith.addf %add3A_362, %mul3A_374 : vector<16xf32>
          %sub3A_376 = arith.subf %max3A_110, %max3A_321 : vector<16xf32>
          %exp3A_377 = math.exp %sub3A_376 : vector<16xf32>
          %add3A_378 = arith.addf %add3A_365, %exp3A_377 : vector<16xf32>
          %mul3A_379 = arith.constant 20 : i32
          %mul3A_380 = arith.muli %scan3A_30, %mul3A_379 : i32
          %add3A_381 = arith.constant 4 : i32
          %add3A_382 = arith.addi %mul3A_380, %add3A_381 : i32
          %get3A_383 = arith.index_cast %add3A_382 : i32 to index
          %get3A_384 = arith.index_cast %mul3A_38 : i32 to index
          %get3A_385 = tpu.vector_load %arg9[%get3A_383, %get3A_384] {strides = array<i32>} : memref<80x128xf32, #tpu.memory_space<vmem>>, vector<1x16xf32>,
          %get3A_386 = vector.shape_cast %get3A_385 : vector<1x16xf32> to vector<16xf32>
          %mul3A_387 = arith.mulf %exp3A_377, %get3A_386 : vector<16xf32>
          %add3A_388 = arith.addf %add3A_375, %mul3A_387 : vector<16xf32>
          %sub3A_389 = arith.subf %max3A_124, %max3A_321 : vector<16xf32>
          %exp3A_390 = math.exp %sub3A_389 : vector<16xf32>
          %add3A_391 = arith.addf %add3A_378, %exp3A_390 : vector<16xf32>
          %mul3A_392 = arith.constant 20 : i32
          %mul3A_393 = arith.muli %scan3A_30, %mul3A_392 : i32
          %add3A_394 = arith.constant 5 : i32
          %add3A_395 = arith.addi %mul3A_393, %add3A_394 : i32
          %get3A_396 = arith.index_cast %add3A_395 : i32 to index
          %get3A_397 = arith.index_cast %mul3A_38 : i32 to index
          %get3A_398 = tpu.vector_load %arg9[%get3A_396, %get3A_397] {strides = array<i32>} : memref<80x128xf32, #tpu.memory_space<vmem>>, vector<1x16xf32>,
          %get3A_399 = vector.shape_cast %get3A_398 : vector<1x16xf32> to vector<16xf32>
          %mul3A_400 = arith.mulf %exp3A_390, %get3A_399 : vector<16xf32>
          %add3A_401 = arith.addf %add3A_388, %mul3A_400 : vector<16xf32>
          %sub3A_402 = arith.subf %max3A_138, %max3A_321 : vector<16xf32>
          %exp3A_403 = math.exp %sub3A_402 : vector<16xf32>
          %add3A_404 = arith.addf %add3A_391, %exp3A_403 : vector<16xf32>
          %mul3A_405 = arith.constant 20 : i32
          %mul3A_406 = arith.muli %scan3A_30, %mul3A_405 : i32
          %add3A_407 = arith.constant 6 : i32
          %add3A_408 = arith.addi %mul3A_406, %add3A_407 : i32
          %get3A_409 = arith.index_cast %add3A_408 : i32 to index
          %get3A_410 = arith.index_cast %mul3A_38 : i32 to index
          %get3A_411 = tpu.vector_load %arg9[%get3A_409, %get3A_410] {strides = array<i32>} : memref<80x128xf32, #tpu.memory_space<vmem>>, vector<1x16xf32>,
          %get3A_412 = vector.shape_cast %get3A_411 : vector<1x16xf32> to vector<16xf32>
          %mul3A_413 = arith.mulf %exp3A_403, %get3A_412 : vector<16xf32>
          %add3A_414 = arith.addf %add3A_401, %mul3A_413 : vector<16xf32>
          %sub3A_415 = arith.subf %max3A_152, %max3A_321 : vector<16xf32>
          %exp3A_416 = math.exp %sub3A_415 : vector<16xf32>
          %add3A_417 = arith.addf %add3A_404, %exp3A_416 : vector<16xf32>
          %mul3A_418 = arith.constant 20 : i32
          %mul3A_419 = arith.muli %scan3A_30, %mul3A_418 : i32
          %add3A_420 = arith.constant 7 : i32
          %add3A_421 = arith.addi %mul3A_419, %add3A_420 : i32
          %get3A_422 = arith.index_cast %add3A_421 : i32 to index
          %get3A_423 = arith.index_cast %mul3A_38 : i32 to index
          %get3A_424 = tpu.vector_load %arg9[%get3A_422, %get3A_423] {strides = array<i32>} : memref<80x128xf32, #tpu.memory_space<vmem>>, vector<1x16xf32>,
          %get3A_425 = vector.shape_cast %get3A_424 : vector<1x16xf32> to vector<16xf32>
          %mul3A_426 = arith.mulf %exp3A_416, %get3A_425 : vector<16xf32>
          %add3A_427 = arith.addf %add3A_414, %mul3A_426 : vector<16xf32>
          %sub3A_428 = arith.subf %max3A_166, %max3A_321 : vector<16xf32>
          %exp3A_429 = math.exp %sub3A_428 : vector<16xf32>
          %add3A_430 = arith.addf %add3A_417, %exp3A_429 : vector<16xf32>
          %mul3A_431 = arith.constant 20 : i32
          %mul3A_432 = arith.muli %scan3A_30, %mul3A_431 : i32
          %add3A_433 = arith.constant 8 : i32
          %add3A_434 = arith.addi %mul3A_432, %add3A_433 : i32
          %get3A_435 = arith.index_cast %add3A_434 : i32 to index
          %get3A_436 = arith.index_cast %mul3A_38 : i32 to index
          %get3A_437 = tpu.vector_load %arg9[%get3A_435, %get3A_436] {strides = array<i32>} : memref<80x128xf32, #tpu.memory_space<vmem>>, vector<1x16xf32>,
          %get3A_438 = vector.shape_cast %get3A_437 : vector<1x16xf32> to vector<16xf32>
          %mul3A_439 = arith.mulf %exp3A_429, %get3A_438 : vector<16xf32>
          %add3A_440 = arith.addf %add3A_427, %mul3A_439 : vector<16xf32>
          %sub3A_441 = arith.subf %max3A_180, %max3A_321 : vector<16xf32>
          %exp3A_442 = math.exp %sub3A_441 : vector<16xf32>
          %add3A_443 = arith.addf %add3A_430, %exp3A_442 : vector<16xf32>
          %mul3A_444 = arith.constant 20 : i32
          %mul3A_445 = arith.muli %scan3A_30, %mul3A_444 : i32
          %add3A_446 = arith.constant 9 : i32
          %add3A_447 = arith.addi %mul3A_445, %add3A_446 : i32
          %get3A_448 = arith.index_cast %add3A_447 : i32 to index
          %get3A_449 = arith.index_cast %mul3A_38 : i32 to index
          %get3A_450 = tpu.vector_load %arg9[%get3A_448, %get3A_449] {strides = array<i32>} : memref<80x128xf32, #tpu.memory_space<vmem>>, vector<1x16xf32>,
          %get3A_451 = vector.shape_cast %get3A_450 : vector<1x16xf32> to vector<16xf32>
          %mul3A_452 = arith.mulf %exp3A_442, %get3A_451 : vector<16xf32>
          %add3A_453 = arith.addf %add3A_440, %mul3A_452 : vector<16xf32>
          %sub3A_454 = arith.subf %max3A_194, %max3A_321 : vector<16xf32>
          %exp3A_455 = math.exp %sub3A_454 : vector<16xf32>
          %add3A_456 = arith.addf %add3A_443, %exp3A_455 : vector<16xf32>
          %mul3A_457 = arith.constant 20 : i32
          %mul3A_458 = arith.muli %scan3A_30, %mul3A_457 : i32
          %add3A_459 = arith.constant 10 : i32
          %add3A_460 = arith.addi %mul3A_458, %add3A_459 : i32
          %get3A_461 = arith.index_cast %add3A_460 : i32 to index
          %get3A_462 = arith.index_cast %mul3A_38 : i32 to index
          %get3A_463 = tpu.vector_load %arg9[%get3A_461, %get3A_462] {strides = array<i32>} : memref<80x128xf32, #tpu.memory_space<vmem>>, vector<1x16xf32>,
          %get3A_464 = vector.shape_cast %get3A_463 : vector<1x16xf32> to vector<16xf32>
          %mul3A_465 = arith.mulf %exp3A_455, %get3A_464 : vector<16xf32>
          %add3A_466 = arith.addf %add3A_453, %mul3A_465 : vector<16xf32>
          %sub3A_467 = arith.subf %max3A_208, %max3A_321 : vector<16xf32>
          %exp3A_468 = math.exp %sub3A_467 : vector<16xf32>
          %add3A_469 = arith.addf %add3A_456, %exp3A_468 : vector<16xf32>
          %mul3A_470 = arith.constant 20 : i32
          %mul3A_471 = arith.muli %scan3A_30, %mul3A_470 : i32
          %add3A_472 = arith.constant 11 : i32
          %add3A_473 = arith.addi %mul3A_471, %add3A_472 : i32
          %get3A_474 = arith.index_cast %add3A_473 : i32 to index
          %get3A_475 = arith.index_cast %mul3A_38 : i32 to index
          %get3A_476 = tpu.vector_load %arg9[%get3A_474, %get3A_475] {strides = array<i32>} : memref<80x128xf32, #tpu.memory_space<vmem>>, vector<1x16xf32>,
          %get3A_477 = vector.shape_cast %get3A_476 : vector<1x16xf32> to vector<16xf32>
          %mul3A_478 = arith.mulf %exp3A_468, %get3A_477 : vector<16xf32>
          %add3A_479 = arith.addf %add3A_466, %mul3A_478 : vector<16xf32>
          %sub3A_480 = arith.subf %max3A_222, %max3A_321 : vector<16xf32>
          %exp3A_481 = math.exp %sub3A_480 : vector<16xf32>
          %add3A_482 = arith.addf %add3A_469, %exp3A_481 : vector<16xf32>
          %mul3A_483 = arith.constant 20 : i32
          %mul3A_484 = arith.muli %scan3A_30, %mul3A_483 : i32
          %add3A_485 = arith.constant 12 : i32
          %add3A_486 = arith.addi %mul3A_484, %add3A_485 : i32
          %get3A_487 = arith.index_cast %add3A_486 : i32 to index
          %get3A_488 = arith.index_cast %mul3A_38 : i32 to index
          %get3A_489 = tpu.vector_load %arg9[%get3A_487, %get3A_488] {strides = array<i32>} : memref<80x128xf32, #tpu.memory_space<vmem>>, vector<1x16xf32>,
          %get3A_490 = vector.shape_cast %get3A_489 : vector<1x16xf32> to vector<16xf32>
          %mul3A_491 = arith.mulf %exp3A_481, %get3A_490 : vector<16xf32>
          %add3A_492 = arith.addf %add3A_479, %mul3A_491 : vector<16xf32>
          %sub3A_493 = arith.subf %max3A_236, %max3A_321 : vector<16xf32>
          %exp3A_494 = math.exp %sub3A_493 : vector<16xf32>
          %add3A_495 = arith.addf %add3A_482, %exp3A_494 : vector<16xf32>
          %mul3A_496 = arith.constant 20 : i32
          %mul3A_497 = arith.muli %scan3A_30, %mul3A_496 : i32
          %add3A_498 = arith.constant 13 : i32
          %add3A_499 = arith.addi %mul3A_497, %add3A_498 : i32
          %get3A_500 = arith.index_cast %add3A_499 : i32 to index
          %get3A_501 = arith.index_cast %mul3A_38 : i32 to index
          %get3A_502 = tpu.vector_load %arg9[%get3A_500, %get3A_501] {strides = array<i32>} : memref<80x128xf32, #tpu.memory_space<vmem>>, vector<1x16xf32>,
          %get3A_503 = vector.shape_cast %get3A_502 : vector<1x16xf32> to vector<16xf32>
          %mul3A_504 = arith.mulf %exp3A_494, %get3A_503 : vector<16xf32>
          %add3A_505 = arith.addf %add3A_492, %mul3A_504 : vector<16xf32>
          %sub3A_506 = arith.subf %max3A_250, %max3A_321 : vector<16xf32>
          %exp3A_507 = math.exp %sub3A_506 : vector<16xf32>
          %add3A_508 = arith.addf %add3A_495, %exp3A_507 : vector<16xf32>
          %mul3A_509 = arith.constant 20 : i32
          %mul3A_510 = arith.muli %scan3A_30, %mul3A_509 : i32
          %add3A_511 = arith.constant 14 : i32
          %add3A_512 = arith.addi %mul3A_510, %add3A_511 : i32
          %get3A_513 = arith.index_cast %add3A_512 : i32 to index
          %get3A_514 = arith.index_cast %mul3A_38 : i32 to index
          %get3A_515 = tpu.vector_load %arg9[%get3A_513, %get3A_514] {strides = array<i32>} : memref<80x128xf32, #tpu.memory_space<vmem>>, vector<1x16xf32>,
          %get3A_516 = vector.shape_cast %get3A_515 : vector<1x16xf32> to vector<16xf32>
          %mul3A_517 = arith.mulf %exp3A_507, %get3A_516 : vector<16xf32>
          %add3A_518 = arith.addf %add3A_505, %mul3A_517 : vector<16xf32>
          %sub3A_519 = arith.subf %max3A_264, %max3A_321 : vector<16xf32>
          %exp3A_520 = math.exp %sub3A_519 : vector<16xf32>
          %add3A_521 = arith.addf %add3A_508, %exp3A_520 : vector<16xf32>
          %mul3A_522 = arith.constant 20 : i32
          %mul3A_523 = arith.muli %scan3A_30, %mul3A_522 : i32
          %add3A_524 = arith.constant 15 : i32
          %add3A_525 = arith.addi %mul3A_523, %add3A_524 : i32
          %get3A_526 = arith.index_cast %add3A_525 : i32 to index
          %get3A_527 = arith.index_cast %mul3A_38 : i32 to index
          %get3A_528 = tpu.vector_load %arg9[%get3A_526, %get3A_527] {strides = array<i32>} : memref<80x128xf32, #tpu.memory_space<vmem>>, vector<1x16xf32>,
          %get3A_529 = vector.shape_cast %get3A_528 : vector<1x16xf32> to vector<16xf32>
          %mul3A_530 = arith.mulf %exp3A_520, %get3A_529 : vector<16xf32>
          %add3A_531 = arith.addf %add3A_518, %mul3A_530 : vector<16xf32>
          %sub3A_532 = arith.subf %max3A_278, %max3A_321 : vector<16xf32>
          %exp3A_533 = math.exp %sub3A_532 : vector<16xf32>
          %add3A_534 = arith.addf %add3A_521, %exp3A_533 : vector<16xf32>
          %mul3A_535 = arith.constant 20 : i32
          %mul3A_536 = arith.muli %scan3A_30, %mul3A_535 : i32
          %add3A_537 = arith.constant 16 : i32
          %add3A_538 = arith.addi %mul3A_536, %add3A_537 : i32
          %get3A_539 = arith.index_cast %add3A_538 : i32 to index
          %get3A_540 = arith.index_cast %mul3A_38 : i32 to index
          %get3A_541 = tpu.vector_load %arg9[%get3A_539, %get3A_540] {strides = array<i32>} : memref<80x128xf32, #tpu.memory_space<vmem>>, vector<1x16xf32>,
          %get3A_542 = vector.shape_cast %get3A_541 : vector<1x16xf32> to vector<16xf32>
          %mul3A_543 = arith.mulf %exp3A_533, %get3A_542 : vector<16xf32>
          %add3A_544 = arith.addf %add3A_531, %mul3A_543 : vector<16xf32>
          %sub3A_545 = arith.subf %max3A_292, %max3A_321 : vector<16xf32>
          %exp3A_546 = math.exp %sub3A_545 : vector<16xf32>
          %add3A_547 = arith.addf %add3A_534, %exp3A_546 : vector<16xf32>
          %mul3A_548 = arith.constant 20 : i32
          %mul3A_549 = arith.muli %scan3A_30, %mul3A_548 : i32
          %add3A_550 = arith.constant 17 : i32
          %add3A_551 = arith.addi %mul3A_549, %add3A_550 : i32
          %get3A_552 = arith.index_cast %add3A_551 : i32 to index
          %get3A_553 = arith.index_cast %mul3A_38 : i32 to index
          %get3A_554 = tpu.vector_load %arg9[%get3A_552, %get3A_553] {strides = array<i32>} : memref<80x128xf32, #tpu.memory_space<vmem>>, vector<1x16xf32>,
          %get3A_555 = vector.shape_cast %get3A_554 : vector<1x16xf32> to vector<16xf32>
          %mul3A_556 = arith.mulf %exp3A_546, %get3A_555 : vector<16xf32>
          %add3A_557 = arith.addf %add3A_544, %mul3A_556 : vector<16xf32>
          %sub3A_558 = arith.subf %max3A_306, %max3A_321 : vector<16xf32>
          %exp3A_559 = math.exp %sub3A_558 : vector<16xf32>
          %add3A_560 = arith.addf %add3A_547, %exp3A_559 : vector<16xf32>
          %mul3A_561 = arith.constant 20 : i32
          %mul3A_562 = arith.muli %scan3A_30, %mul3A_561 : i32
          %add3A_563 = arith.constant 18 : i32
          %add3A_564 = arith.addi %mul3A_562, %add3A_563 : i32
          %get3A_565 = arith.index_cast %add3A_564 : i32 to index
          %get3A_566 = arith.index_cast %mul3A_38 : i32 to index
          %get3A_567 = tpu.vector_load %arg9[%get3A_565, %get3A_566] {strides = array<i32>} : memref<80x128xf32, #tpu.memory_space<vmem>>, vector<1x16xf32>,
          %get3A_568 = vector.shape_cast %get3A_567 : vector<1x16xf32> to vector<16xf32>
          %mul3A_569 = arith.mulf %exp3A_559, %get3A_568 : vector<16xf32>
          %add3A_570 = arith.addf %add3A_557, %mul3A_569 : vector<16xf32>
          %sub3A_571 = arith.subf %max3A_320, %max3A_321 : vector<16xf32>
          %exp3A_572 = math.exp %sub3A_571 : vector<16xf32>
          %add3A_573 = arith.addf %add3A_560, %exp3A_572 : vector<16xf32>
          %mul3A_574 = arith.constant 20 : i32
          %mul3A_575 = arith.muli %scan3A_30, %mul3A_574 : i32
          %add3A_576 = arith.constant 19 : i32
          %add3A_577 = arith.addi %mul3A_575, %add3A_576 : i32
          %get3A_578 = arith.index_cast %add3A_577 : i32 to index
          %get3A_579 = arith.index_cast %mul3A_38 : i32 to index
          %get3A_580 = tpu.vector_load %arg9[%get3A_578, %get3A_579] {strides = array<i32>} : memref<80x128xf32, #tpu.memory_space<vmem>>, vector<1x16xf32>,
          %get3A_581 = vector.shape_cast %get3A_580 : vector<1x16xf32> to vector<16xf32>
          %mul3A_582 = arith.mulf %exp3A_572, %get3A_581 : vector<16xf32>
          %add3A_583 = arith.addf %add3A_570, %mul3A_582 : vector<16xf32>
          %div3A = arith.divf %add3A_583, %add3A_573 : vector<16xf32>
          %mul3A_584 = arith.constant 2.000000e-01 : f32
          %mul3A_585 = vector.broadcast %mul3A_584 : f32 to vector<16xf32>
          %mul3A_586 = arith.mulf %mul3A_585, %div3A : vector<16xf32>
          %max3A_587 = arith.maximumf %div3A, %mul3A_586 : vector<16xf32>
          %swap3A = arith.index_cast %scan3A_30 : i32 to index
          %swap3A_588 = arith.index_cast %mul3A_38 : i32 to index
          %swap3A_589 = tpu.vector_load %arg11[%swap3A, %swap3A_588] {strides = array<i32>} : memref<4x128xf32, #tpu.memory_space<vmem>>, vector<1x16xf32>,
          %swap3A_590 = vector.shape_cast %swap3A_589 : vector<1x16xf32> to vector<16xf32>
          %swap3A_591 = vector.shape_cast %max3A_587 : vector<16xf32> to vector<1x16xf32>
          tpu.vector_store %arg11[%swap3A, %swap3A_588], %swap3A_591 {strides = array<i32>} : memref<4x128xf32, #tpu.memory_space<vmem>>, vector<1x16xf32>,
        }
        %scan3A_35 = arith.constant 8 : i32
      }
      %scan3A_29 = arith.constant 4 : i32
      "tpu.region"() ({
        %run_scoped3A = tpu.sem_alloc : memref<!tpu.dma_semaphore, #tpu.memory_space<semaphore_mem>>
        %dma_start3A_30 = arith.constant 0 : i32
        %dma_start3A_31 = tpu.memref_slice %arg6[%add3A_11, %dma_start3A_30] : memref<4096x128xf32, #tpu.memory_space<hbm>> -> memref<4x128xf32, #tpu.memory_space<hbm>>
        %dma_start3A_32 = arith.constant 0 : i32
        %dma_start3A_33 = tpu.memref_slice %arg6[%add3A_11, %dma_start3A_32] : memref<4096x128xf32, #tpu.memory_space<hbm>> -> memref<4x128xf32, #tpu.memory_space<hbm>>
        tpu.enqueue_dma source(%arg11 : memref<4x128xf32, #tpu.memory_space<vmem>>) target(%dma_start3A_33 : memref<4x128xf32, #tpu.memory_space<hbm>>) target_semaphore(%run_scoped3A : memref<!tpu.dma_semaphore, #tpu.memory_space<semaphore_mem>>)
        %dma_wait3A_34 = arith.constant 0 : i32
        %dma_wait3A_35 = tpu.memref_slice %arg6[%add3A_11, %dma_wait3A_34] : memref<4096x128xf32, #tpu.memory_space<hbm>> -> memref<4x128xf32, #tpu.memory_space<hbm>>
        %dma_wait3A_36 = arith.constant 0 : i32
        %dma_wait3A_37 = tpu.memref_slice %arg6[%add3A_11, %dma_wait3A_36] : memref<4096x128xf32, #tpu.memory_space<hbm>> -> memref<4x128xf32, #tpu.memory_space<hbm>>
        tpu.wait_dma2 semaphore(%run_scoped3A : memref<!tpu.dma_semaphore, #tpu.memory_space<semaphore_mem>>) src(%arg11 : memref<4x128xf32, #tpu.memory_space<vmem>>) dst(%dma_wait3A_37 : memref<4x128xf32, #tpu.memory_space<hbm>>)
        tpu.yield
      }) : () -> ()
    }
    %scan3A_7 = arith.constant 32 : i32
    return
  }
}

module attributes {stable_mosaic.version = 14 : i64} {
  func.func @_feat_body(%arg0: i32, %arg1: memref<1x4096x128xbf16, #tpu.memory_space<vmem>>, %arg2: memref<128x128xbf16, #tpu.memory_space<vmem>>, %arg3: memref<128x128xbf16, #tpu.memory_space<vmem>>, %arg4: memref<128x128xbf16, #tpu.memory_space<vmem>>, %arg5: memref<1x4096x128xf32, #tpu.memory_space<vmem>>, %arg6: memref<1x4096x128xf32, #tpu.memory_space<vmem>>, %arg7: memref<1x4096x128xf32, #tpu.memory_space<vmem>>) attributes {dimension_semantics = [#tpu.dimension_semantics<arbitrary>], iteration_bounds = array<i64: 4>, scalar_prefetch = 0 : i64, scratch_operands = 0 : i64, tpu.core_type = #tpu.core_type<tc>, window_params = [{transform_indices = @transform_0, window_bounds = array<i64: 1, 4096, 128>}, {pipeline_mode = #tpu.pipeline_mode<synchronous>, transform_indices = @transform_1, window_bounds = array<i64: 128, 128>}, {pipeline_mode = #tpu.pipeline_mode<synchronous>, transform_indices = @transform_2, window_bounds = array<i64: 128, 128>}, {pipeline_mode = #tpu.pipeline_mode<synchronous>, transform_indices = @transform_3, window_bounds = array<i64: 128, 128>}, {transform_indices = @transform_4, window_bounds = array<i64: 1, 4096, 128>}, {transform_indices = @transform_5, window_bounds = array<i64: 1, 4096, 128>}, {transform_indices = @transform_6, window_bounds = array<i64: 1, 4096, 128>}]} {
    %get3A = arith.constant 0 : index
    %get3A_0 = arith.constant 0 : index
    %get3A_1 = arith.constant 0 : index
    %get3A_2 = vector.load %arg1[%get3A, %get3A_0, %get3A_1] : memref<1x4096x128xbf16, #tpu.memory_space<vmem>>, vector<1x4096x128xbf16>
    %get3A_3 = vector.shape_cast %get3A_2 : vector<1x4096x128xbf16> to vector<4096x128xbf16>
    %get3A_4 = arith.constant 0 : index
    %get3A_5 = arith.constant 0 : index
    %get3A_6 = vector.load %arg2[%get3A_4, %get3A_5] : memref<128x128xbf16, #tpu.memory_space<vmem>>, vector<128x128xbf16>
    %dot_general3A = arith.constant dense<0.000000e+00> : vector<4096x128xf32>
    %dot_general3A_7 = tpu.matmul %get3A_3, %get3A_6, %dot_general3A {dimension_numbers = #tpu.dot_dimension_numbers<[1], [1], [0], [0], [0, 0, 1, 0], [], []>, transpose_lhs_hint = false} : vector<4096x128xbf16>, vector<128x128xbf16>, vector<4096x128xf32> -> vector<4096x128xf32>
    %swap3A = arith.constant 0 : index
    %swap3A_8 = arith.constant 0 : index
    %swap3A_9 = arith.constant 0 : index
    %swap3A_10 = vector.load %arg5[%swap3A, %swap3A_8, %swap3A_9] : memref<1x4096x128xf32, #tpu.memory_space<vmem>>, vector<1x4096x128xf32>
    %swap3A_11 = vector.shape_cast %swap3A_10 : vector<1x4096x128xf32> to vector<4096x128xf32>
    %swap3A_12 = vector.shape_cast %dot_general3A_7 : vector<4096x128xf32> to vector<1x4096x128xf32>
    tpu.vector_store %arg5[%swap3A, %swap3A_8, %swap3A_9], %swap3A_12 {strides = array<i32>} : memref<1x4096x128xf32, #tpu.memory_space<vmem>>, vector<1x4096x128xf32>,
    %convert_element_type3A = arith.truncf %dot_general3A_7 : vector<4096x128xf32> to vector<4096x128xbf16>
    %get3A_13 = arith.constant 0 : index
    %get3A_14 = arith.constant 0 : index
    %get3A_15 = vector.load %arg3[%get3A_13, %get3A_14] : memref<128x128xbf16, #tpu.memory_space<vmem>>, vector<128x128xbf16>
    %dot_general3A_16 = arith.constant dense<0.000000e+00> : vector<4096x128xf32>
    %dot_general3A_17 = tpu.matmul %convert_element_type3A, %get3A_15, %dot_general3A_16 {dimension_numbers = #tpu.dot_dimension_numbers<[1], [1], [0], [0], [0, 0, 1, 0], [], []>, transpose_lhs_hint = false} : vector<4096x128xbf16>, vector<128x128xbf16>, vector<4096x128xf32> -> vector<4096x128xf32>
    %swap3A_18 = arith.constant 0 : index
    %swap3A_19 = arith.constant 0 : index
    %swap3A_20 = arith.constant 0 : index
    %swap3A_21 = vector.load %arg6[%swap3A_18, %swap3A_19, %swap3A_20] : memref<1x4096x128xf32, #tpu.memory_space<vmem>>, vector<1x4096x128xf32>
    %swap3A_22 = vector.shape_cast %swap3A_21 : vector<1x4096x128xf32> to vector<4096x128xf32>
    %swap3A_23 = vector.shape_cast %dot_general3A_17 : vector<4096x128xf32> to vector<1x4096x128xf32>
    tpu.vector_store %arg6[%swap3A_18, %swap3A_19, %swap3A_20], %swap3A_23 {strides = array<i32>} : memref<1x4096x128xf32, #tpu.memory_space<vmem>>, vector<1x4096x128xf32>,
    %get3A_24 = arith.constant 0 : index
    %get3A_25 = arith.constant 0 : index
    %get3A_26 = vector.load %arg4[%get3A_24, %get3A_25] : memref<128x128xbf16, #tpu.memory_space<vmem>>, vector<128x128xbf16>
    %dot_general3A_27 = arith.constant dense<0.000000e+00> : vector<4096x128xf32>
    %dot_general3A_28 = tpu.matmul %convert_element_type3A, %get3A_26, %dot_general3A_27 {dimension_numbers = #tpu.dot_dimension_numbers<[1], [1], [0], [0], [0, 0, 1, 0], [], []>, transpose_lhs_hint = false} : vector<4096x128xbf16>, vector<128x128xbf16>, vector<4096x128xf32> -> vector<4096x128xf32>
    %swap3A_29 = arith.constant 0 : index
    %swap3A_30 = arith.constant 0 : index
    %swap3A_31 = arith.constant 0 : index
    %swap3A_32 = vector.load %arg7[%swap3A_29, %swap3A_30, %swap3A_31] : memref<1x4096x128xf32, #tpu.memory_space<vmem>>, vector<1x4096x128xf32>
    %swap3A_33 = vector.shape_cast %swap3A_32 : vector<1x4096x128xf32> to vector<4096x128xf32>
    %swap3A_34 = vector.shape_cast %dot_general3A_28 : vector<4096x128xf32> to vector<1x4096x128xf32>
    tpu.vector_store %arg7[%swap3A_29, %swap3A_30, %swap3A_31], %swap3A_34 {strides = array<i32>} : memref<1x4096x128xf32, #tpu.memory_space<vmem>>, vector<1x4096x128xf32>,
    return
  }
  func.func @transform_0(%arg0: i32) -> (i32, i32, i32) {
    %c0_i32 = arith.constant 0 : i32
    %c0_i32_0 = arith.constant 0 : i32
    %c0_i32_1 = arith.constant 0 : i32
    return %arg0, %c0_i32, %c0_i32_0 : i32, i32, i32
  }
  func.func @transform_1(%arg0: i32) -> (i32, i32) {
    %c0_i32 = arith.constant 0 : i32
    %c0_i32_0 = arith.constant 0 : i32
    %c0_i32_1 = arith.constant 0 : i32
    return %c0_i32, %c0_i32_0 : i32, i32
  }
  func.func @transform_2(%arg0: i32) -> (i32, i32) {
    %c0_i32 = arith.constant 0 : i32
    %c0_i32_0 = arith.constant 0 : i32
    %c0_i32_1 = arith.constant 0 : i32
    return %c0_i32, %c0_i32_0 : i32, i32
  }
  func.func @transform_3(%arg0: i32) -> (i32, i32) {
    %c0_i32 = arith.constant 0 : i32
    %c0_i32_0 = arith.constant 0 : i32
    %c0_i32_1 = arith.constant 0 : i32
    return %c0_i32, %c0_i32_0 : i32, i32
  }
  func.func @transform_4(%arg0: i32) -> (i32, i32, i32) {
    %c0_i32 = arith.constant 0 : i32
    %c0_i32_0 = arith.constant 0 : i32
    %c0_i32_1 = arith.constant 0 : i32
    return %arg0, %c0_i32, %c0_i32_0 : i32, i32, i32
  }
  func.func @transform_5(%arg0: i32) -> (i32, i32, i32) {
    %c0_i32 = arith.constant 0 : i32
    %c0_i32_0 = arith.constant 0 : i32
    %c0_i32_1 = arith.constant 0 : i32
    return %arg0, %c0_i32, %c0_i32_0 : i32, i32, i32
  }
  func.func @transform_6(%arg0: i32) -> (i32, i32, i32) {
    %c0_i32 = arith.constant 0 : i32
    %c0_i32_0 = arith.constant 0 : i32
    %c0_i32_1 = arith.constant 0 : i32
    return %arg0, %c0_i32, %c0_i32_0 : i32, i32, i32
  }
}

module attributes {stable_mosaic.version = 14 : i64} {
  func.func @_knn_body(%arg0: i32, %arg1: i32, %arg2: memref<1x4096x128xf32, #tpu.memory_space<vmem>>, %arg3: memref<1x256x128xf32, #tpu.memory_space<vmem>>, %arg4: memref<1x256x20xi32, #tpu.memory_space<vmem>>, %arg5: memref<256x4096xf32, #tpu.memory_space<vmem>>) attributes {dimension_semantics = [#tpu.dimension_semantics<parallel>, #tpu.dimension_semantics<parallel>], iteration_bounds = array<i64: 1, 16>, scalar_prefetch = 0 : i64, scratch_operands = 1 : i64, tpu.core_type = #tpu.core_type<tc>, window_params = [{transform_indices = @transform_0, window_bounds = array<i64: 1, 4096, 128>}, {transform_indices = @transform_1, window_bounds = array<i64: 1, 256, 128>}, {transform_indices = @transform_2, window_bounds = array<i64: 1, 256, 20>}]} {
    %get3A = arith.constant 0 : index
    %get3A_0 = arith.constant 0 : index
    %get3A_1 = arith.constant 0 : index
    %get3A_2 = vector.load %arg2[%get3A, %get3A_0, %get3A_1] : memref<1x4096x128xf32, #tpu.memory_space<vmem>>, vector<1x4096x128xf32>
    %get3A_3 = vector.shape_cast %get3A_2 : vector<1x4096x128xf32> to vector<4096x128xf32>
    %get3A_4 = arith.constant 0 : index
    %get3A_5 = arith.constant 0 : index
    %get3A_6 = arith.constant 0 : index
    %get3A_7 = vector.load %arg3[%get3A_4, %get3A_5, %get3A_6] : memref<1x256x128xf32, #tpu.memory_space<vmem>>, vector<1x256x128xf32>
    %get3A_8 = vector.shape_cast %get3A_7 : vector<1x256x128xf32> to vector<256x128xf32>
    %convert_element_type3A = arith.truncf %get3A_8 : vector<256x128xf32> to vector<256x128xbf16>
    %convert_element_type3A_9 = arith.truncf %get3A_3 : vector<4096x128xf32> to vector<4096x128xbf16>
    %dot_general3A = arith.constant dense<0.000000e+00> : vector<256x4096xf32>
    %dot_general3A_10 = tpu.matmul %convert_element_type3A, %convert_element_type3A_9, %dot_general3A {dimension_numbers = #tpu.dot_dimension_numbers<[1], [1], [0], [0], [0, 0, 1, 0], [], []>, transpose_lhs_hint = false} : vector<256x128xbf16>, vector<4096x128xbf16>, vector<256x4096xf32> -> vector<256x4096xf32>
    %mul3A = arith.mulf %get3A_3, %get3A_3 : vector<4096x128xf32>
    %reduce_sum3A = arith.constant dense<0.000000e+00> : vector<4096xf32>
    %reduce_sum3A_11 = vector.multi_reduction <add>, %mul3A, %reduce_sum3A [1] : vector<4096x128xf32> to vector<4096xf32>
    %broadcast_in_dim3A = vector.shape_cast %reduce_sum3A_11 : vector<4096xf32> to vector<1x4096xf32>
    %mul3A_12 = arith.mulf %get3A_8, %get3A_8 : vector<256x128xf32>
    %reduce_sum3A_13 = arith.constant dense<0.000000e+00> : vector<256xf32>
    %reduce_sum3A_14 = vector.multi_reduction <add>, %mul3A_12, %reduce_sum3A_13 [1] : vector<256x128xf32> to vector<256xf32>
    %broadcast_in_dim3A_15 = vector.shape_cast %reduce_sum3A_14 : vector<256xf32> to vector<256x1xf32>
    %mul3A_16 = arith.constant 2.000000e+00 : f32
    %mul3A_17 = vector.broadcast %mul3A_16 : f32 to vector<256x4096xf32>
    %mul3A_18 = arith.mulf %mul3A_17, %dot_general3A_10 : vector<256x4096xf32>
    %sub3A = vector.broadcast %broadcast_in_dim3A_15 : vector<256x1xf32> to vector<256x4096xf32>
    %sub3A_19 = arith.subf %mul3A_18, %sub3A : vector<256x4096xf32>
    %sub3A_20 = vector.broadcast %broadcast_in_dim3A : vector<1x4096xf32> to vector<256x4096xf32>
    %sub3A_21 = arith.subf %sub3A_19, %sub3A_20 : vector<256x4096xf32>
    %swap3A = arith.constant 0 : index
    %swap3A_22 = arith.constant 0 : index
    %swap3A_23 = vector.load %arg5[%swap3A, %swap3A_22] : memref<256x4096xf32, #tpu.memory_space<vmem>>, vector<256x4096xf32>
    tpu.vector_store %arg5[%swap3A, %swap3A_22], %sub3A_21 {strides = array<i32>} : memref<256x4096xf32, #tpu.memory_space<vmem>>, vector<256x4096xf32>,
    %iota3A = tpu.iota {dimensions = array<i32: 1>} : vector<256x4096xi32>
    %get3A_24 = arith.constant 0 : index
    %get3A_25 = arith.constant 0 : index
    %get3A_26 = vector.load %arg5[%get3A_24, %get3A_25] : memref<256x4096xf32, #tpu.memory_space<vmem>>, vector<256x4096xf32>
    %reduce_max3A = arith.constant dense<0xFF800000> : vector<256xf32>
    %reduce_max3A_27 = vector.multi_reduction <maximumf>, %get3A_26, %reduce_max3A [1] : vector<256x4096xf32> to vector<256xf32>
    %broadcast_in_dim3A_28 = vector.shape_cast %reduce_max3A_27 : vector<256xf32> to vector<256x1xf32>
    %ge3A = vector.broadcast %broadcast_in_dim3A_28 : vector<256x1xf32> to vector<256x4096xf32>
    %ge3A_29 = arith.cmpf oge, %get3A_26, %ge3A : vector<256x4096xf32>
    %jit3A = arith.constant 4096 : i32
    %broadcast_in_dim3A_30 = vector.broadcast %jit3A : i32 to vector<256x4096xi32>
    %select_n3A = arith.select %ge3A_29, %iota3A, %broadcast_in_dim3A_30 : vector<256x4096xi1>, vector<256x4096xi32>
    %reduce_min3A = arith.constant dense<2147483647> : vector<256xi32>
    %reduce_min3A_31 = vector.multi_reduction <minsi>, %select_n3A, %reduce_min3A [1] : vector<256x4096xi32> to vector<256xi32>
    %broadcast_in_dim3A_32 = vector.shape_cast %reduce_min3A_31 : vector<256xi32> to vector<256x1xi32>
    %mul3A_33 = arith.constant 4096 : i32
    %mul3A_34 = arith.muli %arg0, %mul3A_33 : i32
    %add3A = vector.broadcast %mul3A_34 : i32 to vector<256x1xi32>
    %add3A_35 = arith.addi %broadcast_in_dim3A_32, %add3A : vector<256x1xi32>
    %swap3A_36 = arith.constant 0 : index
    %swap3A_37 = arith.constant 0 : index
    %swap3A_38 = arith.constant 0 : index
    %swap3A_39 = vector.load %arg4[%swap3A_36, %swap3A_37, %swap3A_38] : memref<1x256x20xi32, #tpu.memory_space<vmem>>, vector<1x256x1xi32>
    %swap3A_40 = vector.shape_cast %swap3A_39 : vector<1x256x1xi32> to vector<256x1xi32>
    %swap3A_41 = vector.shape_cast %add3A_35 : vector<256x1xi32> to vector<1x256x1xi32>
    tpu.vector_store %arg4[%swap3A_36, %swap3A_37, %swap3A_38], %swap3A_41 {strides = array<i32>} : memref<1x256x20xi32, #tpu.memory_space<vmem>>, vector<1x256x1xi32>,
    %eq3A = vector.broadcast %broadcast_in_dim3A_32 : vector<256x1xi32> to vector<256x4096xi32>
    %eq3A_42 = arith.cmpi eq, %iota3A, %eq3A : vector<256x4096xi32>
    %and3A = arith.andi %ge3A_29, %eq3A_42 : vector<256x4096xi1>
    %jit3A_43 = arith.constant 0xFF800000 : f32
    %broadcast_in_dim3A_44 = vector.broadcast %jit3A_43 : f32 to vector<256x4096xf32>
    %select_n3A_45 = arith.select %and3A, %broadcast_in_dim3A_44, %get3A_26 : vector<256x4096xi1>, vector<256x4096xf32>
    %swap3A_46 = arith.constant 0 : index
    %swap3A_47 = arith.constant 0 : index
    %swap3A_48 = vector.load %arg5[%swap3A_46, %swap3A_47] : memref<256x4096xf32, #tpu.memory_space<vmem>>, vector<256x4096xf32>
    tpu.vector_store %arg5[%swap3A_46, %swap3A_47], %select_n3A_45 {strides = array<i32>} : memref<256x4096xf32, #tpu.memory_space<vmem>>, vector<256x4096xf32>,
    %get3A_49 = arith.constant 0 : index
    %get3A_50 = arith.constant 0 : index
    %get3A_51 = vector.load %arg5[%get3A_49, %get3A_50] : memref<256x4096xf32, #tpu.memory_space<vmem>>, vector<256x4096xf32>
    %reduce_max3A_52 = arith.constant dense<0xFF800000> : vector<256xf32>
    %reduce_max3A_53 = vector.multi_reduction <maximumf>, %get3A_51, %reduce_max3A_52 [1] : vector<256x4096xf32> to vector<256xf32>
    %broadcast_in_dim3A_54 = vector.shape_cast %reduce_max3A_53 : vector<256xf32> to vector<256x1xf32>
    %ge3A_55 = vector.broadcast %broadcast_in_dim3A_54 : vector<256x1xf32> to vector<256x4096xf32>
    %ge3A_56 = arith.cmpf oge, %get3A_51, %ge3A_55 : vector<256x4096xf32>
    %jit3A_57 = arith.constant 4096 : i32
    %broadcast_in_dim3A_58 = vector.broadcast %jit3A_57 : i32 to vector<256x4096xi32>
    %select_n3A_59 = arith.select %ge3A_56, %iota3A, %broadcast_in_dim3A_58 : vector<256x4096xi1>, vector<256x4096xi32>
    %reduce_min3A_60 = arith.constant dense<2147483647> : vector<256xi32>
    %reduce_min3A_61 = vector.multi_reduction <minsi>, %select_n3A_59, %reduce_min3A_60 [1] : vector<256x4096xi32> to vector<256xi32>
    %broadcast_in_dim3A_62 = vector.shape_cast %reduce_min3A_61 : vector<256xi32> to vector<256x1xi32>
    %mul3A_63 = arith.constant 4096 : i32
    %mul3A_64 = arith.muli %arg0, %mul3A_63 : i32
    %add3A_65 = vector.broadcast %mul3A_64 : i32 to vector<256x1xi32>
    %add3A_66 = arith.addi %broadcast_in_dim3A_62, %add3A_65 : vector<256x1xi32>
    %swap3A_67 = arith.constant 0 : index
    %swap3A_68 = arith.constant 0 : index
    %swap3A_69 = arith.constant 1 : index
    %swap3A_70 = vector.load %arg4[%swap3A_67, %swap3A_68, %swap3A_69] : memref<1x256x20xi32, #tpu.memory_space<vmem>>, vector<1x256x1xi32>
    %swap3A_71 = vector.shape_cast %swap3A_70 : vector<1x256x1xi32> to vector<256x1xi32>
    %swap3A_72 = vector.shape_cast %add3A_66 : vector<256x1xi32> to vector<1x256x1xi32>
    tpu.vector_store %arg4[%swap3A_67, %swap3A_68, %swap3A_69], %swap3A_72 {strides = array<i32>} : memref<1x256x20xi32, #tpu.memory_space<vmem>>, vector<1x256x1xi32>,
    %eq3A_73 = vector.broadcast %broadcast_in_dim3A_62 : vector<256x1xi32> to vector<256x4096xi32>
    %eq3A_74 = arith.cmpi eq, %iota3A, %eq3A_73 : vector<256x4096xi32>
    %and3A_75 = arith.andi %ge3A_56, %eq3A_74 : vector<256x4096xi1>
    %jit3A_76 = arith.constant 0xFF800000 : f32
    %broadcast_in_dim3A_77 = vector.broadcast %jit3A_76 : f32 to vector<256x4096xf32>
    %select_n3A_78 = arith.select %and3A_75, %broadcast_in_dim3A_77, %get3A_51 : vector<256x4096xi1>, vector<256x4096xf32>
    %swap3A_79 = arith.constant 0 : index
    %swap3A_80 = arith.constant 0 : index
    %swap3A_81 = vector.load %arg5[%swap3A_79, %swap3A_80] : memref<256x4096xf32, #tpu.memory_space<vmem>>, vector<256x4096xf32>
    tpu.vector_store %arg5[%swap3A_79, %swap3A_80], %select_n3A_78 {strides = array<i32>} : memref<256x4096xf32, #tpu.memory_space<vmem>>, vector<256x4096xf32>,
    %get3A_82 = arith.constant 0 : index
    %get3A_83 = arith.constant 0 : index
    %get3A_84 = vector.load %arg5[%get3A_82, %get3A_83] : memref<256x4096xf32, #tpu.memory_space<vmem>>, vector<256x4096xf32>
    %reduce_max3A_85 = arith.constant dense<0xFF800000> : vector<256xf32>
    %reduce_max3A_86 = vector.multi_reduction <maximumf>, %get3A_84, %reduce_max3A_85 [1] : vector<256x4096xf32> to vector<256xf32>
    %broadcast_in_dim3A_87 = vector.shape_cast %reduce_max3A_86 : vector<256xf32> to vector<256x1xf32>
    %ge3A_88 = vector.broadcast %broadcast_in_dim3A_87 : vector<256x1xf32> to vector<256x4096xf32>
    %ge3A_89 = arith.cmpf oge, %get3A_84, %ge3A_88 : vector<256x4096xf32>
    %jit3A_90 = arith.constant 4096 : i32
    %broadcast_in_dim3A_91 = vector.broadcast %jit3A_90 : i32 to vector<256x4096xi32>
    %select_n3A_92 = arith.select %ge3A_89, %iota3A, %broadcast_in_dim3A_91 : vector<256x4096xi1>, vector<256x4096xi32>
    %reduce_min3A_93 = arith.constant dense<2147483647> : vector<256xi32>
    %reduce_min3A_94 = vector.multi_reduction <minsi>, %select_n3A_92, %reduce_min3A_93 [1] : vector<256x4096xi32> to vector<256xi32>
    %broadcast_in_dim3A_95 = vector.shape_cast %reduce_min3A_94 : vector<256xi32> to vector<256x1xi32>
    %mul3A_96 = arith.constant 4096 : i32
    %mul3A_97 = arith.muli %arg0, %mul3A_96 : i32
    %add3A_98 = vector.broadcast %mul3A_97 : i32 to vector<256x1xi32>
    %add3A_99 = arith.addi %broadcast_in_dim3A_95, %add3A_98 : vector<256x1xi32>
    %swap3A_100 = arith.constant 0 : index
    %swap3A_101 = arith.constant 0 : index
    %swap3A_102 = arith.constant 2 : index
    %swap3A_103 = vector.load %arg4[%swap3A_100, %swap3A_101, %swap3A_102] : memref<1x256x20xi32, #tpu.memory_space<vmem>>, vector<1x256x1xi32>
    %swap3A_104 = vector.shape_cast %swap3A_103 : vector<1x256x1xi32> to vector<256x1xi32>
    %swap3A_105 = vector.shape_cast %add3A_99 : vector<256x1xi32> to vector<1x256x1xi32>
    tpu.vector_store %arg4[%swap3A_100, %swap3A_101, %swap3A_102], %swap3A_105 {strides = array<i32>} : memref<1x256x20xi32, #tpu.memory_space<vmem>>, vector<1x256x1xi32>,
    %eq3A_106 = vector.broadcast %broadcast_in_dim3A_95 : vector<256x1xi32> to vector<256x4096xi32>
    %eq3A_107 = arith.cmpi eq, %iota3A, %eq3A_106 : vector<256x4096xi32>
    %and3A_108 = arith.andi %ge3A_89, %eq3A_107 : vector<256x4096xi1>
    %jit3A_109 = arith.constant 0xFF800000 : f32
    %broadcast_in_dim3A_110 = vector.broadcast %jit3A_109 : f32 to vector<256x4096xf32>
    %select_n3A_111 = arith.select %and3A_108, %broadcast_in_dim3A_110, %get3A_84 : vector<256x4096xi1>, vector<256x4096xf32>
    %swap3A_112 = arith.constant 0 : index
    %swap3A_113 = arith.constant 0 : index
    %swap3A_114 = vector.load %arg5[%swap3A_112, %swap3A_113] : memref<256x4096xf32, #tpu.memory_space<vmem>>, vector<256x4096xf32>
    tpu.vector_store %arg5[%swap3A_112, %swap3A_113], %select_n3A_111 {strides = array<i32>} : memref<256x4096xf32, #tpu.memory_space<vmem>>, vector<256x4096xf32>,
    %get3A_115 = arith.constant 0 : index
    %get3A_116 = arith.constant 0 : index
    %get3A_117 = vector.load %arg5[%get3A_115, %get3A_116] : memref<256x4096xf32, #tpu.memory_space<vmem>>, vector<256x4096xf32>
    %reduce_max3A_118 = arith.constant dense<0xFF800000> : vector<256xf32>
    %reduce_max3A_119 = vector.multi_reduction <maximumf>, %get3A_117, %reduce_max3A_118 [1] : vector<256x4096xf32> to vector<256xf32>
    %broadcast_in_dim3A_120 = vector.shape_cast %reduce_max3A_119 : vector<256xf32> to vector<256x1xf32>
    %ge3A_121 = vector.broadcast %broadcast_in_dim3A_120 : vector<256x1xf32> to vector<256x4096xf32>
    %ge3A_122 = arith.cmpf oge, %get3A_117, %ge3A_121 : vector<256x4096xf32>
    %jit3A_123 = arith.constant 4096 : i32
    %broadcast_in_dim3A_124 = vector.broadcast %jit3A_123 : i32 to vector<256x4096xi32>
    %select_n3A_125 = arith.select %ge3A_122, %iota3A, %broadcast_in_dim3A_124 : vector<256x4096xi1>, vector<256x4096xi32>
    %reduce_min3A_126 = arith.constant dense<2147483647> : vector<256xi32>
    %reduce_min3A_127 = vector.multi_reduction <minsi>, %select_n3A_125, %reduce_min3A_126 [1] : vector<256x4096xi32> to vector<256xi32>
    %broadcast_in_dim3A_128 = vector.shape_cast %reduce_min3A_127 : vector<256xi32> to vector<256x1xi32>
    %mul3A_129 = arith.constant 4096 : i32
    %mul3A_130 = arith.muli %arg0, %mul3A_129 : i32
    %add3A_131 = vector.broadcast %mul3A_130 : i32 to vector<256x1xi32>
    %add3A_132 = arith.addi %broadcast_in_dim3A_128, %add3A_131 : vector<256x1xi32>
    %swap3A_133 = arith.constant 0 : index
    %swap3A_134 = arith.constant 0 : index
    %swap3A_135 = arith.constant 3 : index
    %swap3A_136 = vector.load %arg4[%swap3A_133, %swap3A_134, %swap3A_135] : memref<1x256x20xi32, #tpu.memory_space<vmem>>, vector<1x256x1xi32>
    %swap3A_137 = vector.shape_cast %swap3A_136 : vector<1x256x1xi32> to vector<256x1xi32>
    %swap3A_138 = vector.shape_cast %add3A_132 : vector<256x1xi32> to vector<1x256x1xi32>
    tpu.vector_store %arg4[%swap3A_133, %swap3A_134, %swap3A_135], %swap3A_138 {strides = array<i32>} : memref<1x256x20xi32, #tpu.memory_space<vmem>>, vector<1x256x1xi32>,
    %eq3A_139 = vector.broadcast %broadcast_in_dim3A_128 : vector<256x1xi32> to vector<256x4096xi32>
    %eq3A_140 = arith.cmpi eq, %iota3A, %eq3A_139 : vector<256x4096xi32>
    %and3A_141 = arith.andi %ge3A_122, %eq3A_140 : vector<256x4096xi1>
    %jit3A_142 = arith.constant 0xFF800000 : f32
    %broadcast_in_dim3A_143 = vector.broadcast %jit3A_142 : f32 to vector<256x4096xf32>
    %select_n3A_144 = arith.select %and3A_141, %broadcast_in_dim3A_143, %get3A_117 : vector<256x4096xi1>, vector<256x4096xf32>
    %swap3A_145 = arith.constant 0 : index
    %swap3A_146 = arith.constant 0 : index
    %swap3A_147 = vector.load %arg5[%swap3A_145, %swap3A_146] : memref<256x4096xf32, #tpu.memory_space<vmem>>, vector<256x4096xf32>
    tpu.vector_store %arg5[%swap3A_145, %swap3A_146], %select_n3A_144 {strides = array<i32>} : memref<256x4096xf32, #tpu.memory_space<vmem>>, vector<256x4096xf32>,
    %get3A_148 = arith.constant 0 : index
    %get3A_149 = arith.constant 0 : index
    %get3A_150 = vector.load %arg5[%get3A_148, %get3A_149] : memref<256x4096xf32, #tpu.memory_space<vmem>>, vector<256x4096xf32>
    %reduce_max3A_151 = arith.constant dense<0xFF800000> : vector<256xf32>
    %reduce_max3A_152 = vector.multi_reduction <maximumf>, %get3A_150, %reduce_max3A_151 [1] : vector<256x4096xf32> to vector<256xf32>
    %broadcast_in_dim3A_153 = vector.shape_cast %reduce_max3A_152 : vector<256xf32> to vector<256x1xf32>
    %ge3A_154 = vector.broadcast %broadcast_in_dim3A_153 : vector<256x1xf32> to vector<256x4096xf32>
    %ge3A_155 = arith.cmpf oge, %get3A_150, %ge3A_154 : vector<256x4096xf32>
    %jit3A_156 = arith.constant 4096 : i32
    %broadcast_in_dim3A_157 = vector.broadcast %jit3A_156 : i32 to vector<256x4096xi32>
    %select_n3A_158 = arith.select %ge3A_155, %iota3A, %broadcast_in_dim3A_157 : vector<256x4096xi1>, vector<256x4096xi32>
    %reduce_min3A_159 = arith.constant dense<2147483647> : vector<256xi32>
    %reduce_min3A_160 = vector.multi_reduction <minsi>, %select_n3A_158, %reduce_min3A_159 [1] : vector<256x4096xi32> to vector<256xi32>
    %broadcast_in_dim3A_161 = vector.shape_cast %reduce_min3A_160 : vector<256xi32> to vector<256x1xi32>
    %mul3A_162 = arith.constant 4096 : i32
    %mul3A_163 = arith.muli %arg0, %mul3A_162 : i32
    %add3A_164 = vector.broadcast %mul3A_163 : i32 to vector<256x1xi32>
    %add3A_165 = arith.addi %broadcast_in_dim3A_161, %add3A_164 : vector<256x1xi32>
    %swap3A_166 = arith.constant 0 : index
    %swap3A_167 = arith.constant 0 : index
    %swap3A_168 = arith.constant 4 : index
    %swap3A_169 = vector.load %arg4[%swap3A_166, %swap3A_167, %swap3A_168] : memref<1x256x20xi32, #tpu.memory_space<vmem>>, vector<1x256x1xi32>
    %swap3A_170 = vector.shape_cast %swap3A_169 : vector<1x256x1xi32> to vector<256x1xi32>
    %swap3A_171 = vector.shape_cast %add3A_165 : vector<256x1xi32> to vector<1x256x1xi32>
    tpu.vector_store %arg4[%swap3A_166, %swap3A_167, %swap3A_168], %swap3A_171 {strides = array<i32>} : memref<1x256x20xi32, #tpu.memory_space<vmem>>, vector<1x256x1xi32>,
    %eq3A_172 = vector.broadcast %broadcast_in_dim3A_161 : vector<256x1xi32> to vector<256x4096xi32>
    %eq3A_173 = arith.cmpi eq, %iota3A, %eq3A_172 : vector<256x4096xi32>
    %and3A_174 = arith.andi %ge3A_155, %eq3A_173 : vector<256x4096xi1>
    %jit3A_175 = arith.constant 0xFF800000 : f32
    %broadcast_in_dim3A_176 = vector.broadcast %jit3A_175 : f32 to vector<256x4096xf32>
    %select_n3A_177 = arith.select %and3A_174, %broadcast_in_dim3A_176, %get3A_150 : vector<256x4096xi1>, vector<256x4096xf32>
    %swap3A_178 = arith.constant 0 : index
    %swap3A_179 = arith.constant 0 : index
    %swap3A_180 = vector.load %arg5[%swap3A_178, %swap3A_179] : memref<256x4096xf32, #tpu.memory_space<vmem>>, vector<256x4096xf32>
    tpu.vector_store %arg5[%swap3A_178, %swap3A_179], %select_n3A_177 {strides = array<i32>} : memref<256x4096xf32, #tpu.memory_space<vmem>>, vector<256x4096xf32>,
    %get3A_181 = arith.constant 0 : index
    %get3A_182 = arith.constant 0 : index
    %get3A_183 = vector.load %arg5[%get3A_181, %get3A_182] : memref<256x4096xf32, #tpu.memory_space<vmem>>, vector<256x4096xf32>
    %reduce_max3A_184 = arith.constant dense<0xFF800000> : vector<256xf32>
    %reduce_max3A_185 = vector.multi_reduction <maximumf>, %get3A_183, %reduce_max3A_184 [1] : vector<256x4096xf32> to vector<256xf32>
    %broadcast_in_dim3A_186 = vector.shape_cast %reduce_max3A_185 : vector<256xf32> to vector<256x1xf32>
    %ge3A_187 = vector.broadcast %broadcast_in_dim3A_186 : vector<256x1xf32> to vector<256x4096xf32>
    %ge3A_188 = arith.cmpf oge, %get3A_183, %ge3A_187 : vector<256x4096xf32>
    %jit3A_189 = arith.constant 4096 : i32
    %broadcast_in_dim3A_190 = vector.broadcast %jit3A_189 : i32 to vector<256x4096xi32>
    %select_n3A_191 = arith.select %ge3A_188, %iota3A, %broadcast_in_dim3A_190 : vector<256x4096xi1>, vector<256x4096xi32>
    %reduce_min3A_192 = arith.constant dense<2147483647> : vector<256xi32>
    %reduce_min3A_193 = vector.multi_reduction <minsi>, %select_n3A_191, %reduce_min3A_192 [1] : vector<256x4096xi32> to vector<256xi32>
    %broadcast_in_dim3A_194 = vector.shape_cast %reduce_min3A_193 : vector<256xi32> to vector<256x1xi32>
    %mul3A_195 = arith.constant 4096 : i32
    %mul3A_196 = arith.muli %arg0, %mul3A_195 : i32
    %add3A_197 = vector.broadcast %mul3A_196 : i32 to vector<256x1xi32>
    %add3A_198 = arith.addi %broadcast_in_dim3A_194, %add3A_197 : vector<256x1xi32>
    %swap3A_199 = arith.constant 0 : index
    %swap3A_200 = arith.constant 0 : index
    %swap3A_201 = arith.constant 5 : index
    %swap3A_202 = vector.load %arg4[%swap3A_199, %swap3A_200, %swap3A_201] : memref<1x256x20xi32, #tpu.memory_space<vmem>>, vector<1x256x1xi32>
    %swap3A_203 = vector.shape_cast %swap3A_202 : vector<1x256x1xi32> to vector<256x1xi32>
    %swap3A_204 = vector.shape_cast %add3A_198 : vector<256x1xi32> to vector<1x256x1xi32>
    tpu.vector_store %arg4[%swap3A_199, %swap3A_200, %swap3A_201], %swap3A_204 {strides = array<i32>} : memref<1x256x20xi32, #tpu.memory_space<vmem>>, vector<1x256x1xi32>,
    %eq3A_205 = vector.broadcast %broadcast_in_dim3A_194 : vector<256x1xi32> to vector<256x4096xi32>
    %eq3A_206 = arith.cmpi eq, %iota3A, %eq3A_205 : vector<256x4096xi32>
    %and3A_207 = arith.andi %ge3A_188, %eq3A_206 : vector<256x4096xi1>
    %jit3A_208 = arith.constant 0xFF800000 : f32
    %broadcast_in_dim3A_209 = vector.broadcast %jit3A_208 : f32 to vector<256x4096xf32>
    %select_n3A_210 = arith.select %and3A_207, %broadcast_in_dim3A_209, %get3A_183 : vector<256x4096xi1>, vector<256x4096xf32>
    %swap3A_211 = arith.constant 0 : index
    %swap3A_212 = arith.constant 0 : index
    %swap3A_213 = vector.load %arg5[%swap3A_211, %swap3A_212] : memref<256x4096xf32, #tpu.memory_space<vmem>>, vector<256x4096xf32>
    tpu.vector_store %arg5[%swap3A_211, %swap3A_212], %select_n3A_210 {strides = array<i32>} : memref<256x4096xf32, #tpu.memory_space<vmem>>, vector<256x4096xf32>,
    %get3A_214 = arith.constant 0 : index
    %get3A_215 = arith.constant 0 : index
    %get3A_216 = vector.load %arg5[%get3A_214, %get3A_215] : memref<256x4096xf32, #tpu.memory_space<vmem>>, vector<256x4096xf32>
    %reduce_max3A_217 = arith.constant dense<0xFF800000> : vector<256xf32>
    %reduce_max3A_218 = vector.multi_reduction <maximumf>, %get3A_216, %reduce_max3A_217 [1] : vector<256x4096xf32> to vector<256xf32>
    %broadcast_in_dim3A_219 = vector.shape_cast %reduce_max3A_218 : vector<256xf32> to vector<256x1xf32>
    %ge3A_220 = vector.broadcast %broadcast_in_dim3A_219 : vector<256x1xf32> to vector<256x4096xf32>
    %ge3A_221 = arith.cmpf oge, %get3A_216, %ge3A_220 : vector<256x4096xf32>
    %jit3A_222 = arith.constant 4096 : i32
    %broadcast_in_dim3A_223 = vector.broadcast %jit3A_222 : i32 to vector<256x4096xi32>
    %select_n3A_224 = arith.select %ge3A_221, %iota3A, %broadcast_in_dim3A_223 : vector<256x4096xi1>, vector<256x4096xi32>
    %reduce_min3A_225 = arith.constant dense<2147483647> : vector<256xi32>
    %reduce_min3A_226 = vector.multi_reduction <minsi>, %select_n3A_224, %reduce_min3A_225 [1] : vector<256x4096xi32> to vector<256xi32>
    %broadcast_in_dim3A_227 = vector.shape_cast %reduce_min3A_226 : vector<256xi32> to vector<256x1xi32>
    %mul3A_228 = arith.constant 4096 : i32
    %mul3A_229 = arith.muli %arg0, %mul3A_228 : i32
    %add3A_230 = vector.broadcast %mul3A_229 : i32 to vector<256x1xi32>
    %add3A_231 = arith.addi %broadcast_in_dim3A_227, %add3A_230 : vector<256x1xi32>
    %swap3A_232 = arith.constant 0 : index
    %swap3A_233 = arith.constant 0 : index
    %swap3A_234 = arith.constant 6 : index
    %swap3A_235 = vector.load %arg4[%swap3A_232, %swap3A_233, %swap3A_234] : memref<1x256x20xi32, #tpu.memory_space<vmem>>, vector<1x256x1xi32>
    %swap3A_236 = vector.shape_cast %swap3A_235 : vector<1x256x1xi32> to vector<256x1xi32>
    %swap3A_237 = vector.shape_cast %add3A_231 : vector<256x1xi32> to vector<1x256x1xi32>
    tpu.vector_store %arg4[%swap3A_232, %swap3A_233, %swap3A_234], %swap3A_237 {strides = array<i32>} : memref<1x256x20xi32, #tpu.memory_space<vmem>>, vector<1x256x1xi32>,
    %eq3A_238 = vector.broadcast %broadcast_in_dim3A_227 : vector<256x1xi32> to vector<256x4096xi32>
    %eq3A_239 = arith.cmpi eq, %iota3A, %eq3A_238 : vector<256x4096xi32>
    %and3A_240 = arith.andi %ge3A_221, %eq3A_239 : vector<256x4096xi1>
    %jit3A_241 = arith.constant 0xFF800000 : f32
    %broadcast_in_dim3A_242 = vector.broadcast %jit3A_241 : f32 to vector<256x4096xf32>
    %select_n3A_243 = arith.select %and3A_240, %broadcast_in_dim3A_242, %get3A_216 : vector<256x4096xi1>, vector<256x4096xf32>
    %swap3A_244 = arith.constant 0 : index
    %swap3A_245 = arith.constant 0 : index
    %swap3A_246 = vector.load %arg5[%swap3A_244, %swap3A_245] : memref<256x4096xf32, #tpu.memory_space<vmem>>, vector<256x4096xf32>
    tpu.vector_store %arg5[%swap3A_244, %swap3A_245], %select_n3A_243 {strides = array<i32>} : memref<256x4096xf32, #tpu.memory_space<vmem>>, vector<256x4096xf32>,
    %get3A_247 = arith.constant 0 : index
    %get3A_248 = arith.constant 0 : index
    %get3A_249 = vector.load %arg5[%get3A_247, %get3A_248] : memref<256x4096xf32, #tpu.memory_space<vmem>>, vector<256x4096xf32>
    %reduce_max3A_250 = arith.constant dense<0xFF800000> : vector<256xf32>
    %reduce_max3A_251 = vector.multi_reduction <maximumf>, %get3A_249, %reduce_max3A_250 [1] : vector<256x4096xf32> to vector<256xf32>
    %broadcast_in_dim3A_252 = vector.shape_cast %reduce_max3A_251 : vector<256xf32> to vector<256x1xf32>
    %ge3A_253 = vector.broadcast %broadcast_in_dim3A_252 : vector<256x1xf32> to vector<256x4096xf32>
    %ge3A_254 = arith.cmpf oge, %get3A_249, %ge3A_253 : vector<256x4096xf32>
    %jit3A_255 = arith.constant 4096 : i32
    %broadcast_in_dim3A_256 = vector.broadcast %jit3A_255 : i32 to vector<256x4096xi32>
    %select_n3A_257 = arith.select %ge3A_254, %iota3A, %broadcast_in_dim3A_256 : vector<256x4096xi1>, vector<256x4096xi32>
    %reduce_min3A_258 = arith.constant dense<2147483647> : vector<256xi32>
    %reduce_min3A_259 = vector.multi_reduction <minsi>, %select_n3A_257, %reduce_min3A_258 [1] : vector<256x4096xi32> to vector<256xi32>
    %broadcast_in_dim3A_260 = vector.shape_cast %reduce_min3A_259 : vector<256xi32> to vector<256x1xi32>
    %mul3A_261 = arith.constant 4096 : i32
    %mul3A_262 = arith.muli %arg0, %mul3A_261 : i32
    %add3A_263 = vector.broadcast %mul3A_262 : i32 to vector<256x1xi32>
    %add3A_264 = arith.addi %broadcast_in_dim3A_260, %add3A_263 : vector<256x1xi32>
    %swap3A_265 = arith.constant 0 : index
    %swap3A_266 = arith.constant 0 : index
    %swap3A_267 = arith.constant 7 : index
    %swap3A_268 = vector.load %arg4[%swap3A_265, %swap3A_266, %swap3A_267] : memref<1x256x20xi32, #tpu.memory_space<vmem>>, vector<1x256x1xi32>
    %swap3A_269 = vector.shape_cast %swap3A_268 : vector<1x256x1xi32> to vector<256x1xi32>
    %swap3A_270 = vector.shape_cast %add3A_264 : vector<256x1xi32> to vector<1x256x1xi32>
    tpu.vector_store %arg4[%swap3A_265, %swap3A_266, %swap3A_267], %swap3A_270 {strides = array<i32>} : memref<1x256x20xi32, #tpu.memory_space<vmem>>, vector<1x256x1xi32>,
    %eq3A_271 = vector.broadcast %broadcast_in_dim3A_260 : vector<256x1xi32> to vector<256x4096xi32>
    %eq3A_272 = arith.cmpi eq, %iota3A, %eq3A_271 : vector<256x4096xi32>
    %and3A_273 = arith.andi %ge3A_254, %eq3A_272 : vector<256x4096xi1>
    %jit3A_274 = arith.constant 0xFF800000 : f32
    %broadcast_in_dim3A_275 = vector.broadcast %jit3A_274 : f32 to vector<256x4096xf32>
    %select_n3A_276 = arith.select %and3A_273, %broadcast_in_dim3A_275, %get3A_249 : vector<256x4096xi1>, vector<256x4096xf32>
    %swap3A_277 = arith.constant 0 : index
    %swap3A_278 = arith.constant 0 : index
    %swap3A_279 = vector.load %arg5[%swap3A_277, %swap3A_278] : memref<256x4096xf32, #tpu.memory_space<vmem>>, vector<256x4096xf32>
    tpu.vector_store %arg5[%swap3A_277, %swap3A_278], %select_n3A_276 {strides = array<i32>} : memref<256x4096xf32, #tpu.memory_space<vmem>>, vector<256x4096xf32>,
    %get3A_280 = arith.constant 0 : index
    %get3A_281 = arith.constant 0 : index
    %get3A_282 = vector.load %arg5[%get3A_280, %get3A_281] : memref<256x4096xf32, #tpu.memory_space<vmem>>, vector<256x4096xf32>
    %reduce_max3A_283 = arith.constant dense<0xFF800000> : vector<256xf32>
    %reduce_max3A_284 = vector.multi_reduction <maximumf>, %get3A_282, %reduce_max3A_283 [1] : vector<256x4096xf32> to vector<256xf32>
    %broadcast_in_dim3A_285 = vector.shape_cast %reduce_max3A_284 : vector<256xf32> to vector<256x1xf32>
    %ge3A_286 = vector.broadcast %broadcast_in_dim3A_285 : vector<256x1xf32> to vector<256x4096xf32>
    %ge3A_287 = arith.cmpf oge, %get3A_282, %ge3A_286 : vector<256x4096xf32>
    %jit3A_288 = arith.constant 4096 : i32
    %broadcast_in_dim3A_289 = vector.broadcast %jit3A_288 : i32 to vector<256x4096xi32>
    %select_n3A_290 = arith.select %ge3A_287, %iota3A, %broadcast_in_dim3A_289 : vector<256x4096xi1>, vector<256x4096xi32>
    %reduce_min3A_291 = arith.constant dense<2147483647> : vector<256xi32>
    %reduce_min3A_292 = vector.multi_reduction <minsi>, %select_n3A_290, %reduce_min3A_291 [1] : vector<256x4096xi32> to vector<256xi32>
    %broadcast_in_dim3A_293 = vector.shape_cast %reduce_min3A_292 : vector<256xi32> to vector<256x1xi32>
    %mul3A_294 = arith.constant 4096 : i32
    %mul3A_295 = arith.muli %arg0, %mul3A_294 : i32
    %add3A_296 = vector.broadcast %mul3A_295 : i32 to vector<256x1xi32>
    %add3A_297 = arith.addi %broadcast_in_dim3A_293, %add3A_296 : vector<256x1xi32>
    %swap3A_298 = arith.constant 0 : index
    %swap3A_299 = arith.constant 0 : index
    %swap3A_300 = arith.constant 8 : index
    %swap3A_301 = vector.load %arg4[%swap3A_298, %swap3A_299, %swap3A_300] : memref<1x256x20xi32, #tpu.memory_space<vmem>>, vector<1x256x1xi32>
    %swap3A_302 = vector.shape_cast %swap3A_301 : vector<1x256x1xi32> to vector<256x1xi32>
    %swap3A_303 = vector.shape_cast %add3A_297 : vector<256x1xi32> to vector<1x256x1xi32>
    tpu.vector_store %arg4[%swap3A_298, %swap3A_299, %swap3A_300], %swap3A_303 {strides = array<i32>} : memref<1x256x20xi32, #tpu.memory_space<vmem>>, vector<1x256x1xi32>,
    %eq3A_304 = vector.broadcast %broadcast_in_dim3A_293 : vector<256x1xi32> to vector<256x4096xi32>
    %eq3A_305 = arith.cmpi eq, %iota3A, %eq3A_304 : vector<256x4096xi32>
    %and3A_306 = arith.andi %ge3A_287, %eq3A_305 : vector<256x4096xi1>
    %jit3A_307 = arith.constant 0xFF800000 : f32
    %broadcast_in_dim3A_308 = vector.broadcast %jit3A_307 : f32 to vector<256x4096xf32>
    %select_n3A_309 = arith.select %and3A_306, %broadcast_in_dim3A_308, %get3A_282 : vector<256x4096xi1>, vector<256x4096xf32>
    %swap3A_310 = arith.constant 0 : index
    %swap3A_311 = arith.constant 0 : index
    %swap3A_312 = vector.load %arg5[%swap3A_310, %swap3A_311] : memref<256x4096xf32, #tpu.memory_space<vmem>>, vector<256x4096xf32>
    tpu.vector_store %arg5[%swap3A_310, %swap3A_311], %select_n3A_309 {strides = array<i32>} : memref<256x4096xf32, #tpu.memory_space<vmem>>, vector<256x4096xf32>,
    %get3A_313 = arith.constant 0 : index
    %get3A_314 = arith.constant 0 : index
    %get3A_315 = vector.load %arg5[%get3A_313, %get3A_314] : memref<256x4096xf32, #tpu.memory_space<vmem>>, vector<256x4096xf32>
    %reduce_max3A_316 = arith.constant dense<0xFF800000> : vector<256xf32>
    %reduce_max3A_317 = vector.multi_reduction <maximumf>, %get3A_315, %reduce_max3A_316 [1] : vector<256x4096xf32> to vector<256xf32>
    %broadcast_in_dim3A_318 = vector.shape_cast %reduce_max3A_317 : vector<256xf32> to vector<256x1xf32>
    %ge3A_319 = vector.broadcast %broadcast_in_dim3A_318 : vector<256x1xf32> to vector<256x4096xf32>
    %ge3A_320 = arith.cmpf oge, %get3A_315, %ge3A_319 : vector<256x4096xf32>
    %jit3A_321 = arith.constant 4096 : i32
    %broadcast_in_dim3A_322 = vector.broadcast %jit3A_321 : i32 to vector<256x4096xi32>
    %select_n3A_323 = arith.select %ge3A_320, %iota3A, %broadcast_in_dim3A_322 : vector<256x4096xi1>, vector<256x4096xi32>
    %reduce_min3A_324 = arith.constant dense<2147483647> : vector<256xi32>
    %reduce_min3A_325 = vector.multi_reduction <minsi>, %select_n3A_323, %reduce_min3A_324 [1] : vector<256x4096xi32> to vector<256xi32>
    %broadcast_in_dim3A_326 = vector.shape_cast %reduce_min3A_325 : vector<256xi32> to vector<256x1xi32>
    %mul3A_327 = arith.constant 4096 : i32
    %mul3A_328 = arith.muli %arg0, %mul3A_327 : i32
    %add3A_329 = vector.broadcast %mul3A_328 : i32 to vector<256x1xi32>
    %add3A_330 = arith.addi %broadcast_in_dim3A_326, %add3A_329 : vector<256x1xi32>
    %swap3A_331 = arith.constant 0 : index
    %swap3A_332 = arith.constant 0 : index
    %swap3A_333 = arith.constant 9 : index
    %swap3A_334 = vector.load %arg4[%swap3A_331, %swap3A_332, %swap3A_333] : memref<1x256x20xi32, #tpu.memory_space<vmem>>, vector<1x256x1xi32>
    %swap3A_335 = vector.shape_cast %swap3A_334 : vector<1x256x1xi32> to vector<256x1xi32>
    %swap3A_336 = vector.shape_cast %add3A_330 : vector<256x1xi32> to vector<1x256x1xi32>
    tpu.vector_store %arg4[%swap3A_331, %swap3A_332, %swap3A_333], %swap3A_336 {strides = array<i32>} : memref<1x256x20xi32, #tpu.memory_space<vmem>>, vector<1x256x1xi32>,
    %eq3A_337 = vector.broadcast %broadcast_in_dim3A_326 : vector<256x1xi32> to vector<256x4096xi32>
    %eq3A_338 = arith.cmpi eq, %iota3A, %eq3A_337 : vector<256x4096xi32>
    %and3A_339 = arith.andi %ge3A_320, %eq3A_338 : vector<256x4096xi1>
    %jit3A_340 = arith.constant 0xFF800000 : f32
    %broadcast_in_dim3A_341 = vector.broadcast %jit3A_340 : f32 to vector<256x4096xf32>
    %select_n3A_342 = arith.select %and3A_339, %broadcast_in_dim3A_341, %get3A_315 : vector<256x4096xi1>, vector<256x4096xf32>
    %swap3A_343 = arith.constant 0 : index
    %swap3A_344 = arith.constant 0 : index
    %swap3A_345 = vector.load %arg5[%swap3A_343, %swap3A_344] : memref<256x4096xf32, #tpu.memory_space<vmem>>, vector<256x4096xf32>
    tpu.vector_store %arg5[%swap3A_343, %swap3A_344], %select_n3A_342 {strides = array<i32>} : memref<256x4096xf32, #tpu.memory_space<vmem>>, vector<256x4096xf32>,
    %get3A_346 = arith.constant 0 : index
    %get3A_347 = arith.constant 0 : index
    %get3A_348 = vector.load %arg5[%get3A_346, %get3A_347] : memref<256x4096xf32, #tpu.memory_space<vmem>>, vector<256x4096xf32>
    %reduce_max3A_349 = arith.constant dense<0xFF800000> : vector<256xf32>
    %reduce_max3A_350 = vector.multi_reduction <maximumf>, %get3A_348, %reduce_max3A_349 [1] : vector<256x4096xf32> to vector<256xf32>
    %broadcast_in_dim3A_351 = vector.shape_cast %reduce_max3A_350 : vector<256xf32> to vector<256x1xf32>
    %ge3A_352 = vector.broadcast %broadcast_in_dim3A_351 : vector<256x1xf32> to vector<256x4096xf32>
    %ge3A_353 = arith.cmpf oge, %get3A_348, %ge3A_352 : vector<256x4096xf32>
    %jit3A_354 = arith.constant 4096 : i32
    %broadcast_in_dim3A_355 = vector.broadcast %jit3A_354 : i32 to vector<256x4096xi32>
    %select_n3A_356 = arith.select %ge3A_353, %iota3A, %broadcast_in_dim3A_355 : vector<256x4096xi1>, vector<256x4096xi32>
    %reduce_min3A_357 = arith.constant dense<2147483647> : vector<256xi32>
    %reduce_min3A_358 = vector.multi_reduction <minsi>, %select_n3A_356, %reduce_min3A_357 [1] : vector<256x4096xi32> to vector<256xi32>
    %broadcast_in_dim3A_359 = vector.shape_cast %reduce_min3A_358 : vector<256xi32> to vector<256x1xi32>
    %mul3A_360 = arith.constant 4096 : i32
    %mul3A_361 = arith.muli %arg0, %mul3A_360 : i32
    %add3A_362 = vector.broadcast %mul3A_361 : i32 to vector<256x1xi32>
    %add3A_363 = arith.addi %broadcast_in_dim3A_359, %add3A_362 : vector<256x1xi32>
    %swap3A_364 = arith.constant 0 : index
    %swap3A_365 = arith.constant 0 : index
    %swap3A_366 = arith.constant 10 : index
    %swap3A_367 = vector.load %arg4[%swap3A_364, %swap3A_365, %swap3A_366] : memref<1x256x20xi32, #tpu.memory_space<vmem>>, vector<1x256x1xi32>
    %swap3A_368 = vector.shape_cast %swap3A_367 : vector<1x256x1xi32> to vector<256x1xi32>
    %swap3A_369 = vector.shape_cast %add3A_363 : vector<256x1xi32> to vector<1x256x1xi32>
    tpu.vector_store %arg4[%swap3A_364, %swap3A_365, %swap3A_366], %swap3A_369 {strides = array<i32>} : memref<1x256x20xi32, #tpu.memory_space<vmem>>, vector<1x256x1xi32>,
    %eq3A_370 = vector.broadcast %broadcast_in_dim3A_359 : vector<256x1xi32> to vector<256x4096xi32>
    %eq3A_371 = arith.cmpi eq, %iota3A, %eq3A_370 : vector<256x4096xi32>
    %and3A_372 = arith.andi %ge3A_353, %eq3A_371 : vector<256x4096xi1>
    %jit3A_373 = arith.constant 0xFF800000 : f32
    %broadcast_in_dim3A_374 = vector.broadcast %jit3A_373 : f32 to vector<256x4096xf32>
    %select_n3A_375 = arith.select %and3A_372, %broadcast_in_dim3A_374, %get3A_348 : vector<256x4096xi1>, vector<256x4096xf32>
    %swap3A_376 = arith.constant 0 : index
    %swap3A_377 = arith.constant 0 : index
    %swap3A_378 = vector.load %arg5[%swap3A_376, %swap3A_377] : memref<256x4096xf32, #tpu.memory_space<vmem>>, vector<256x4096xf32>
    tpu.vector_store %arg5[%swap3A_376, %swap3A_377], %select_n3A_375 {strides = array<i32>} : memref<256x4096xf32, #tpu.memory_space<vmem>>, vector<256x4096xf32>,
    %get3A_379 = arith.constant 0 : index
    %get3A_380 = arith.constant 0 : index
    %get3A_381 = vector.load %arg5[%get3A_379, %get3A_380] : memref<256x4096xf32, #tpu.memory_space<vmem>>, vector<256x4096xf32>
    %reduce_max3A_382 = arith.constant dense<0xFF800000> : vector<256xf32>
    %reduce_max3A_383 = vector.multi_reduction <maximumf>, %get3A_381, %reduce_max3A_382 [1] : vector<256x4096xf32> to vector<256xf32>
    %broadcast_in_dim3A_384 = vector.shape_cast %reduce_max3A_383 : vector<256xf32> to vector<256x1xf32>
    %ge3A_385 = vector.broadcast %broadcast_in_dim3A_384 : vector<256x1xf32> to vector<256x4096xf32>
    %ge3A_386 = arith.cmpf oge, %get3A_381, %ge3A_385 : vector<256x4096xf32>
    %jit3A_387 = arith.constant 4096 : i32
    %broadcast_in_dim3A_388 = vector.broadcast %jit3A_387 : i32 to vector<256x4096xi32>
    %select_n3A_389 = arith.select %ge3A_386, %iota3A, %broadcast_in_dim3A_388 : vector<256x4096xi1>, vector<256x4096xi32>
    %reduce_min3A_390 = arith.constant dense<2147483647> : vector<256xi32>
    %reduce_min3A_391 = vector.multi_reduction <minsi>, %select_n3A_389, %reduce_min3A_390 [1] : vector<256x4096xi32> to vector<256xi32>
    %broadcast_in_dim3A_392 = vector.shape_cast %reduce_min3A_391 : vector<256xi32> to vector<256x1xi32>
    %mul3A_393 = arith.constant 4096 : i32
    %mul3A_394 = arith.muli %arg0, %mul3A_393 : i32
    %add3A_395 = vector.broadcast %mul3A_394 : i32 to vector<256x1xi32>
    %add3A_396 = arith.addi %broadcast_in_dim3A_392, %add3A_395 : vector<256x1xi32>
    %swap3A_397 = arith.constant 0 : index
    %swap3A_398 = arith.constant 0 : index
    %swap3A_399 = arith.constant 11 : index
    %swap3A_400 = vector.load %arg4[%swap3A_397, %swap3A_398, %swap3A_399] : memref<1x256x20xi32, #tpu.memory_space<vmem>>, vector<1x256x1xi32>
    %swap3A_401 = vector.shape_cast %swap3A_400 : vector<1x256x1xi32> to vector<256x1xi32>
    %swap3A_402 = vector.shape_cast %add3A_396 : vector<256x1xi32> to vector<1x256x1xi32>
    tpu.vector_store %arg4[%swap3A_397, %swap3A_398, %swap3A_399], %swap3A_402 {strides = array<i32>} : memref<1x256x20xi32, #tpu.memory_space<vmem>>, vector<1x256x1xi32>,
    %eq3A_403 = vector.broadcast %broadcast_in_dim3A_392 : vector<256x1xi32> to vector<256x4096xi32>
    %eq3A_404 = arith.cmpi eq, %iota3A, %eq3A_403 : vector<256x4096xi32>
    %and3A_405 = arith.andi %ge3A_386, %eq3A_404 : vector<256x4096xi1>
    %jit3A_406 = arith.constant 0xFF800000 : f32
    %broadcast_in_dim3A_407 = vector.broadcast %jit3A_406 : f32 to vector<256x4096xf32>
    %select_n3A_408 = arith.select %and3A_405, %broadcast_in_dim3A_407, %get3A_381 : vector<256x4096xi1>, vector<256x4096xf32>
    %swap3A_409 = arith.constant 0 : index
    %swap3A_410 = arith.constant 0 : index
    %swap3A_411 = vector.load %arg5[%swap3A_409, %swap3A_410] : memref<256x4096xf32, #tpu.memory_space<vmem>>, vector<256x4096xf32>
    tpu.vector_store %arg5[%swap3A_409, %swap3A_410], %select_n3A_408 {strides = array<i32>} : memref<256x4096xf32, #tpu.memory_space<vmem>>, vector<256x4096xf32>,
    %get3A_412 = arith.constant 0 : index
    %get3A_413 = arith.constant 0 : index
    %get3A_414 = vector.load %arg5[%get3A_412, %get3A_413] : memref<256x4096xf32, #tpu.memory_space<vmem>>, vector<256x4096xf32>
    %reduce_max3A_415 = arith.constant dense<0xFF800000> : vector<256xf32>
    %reduce_max3A_416 = vector.multi_reduction <maximumf>, %get3A_414, %reduce_max3A_415 [1] : vector<256x4096xf32> to vector<256xf32>
    %broadcast_in_dim3A_417 = vector.shape_cast %reduce_max3A_416 : vector<256xf32> to vector<256x1xf32>
    %ge3A_418 = vector.broadcast %broadcast_in_dim3A_417 : vector<256x1xf32> to vector<256x4096xf32>
    %ge3A_419 = arith.cmpf oge, %get3A_414, %ge3A_418 : vector<256x4096xf32>
    %jit3A_420 = arith.constant 4096 : i32
    %broadcast_in_dim3A_421 = vector.broadcast %jit3A_420 : i32 to vector<256x4096xi32>
    %select_n3A_422 = arith.select %ge3A_419, %iota3A, %broadcast_in_dim3A_421 : vector<256x4096xi1>, vector<256x4096xi32>
    %reduce_min3A_423 = arith.constant dense<2147483647> : vector<256xi32>
    %reduce_min3A_424 = vector.multi_reduction <minsi>, %select_n3A_422, %reduce_min3A_423 [1] : vector<256x4096xi32> to vector<256xi32>
    %broadcast_in_dim3A_425 = vector.shape_cast %reduce_min3A_424 : vector<256xi32> to vector<256x1xi32>
    %mul3A_426 = arith.constant 4096 : i32
    %mul3A_427 = arith.muli %arg0, %mul3A_426 : i32
    %add3A_428 = vector.broadcast %mul3A_427 : i32 to vector<256x1xi32>
    %add3A_429 = arith.addi %broadcast_in_dim3A_425, %add3A_428 : vector<256x1xi32>
    %swap3A_430 = arith.constant 0 : index
    %swap3A_431 = arith.constant 0 : index
    %swap3A_432 = arith.constant 12 : index
    %swap3A_433 = vector.load %arg4[%swap3A_430, %swap3A_431, %swap3A_432] : memref<1x256x20xi32, #tpu.memory_space<vmem>>, vector<1x256x1xi32>
    %swap3A_434 = vector.shape_cast %swap3A_433 : vector<1x256x1xi32> to vector<256x1xi32>
    %swap3A_435 = vector.shape_cast %add3A_429 : vector<256x1xi32> to vector<1x256x1xi32>
    tpu.vector_store %arg4[%swap3A_430, %swap3A_431, %swap3A_432], %swap3A_435 {strides = array<i32>} : memref<1x256x20xi32, #tpu.memory_space<vmem>>, vector<1x256x1xi32>,
    %eq3A_436 = vector.broadcast %broadcast_in_dim3A_425 : vector<256x1xi32> to vector<256x4096xi32>
    %eq3A_437 = arith.cmpi eq, %iota3A, %eq3A_436 : vector<256x4096xi32>
    %and3A_438 = arith.andi %ge3A_419, %eq3A_437 : vector<256x4096xi1>
    %jit3A_439 = arith.constant 0xFF800000 : f32
    %broadcast_in_dim3A_440 = vector.broadcast %jit3A_439 : f32 to vector<256x4096xf32>
    %select_n3A_441 = arith.select %and3A_438, %broadcast_in_dim3A_440, %get3A_414 : vector<256x4096xi1>, vector<256x4096xf32>
    %swap3A_442 = arith.constant 0 : index
    %swap3A_443 = arith.constant 0 : index
    %swap3A_444 = vector.load %arg5[%swap3A_442, %swap3A_443] : memref<256x4096xf32, #tpu.memory_space<vmem>>, vector<256x4096xf32>
    tpu.vector_store %arg5[%swap3A_442, %swap3A_443], %select_n3A_441 {strides = array<i32>} : memref<256x4096xf32, #tpu.memory_space<vmem>>, vector<256x4096xf32>,
    %get3A_445 = arith.constant 0 : index
    %get3A_446 = arith.constant 0 : index
    %get3A_447 = vector.load %arg5[%get3A_445, %get3A_446] : memref<256x4096xf32, #tpu.memory_space<vmem>>, vector<256x4096xf32>
    %reduce_max3A_448 = arith.constant dense<0xFF800000> : vector<256xf32>
    %reduce_max3A_449 = vector.multi_reduction <maximumf>, %get3A_447, %reduce_max3A_448 [1] : vector<256x4096xf32> to vector<256xf32>
    %broadcast_in_dim3A_450 = vector.shape_cast %reduce_max3A_449 : vector<256xf32> to vector<256x1xf32>
    %ge3A_451 = vector.broadcast %broadcast_in_dim3A_450 : vector<256x1xf32> to vector<256x4096xf32>
    %ge3A_452 = arith.cmpf oge, %get3A_447, %ge3A_451 : vector<256x4096xf32>
    %jit3A_453 = arith.constant 4096 : i32
    %broadcast_in_dim3A_454 = vector.broadcast %jit3A_453 : i32 to vector<256x4096xi32>
    %select_n3A_455 = arith.select %ge3A_452, %iota3A, %broadcast_in_dim3A_454 : vector<256x4096xi1>, vector<256x4096xi32>
    %reduce_min3A_456 = arith.constant dense<2147483647> : vector<256xi32>
    %reduce_min3A_457 = vector.multi_reduction <minsi>, %select_n3A_455, %reduce_min3A_456 [1] : vector<256x4096xi32> to vector<256xi32>
    %broadcast_in_dim3A_458 = vector.shape_cast %reduce_min3A_457 : vector<256xi32> to vector<256x1xi32>
    %mul3A_459 = arith.constant 4096 : i32
    %mul3A_460 = arith.muli %arg0, %mul3A_459 : i32
    %add3A_461 = vector.broadcast %mul3A_460 : i32 to vector<256x1xi32>
    %add3A_462 = arith.addi %broadcast_in_dim3A_458, %add3A_461 : vector<256x1xi32>
    %swap3A_463 = arith.constant 0 : index
    %swap3A_464 = arith.constant 0 : index
    %swap3A_465 = arith.constant 13 : index
    %swap3A_466 = vector.load %arg4[%swap3A_463, %swap3A_464, %swap3A_465] : memref<1x256x20xi32, #tpu.memory_space<vmem>>, vector<1x256x1xi32>
    %swap3A_467 = vector.shape_cast %swap3A_466 : vector<1x256x1xi32> to vector<256x1xi32>
    %swap3A_468 = vector.shape_cast %add3A_462 : vector<256x1xi32> to vector<1x256x1xi32>
    tpu.vector_store %arg4[%swap3A_463, %swap3A_464, %swap3A_465], %swap3A_468 {strides = array<i32>} : memref<1x256x20xi32, #tpu.memory_space<vmem>>, vector<1x256x1xi32>,
    %eq3A_469 = vector.broadcast %broadcast_in_dim3A_458 : vector<256x1xi32> to vector<256x4096xi32>
    %eq3A_470 = arith.cmpi eq, %iota3A, %eq3A_469 : vector<256x4096xi32>
    %and3A_471 = arith.andi %ge3A_452, %eq3A_470 : vector<256x4096xi1>
    %jit3A_472 = arith.constant 0xFF800000 : f32
    %broadcast_in_dim3A_473 = vector.broadcast %jit3A_472 : f32 to vector<256x4096xf32>
    %select_n3A_474 = arith.select %and3A_471, %broadcast_in_dim3A_473, %get3A_447 : vector<256x4096xi1>, vector<256x4096xf32>
    %swap3A_475 = arith.constant 0 : index
    %swap3A_476 = arith.constant 0 : index
    %swap3A_477 = vector.load %arg5[%swap3A_475, %swap3A_476] : memref<256x4096xf32, #tpu.memory_space<vmem>>, vector<256x4096xf32>
    tpu.vector_store %arg5[%swap3A_475, %swap3A_476], %select_n3A_474 {strides = array<i32>} : memref<256x4096xf32, #tpu.memory_space<vmem>>, vector<256x4096xf32>,
    %get3A_478 = arith.constant 0 : index
    %get3A_479 = arith.constant 0 : index
    %get3A_480 = vector.load %arg5[%get3A_478, %get3A_479] : memref<256x4096xf32, #tpu.memory_space<vmem>>, vector<256x4096xf32>
    %reduce_max3A_481 = arith.constant dense<0xFF800000> : vector<256xf32>
    %reduce_max3A_482 = vector.multi_reduction <maximumf>, %get3A_480, %reduce_max3A_481 [1] : vector<256x4096xf32> to vector<256xf32>
    %broadcast_in_dim3A_483 = vector.shape_cast %reduce_max3A_482 : vector<256xf32> to vector<256x1xf32>
    %ge3A_484 = vector.broadcast %broadcast_in_dim3A_483 : vector<256x1xf32> to vector<256x4096xf32>
    %ge3A_485 = arith.cmpf oge, %get3A_480, %ge3A_484 : vector<256x4096xf32>
    %jit3A_486 = arith.constant 4096 : i32
    %broadcast_in_dim3A_487 = vector.broadcast %jit3A_486 : i32 to vector<256x4096xi32>
    %select_n3A_488 = arith.select %ge3A_485, %iota3A, %broadcast_in_dim3A_487 : vector<256x4096xi1>, vector<256x4096xi32>
    %reduce_min3A_489 = arith.constant dense<2147483647> : vector<256xi32>
    %reduce_min3A_490 = vector.multi_reduction <minsi>, %select_n3A_488, %reduce_min3A_489 [1] : vector<256x4096xi32> to vector<256xi32>
    %broadcast_in_dim3A_491 = vector.shape_cast %reduce_min3A_490 : vector<256xi32> to vector<256x1xi32>
    %mul3A_492 = arith.constant 4096 : i32
    %mul3A_493 = arith.muli %arg0, %mul3A_492 : i32
    %add3A_494 = vector.broadcast %mul3A_493 : i32 to vector<256x1xi32>
    %add3A_495 = arith.addi %broadcast_in_dim3A_491, %add3A_494 : vector<256x1xi32>
    %swap3A_496 = arith.constant 0 : index
    %swap3A_497 = arith.constant 0 : index
    %swap3A_498 = arith.constant 14 : index
    %swap3A_499 = vector.load %arg4[%swap3A_496, %swap3A_497, %swap3A_498] : memref<1x256x20xi32, #tpu.memory_space<vmem>>, vector<1x256x1xi32>
    %swap3A_500 = vector.shape_cast %swap3A_499 : vector<1x256x1xi32> to vector<256x1xi32>
    %swap3A_501 = vector.shape_cast %add3A_495 : vector<256x1xi32> to vector<1x256x1xi32>
    tpu.vector_store %arg4[%swap3A_496, %swap3A_497, %swap3A_498], %swap3A_501 {strides = array<i32>} : memref<1x256x20xi32, #tpu.memory_space<vmem>>, vector<1x256x1xi32>,
    %eq3A_502 = vector.broadcast %broadcast_in_dim3A_491 : vector<256x1xi32> to vector<256x4096xi32>
    %eq3A_503 = arith.cmpi eq, %iota3A, %eq3A_502 : vector<256x4096xi32>
    %and3A_504 = arith.andi %ge3A_485, %eq3A_503 : vector<256x4096xi1>
    %jit3A_505 = arith.constant 0xFF800000 : f32
    %broadcast_in_dim3A_506 = vector.broadcast %jit3A_505 : f32 to vector<256x4096xf32>
    %select_n3A_507 = arith.select %and3A_504, %broadcast_in_dim3A_506, %get3A_480 : vector<256x4096xi1>, vector<256x4096xf32>
    %swap3A_508 = arith.constant 0 : index
    %swap3A_509 = arith.constant 0 : index
    %swap3A_510 = vector.load %arg5[%swap3A_508, %swap3A_509] : memref<256x4096xf32, #tpu.memory_space<vmem>>, vector<256x4096xf32>
    tpu.vector_store %arg5[%swap3A_508, %swap3A_509], %select_n3A_507 {strides = array<i32>} : memref<256x4096xf32, #tpu.memory_space<vmem>>, vector<256x4096xf32>,
    %get3A_511 = arith.constant 0 : index
    %get3A_512 = arith.constant 0 : index
    %get3A_513 = vector.load %arg5[%get3A_511, %get3A_512] : memref<256x4096xf32, #tpu.memory_space<vmem>>, vector<256x4096xf32>
    %reduce_max3A_514 = arith.constant dense<0xFF800000> : vector<256xf32>
    %reduce_max3A_515 = vector.multi_reduction <maximumf>, %get3A_513, %reduce_max3A_514 [1] : vector<256x4096xf32> to vector<256xf32>
    %broadcast_in_dim3A_516 = vector.shape_cast %reduce_max3A_515 : vector<256xf32> to vector<256x1xf32>
    %ge3A_517 = vector.broadcast %broadcast_in_dim3A_516 : vector<256x1xf32> to vector<256x4096xf32>
    %ge3A_518 = arith.cmpf oge, %get3A_513, %ge3A_517 : vector<256x4096xf32>
    %jit3A_519 = arith.constant 4096 : i32
    %broadcast_in_dim3A_520 = vector.broadcast %jit3A_519 : i32 to vector<256x4096xi32>
    %select_n3A_521 = arith.select %ge3A_518, %iota3A, %broadcast_in_dim3A_520 : vector<256x4096xi1>, vector<256x4096xi32>
    %reduce_min3A_522 = arith.constant dense<2147483647> : vector<256xi32>
    %reduce_min3A_523 = vector.multi_reduction <minsi>, %select_n3A_521, %reduce_min3A_522 [1] : vector<256x4096xi32> to vector<256xi32>
    %broadcast_in_dim3A_524 = vector.shape_cast %reduce_min3A_523 : vector<256xi32> to vector<256x1xi32>
    %mul3A_525 = arith.constant 4096 : i32
    %mul3A_526 = arith.muli %arg0, %mul3A_525 : i32
    %add3A_527 = vector.broadcast %mul3A_526 : i32 to vector<256x1xi32>
    %add3A_528 = arith.addi %broadcast_in_dim3A_524, %add3A_527 : vector<256x1xi32>
    %swap3A_529 = arith.constant 0 : index
    %swap3A_530 = arith.constant 0 : index
    %swap3A_531 = arith.constant 15 : index
    %swap3A_532 = vector.load %arg4[%swap3A_529, %swap3A_530, %swap3A_531] : memref<1x256x20xi32, #tpu.memory_space<vmem>>, vector<1x256x1xi32>
    %swap3A_533 = vector.shape_cast %swap3A_532 : vector<1x256x1xi32> to vector<256x1xi32>
    %swap3A_534 = vector.shape_cast %add3A_528 : vector<256x1xi32> to vector<1x256x1xi32>
    tpu.vector_store %arg4[%swap3A_529, %swap3A_530, %swap3A_531], %swap3A_534 {strides = array<i32>} : memref<1x256x20xi32, #tpu.memory_space<vmem>>, vector<1x256x1xi32>,
    %eq3A_535 = vector.broadcast %broadcast_in_dim3A_524 : vector<256x1xi32> to vector<256x4096xi32>
    %eq3A_536 = arith.cmpi eq, %iota3A, %eq3A_535 : vector<256x4096xi32>
    %and3A_537 = arith.andi %ge3A_518, %eq3A_536 : vector<256x4096xi1>
    %jit3A_538 = arith.constant 0xFF800000 : f32
    %broadcast_in_dim3A_539 = vector.broadcast %jit3A_538 : f32 to vector<256x4096xf32>
    %select_n3A_540 = arith.select %and3A_537, %broadcast_in_dim3A_539, %get3A_513 : vector<256x4096xi1>, vector<256x4096xf32>
    %swap3A_541 = arith.constant 0 : index
    %swap3A_542 = arith.constant 0 : index
    %swap3A_543 = vector.load %arg5[%swap3A_541, %swap3A_542] : memref<256x4096xf32, #tpu.memory_space<vmem>>, vector<256x4096xf32>
    tpu.vector_store %arg5[%swap3A_541, %swap3A_542], %select_n3A_540 {strides = array<i32>} : memref<256x4096xf32, #tpu.memory_space<vmem>>, vector<256x4096xf32>,
    %get3A_544 = arith.constant 0 : index
    %get3A_545 = arith.constant 0 : index
    %get3A_546 = vector.load %arg5[%get3A_544, %get3A_545] : memref<256x4096xf32, #tpu.memory_space<vmem>>, vector<256x4096xf32>
    %reduce_max3A_547 = arith.constant dense<0xFF800000> : vector<256xf32>
    %reduce_max3A_548 = vector.multi_reduction <maximumf>, %get3A_546, %reduce_max3A_547 [1] : vector<256x4096xf32> to vector<256xf32>
    %broadcast_in_dim3A_549 = vector.shape_cast %reduce_max3A_548 : vector<256xf32> to vector<256x1xf32>
    %ge3A_550 = vector.broadcast %broadcast_in_dim3A_549 : vector<256x1xf32> to vector<256x4096xf32>
    %ge3A_551 = arith.cmpf oge, %get3A_546, %ge3A_550 : vector<256x4096xf32>
    %jit3A_552 = arith.constant 4096 : i32
    %broadcast_in_dim3A_553 = vector.broadcast %jit3A_552 : i32 to vector<256x4096xi32>
    %select_n3A_554 = arith.select %ge3A_551, %iota3A, %broadcast_in_dim3A_553 : vector<256x4096xi1>, vector<256x4096xi32>
    %reduce_min3A_555 = arith.constant dense<2147483647> : vector<256xi32>
    %reduce_min3A_556 = vector.multi_reduction <minsi>, %select_n3A_554, %reduce_min3A_555 [1] : vector<256x4096xi32> to vector<256xi32>
    %broadcast_in_dim3A_557 = vector.shape_cast %reduce_min3A_556 : vector<256xi32> to vector<256x1xi32>
    %mul3A_558 = arith.constant 4096 : i32
    %mul3A_559 = arith.muli %arg0, %mul3A_558 : i32
    %add3A_560 = vector.broadcast %mul3A_559 : i32 to vector<256x1xi32>
    %add3A_561 = arith.addi %broadcast_in_dim3A_557, %add3A_560 : vector<256x1xi32>
    %swap3A_562 = arith.constant 0 : index
    %swap3A_563 = arith.constant 0 : index
    %swap3A_564 = arith.constant 16 : index
    %swap3A_565 = vector.load %arg4[%swap3A_562, %swap3A_563, %swap3A_564] : memref<1x256x20xi32, #tpu.memory_space<vmem>>, vector<1x256x1xi32>
    %swap3A_566 = vector.shape_cast %swap3A_565 : vector<1x256x1xi32> to vector<256x1xi32>
    %swap3A_567 = vector.shape_cast %add3A_561 : vector<256x1xi32> to vector<1x256x1xi32>
    tpu.vector_store %arg4[%swap3A_562, %swap3A_563, %swap3A_564], %swap3A_567 {strides = array<i32>} : memref<1x256x20xi32, #tpu.memory_space<vmem>>, vector<1x256x1xi32>,
    %eq3A_568 = vector.broadcast %broadcast_in_dim3A_557 : vector<256x1xi32> to vector<256x4096xi32>
    %eq3A_569 = arith.cmpi eq, %iota3A, %eq3A_568 : vector<256x4096xi32>
    %and3A_570 = arith.andi %ge3A_551, %eq3A_569 : vector<256x4096xi1>
    %jit3A_571 = arith.constant 0xFF800000 : f32
    %broadcast_in_dim3A_572 = vector.broadcast %jit3A_571 : f32 to vector<256x4096xf32>
    %select_n3A_573 = arith.select %and3A_570, %broadcast_in_dim3A_572, %get3A_546 : vector<256x4096xi1>, vector<256x4096xf32>
    %swap3A_574 = arith.constant 0 : index
    %swap3A_575 = arith.constant 0 : index
    %swap3A_576 = vector.load %arg5[%swap3A_574, %swap3A_575] : memref<256x4096xf32, #tpu.memory_space<vmem>>, vector<256x4096xf32>
    tpu.vector_store %arg5[%swap3A_574, %swap3A_575], %select_n3A_573 {strides = array<i32>} : memref<256x4096xf32, #tpu.memory_space<vmem>>, vector<256x4096xf32>,
    %get3A_577 = arith.constant 0 : index
    %get3A_578 = arith.constant 0 : index
    %get3A_579 = vector.load %arg5[%get3A_577, %get3A_578] : memref<256x4096xf32, #tpu.memory_space<vmem>>, vector<256x4096xf32>
    %reduce_max3A_580 = arith.constant dense<0xFF800000> : vector<256xf32>
    %reduce_max3A_581 = vector.multi_reduction <maximumf>, %get3A_579, %reduce_max3A_580 [1] : vector<256x4096xf32> to vector<256xf32>
    %broadcast_in_dim3A_582 = vector.shape_cast %reduce_max3A_581 : vector<256xf32> to vector<256x1xf32>
    %ge3A_583 = vector.broadcast %broadcast_in_dim3A_582 : vector<256x1xf32> to vector<256x4096xf32>
    %ge3A_584 = arith.cmpf oge, %get3A_579, %ge3A_583 : vector<256x4096xf32>
    %jit3A_585 = arith.constant 4096 : i32
    %broadcast_in_dim3A_586 = vector.broadcast %jit3A_585 : i32 to vector<256x4096xi32>
    %select_n3A_587 = arith.select %ge3A_584, %iota3A, %broadcast_in_dim3A_586 : vector<256x4096xi1>, vector<256x4096xi32>
    %reduce_min3A_588 = arith.constant dense<2147483647> : vector<256xi32>
    %reduce_min3A_589 = vector.multi_reduction <minsi>, %select_n3A_587, %reduce_min3A_588 [1] : vector<256x4096xi32> to vector<256xi32>
    %broadcast_in_dim3A_590 = vector.shape_cast %reduce_min3A_589 : vector<256xi32> to vector<256x1xi32>
    %mul3A_591 = arith.constant 4096 : i32
    %mul3A_592 = arith.muli %arg0, %mul3A_591 : i32
    %add3A_593 = vector.broadcast %mul3A_592 : i32 to vector<256x1xi32>
    %add3A_594 = arith.addi %broadcast_in_dim3A_590, %add3A_593 : vector<256x1xi32>
    %swap3A_595 = arith.constant 0 : index
    %swap3A_596 = arith.constant 0 : index
    %swap3A_597 = arith.constant 17 : index
    %swap3A_598 = vector.load %arg4[%swap3A_595, %swap3A_596, %swap3A_597] : memref<1x256x20xi32, #tpu.memory_space<vmem>>, vector<1x256x1xi32>
    %swap3A_599 = vector.shape_cast %swap3A_598 : vector<1x256x1xi32> to vector<256x1xi32>
    %swap3A_600 = vector.shape_cast %add3A_594 : vector<256x1xi32> to vector<1x256x1xi32>
    tpu.vector_store %arg4[%swap3A_595, %swap3A_596, %swap3A_597], %swap3A_600 {strides = array<i32>} : memref<1x256x20xi32, #tpu.memory_space<vmem>>, vector<1x256x1xi32>,
    %eq3A_601 = vector.broadcast %broadcast_in_dim3A_590 : vector<256x1xi32> to vector<256x4096xi32>
    %eq3A_602 = arith.cmpi eq, %iota3A, %eq3A_601 : vector<256x4096xi32>
    %and3A_603 = arith.andi %ge3A_584, %eq3A_602 : vector<256x4096xi1>
    %jit3A_604 = arith.constant 0xFF800000 : f32
    %broadcast_in_dim3A_605 = vector.broadcast %jit3A_604 : f32 to vector<256x4096xf32>
    %select_n3A_606 = arith.select %and3A_603, %broadcast_in_dim3A_605, %get3A_579 : vector<256x4096xi1>, vector<256x4096xf32>
    %swap3A_607 = arith.constant 0 : index
    %swap3A_608 = arith.constant 0 : index
    %swap3A_609 = vector.load %arg5[%swap3A_607, %swap3A_608] : memref<256x4096xf32, #tpu.memory_space<vmem>>, vector<256x4096xf32>
    tpu.vector_store %arg5[%swap3A_607, %swap3A_608], %select_n3A_606 {strides = array<i32>} : memref<256x4096xf32, #tpu.memory_space<vmem>>, vector<256x4096xf32>,
    %get3A_610 = arith.constant 0 : index
    %get3A_611 = arith.constant 0 : index
    %get3A_612 = vector.load %arg5[%get3A_610, %get3A_611] : memref<256x4096xf32, #tpu.memory_space<vmem>>, vector<256x4096xf32>
    %reduce_max3A_613 = arith.constant dense<0xFF800000> : vector<256xf32>
    %reduce_max3A_614 = vector.multi_reduction <maximumf>, %get3A_612, %reduce_max3A_613 [1] : vector<256x4096xf32> to vector<256xf32>
    %broadcast_in_dim3A_615 = vector.shape_cast %reduce_max3A_614 : vector<256xf32> to vector<256x1xf32>
    %ge3A_616 = vector.broadcast %broadcast_in_dim3A_615 : vector<256x1xf32> to vector<256x4096xf32>
    %ge3A_617 = arith.cmpf oge, %get3A_612, %ge3A_616 : vector<256x4096xf32>
    %jit3A_618 = arith.constant 4096 : i32
    %broadcast_in_dim3A_619 = vector.broadcast %jit3A_618 : i32 to vector<256x4096xi32>
    %select_n3A_620 = arith.select %ge3A_617, %iota3A, %broadcast_in_dim3A_619 : vector<256x4096xi1>, vector<256x4096xi32>
    %reduce_min3A_621 = arith.constant dense<2147483647> : vector<256xi32>
    %reduce_min3A_622 = vector.multi_reduction <minsi>, %select_n3A_620, %reduce_min3A_621 [1] : vector<256x4096xi32> to vector<256xi32>
    %broadcast_in_dim3A_623 = vector.shape_cast %reduce_min3A_622 : vector<256xi32> to vector<256x1xi32>
    %mul3A_624 = arith.constant 4096 : i32
    %mul3A_625 = arith.muli %arg0, %mul3A_624 : i32
    %add3A_626 = vector.broadcast %mul3A_625 : i32 to vector<256x1xi32>
    %add3A_627 = arith.addi %broadcast_in_dim3A_623, %add3A_626 : vector<256x1xi32>
    %swap3A_628 = arith.constant 0 : index
    %swap3A_629 = arith.constant 0 : index
    %swap3A_630 = arith.constant 18 : index
    %swap3A_631 = vector.load %arg4[%swap3A_628, %swap3A_629, %swap3A_630] : memref<1x256x20xi32, #tpu.memory_space<vmem>>, vector<1x256x1xi32>
    %swap3A_632 = vector.shape_cast %swap3A_631 : vector<1x256x1xi32> to vector<256x1xi32>
    %swap3A_633 = vector.shape_cast %add3A_627 : vector<256x1xi32> to vector<1x256x1xi32>
    tpu.vector_store %arg4[%swap3A_628, %swap3A_629, %swap3A_630], %swap3A_633 {strides = array<i32>} : memref<1x256x20xi32, #tpu.memory_space<vmem>>, vector<1x256x1xi32>,
    %eq3A_634 = vector.broadcast %broadcast_in_dim3A_623 : vector<256x1xi32> to vector<256x4096xi32>
    %eq3A_635 = arith.cmpi eq, %iota3A, %eq3A_634 : vector<256x4096xi32>
    %and3A_636 = arith.andi %ge3A_617, %eq3A_635 : vector<256x4096xi1>
    %jit3A_637 = arith.constant 0xFF800000 : f32
    %broadcast_in_dim3A_638 = vector.broadcast %jit3A_637 : f32 to vector<256x4096xf32>
    %select_n3A_639 = arith.select %and3A_636, %broadcast_in_dim3A_638, %get3A_612 : vector<256x4096xi1>, vector<256x4096xf32>
    %swap3A_640 = arith.constant 0 : index
    %swap3A_641 = arith.constant 0 : index
    %swap3A_642 = vector.load %arg5[%swap3A_640, %swap3A_641] : memref<256x4096xf32, #tpu.memory_space<vmem>>, vector<256x4096xf32>
    tpu.vector_store %arg5[%swap3A_640, %swap3A_641], %select_n3A_639 {strides = array<i32>} : memref<256x4096xf32, #tpu.memory_space<vmem>>, vector<256x4096xf32>,
    %get3A_643 = arith.constant 0 : index
    %get3A_644 = arith.constant 0 : index
    %get3A_645 = vector.load %arg5[%get3A_643, %get3A_644] : memref<256x4096xf32, #tpu.memory_space<vmem>>, vector<256x4096xf32>
    %reduce_max3A_646 = arith.constant dense<0xFF800000> : vector<256xf32>
    %reduce_max3A_647 = vector.multi_reduction <maximumf>, %get3A_645, %reduce_max3A_646 [1] : vector<256x4096xf32> to vector<256xf32>
    %broadcast_in_dim3A_648 = vector.shape_cast %reduce_max3A_647 : vector<256xf32> to vector<256x1xf32>
    %ge3A_649 = vector.broadcast %broadcast_in_dim3A_648 : vector<256x1xf32> to vector<256x4096xf32>
    %ge3A_650 = arith.cmpf oge, %get3A_645, %ge3A_649 : vector<256x4096xf32>
    %jit3A_651 = arith.constant 4096 : i32
    %broadcast_in_dim3A_652 = vector.broadcast %jit3A_651 : i32 to vector<256x4096xi32>
    %select_n3A_653 = arith.select %ge3A_650, %iota3A, %broadcast_in_dim3A_652 : vector<256x4096xi1>, vector<256x4096xi32>
    %reduce_min3A_654 = arith.constant dense<2147483647> : vector<256xi32>
    %reduce_min3A_655 = vector.multi_reduction <minsi>, %select_n3A_653, %reduce_min3A_654 [1] : vector<256x4096xi32> to vector<256xi32>
    %broadcast_in_dim3A_656 = vector.shape_cast %reduce_min3A_655 : vector<256xi32> to vector<256x1xi32>
    %mul3A_657 = arith.constant 4096 : i32
    %mul3A_658 = arith.muli %arg0, %mul3A_657 : i32
    %add3A_659 = vector.broadcast %mul3A_658 : i32 to vector<256x1xi32>
    %add3A_660 = arith.addi %broadcast_in_dim3A_656, %add3A_659 : vector<256x1xi32>
    %swap3A_661 = arith.constant 0 : index
    %swap3A_662 = arith.constant 0 : index
    %swap3A_663 = arith.constant 19 : index
    %swap3A_664 = vector.load %arg4[%swap3A_661, %swap3A_662, %swap3A_663] : memref<1x256x20xi32, #tpu.memory_space<vmem>>, vector<1x256x1xi32>
    %swap3A_665 = vector.shape_cast %swap3A_664 : vector<1x256x1xi32> to vector<256x1xi32>
    %swap3A_666 = vector.shape_cast %add3A_660 : vector<256x1xi32> to vector<1x256x1xi32>
    tpu.vector_store %arg4[%swap3A_661, %swap3A_662, %swap3A_663], %swap3A_666 {strides = array<i32>} : memref<1x256x20xi32, #tpu.memory_space<vmem>>, vector<1x256x1xi32>,
    %eq3A_667 = vector.broadcast %broadcast_in_dim3A_656 : vector<256x1xi32> to vector<256x4096xi32>
    %eq3A_668 = arith.cmpi eq, %iota3A, %eq3A_667 : vector<256x4096xi32>
    %and3A_669 = arith.andi %ge3A_650, %eq3A_668 : vector<256x4096xi1>
    %jit3A_670 = arith.constant 0xFF800000 : f32
    %broadcast_in_dim3A_671 = vector.broadcast %jit3A_670 : f32 to vector<256x4096xf32>
    %select_n3A_672 = arith.select %and3A_669, %broadcast_in_dim3A_671, %get3A_645 : vector<256x4096xi1>, vector<256x4096xf32>
    %swap3A_673 = arith.constant 0 : index
    %swap3A_674 = arith.constant 0 : index
    %swap3A_675 = vector.load %arg5[%swap3A_673, %swap3A_674] : memref<256x4096xf32, #tpu.memory_space<vmem>>, vector<256x4096xf32>
    tpu.vector_store %arg5[%swap3A_673, %swap3A_674], %select_n3A_672 {strides = array<i32>} : memref<256x4096xf32, #tpu.memory_space<vmem>>, vector<256x4096xf32>,
    return
  }
  func.func @transform_0(%arg0: i32, %arg1: i32) -> (i32, i32, i32) {
    %c0_i32 = arith.constant 0 : i32
    %c0_i32_0 = arith.constant 0 : i32
    %c0_i32_1 = arith.constant 0 : i32
    return %arg0, %c0_i32, %c0_i32_0 : i32, i32, i32
  }
  func.func @transform_1(%arg0: i32, %arg1: i32) -> (i32, i32, i32) {
    %c0_i32 = arith.constant 0 : i32
    %c0_i32_0 = arith.constant 0 : i32
    return %arg0, %arg1, %c0_i32 : i32, i32, i32
  }
  func.func @transform_2(%arg0: i32, %arg1: i32) -> (i32, i32, i32) {
    %c0_i32 = arith.constant 0 : i32
    %c0_i32_0 = arith.constant 0 : i32
    return %arg0, %arg1, %c0_i32 : i32, i32, i32
  }
}

</mosaic_0001>

<sc_bundles>
// kernel: kernel.11.cloned.1.call-start
scs
__scs_entry_jumppad:
0x0: {  	(pc) =	sbr.rel $0x88, $3  }
0x1: {  	(tag) =	ssettag $0x0;
	lr =	simm.s32 $0x1  }
0x2: {  	[smem:$0x3F9E] =	sst lr;
	_ =	strace $0xD0000000  }
0x3: {  	_ = 	snop  }
0x4: {  	_ = 	snop  }
0x5: {  	_ = 	snop  }
0x6: {  	_ = 	snop  }
0x7: {  	_ = 	snop  }
__scs_overlays_trampoline_lowered:
0x8: {  	[smem:$0x3FAD] =	sst s0  }
0x9: {  	[smem:$0x3FAE] =	sst s1  }
0xa: {  	[smem:$0x3FAF] =	sst s2  }
0xb: {  	[smem:$0x3FB0] =	sst s3  }
0xc: {  	[smem:$0x3FB1] =	sst s4  }
0xd: {  	[smem:$0x3FB2] =	sst s5  }
0xe: {  	[smem:$0x3FB3] =	sst s6  }
0xf: {  	[smem:$0x3FB4] =	sst s7  }
0x10: {  	[smem:$0x3FB5] =	sst s8  }
0x11: {  	[smem:$0x3FB6] =	sst s9;
	s0 =	simm.s32 @!p0 $0x0  }
0x12: {  	s1 =	sld [smem:$0x3F9C];
	s0 =	simm.s32 @p0 $0x1  }
0x13: {  	[smem:$0x3FB7] =	sst s0;
	s0 =	simm.s32 @!p1 $0x0  }
0x14: {  	s2 =	sld [smem:$0x3F9B];
	s0 =	simm.s32 @p1 $0x1  }
0x15: {  	[smem:$0x3FB8] =	sst s0;
	s0 =	simm.s32 @!p2 $0x0  }
0x16: {  	s3 =	sld [smem:$0x3FDB];
	s0 =	simm.s32 @p2 $0x1  }
0x17: {  	s4 =	simm.s32 $0x1BF5;
	[smem:$0x3FBA] =	sst s0  }
0x18: {  	s0 =	sld [smem:$0x3F9D];
	_ =	swait.ge [sflag:s4], $0x0  }
0x19: {  	s7 =	sld [smem:$0x3F9E]  }
0x1a: {  	s8 =	sadd.s32 $0xFFFFE003, lr  }
0x1b: {  	s9 =	sadd.s32 $0xFFFFFEF7, lr;
	s5 =	simm.s32 $0xFFFFFFFF;
	p2 =	slt.u32 s8, $0xFFFFF086  }
0x1c: {  	p1 =	slt.u32 s9, $0xF7A;
	s5 =	simm.s32 @!p2 $0x0  }
0x1d: {  	s5 =	simm.s32 @p1 $0x1;
	p0 =	seq.s32 s7, s2  }
0x1e: {  	s7 =	smul.u32 @!p0 $0xF7A, s2;
	p2 =	seq.s32 @!p0 s5, $0x0  }
0x1f: {  	s9 =	smul.u32 $0xF7A, s1;
	s8 =	simm.s32 @!p0 $0x1BF5;
	p2 =	por !p2, p0  }
0x20: {  	[sflag:s8] =	ssyncset.s32 @!p0 $0xFFFFF086;
	s6 =	sadd.s32 @!p0 s3, s7;
	s7 =	simm.s32 @!p0 $0x108  }
0x21: {  	s3 =	sadd.s32 s3, s9;
	s6 =	sadd.s32 @!p0 $0x88, s6;
	s7 =	simm.s32 @p2 $0x1082  }
0x22: {  	[simem:s7], [sflag:s8] =	dma.local @!p0 [hbm:s6], $0xF7A  }
0x23: {  	s9 =	sor.u32 $0xD0000000, s2;
	s6 =	simm.s32 $0x108;
	_ =	swait.ge @!p0 [sflag:s8], $0x0  }
0x24: {  	s3 =	sadd.s32 $0x88, s3;
	s6 =	simm.s32 @!p1 $0x1082;
	[sflag:s4] =	ssyncset.s32 $0xFFFFF086  }
0x25: {  	[simem:s6], [sflag:s4] =	dma.local [hbm:s3], $0xF7A  }
0x26: {  	[smem:$0x3F9E] =	sst s1;
	(tag) =	ssettag s2;
	_ =	strace s9  }
0x27: {  	s1 =	sld [smem:$0x3FAE]  }
0x28: {  	s2 =	sld [smem:$0x3FAF]  }
0x29: {  	s4 =	sld [smem:$0x3FB1]  }
0x2a: {  	p0 =	seq.s32 s5, $0x0;
	s5 =	sld [smem:$0x3FB2]  }
0x2b: {  	s6 =	sld [smem:$0x3FB3]  }
0x2c: {  	s7 =	sld [smem:$0x3FB4]  }
0x2d: {  	s3 =	simm.s32 $0x108;
	s8 =	sld [smem:$0x3FB5]  }
0x2e: {  	s3 =	simm.s32 @!p0 $0x1082;
	s9 =	sld [smem:$0x3FB6]  }
0x2f: {  	lr =	sadd.s32 s0, s3;
	s0 =	sld [smem:$0x3FAD]  }
0x30: {  	s3 =	sld [smem:$0x3FB0]  }
0x31: {  	[smem:$0x3FB9] =	sst s10  }
0x32: {  	s10 =	sld [smem:$0x3FB7];
	_ =	sdelay $0x3  }
0x33: {  	p0 =	seq.s32 s10, $0x1;
	s10 =	sld [smem:$0x3FB9];
	_ =	sdelay $0x3  }
0x34: {  	[smem:$0x3FB9] =	sst s10  }
0x35: {  	s10 =	sld [smem:$0x3FB8];
	_ =	sdelay $0x3  }
0x36: {  	p1 =	seq.s32 s10, $0x1;
	s10 =	sld [smem:$0x3FB9];
	_ =	sdelay $0x3  }
0x37: {  	[smem:$0x3FB9] =	sst s10  }
0x38: {  	s10 =	sld [smem:$0x3FBA]  }
0x39: {  	_ = 	snop;
	(pc) =	sbr.ind lr, $3  }
0x3a: {  	_ = 	snop  }
0x3b: {  	_ = 	snop  }
0x3c: {  	p2 =	seq.s32 s10, $0x1;
	s10 =	sld [smem:$0x3FB9]  }
0x3d: {  	_ =	shalt  }
0x3e: {  	_ =	shalt  }
0x3f: {  	_ =	shalt  }
0x40: {  	_ =	shalt  }
0x41: {  	_ =	shalt  }
0x42: {  	_ =	shalt  }
0x43: {  	_ =	shalt  }
0x44: {  	_ =	shalt  }
0x45: {  	_ =	shalt  }
0x46: {  	_ =	shalt  }
0x47: {  	_ =	shalt  }
0x48: {  	_ =	shalt  }
0x49: {  	_ =	shalt  }
0x4a: {  	_ =	shalt  }
0x4b: {  	_ =	shalt  }
0x4c: {  	_ =	shalt  }
0x4d: {  	_ =	shalt  }
0x4e: {  	_ =	shalt  }
0x4f: {  	_ =	shalt  }
0x50: {  	_ =	shalt  }
0x51: {  	_ =	shalt  }
0x52: {  	_ =	shalt  }
0x53: {  	_ =	shalt  }
0x54: {  	_ =	shalt  }
0x55: {  	_ =	shalt  }
0x56: {  	_ =	shalt  }
0x57: {  	_ =	shalt  }
0x58: {  	_ =	shalt  }
0x59: {  	_ =	shalt  }
0x5a: {  	_ =	shalt  }
0x5b: {  	_ =	shalt  }
0x5c: {  	_ =	shalt  }
0x5d: {  	_ =	shalt  }
0x5e: {  	_ =	shalt  }
0x5f: {  	_ =	shalt  }
0x60: {  	_ =	shalt  }
0x61: {  	_ =	shalt  }
0x62: {  	_ =	shalt  }
0x63: {  	_ =	shalt  }
0x64: {  	_ =	shalt  }
0x65: {  	_ =	shalt  }
0x66: {  	_ =	shalt  }
0x67: {  	_ =	shalt  }
0x68: {  	_ =	shalt  }
0x69: {  	_ =	shalt  }
0x6a: {  	_ =	shalt  }
0x6b: {  	_ =	shalt  }
0x6c: {  	_ =	shalt  }
0x6d: {  	_ =	shalt  }
0x6e: {  	_ =	shalt  }
0x6f: {  	_ =	shalt  }
0x70: {  	_ =	shalt  }
0x71: {  	_ =	shalt  }
0x72: {  	_ =	shalt  }
0x73: {  	_ =	shalt  }
0x74: {  	_ =	shalt  }
0x75: {  	_ =	shalt  }
0x76: {  	_ =	shalt  }
0x77: {  	_ =	shalt  }
0x78: {  	_ =	shalt  }
0x79: {  	_ =	shalt  }
0x7a: {  	_ =	shalt  }
0x7b: {  	_ =	shalt  }
0x7c: {  	_ =	shalt  }
0x7d: {  	_ =	shalt  }
0x7e: {  	_ =	shalt  }
0x7f: {  	_ =	shalt  }
0x80: {  	_ =	shalt  }
0x81: {  	_ =	shalt  }
0x82: {  	_ =	shalt  }
0x83: {  	_ =	shalt  }
0x84: {  	_ =	shalt  }
0x85: {  	_ =	shalt  }
0x86: {  	_ =	shalt  }
0x87: {  	_ =	shalt  }
.Lfunc_end0:
.L_simem_size_0:
called_computation_lowered:
.L_overlay_start_0:
0x88: {  	s2 =	sld [smem:$0x3FD9]  }
0x89: {  	s3 =	sld [smem:$0x3FFE];
	_ =	sdelay $0x1  }
0x8a: {  	s1 =	srdreg.scid  }
0x8b: {  	s0 =	sand.u32 $0x1, s1  }
0x8c: {  	s17 =	sshll.u32 s0, $0xA;
	s2 =	sadd.s32 s3, s2  }
0x8d: {  	s2 =	sadd.s32 s2, s17  }
0x8e: {  	[smem:$0x3FC5] =	sst s2  }
0x8f: {  	_ = 	snop  }
0x90: {  	s18 =	sld [smem:$0x3FD0];
	(tm) =	ssettm $0x1  }
0x91: {  	s19 =	sld [smem:$0x3FFB];
	_ =	sdelay $0x3  }
0x92: {  	_ =	strace s19  }
0x93: {  	s2 =	sld [smem:$0x3FFC];
	_ =	sdelay $0x3  }
0x94: {  	_ =	strace s2  }
0x95: {  	s2 =	sld [smem:$0x3FFD];
	_ =	sdelay $0x3  }
0x96: {  	_ =	strace s2  }
0x97: {  	_ =	strace $0x8FFFFFFF  }
0x98: {  	s20 =	sld [smem:$0x3FDB];
	_ =	sdelay $0x1  }
0x99: {  	s4 =	simm.s32 $_scs_section_size  }
0x9a: {  	s5 =	simm.s32 $_size__tile_overlayer_lowered;
	s6 =	simm.s32 $_tile_overlayer_lowered  }
0x9b: {  	s7 =	simm.s32 $0x1BFF;
	s21 =	sshll.u32 s6, $0x1;
	s4 =	sadd.s32 s4, s20  }
0x9c: {  	s22 =	simm.s32 $0x0;
	s5 =	sshll.u32 s5, $0x1;
	s6 =	sadd.s32 s21, s4  }
0x9d: {  	[timem:s22], [sflag:s7] =	dma.local [hbm:s6], s5  }
0x9e: {  	_ =	swait.ge [sflag:s7], s5  }
0x9f: {  	s5 =	ssub.s32 $0x0, s5;
	[sflag:s7] =	ssyncset.done $0x0  }
0xa0: {  	[sflag:s7] =	ssyncadd.s32 s5;
	_ =	sdelay $0x1  }
0xa1: {  	s23 =	simm.s32 $0x1B8B  }
0xa2: {  	_ =	swait.ge [sflag:s23], $0x1  }
0xa3: {  	[sflag:s23] =	ssyncset.done $0x0  }
0xa4: {  	[sflag:s23] =	ssyncadd.s32 $0xFFFFFFFF  }
0xa5: {  	s5 =	sld [smem:$0x0]  }
0xa6: {  	s6 =	sand.u32 $0xFFFFFFFE, s1  }
0xa7: {  	p0 =	sne.s32 s1, s6  }
0xa8: {  	s6 =	sshll.u32 @p0 s6, $0xE  }
0xa9: {  	s6 =	sadd.s32 @p0 $0x11B8D, s6;
	s7 =	sshll.u32 @p0 s5, $0x11  }
0xaa: {  	s6 =	sor.u32 @p0 s7, s6  }
0xab: {  	[sflag:s6] =	ssyncadd.remote.s32 @p0 $0x1;
	_ =	sdelay $0x1  }
0xac: {  	s6 =	simm.s32 @p0 $0x1B8D  }
0xad: {  	_ =	swait.eq @p0 [sflag:s6], $0x1  }
0xae: {  	[sflag:s6] =	ssyncadd.s32 @p0 $0xFFFFFFFF  }
0xaf: {  	s7 =	sshll.u32 @!p0 s1, $0xE  }
0xb0: {  	s7 =	sor.u32 @!p0 $0x4000, s7;
	s6 =	simm.s32 @!p0 $0x1B8D  }
0xb1: {  	s5 =	sshll.u32 @!p0 s5, $0x11;
	s7 =	sadd.s32 @!p0 $0x11B8D, s7;
	_ =	swait.eq @!p0 [sflag:s6], $0x1  }
0xb2: {  	s5 =	sor.u32 @!p0 s5, s7;
	[sflag:s6] =	ssyncadd.s32 @!p0 $0xFFFFFFFF  }
0xb3: {  	s25 =	simm.s32 $0x1B8E;
	s24 =	sld [smem:$0x3FFE];
	[sflag:s5] =	ssyncadd.remote.s32 @!p0 $0x1  }
0xb4: {  	s26 =	simm.s32 $execute0_lowered;
	[smem:$0x3FD2] =	sst s25  }
0xb5: {  	s6 =	sshll.u32 s26, $0x1;
	_ =	strace $0x8000004F;
	[dreg:$0x1] =	wrdreg $0xFFFFFFFF  }
0xb6: {  	s28 =	simm.s32 $_size_execute0_lowered;
	s4 =	sadd.s32 s4, s6;
	[dreg:$0x0] =	wrdreg $0x0  }
0xb7: {  	s6 =	sshll.u32 s28, $0x1;
	[dreg:$0x2] =	wrdreg s4  }
0xb8: {  	[dreg:$0x3] =	wrdreg s6  }
0xb9: {  	[dreg:$0x4] =	wrdreg $0xC0  }
0xba: {  	_ =	task [dreg:s22], $0x5FFFF  }
0xbb: {  	[dreg:$0x1] =	wrdreg $0xFFFFFFFF  }
0xbc: {  	[dreg:$0x0] =	wrdreg $0x60  }
0xbd: {  	[dreg:$0x2] =	wrdreg s24  }
0xbe: {  	[dreg:$0x3] =	wrdreg s18  }
0xbf: {  	[dreg:$0x4] =	wrdreg $0x9  }
0xc0: {  	_ =	task.clear_ibuf [dreg:s22], $0x5FFFF;
	_ =	strace $0x9000004F  }
0xc1: {  	s29 =	simm.s32 $0x9;
	_ =	strace $0x80000051  }
0xc2: {  	_ =	swait.ge [sflag:s29], $0x1  }
0xc3: {  	[sflag:s29] =	ssyncadd.s32 $0xFFFFFFFF  }
0xc4: {  	_ =	strace $0x90000051  }
0xc5: {  	_ =	sfence  }
0xc6: {  	s30 =	sld [smem:$0x0];
	_ =	sdelay $0x2  }
0xc7: {  	s31 =	sshll.u32 s1, $0xD;
	s1 =	sshrl.u32 s1, $0x2  }
0xc8: {  	s4 =	sand.u32 $0x4000, s31;
	s1 =	sadd.s32 s1, s30  }
0xc9: {  	s0 =	sor.u32 s4, s0;
	s1 =	sshll.u32 s1, $0x11  }
0xca: {  	s0 =	sor.u32 s1, s0  }
0xcb: {  	s0 =	sadd.s32 $0x8F2B, s0  }
0xcc: {  	[sflag:s0] =	ssyncadd.remote.s32 $0x1  }
0xcd: {  	_ =	sfence.sel $0xFFFF  }
0xce: {  	[dreg:$0x0] =	wrdreg $0xFFFFFFFF;
	(pc) =	sbr.abs _section_cstart, $3  }
0xcf: {  	[dreg:$0x1] =	wrdreg $0xFFFFFFFF  }
0xd0: {  	_ =	task.clear_ibuf [dreg:s22], $0x2FFFF;
	_ =	strace $0x9FFFFFFF  }
0xd1: {  	(tm) =	ssettm $0x7FFFFFFF  }
tec
execute0_lowered:
.L_overlay_start_1:
0x0: {  	(tag) =	ssettag $0x1  }
0x1: {  	s7 =	rddreg [dreg:$0x0]  }
0x2: {  	s1 =	rddreg [dreg:$0x1]  }
0x3: {  	s0 =	rddreg [dreg:$0x2];
	s2 =	simm.s32 $0x0  }
0x4: {  	s3 =	srdreg.scid;
	s12 =	simm.s32 $0x80;
	s13 =	simm.s32 $0x2880  }
0x5: {  	s14 =	simm.s32 $0x1;
	s15 =	simm.s32 $0x2;
	s16 =	simm.s32 $0x5280  }
0x6: {  	s17 =	simm.s32 $0x0;
	[smem:$0x7FF] =	sst s2;
	s4 =	sadd.s32 $0xA4200, s7  }
0x7: {  	s5 =	sadd.s32 $0x31A00, s7;
	s8 =	sand.u32 $0x1, s3;
	s6 =	sadd.s32 $0xE9200, s7  }
0x8: {  	s3 =	stileid.u32;
	s7 =	sadd.s32 $0xEBA00, s7;
	s9 =	ssub.s32 $0x2, s8  }
0x9: {  	s11 =	sshll.u32 s3, $0x8;
	s8 =	sshll.u32 s8, $0x7;
	s10 =	sshrl.u32 s9, $0x1  }
0xa: {  	_ =	strace $0x80000050;
	s8 =	sor.u32 s8, s11;
	s9 =	ssub.s32 s9, s10  }
0xb: {  	s11 =	simm.s32 $0x50;
	s10 =	simm.s32 $0x3;
	s9 =	smax.u32 s9, $0x1  }
.LBB2_1:
0xc: {  	s18 =	simm.s32 $0x0  }
.LBB2_2:
0xd: {  	s19 =	sshll.u32 s18, $0x2  }
0xe: {  	s20 =	sadd.s32 s8, s19  }
0xf: {  	s19 =	smul.u32 $0x14, s20;
	_ =	sdelay $0x1  }
0x10: {  	s19 =	sshrl.u32 s19, $0x3  }
0x11: {  	s21 =	sadd.s32 s6, s19;
	s19 =	simm.s32 $0x0  }
0x12: {  	[tilespmem:s19], [sflag:$0x3] =	stream.linear.gather [hbm4b:s21+s19], $0x50, $0x38;
	[tilespmem:$0x5480] =	vst v63  }
0x13: {  	_ =	swait.ge [sflag:s10], $0x50  }
0x14: {  	s31 =	sshll.u32 s18, $0x6;
	s20 =	sshll.u32 s20, $0x4;
	[sflag:s10] =	ssyncset.done $0x0  }
0x15: {  	s20 =	sand.u32 $0xFF80, s20;
	s21 =	sand.u32 $0x40, s31;
	[sflag:s10] =	ssyncadd.s32 $0xFFFFFFB0  }
0x16: {  	[tilespmem:s12], [sflag:$0x1] =	stream.indirect.gather [hbm4b:s4+s11], $0x80, s19, s11, $0xb8;
	[tilespmem:$0x5480] =	vst v63  }
0x17: {  	s20 =	sor.u32 s21, s20  }
0x18: {  	[tilespmem:s13], [sflag:$0x2] =	stream.indirect.gather [hbm4b:s5+s11], $0x80, s19, s11, $0xb8;
	[tilespmem:$0x5480] =	vst v63  }
0x19: {  	s21 =	simm.s32 $0x5080;
	s22 =	sadd.s32 s1, s20  }
0x1a: {  	[tilespmem:s21], [sflag:$0x3] =	stream.linear.gather [hbm4b:s22+s19], $0x200, $0x38;
	[tilespmem:$0x5480] =	vst v63  }
0x1b: {  	_ =	swait.ge [sflag:s10], $0x200  }
0x1c: {  	[sflag:s10] =	ssyncset.done $0x0  }
0x1d: {  	[sflag:s10] =	ssyncadd.s32 $0xFFFFFE00  }
0x1e: {  	_ =	swait.ge [sflag:s14], $0x2800  }
0x1f: {  	[sflag:s14] =	ssyncset.done $0x0  }
0x20: {  	[sflag:s14] =	ssyncadd.s32 $0xFFFFD800  }
0x21: {  	_ =	swait.ge [sflag:s15], $0x2800  }
0x22: {  	s23 =	simm.s32 $0x580;
	[sflag:s15] =	ssyncset.done $0x0  }
0x23: {  	s24 =	simm.s32 $0x2D80;
	s22 =	simm.s32 $0x5280;
	[sflag:s15] =	ssyncadd.s32 $0xFFFFD800  }
.LBB2_3:
0x24: {  	v0 =	vmov s23;
	_ =	sdelay $0x2  }
0x25: {  	v1 =	vmov s21  }
0x26: {  	s25 =	simm.s32 $0x0  }
0x27: {  	v2 =	vld.idx.msk [tilespmem:v0+s25+$0xFFFFFB80 ss:$0x1], $0xffff  }
0x28: {  	v3 =	vld.idx.msk [tilespmem:v0+s25+$0xFFFFFD80 ss:$0x1], $0xffff  }
0x29: {  	v4 =	vld.idx.msk [tilespmem:v0+s25+$0xFFFFFB00 ss:$0x1], $0xffff  }
0x2a: {  	v5 =	vld.idx.msk [tilespmem:v1+s25+$0x0 ss:$0x1], $0xffff  }
0x2b: {  	v6 =	vld.idx.msk [tilespmem:v0+s25+$0xFFFFFC00 ss:$0x1], $0xffff  }
0x2c: {  	v7 =	vld.idx.msk [tilespmem:v0+s25+$0xFFFFFD00 ss:$0x1], $0xffff  }
0x2d: {  	v8 =	vld.idx.msk [tilespmem:v0+s25+$0xFFFFFC80 ss:$0x1], $0xffff  }
0x2e: {  	v9 =	vld.idx.msk [tilespmem:v0+s25+$0xFFFFFF80 ss:$0x1], $0xffff  }
0x2f: {  	v10 =	vld.idx.msk [tilespmem:v0+s25+$0x80 ss:$0x1], $0xffff  }
0x30: {  	v11 =	vld.idx.msk [tilespmem:v0+s25+$0xFFFFFF00 ss:$0x1], $0xffff  }
0x31: {  	v12 =	vld.idx.msk [tilespmem:v0+s25+$0xFFFFFE00 ss:$0x1], $0xffff  }
0x32: {  	v15 =	vld.idx.msk [tilespmem:v0+s25+$0xFFFFFE80 ss:$0x1], $0xffff  }
0x33: {  	v17 =	vld.idx.msk [tilespmem:v0+s25+$0x0 ss:$0x1], $0xffff  }
0x34: {  	v19 =	vld.idx.msk [tilespmem:v0+s25+$0x200 ss:$0x1], $0xffff;
	v4 =	vadd.f32 v4, v5;
	v2 =	vadd.f32 v2, v5  }
0x35: {  	v21 =	vld.idx.msk [tilespmem:v0+s25+$0x180 ss:$0x1], $0xffff;
	v6 =	vadd.f32 v6, v5;
	v3 =	vadd.f32 v3, v5  }
0x36: {  	v41 =	vld.idx.msk [tilespmem:v0+s25+$0x280 ss:$0x1], $0xffff;
	v7 =	vadd.f32 v7, v5;
	v9 =	vadd.f32 v9, v5  }
0x37: {  	v23 =	vld.idx.msk [tilespmem:v0+s25+$0x300 ss:$0x1], $0xffff;
	v10 =	vadd.f32 v10, v5;
	v11 =	vadd.f32 v11, v5  }
0x38: {  	v46 =	vld.idx.msk [tilespmem:v0+s25+$0x380 ss:$0x1], $0xffff;
	v8 =	vadd.f32 v8, v5;
	v15 =	vadd.f32 v15, v5  }
0x39: {  	v12 =	vadd.f32 v12, v5;
	v38 =	vadd.f32 v17, v5  }
0x3a: {  	v45 =	vadd.f32 v21, v5;
	v19 =	vadd.f32 v19, v5  }
0x3b: {  	v17 =	vadd.f32 v41, v5;
	v13 =	vmul.f32 $2.000000030e-01, v4;
	v14 =	vmul.f32 $2.000000030e-01, v2  }
0x3c: {  	v23 =	vadd.f32 v23, v5;
	v16 =	vmul.f32 $2.000000030e-01, v6;
	v18 =	vmul.f32 $2.000000030e-01, v3  }
0x3d: {  	v21 =	vadd.f32 v46, v5;
	v36 =	vmul.f32 $2.000000030e-01, v7;
	v37 =	vmul.f32 $2.000000030e-01, v11  }
0x3e: {  	v39 =	vmul.f32 $2.000000030e-01, v8;
	v4 =	vmax.f32 v4, v13;
	v2 =	vmax.f32 v2, v14  }
0x3f: {  	v20 =	vmul.f32 $2.000000030e-01, v15;
	v6 =	vmax.f32 v6, v16;
	v13 =	vmax.f32 v4, v2  }
0x40: {  	v40 =	vmul.f32 $2.000000030e-01, v12;
	v14 =	vld.idx.msk [tilespmem:v0+s25+$0x100 ss:$0x1], $0xffff;
	v8 =	vmax.f32 v8, v39;
	v13 =	vmax.f32 v13, v6  }
0x41: {  	v22 =	vmul.f32 $2.000000030e-01, v10;
	v7 =	vmax.f32 v7, v36;
	v13 =	vmax.f32 v13, v8  }
0x42: {  	v42 =	vmul.f32 $2.000000030e-01, v38;
	v3 =	vmax.f32 v3, v18;
	v13 =	vmax.f32 v13, v7  }
0x43: {  	v44 =	vmul.f32 $2.000000030e-01, v9;
	v12 =	vmax.f32 v12, v40;
	v13 =	vmax.f32 v13, v3  }
0x44: {  	v24 =	vmul.f32 $2.000000030e-01, v45;
	v15 =	vmax.f32 v15, v20;
	v13 =	vmax.f32 v13, v12  }
0x45: {  	v11 =	vmax.f32 v11, v37;
	v14 =	vadd.f32 v14, v5;
	v13 =	vmax.f32 v13, v15  }
0x46: {  	v47 =	vld.idx.msk [tilespmem:v0+s25+$0x400 ss:$0x1], $0xffff;
	v25 =	vmul.f32 $2.000000030e-01, v19;
	v9 =	vmax.f32 v9, v44;
	v13 =	vmax.f32 v13, v11  }
0x47: {  	v48 =	vld.idx.msk [tilespmem:v0+s25+$0x480 ss:$0x1], $0xffff;
	v16 =	vmax.f32 v38, v42;
	v43 =	vmul.f32 $2.000000030e-01, v14;
	v13 =	vmax.f32 v13, v9  }
0x48: {  	v26 =	vmul.f32 $2.000000030e-01, v17;
	v10 =	vmax.f32 v10, v22;
	v13 =	vmax.f32 v13, v16  }
0x49: {  	v49 =	vmul.f32 $2.000000030e-01, v23;
	v14 =	vmax.f32 v14, v43;
	v13 =	vmax.f32 v13, v10  }
0x4a: {  	v50 =	vmul.f32 $2.000000030e-01, v21;
	v20 =	vmax.f32 v45, v24;
	v13 =	vmax.f32 v13, v14  }
0x4b: {  	v19 =	vmax.f32 v19, v25;
	v22 =	vadd.f32 v47, v5;
	v13 =	vmax.f32 v13, v20  }
0x4c: {  	v17 =	vmax.f32 v17, v26;
	v5 =	vadd.f32 v48, v5;
	v13 =	vmax.f32 v13, v19  }
0x4d: {  	v23 =	vmax.f32 v23, v49;
	v51 =	vmul.f32 $2.000000030e-01, v22;
	v13 =	vmax.f32 v13, v17  }
0x4e: {  	v18 =	vmax.f32 v21, v50;
	v52 =	vmul.f32 $2.000000030e-01, v5;
	v13 =	vmax.f32 v13, v23  }
0x4f: {  	v53 =	vmax.f32 v22, v51;
	v13 =	vmax.f32 v13, v18  }
0x50: {  	v5 =	vmax.f32 v5, v52;
	v13 =	vmax.f32 v13, v53  }
0x51: {  	v13 =	vmax.f32 v13, v5  }
0x52: {  	v4 =	vsub.f32 v4, v13;
	_ =	sdelay $0x1  }
0x53: {  	v54 =	vsub.f32 v2, v13;
	v4 =	vmul.f32 $1.442695020e+00, v4  }
0x54: {  	v2 =	vmov s24  }
0x55: {  	v6 =	vsub.f32 v6, v13;
	v22 =	vmul.f32 $1.442695020e+00, v54;
	(erf) = vpow2.f32 v4;
	_ =	sdelay $0x1  }
0x56: {  	v6 =	vmul.f32 $1.442695020e+00, v6;
	v4 =	vsub.f32 v8, v13;
	(erf) = vpow2.f32 v22;
	_ =	sdelay $0x1  }
0x57: {  	v7 =	vsub.f32 v7, v13;
	v4 =	vmul.f32 $1.442695020e+00, v4;
	(erf) = vpow2.f32 v6  }
0x58: {  	v3 =	vsub.f32 v3, v13;
	v6 =	vld.idx.msk [tilespmem:v2+s25+$0xFFFFFB00 ss:$0x1], $0xffff  }
0x59: {  	v7 =	vmul.f32 $1.442695020e+00, v7;
	v8 =	vsub.f32 v12, v13;
	(erf) = vpow2.f32 v4  }
0x5a: {  	v11 =	vsub.f32 v11, v13;
	v3 =	vmul.f32 $1.442695020e+00, v3;
	v12 =	vld.idx.msk [tilespmem:v2+s25+$0xFFFFFB80 ss:$0x1], $0xffff  }
0x5b: {  	v8 =	vmul.f32 $1.442695020e+00, v8;
	(erf) = vpow2.f32 v7  }
0x5c: {  	v4 =	vsub.f32 v15, v13;
	v7 =	vsub.f32 v9, v13;
	v9 =	vmul.f32 $1.442695020e+00, v11;
	v11 =	vld.idx.msk [tilespmem:v2+s25+$0xFFFFFC00 ss:$0x1], $0xffff;
	v15 =	vpop (erf)  }
0x5d: {  	(erf) = vpow2.f32 v3;
	v55 =	vadd.f32 $0.0e+00, v15;
	v6 =	vmul.f32 v15, v6  }
0x5e: {  	v10 =	vsub.f32 v10, v13;
	v4 =	vmul.f32 $1.442695020e+00, v4;
	(erf) = vpow2.f32 v8;
	v15 =	vld.idx.msk [tilespmem:v2+s25+$0xFFFFFC80 ss:$0x1], $0xffff;
	v56 =	vpop (erf)  }
0x5f: {  	v12 =	vmul.f32 v56, v12;
	v6 =	vadd.f32 $0.0e+00, v6;
	v8 =	vadd.f32 v55, v56  }
0x60: {  	v10 =	vmul.f32 $1.442695020e+00, v10;
	v57 =	vld.idx.msk [tilespmem:v2+s25+$0xFFFFFD00 ss:$0x1], $0xffff;
	v3 =	vsub.f32 v16, v13;
	(erf) = vpow2.f32 v4;
	v58 =	vpop (erf)  }
0x61: {  	v4 =	vadd.f32 v6, v12;
	v6 =	vadd.f32 v8, v58;
	v8 =	vmul.f32 v58, v11  }
0x62: {  	v7 =	vmul.f32 $1.442695020e+00, v7;
	v11 =	vsub.f32 v14, v13;
	v12 =	vld.idx.msk [tilespmem:v2+s25+$0xFFFFFD80 ss:$0x1], $0xffff;
	v14 =	vpop (erf);
	(erf) = vpow2.f32 v9  }
0x63: {  	v4 =	vadd.f32 v4, v8;
	v6 =	vadd.f32 v6, v14;
	v8 =	vmul.f32 v14, v15  }
0x64: {  	v3 =	vmul.f32 $1.442695020e+00, v3;
	v14 =	vld.idx.msk [tilespmem:v2+s25+$0xFFFFFE00 ss:$0x1], $0xffff;
	v15 =	vpop (erf);
	(erf) = vpow2.f32 v7  }
0x65: {  	v7 =	vmul.f32 v15, v57;
	v4 =	vadd.f32 v4, v8;
	v6 =	vadd.f32 v6, v15  }
0x66: {  	v9 =	vsub.f32 v20, v13;
	v11 =	vmul.f32 $1.442695020e+00, v11;
	v59 =	vpop (erf);
	(erf) = vpow2.f32 v3;
	v15 =	vld.idx.msk [tilespmem:v2+s25+$0xFFFFFE80 ss:$0x1], $0xffff  }
0x67: {  	v3 =	vadd.f32 v4, v7;
	v4 =	vadd.f32 v6, v59;
	v6 =	vmul.f32 v59, v12;
	v12 =	vld.idx.msk [tilespmem:v2+s25+$0xFFFFFF00 ss:$0x1], $0xffff  }
0x68: {  	v9 =	vmul.f32 $1.442695020e+00, v9;
	v8 =	vsub.f32 v19, v13;
	v60 =	vpop (erf);
	(erf) = vpow2.f32 v10  }
0x69: {  	v3 =	vadd.f32 v3, v6;
	v4 =	vadd.f32 v4, v60;
	v6 =	vmul.f32 v14, v60  }
0x6a: {  	v61 =	vpop (erf);
	(erf) = vpow2.f32 v11;
	v11 =	vsub.f32 v18, v13;
	v7 =	vsub.f32 v17, v13  }
0x6b: {  	v14 =	vld.idx.msk [tilespmem:v2+s25+$0xFFFFFF80 ss:$0x1], $0xffff;
	v62 =	vpop (erf);
	v3 =	vadd.f32 v3, v6;
	v4 =	vadd.f32 v4, v61;
	v6 =	vmul.f32 v15, v61  }
0x6c: {  	(erf) = vpow2.f32 v9;
	v15 =	vld.idx.msk [tilespmem:v2+s25+$0x0 ss:$0x1], $0xffff;
	v9 =	vmul.f32 v12, v62;
	v12 =	vsub.f32 v53, v13  }
0x6d: {  	v8 =	vmul.f32 $1.442695020e+00, v8;
	v3 =	vadd.f32 v3, v6;
	v6 =	vadd.f32 v4, v62  }
0x6e: {  	v10 =	vsub.f32 v23, v13;
	v7 =	vmul.f32 $1.442695020e+00, v7;
	v63 =	vpop (erf)  }
0x6f: {  	(erf) = vpow2.f32 v8;
	v4 =	vmul.f32 $1.442695020e+00, v11;
	v6 =	vadd.f32 v6, v63  }
0x70: {  	v11 =	vld.idx.msk [tilespmem:v2+s25+$0x80 ss:$0x1], $0xffff;
	v3 =	vadd.f32 v3, v9;
	v9 =	vsub.f32 v5, v13;
	v5 =	vmul.f32 $1.442695020e+00, v12;
	v12 =	vpop (erf)  }
0x71: {  	v8 =	vmul.f32 v14, v63;
	v14 =	vadd.f32 v6, v12;
	v12 =	vmul.f32 v15, v12  }
0x72: {  	v10 =	vmul.f32 $1.442695020e+00, v10;
	(erf) = vpow2.f32 v7;
	v7 =	vld.idx.msk [tilespmem:v2+s25+$0x100 ss:$0x1], $0xffff  }
0x73: {  	v13 =	vadd.f32 v3, v8  }
0x74: {  	(erf) = vpow2.f32 v10;
	v3 =	vmov s22;
	v6 =	vmul.f32 $1.442695020e+00, v9;
	v8 =	vld.idx.msk [tilespmem:v2+s25+$0x180 ss:$0x1], $0xffff;
	v9 =	vpop (erf)  }
0x75: {  	s26 =	simm.s32 $0x40;
	v10 =	vadd.f32 v13, v12;
	v13 =	vadd.f32 v14, v9;
	v11 =	vmul.f32 v11, v9;
	v9 =	vld.idx.msk [tilespmem:v2+s25+$0x200 ss:$0x1], $0xffff;
	v12 =	vpop (erf)  }
.LBB2_4:
0x76: {  	p0 =	sne.s32 s26, $0x1C0;
	(erf) = vpow2.f32 v4;
	s28 =	smov.u32 s26;
	s26 =	sadd.s32 $0x40, s26  }
0x77: {  	v7 =	vmul.f32 v7, v12;
	v4 =	vadd.f32 v10, v11;
	v13 =	vadd.f32 v13, v12;
	v11 =	vld.idx.msk [tilespmem:v2+s25+$0x280 ss:$0x1], $0xffff;
	v12 =	vpop (erf)  }
0x78: {  	(erf) = vpow2.f32 v5  }
0x79: {  	v4 =	vadd.f32 v4, v7;
	v5 =	vadd.f32 v13, v12;
	v7 =	vmul.f32 v8, v12;
	v8 =	vld.idx.msk [tilespmem:v2+s25+$0x300 ss:$0x1], $0xffff;
	v10 =	vpop (erf)  }
0x7a: {  	(erf) = vpow2.f32 v6  }
0x7b: {  	v6 =	vmul.f32 v9, v10;
	v4 =	vadd.f32 v4, v7;
	v5 =	vadd.f32 v5, v10;
	v7 =	vld.idx.msk [tilespmem:v2+s25+$0x380 ss:$0x1], $0xffff;
	v9 =	vpop (erf);
	_ =	sdelay $0x1  }
0x7c: {  	v4 =	vadd.f32 v4, v6;
	v5 =	vadd.f32 v5, v9;
	v6 =	vmul.f32 v11, v9;
	v9 =	vld.idx.msk [tilespmem:v2+s25+$0x400 ss:$0x1], $0xffff;
	v10 =	vpop (erf);
	_ =	sdelay $0x1  }
0x7d: {  	v4 =	vadd.f32 v4, v6;
	v5 =	vadd.f32 v5, v10;
	v6 =	vmul.f32 v8, v10;
	v8 =	vpop (erf)  }
0x7e: {  	s28 =	sshra.s32 s28, $0x2  }
0x7f: {  	v4 =	vadd.f32 v4, v6;
	v5 =	vadd.f32 v5, v8;
	v6 =	vmul.f32 v7, v8;
	v7 =	vpop (erf);
	_ =	sdelay $0x1  }
0x80: {  	v4 =	vadd.f32 v4, v6;
	v5 =	vadd.f32 v5, v7;
	v6 =	vmul.f32 v9, v7;
	v7 =	vpop (erf);
	_ =	sdelay $0x1  }
0x81: {  	v4 =	vadd.f32 v4, v6;
	v5 =	vadd.f32 v5, v7;
	_ =	sdelay $0x1  }
0x82: {  	v6 =	vld.idx.msk [tilespmem:v2+s25+$0x480 ss:$0x1], $0xffff;
	(erf) = vrcp.f32 v5;
	_ =	sdelay $0x5  }
0x83: {  	v6 =	vmul.f32 v6, v7;
	_ =	sdelay $0x1  }
0x84: {  	v4 =	vadd.f32 v4, v6  }
0x85: {  	v5 =	vpop (erf)  }
0x86: {  	v4 =	vmul.f32 v5, v4;
	_ =	sdelay $0x1  }
0x87: {  	v5 =	vmul.f32 $2.000000030e-01, v4;
	_ =	sdelay $0x1  }
0x88: {  	v4 =	vmax.f32 v4, v5  }
0x89: {  	[tilespmem:v3+s25+$0x0 ss:$0x1] =	vst.idx.msk $0xffff, v4;
	s25 =	smov.u32 s28  }
0x8a: {  	v4 =	vld.idx.msk [tilespmem:v0+s25+$0xFFFFFB80 ss:$0x1], $0xffff  }
0x8b: {  	v5 =	vld.idx.msk [tilespmem:v0+s25+$0xFFFFFD80 ss:$0x1], $0xffff  }
0x8c: {  	v6 =	vld.idx.msk [tilespmem:v0+s25+$0xFFFFFD00 ss:$0x1], $0xffff  }
0x8d: {  	v7 =	vld.idx.msk [tilespmem:v0+s25+$0xFFFFFB00 ss:$0x1], $0xffff  }
0x8e: {  	v8 =	vld.idx.msk [tilespmem:v0+s25+$0xFFFFFC00 ss:$0x1], $0xffff  }
0x8f: {  	v9 =	vld.idx.msk [tilespmem:v1+s25+$0x0 ss:$0x1], $0xffff  }
0x90: {  	v10 =	vld.idx.msk [tilespmem:v0+s25+$0xFFFFFC80 ss:$0x1], $0xffff  }
0x91: {  	v11 =	vld.idx.msk [tilespmem:v0+s25+$0xFFFFFE00 ss:$0x1], $0xffff  }
0x92: {  	v12 =	vld.idx.msk [tilespmem:v0+s25+$0xFFFFFF80 ss:$0x1], $0xffff  }
0x93: {  	v13 =	vld.idx.msk [tilespmem:v0+s25+$0x80 ss:$0x1], $0xffff  }
0x94: {  	v14 =	vld.idx.msk [tilespmem:v0+s25+$0xFFFFFF00 ss:$0x1], $0xffff  }
0x95: {  	v7 =	vadd.f32 v7, v9;
	v4 =	vadd.f32 v4, v9  }
0x96: {  	v8 =	vadd.f32 v8, v9;
	v5 =	vadd.f32 v5, v9;
	v15 =	vld.idx.msk [tilespmem:v0+s25+$0xFFFFFE80 ss:$0x1], $0xffff  }
0x97: {  	v6 =	vadd.f32 v6, v9;
	v16 =	vmul.f32 $2.000000030e-01, v7;
	v17 =	vmul.f32 $2.000000030e-01, v4;
	v18 =	vld.idx.msk [tilespmem:v0+s25+$0x0 ss:$0x1], $0xffff  }
0x98: {  	v19 =	vmul.f32 $2.000000030e-01, v8;
	v20 =	vmul.f32 $2.000000030e-01, v5;
	v12 =	vadd.f32 v12, v9  }
0x99: {  	v7 =	vmax.f32 v7, v16;
	v4 =	vmax.f32 v4, v17;
	v13 =	vadd.f32 v13, v9;
	v16 =	vld.idx.msk [tilespmem:v0+s25+$0x100 ss:$0x1], $0xffff  }
0x9a: {  	v8 =	vmax.f32 v8, v19;
	v17 =	vmax.f32 v7, v4;
	v14 =	vadd.f32 v14, v9  }
0x9b: {  	v19 =	vmul.f32 $2.000000030e-01, v6;
	v5 =	vmax.f32 v5, v20;
	v17 =	vmax.f32 v17, v8  }
0x9c: {  	v10 =	vadd.f32 v10, v9;
	v15 =	vadd.f32 v15, v9;
	v20 =	vmul.f32 $2.000000030e-01, v14  }
0x9d: {  	v11 =	vadd.f32 v11, v9;
	v6 =	vmax.f32 v6, v19;
	v18 =	vadd.f32 v18, v9;
	v19 =	vld.idx.msk [tilespmem:v0+s25+$0x200 ss:$0x1], $0xffff  }
0x9e: {  	v21 =	vmul.f32 $2.000000030e-01, v10;
	v22 =	vmul.f32 $2.000000030e-01, v15;
	v14 =	vmax.f32 v14, v20;
	v20 =	vld.idx.msk [tilespmem:v0+s25+$0x180 ss:$0x1], $0xffff  }
0x9f: {  	v23 =	vmul.f32 $2.000000030e-01, v11;
	v24 =	vmul.f32 $2.000000030e-01, v13;
	v16 =	vadd.f32 v16, v9;
	v25 =	vld.idx.msk [tilespmem:v0+s25+$0x280 ss:$0x1], $0xffff  }
0xa0: {  	v10 =	vmax.f32 v10, v21;
	v21 =	vmul.f32 $2.000000030e-01, v18;
	v15 =	vmax.f32 v15, v22  }
0xa1: {  	v17 =	vmax.f32 v17, v10;
	v13 =	vmax.f32 v13, v24;
	v22 =	vmul.f32 $2.000000030e-01, v16;
	v24 =	vld.idx.msk [tilespmem:v0+s25+$0x300 ss:$0x1], $0xffff  }
0xa2: {  	v11 =	vmax.f32 v11, v23;
	v17 =	vmax.f32 v17, v6;
	v18 =	vmax.f32 v18, v21  }
0xa3: {  	v17 =	vmax.f32 v17, v5;
	v21 =	vmul.f32 $2.000000030e-01, v12;
	v16 =	vmax.f32 v16, v22;
	v22 =	vld.idx.msk [tilespmem:v0+s25+$0x400 ss:$0x1], $0xffff  }
0xa4: {  	v17 =	vmax.f32 v17, v11;
	v19 =	vadd.f32 v19, v9;
	v20 =	vadd.f32 v20, v9;
	v23 =	vld.idx.msk [tilespmem:v0+s25+$0x380 ss:$0x1], $0xffff  }
0xa5: {  	v17 =	vmax.f32 v17, v15;
	v12 =	vmax.f32 v12, v21;
	v21 =	vadd.f32 v25, v9;
	v25 =	vld.idx.msk [tilespmem:v0+s25+$0x480 ss:$0x1], $0xffff  }
0xa6: {  	v17 =	vmax.f32 v17, v14;
	v27 =	vmul.f32 $2.000000030e-01, v19;
	v26 =	vmul.f32 $2.000000030e-01, v20  }
0xa7: {  	v17 =	vmax.f32 v17, v12;
	v28 =	vmul.f32 $2.000000030e-01, v21;
	v24 =	vadd.f32 v24, v9  }
0xa8: {  	v17 =	vmax.f32 v17, v18;
	v19 =	vmax.f32 v19, v27;
	v20 =	vmax.f32 v20, v26  }
0xa9: {  	v17 =	vmax.f32 v17, v13;
	v21 =	vmax.f32 v21, v28;
	v26 =	vmul.f32 $2.000000030e-01, v24  }
0xaa: {  	v17 =	vmax.f32 v17, v16;
	v22 =	vadd.f32 v22, v9;
	v23 =	vadd.f32 v23, v9  }
0xab: {  	v17 =	vmax.f32 v17, v20;
	v24 =	vmax.f32 v24, v26;
	v9 =	vadd.f32 v25, v9  }
0xac: {  	v17 =	vmax.f32 v17, v19;
	v26 =	vmul.f32 $2.000000030e-01, v22;
	v25 =	vmul.f32 $2.000000030e-01, v23  }
0xad: {  	v17 =	vmax.f32 v17, v21;
	v27 =	vmul.f32 $2.000000030e-01, v9  }
0xae: {  	v17 =	vmax.f32 v17, v24;
	v22 =	vmax.f32 v22, v26;
	v23 =	vmax.f32 v23, v25  }
0xaf: {  	v17 =	vmax.f32 v17, v23;
	v9 =	vmax.f32 v9, v27  }
0xb0: {  	v17 =	vmax.f32 v17, v22  }
0xb1: {  	v17 =	vmax.f32 v17, v9  }
0xb2: {  	v7 =	vsub.f32 v7, v17;
	v4 =	vsub.f32 v4, v17  }
0xb3: {  	v8 =	vsub.f32 v8, v17;
	v10 =	vsub.f32 v10, v17  }
0xb4: {  	v6 =	vsub.f32 v6, v17;
	v7 =	vmul.f32 $1.442695020e+00, v7;
	v4 =	vmul.f32 $1.442695020e+00, v4  }
0xb5: {  	v5 =	vsub.f32 v5, v17;
	v8 =	vmul.f32 $1.442695020e+00, v8;
	v10 =	vmul.f32 $1.442695020e+00, v10  }
0xb6: {  	v11 =	vsub.f32 v11, v17;
	v6 =	vmul.f32 $1.442695020e+00, v6;
	(erf) = vpow2.f32 v7  }
0xb7: {  	v14 =	vsub.f32 v14, v17;
	v5 =	vmul.f32 $1.442695020e+00, v5;
	v7 =	vsub.f32 v15, v17  }
0xb8: {  	v12 =	vsub.f32 v12, v17;
	v11 =	vmul.f32 $1.442695020e+00, v11;
	(erf) = vpow2.f32 v4  }
0xb9: {  	v14 =	vmul.f32 $1.442695020e+00, v14;
	v7 =	vmul.f32 $1.442695020e+00, v7;
	v4 =	vsub.f32 v18, v17  }
0xba: {  	v13 =	vsub.f32 v13, v17;
	v12 =	vmul.f32 $1.442695020e+00, v12;
	v15 =	vld.idx.msk [tilespmem:v2+s25+$0xFFFFFB00 ss:$0x1], $0xffff;
	(erf) = vpow2.f32 v8  }
0xbb: {  	v8 =	vmul.f32 $1.442695020e+00, v4;
	v4 =	vsub.f32 v16, v17;
	v16 =	vsub.f32 v20, v17  }
0xbc: {  	v19 =	vsub.f32 v19, v17;
	v13 =	vmul.f32 $1.442695020e+00, v13;
	v18 =	vld.idx.msk [tilespmem:v2+s25+$0xFFFFFB80 ss:$0x1], $0xffff;
	(erf) = vpow2.f32 v10  }
0xbd: {  	v10 =	vmul.f32 $1.442695020e+00, v4;
	v16 =	vmul.f32 $1.442695020e+00, v16;
	v4 =	vsub.f32 v21, v17  }
0xbe: {  	v19 =	vmul.f32 $1.442695020e+00, v19;
	v21 =	vsub.f32 v24, v17;
	v20 =	vld.idx.msk [tilespmem:v2+s25+$0xFFFFFC00 ss:$0x1], $0xffff;
	(erf) = vpow2.f32 v6  }
0xbf: {  	v24 =	vmul.f32 $1.442695020e+00, v4;
	v4 =	vsub.f32 v23, v17;
	v6 =	vsub.f32 v22, v17;
	v22 =	vpop (erf)  }
0xc0: {  	v23 =	vadd.f32 $0.0e+00, v22;
	v15 =	vmul.f32 v22, v15;
	v22 =	vld.idx.msk [tilespmem:v2+s25+$0xFFFFFC80 ss:$0x1], $0xffff;
	(erf) = vpow2.f32 v5  }
0xc1: {  	v9 =	vsub.f32 v9, v17;
	v21 =	vmul.f32 $1.442695020e+00, v21;
	v5 =	vpop (erf);
	(erf) = vpow2.f32 v11  }
0xc2: {  	v11 =	vadd.f32 $0.0e+00, v15;
	v15 =	vadd.f32 v23, v5;
	v5 =	vmul.f32 v5, v18;
	v17 =	vld.idx.msk [tilespmem:v2+s25+$0xFFFFFD00 ss:$0x1], $0xffff  }
0xc3: {  	v4 =	vmul.f32 $1.442695020e+00, v4;
	v18 =	vpop (erf);
	(erf) = vpow2.f32 v7  }
0xc4: {  	v7 =	vadd.f32 v11, v5;
	v11 =	vadd.f32 v15, v18;
	v15 =	vmul.f32 v18, v20;
	v18 =	vld.idx.msk [tilespmem:v2+s25+$0xFFFFFD80 ss:$0x1], $0xffff  }
0xc5: {  	v5 =	vmul.f32 $1.442695020e+00, v6;
	v6 =	vpop (erf);
	(erf) = vpow2.f32 v14  }
0xc6: {  	v7 =	vadd.f32 v7, v15;
	v11 =	vadd.f32 v11, v6;
	v20 =	vmul.f32 v6, v22;
	v15 =	vld.idx.msk [tilespmem:v2+s25+$0xFFFFFE00 ss:$0x1], $0xffff  }
0xc7: {  	v6 =	vmul.f32 $1.442695020e+00, v9;
	v9 =	vpop (erf);
	(erf) = vpow2.f32 v12  }
0xc8: {  	v7 =	vadd.f32 v7, v20;
	v11 =	vadd.f32 v11, v9;
	v9 =	vmul.f32 v9, v17;
	v12 =	vld.idx.msk [tilespmem:v2+s25+$0xFFFFFE80 ss:$0x1], $0xffff  }
0xc9: {  	v14 =	vpop (erf);
	(erf) = vpow2.f32 v8  }
0xca: {  	v7 =	vadd.f32 v7, v9;
	v8 =	vadd.f32 v11, v14;
	v9 =	vmul.f32 v14, v18;
	v11 =	vld.idx.msk [tilespmem:v2+s25+$0xFFFFFF00 ss:$0x1], $0xffff;
	v14 =	vpop (erf)  }
0xcb: {  	(erf) = vpow2.f32 v13  }
0xcc: {  	v7 =	vadd.f32 v7, v9;
	v8 =	vadd.f32 v8, v14;
	v9 =	vmul.f32 v15, v14;
	v13 =	vld.idx.msk [tilespmem:v2+s25+$0xFFFFFF80 ss:$0x1], $0xffff;
	v14 =	vpop (erf)  }
0xcd: {  	(erf) = vpow2.f32 v10  }
0xce: {  	v7 =	vadd.f32 v7, v9;
	v8 =	vadd.f32 v8, v14;
	v9 =	vmul.f32 v12, v14;
	v10 =	vld.idx.msk [tilespmem:v2+s25+$0x0 ss:$0x1], $0xffff;
	v12 =	vpop (erf)  }
0xcf: {  	(erf) = vpow2.f32 v16  }
0xd0: {  	v7 =	vadd.f32 v7, v9;
	v8 =	vadd.f32 v8, v12;
	v9 =	vmul.f32 v11, v12;
	v11 =	vld.idx.msk [tilespmem:v2+s25+$0x80 ss:$0x1], $0xffff;
	v12 =	vpop (erf)  }
0xd1: {  	(erf) = vpow2.f32 v19  }
.Ltmp0:
0xd2: {  	v9 =	vadd.f32 v7, v9;
	v8 =	vadd.f32 v8, v12;
	v12 =	vmul.f32 v13, v12;
	v7 =	vld.idx.msk [tilespmem:v2+s25+$0x100 ss:$0x1], $0xffff;
	v13 =	vpop (erf);
	(pc) =	sbr.rel @p0 .LBB2_4-.Ltmp0, $4  }
0xd3: {  	(erf) = vpow2.f32 v24  }
0xd4: {  	v10 =	vmul.f32 v10, v13;
	v9 =	vadd.f32 v9, v12;
	v15 =	vadd.f32 v8, v13;
	v8 =	vld.idx.msk [tilespmem:v2+s25+$0x180 ss:$0x1], $0xffff;
	v14 =	vpop (erf)  }
0xd5: {  	(erf) = vpow2.f32 v21  }
0xd6: {  	v11 =	vmul.f32 v11, v14;
	v10 =	vadd.f32 v9, v10;
	v13 =	vadd.f32 v15, v14;
	v9 =	vld.idx.msk [tilespmem:v2+s25+$0x200 ss:$0x1], $0xffff;
	v12 =	vpop (erf)  }
0xd7: {  	_ = 	snop  }
0xd8: {  	(erf) = vpow2.f32 v4;
	v0 =	vadd.f32 v13, v12  }
0xd9: {  	v1 =	vpop (erf)  }
0xda: {  	(erf) = vpow2.f32 v5;
	v0 =	vadd.f32 v0, v1  }
0xdb: {  	v48 =	vpop (erf)  }
0xdc: {  	(erf) = vpow2.f32 v6;
	v0 =	vadd.f32 v0, v48  }
0xdd: {  	v49 =	vpop (erf)  }
0xde: {  	v0 =	vadd.f32 v0, v49  }
0xdf: {  	v50 =	vpop (erf)  }
0xe0: {  	v7 =	vmul.f32 v7, v12;
	v10 =	vadd.f32 v10, v11;
	v0 =	vadd.f32 v0, v50  }
0xe1: {  	v51 =	vld.idx.msk [tilespmem:v2+s25+$0x280 ss:$0x1], $0xffff;
	v52 =	vpop (erf)  }
0xe2: {  	v7 =	vadd.f32 v10, v7;
	v1 =	vmul.f32 v8, v1;
	v0 =	vadd.f32 v0, v52  }
0xe3: {  	v53 =	vld.idx.msk [tilespmem:v2+s25+$0x300 ss:$0x1], $0xffff;
	v54 =	vpop (erf)  }
0xe4: {  	v4 =	vmul.f32 v9, v48;
	v1 =	vadd.f32 v7, v1;
	v0 =	vadd.f32 v0, v54  }
0xe5: {  	v55 =	vld.idx.msk [tilespmem:v2+s25+$0x380 ss:$0x1], $0xffff;
	v56 =	vpop (erf)  }
0xe6: {  	v57 =	vmul.f32 v51, v49;
	v1 =	vadd.f32 v1, v4;
	v0 =	vadd.f32 v0, v56  }
0xe7: {  	v58 =	vld.idx.msk [tilespmem:v2+s25+$0x400 ss:$0x1], $0xffff  }
0xe8: {  	v59 =	vmul.f32 v53, v50;
	v1 =	vadd.f32 v1, v57;
	(erf) = vrcp.f32 v0  }
0xe9: {  	v60 =	vld.idx.msk [tilespmem:v2+s25+$0x480 ss:$0x1], $0xffff  }
0xea: {  	v61 =	vmul.f32 v55, v52;
	v1 =	vadd.f32 v1, v59;
	_ =	sdelay $0x1  }
0xeb: {  	v62 =	vmul.f32 v58, v54;
	v1 =	vadd.f32 v1, v61;
	_ =	sdelay $0x1  }
0xec: {  	v1 =	vadd.f32 v1, v62;
	v0 =	vmul.f32 v60, v56;
	_ =	sdelay $0x1  }
0xed: {  	v0 =	vadd.f32 v1, v0  }
0xee: {  	s19 =	sadd.s32 $0x1, s19;
	v63 =	vpop (erf)  }
0xef: {  	p0 =	sne.s32 s19, $0x4;
	v0 =	vmul.f32 v63, v0  }
.Ltmp1:
0xf0: {  	_ = 	snop;
	(pc) =	sbr.rel @p0 .LBB2_3-.Ltmp1, $3  }
0xf1: {  	v1 =	vmul.f32 $2.000000030e-01, v0;
	_ =	sdelay $0x1  }
0xf2: {  	s21 =	sadd.s32 $0x80, s21;
	v0 =	vmax.f32 v0, v1  }
0xf3: {  	s22 =	sadd.s32 $0x80, s22;
	s23 =	sadd.s32 $0xA00, s23;
	s24 =	sadd.s32 $0xA00, s24;
	[tilespmem:v3+s25+$0x0 ss:$0x1] =	vst.idx.msk $0xffff, v0  }
0xf4: {  	s18 =	sadd.s32 $0x1, s18  }
0xf5: {  	p0 =	sne.s32 s18, $0x20  }
.Ltmp2:
0xf6: {  	s19 =	sadd.s32 s7, s20;
	(pc) =	sbr.rel @p0 .LBB2_2-.Ltmp2, $4  }
0xf7: {  	[hbm4b:s19+s2] =	stream.linear.scatter [tilespmem:s16], [sflag:$0x3], $0x200, $0x38;
	[tilespmem:$0x5480] =	vst v63  }
0xf8: {  	_ =	swait.ge [sflag:s10], $0x200  }
0xf9: {  	[sflag:s10] =	ssyncset.done $0x0  }
0xfa: {  	[sflag:s10] =	ssyncadd.s32 $0xFFFFFE00  }
0xfb: {  	s17 =	sadd.s32 $0x1, s17  }
0xfc: {  	p0 =	sne.s32 s17, s9  }
.Ltmp3:
0xfd: {  	_ = 	snop;
	(pc) =	sbr.rel @p0 .LBB2_1-.Ltmp3, $1  }
0xfe: {  	_ =	sdelay $0x3  }
0xff: {  	_ =	sfence.sel $0x180000  }
0x100: {  	[bflag:$0x0] =	sbarrier.arrive $0xFFFF  }
0x101: {  	p0 =	sne.s32 s3, $0x0;
	_ =	strace $0x90000050  }
0x102: {  	s0 =	sadd.s32 @!p0 $0x100000, s0;
	[bflag:$0x2] =	sbarrier.arrive $0xFFFF  }
0x103: {  	[sflag:s0] =	ssyncadd.tile.s32 @!p0 $0x1;
	_ =	shalt  }
.Lfunc_end2:
_tile_overlayer_lowered:
.L_overlay_start_2:
0x104: {  	(tag) =	ssettag $0x2  }
0x105: {  	s0 =	rddreg [dreg:$0x0];
	s2 =	stileid.u32  }
0x106: {  	s1 =	rddreg [dreg:$0x1];
	p0 =	sne.s32 s2, $0x0  }
0x107: {  	s3 =	rddreg [dreg:$0x2];
	[bflag:$0x3] =	sbarrier.arrive $0xFFFF;
	s2 =	simm.s32 @!p0 $0x1C03  }
0x108: {  	[timem:s3], [sflag:s2] =	dma.local @!p0 [hbm:s0], s1  }
0x109: {  	s0 =	simm.s32 @!p0 $0x3  }
0x10a: {  	_ =	swait.ge @!p0 [sflag:s0], s1  }
0x10b: {  	s1 =	ssub.s32 @!p0 $0x0, s1;
	[sflag:s0] =	ssyncset.done @!p0 $0x0  }
0x10c: {  	[sflag:s0] =	ssyncadd.s32 @!p0 s1  }
0x10d: {  	[bflag:$0x3] =	sbarrier.arrive $0xFFFF  }
0x10e: {  	_ =	shalt  }

// kernel: kernel.14.cloned.1.call-start
scs
__scs_entry_jumppad:
0x0: {  	(pc) =	sbr.rel $0x88, $3  }
0x1: {  	(tag) =	ssettag $0x0;
	lr =	simm.s32 $0x1  }
0x2: {  	[smem:$0x3F9E] =	sst lr;
	_ =	strace $0xD0000000  }
0x3: {  	_ = 	snop  }
0x4: {  	_ = 	snop  }
0x5: {  	_ = 	snop  }
0x6: {  	_ = 	snop  }
0x7: {  	_ = 	snop  }
__scs_overlays_trampoline_lowered:
0x8: {  	[smem:$0x3FAD] =	sst s0  }
0x9: {  	[smem:$0x3FAE] =	sst s1  }
0xa: {  	[smem:$0x3FAF] =	sst s2  }
0xb: {  	[smem:$0x3FB0] =	sst s3  }
0xc: {  	[smem:$0x3FB1] =	sst s4  }
0xd: {  	[smem:$0x3FB2] =	sst s5  }
0xe: {  	[smem:$0x3FB3] =	sst s6  }
0xf: {  	[smem:$0x3FB4] =	sst s7  }
0x10: {  	[smem:$0x3FB5] =	sst s8  }
0x11: {  	[smem:$0x3FB6] =	sst s9;
	s0 =	simm.s32 @!p0 $0x0  }
0x12: {  	s1 =	sld [smem:$0x3F9C];
	s0 =	simm.s32 @p0 $0x1  }
0x13: {  	[smem:$0x3FB7] =	sst s0;
	s0 =	simm.s32 @!p1 $0x0  }
0x14: {  	s2 =	sld [smem:$0x3F9B];
	s0 =	simm.s32 @p1 $0x1  }
0x15: {  	[smem:$0x3FB8] =	sst s0;
	s0 =	simm.s32 @!p2 $0x0  }
0x16: {  	s3 =	sld [smem:$0x3FDB];
	s0 =	simm.s32 @p2 $0x1  }
0x17: {  	s4 =	simm.s32 $0x1BF5;
	[smem:$0x3FBA] =	sst s0  }
0x18: {  	s0 =	sld [smem:$0x3F9D];
	_ =	swait.ge [sflag:s4], $0x0  }
0x19: {  	s7 =	sld [smem:$0x3F9E]  }
0x1a: {  	s8 =	sadd.s32 $0xFFFFE003, lr  }
0x1b: {  	s9 =	sadd.s32 $0xFFFFFEF7, lr;
	s5 =	simm.s32 $0xFFFFFFFF;
	p2 =	slt.u32 s8, $0xFFFFF086  }
0x1c: {  	p1 =	slt.u32 s9, $0xF7A;
	s5 =	simm.s32 @!p2 $0x0  }
0x1d: {  	s5 =	simm.s32 @p1 $0x1;
	p0 =	seq.s32 s7, s2  }
0x1e: {  	s7 =	smul.u32 @!p0 $0xF7A, s2;
	p2 =	seq.s32 @!p0 s5, $0x0  }
0x1f: {  	s9 =	smul.u32 $0xF7A, s1;
	s8 =	simm.s32 @!p0 $0x1BF5;
	p2 =	por !p2, p0  }
0x20: {  	[sflag:s8] =	ssyncset.s32 @!p0 $0xFFFFF086;
	s6 =	sadd.s32 @!p0 s3, s7;
	s7 =	simm.s32 @!p0 $0x108  }
0x21: {  	s3 =	sadd.s32 s3, s9;
	s6 =	sadd.s32 @!p0 $0x88, s6;
	s7 =	simm.s32 @p2 $0x1082  }
0x22: {  	[simem:s7], [sflag:s8] =	dma.local @!p0 [hbm:s6], $0xF7A  }
0x23: {  	s9 =	sor.u32 $0xD0000000, s2;
	s6 =	simm.s32 $0x108;
	_ =	swait.ge @!p0 [sflag:s8], $0x0  }
0x24: {  	s3 =	sadd.s32 $0x88, s3;
	s6 =	simm.s32 @!p1 $0x1082;
	[sflag:s4] =	ssyncset.s32 $0xFFFFF086  }
0x25: {  	[simem:s6], [sflag:s4] =	dma.local [hbm:s3], $0xF7A  }
0x26: {  	[smem:$0x3F9E] =	sst s1;
	(tag) =	ssettag s2;
	_ =	strace s9  }
0x27: {  	s1 =	sld [smem:$0x3FAE]  }
0x28: {  	s2 =	sld [smem:$0x3FAF]  }
0x29: {  	s4 =	sld [smem:$0x3FB1]  }
0x2a: {  	p0 =	seq.s32 s5, $0x0;
	s5 =	sld [smem:$0x3FB2]  }
0x2b: {  	s6 =	sld [smem:$0x3FB3]  }
0x2c: {  	s7 =	sld [smem:$0x3FB4]  }
0x2d: {  	s3 =	simm.s32 $0x108;
	s8 =	sld [smem:$0x3FB5]  }
0x2e: {  	s3 =	simm.s32 @!p0 $0x1082;
	s9 =	sld [smem:$0x3FB6]  }
0x2f: {  	lr =	sadd.s32 s0, s3;
	s0 =	sld [smem:$0x3FAD]  }
0x30: {  	s3 =	sld [smem:$0x3FB0]  }
0x31: {  	[smem:$0x3FB9] =	sst s10  }
0x32: {  	s10 =	sld [smem:$0x3FB7];
	_ =	sdelay $0x3  }
0x33: {  	p0 =	seq.s32 s10, $0x1;
	s10 =	sld [smem:$0x3FB9];
	_ =	sdelay $0x3  }
0x34: {  	[smem:$0x3FB9] =	sst s10  }
0x35: {  	s10 =	sld [smem:$0x3FB8];
	_ =	sdelay $0x3  }
0x36: {  	p1 =	seq.s32 s10, $0x1;
	s10 =	sld [smem:$0x3FB9];
	_ =	sdelay $0x3  }
0x37: {  	[smem:$0x3FB9] =	sst s10  }
0x38: {  	s10 =	sld [smem:$0x3FBA]  }
0x39: {  	_ = 	snop;
	(pc) =	sbr.ind lr, $3  }
0x3a: {  	_ = 	snop  }
0x3b: {  	_ = 	snop  }
0x3c: {  	p2 =	seq.s32 s10, $0x1;
	s10 =	sld [smem:$0x3FB9]  }
0x3d: {  	_ =	shalt  }
0x3e: {  	_ =	shalt  }
0x3f: {  	_ =	shalt  }
0x40: {  	_ =	shalt  }
0x41: {  	_ =	shalt  }
0x42: {  	_ =	shalt  }
0x43: {  	_ =	shalt  }
0x44: {  	_ =	shalt  }
0x45: {  	_ =	shalt  }
0x46: {  	_ =	shalt  }
0x47: {  	_ =	shalt  }
0x48: {  	_ =	shalt  }
0x49: {  	_ =	shalt  }
0x4a: {  	_ =	shalt  }
0x4b: {  	_ =	shalt  }
0x4c: {  	_ =	shalt  }
0x4d: {  	_ =	shalt  }
0x4e: {  	_ =	shalt  }
0x4f: {  	_ =	shalt  }
0x50: {  	_ =	shalt  }
0x51: {  	_ =	shalt  }
0x52: {  	_ =	shalt  }
0x53: {  	_ =	shalt  }
0x54: {  	_ =	shalt  }
0x55: {  	_ =	shalt  }
0x56: {  	_ =	shalt  }
0x57: {  	_ =	shalt  }
0x58: {  	_ =	shalt  }
0x59: {  	_ =	shalt  }
0x5a: {  	_ =	shalt  }
0x5b: {  	_ =	shalt  }
0x5c: {  	_ =	shalt  }
0x5d: {  	_ =	shalt  }
0x5e: {  	_ =	shalt  }
0x5f: {  	_ =	shalt  }
0x60: {  	_ =	shalt  }
0x61: {  	_ =	shalt  }
0x62: {  	_ =	shalt  }
0x63: {  	_ =	shalt  }
0x64: {  	_ =	shalt  }
0x65: {  	_ =	shalt  }
0x66: {  	_ =	shalt  }
0x67: {  	_ =	shalt  }
0x68: {  	_ =	shalt  }
0x69: {  	_ =	shalt  }
0x6a: {  	_ =	shalt  }
0x6b: {  	_ =	shalt  }
0x6c: {  	_ =	shalt  }
0x6d: {  	_ =	shalt  }
0x6e: {  	_ =	shalt  }
0x6f: {  	_ =	shalt  }
0x70: {  	_ =	shalt  }
0x71: {  	_ =	shalt  }
0x72: {  	_ =	shalt  }
0x73: {  	_ =	shalt  }
0x74: {  	_ =	shalt  }
0x75: {  	_ =	shalt  }
0x76: {  	_ =	shalt  }
0x77: {  	_ =	shalt  }
0x78: {  	_ =	shalt  }
0x79: {  	_ =	shalt  }
0x7a: {  	_ =	shalt  }
0x7b: {  	_ =	shalt  }
0x7c: {  	_ =	shalt  }
0x7d: {  	_ =	shalt  }
0x7e: {  	_ =	shalt  }
0x7f: {  	_ =	shalt  }
0x80: {  	_ =	shalt  }
0x81: {  	_ =	shalt  }
0x82: {  	_ =	shalt  }
0x83: {  	_ =	shalt  }
0x84: {  	_ =	shalt  }
0x85: {  	_ =	shalt  }
0x86: {  	_ =	shalt  }
0x87: {  	_ =	shalt  }
.Lfunc_end0:
.L_simem_size_0:
called_computation.1_lowered:
.L_overlay_start_0:
0x88: {  	s2 =	sld [smem:$0x3FD9]  }
0x89: {  	s3 =	sld [smem:$0x3FFE];
	_ =	sdelay $0x1  }
0x8a: {  	s1 =	srdreg.scid  }
0x8b: {  	s0 =	sand.u32 $0x1, s1  }
0x8c: {  	s17 =	sshll.u32 s0, $0xA;
	s2 =	sadd.s32 s3, s2  }
0x8d: {  	s2 =	sadd.s32 s2, s17  }
0x8e: {  	[smem:$0x3FC5] =	sst s2  }
0x8f: {  	_ = 	snop  }
0x90: {  	(tm) =	ssettm $0x1  }
0x91: {  	s18 =	sld [smem:$0x3FFB];
	_ =	sdelay $0x3  }
0x92: {  	_ =	strace s18  }
0x93: {  	s2 =	sld [smem:$0x3FFC];
	_ =	sdelay $0x3  }
0x94: {  	_ =	strace s2  }
0x95: {  	s2 =	sld [smem:$0x3FFD];
	_ =	sdelay $0x3  }
0x96: {  	_ =	strace s2  }
0x97: {  	_ =	strace $0x8FFFFFFF  }
0x98: {  	s19 =	sld [smem:$0x3FDB];
	_ =	sdelay $0x1  }
0x99: {  	s20 =	simm.s32 $_scs_section_size  }
0x9a: {  	s4 =	simm.s32 $_size__tile_overlayer_lowered;
	s5 =	simm.s32 $_tile_overlayer_lowered  }
0x9b: {  	s6 =	simm.s32 $0x1BFF;
	s21 =	sshll.u32 s5, $0x1;
	s3 =	sadd.s32 s20, s19  }
0x9c: {  	s22 =	simm.s32 $0x0;
	s4 =	sshll.u32 s4, $0x1;
	s5 =	sadd.s32 s21, s3  }
0x9d: {  	[timem:s22], [sflag:s6] =	dma.local [hbm:s5], s4  }
0x9e: {  	_ =	swait.ge [sflag:s6], s4  }
0x9f: {  	s4 =	ssub.s32 $0x0, s4;
	[sflag:s6] =	ssyncset.done $0x0  }
0xa0: {  	[sflag:s6] =	ssyncadd.s32 s4;
	_ =	sdelay $0x1  }
0xa1: {  	s23 =	simm.s32 $0x1B8B  }
0xa2: {  	_ =	swait.ge [sflag:s23], $0x1  }
0xa3: {  	[sflag:s23] =	ssyncset.done $0x0  }
0xa4: {  	[sflag:s23] =	ssyncadd.s32 $0xFFFFFFFF  }
0xa5: {  	s4 =	sld [smem:$0x0]  }
0xa6: {  	s5 =	sand.u32 $0xFFFFFFFE, s1  }
0xa7: {  	p0 =	sne.s32 s1, s5  }
0xa8: {  	s5 =	sshll.u32 @p0 s5, $0xE  }
0xa9: {  	s5 =	sadd.s32 @p0 $0x11B8D, s5;
	s6 =	sshll.u32 @p0 s4, $0x11  }
0xaa: {  	s5 =	sor.u32 @p0 s6, s5  }
0xab: {  	[sflag:s5] =	ssyncadd.remote.s32 @p0 $0x1;
	_ =	sdelay $0x1  }
0xac: {  	s5 =	simm.s32 @p0 $0x1B8D  }
0xad: {  	_ =	swait.eq @p0 [sflag:s5], $0x1  }
0xae: {  	[sflag:s5] =	ssyncadd.s32 @p0 $0xFFFFFFFF  }
0xaf: {  	s6 =	sshll.u32 @!p0 s1, $0xE  }
0xb0: {  	s6 =	sor.u32 @!p0 $0x4000, s6;
	s5 =	simm.s32 @!p0 $0x1B8D  }
0xb1: {  	s4 =	sshll.u32 @!p0 s4, $0x11;
	s6 =	sadd.s32 @!p0 $0x11B8D, s6;
	_ =	swait.eq @!p0 [sflag:s5], $0x1  }
0xb2: {  	s4 =	sor.u32 @!p0 s4, s6;
	[sflag:s5] =	ssyncadd.s32 @!p0 $0xFFFFFFFF  }
0xb3: {  	s25 =	simm.s32 $0x1B8E;
	s24 =	sld [smem:$0x3FFE];
	[sflag:s4] =	ssyncadd.remote.s32 @!p0 $0x1  }
0xb4: {  	s26 =	simm.s32 $execute0_lowered;
	[smem:$0x3FD2] =	sst s25  }
0xb5: {  	s5 =	sshll.u32 s26, $0x1;
	_ =	strace $0x80000049;
	[dreg:$0x1] =	wrdreg $0xFFFFFFFF  }
0xb6: {  	s28 =	simm.s32 $_size_execute0_lowered;
	s3 =	sadd.s32 s3, s5;
	[dreg:$0x0] =	wrdreg $0x0  }
0xb7: {  	s5 =	sshll.u32 s28, $0x1;
	[dreg:$0x2] =	wrdreg s3  }
0xb8: {  	[dreg:$0x3] =	wrdreg s5  }
0xb9: {  	[dreg:$0x4] =	wrdreg $0xC0  }
0xba: {  	_ =	task [dreg:s22], $0x5FFFF  }
0xbb: {  	[dreg:$0x1] =	wrdreg $0xFFFFFFFF  }
0xbc: {  	[dreg:$0x0] =	wrdreg $0x60  }
0xbd: {  	[dreg:$0x2] =	wrdreg s24  }
0xbe: {  	[dreg:$0x3] =	wrdreg $0xA  }
0xbf: {  	_ =	task.clear_ibuf [dreg:s22], $0x4FFFF;
	_ =	strace $0x90000049  }
0xc0: {  	s29 =	simm.s32 $0xA;
	_ =	strace $0x8000004B  }
0xc1: {  	_ =	swait.ge [sflag:s29], $0x1  }
0xc2: {  	[sflag:s29] =	ssyncadd.s32 $0xFFFFFFFF  }
0xc3: {  	_ =	strace $0x9000004B  }
0xc4: {  	_ =	sfence  }
0xc5: {  	s30 =	sld [smem:$0x0];
	_ =	sdelay $0x2  }
0xc6: {  	s31 =	sshll.u32 s1, $0xD;
	s1 =	sshrl.u32 s1, $0x2  }
0xc7: {  	s4 =	sand.u32 $0x4000, s31;
	s1 =	sadd.s32 s1, s30  }
0xc8: {  	s0 =	sor.u32 s4, s0;
	s1 =	sshll.u32 s1, $0x11  }
0xc9: {  	s0 =	sor.u32 s1, s0  }
0xca: {  	s0 =	sadd.s32 $0x8F2B, s0  }
0xcb: {  	[sflag:s0] =	ssyncadd.remote.s32 $0x1  }
0xcc: {  	_ =	sfence.sel $0xFFFF  }
0xcd: {  	[dreg:$0x0] =	wrdreg $0xFFFFFFFF;
	(pc) =	sbr.abs _section_cstart, $3  }
0xce: {  	[dreg:$0x1] =	wrdreg $0xFFFFFFFF  }
0xcf: {  	_ =	task.clear_ibuf [dreg:s22], $0x2FFFF;
	_ =	strace $0x9FFFFFFF  }
0xd0: {  	(tm) =	ssettm $0x7FFFFFFF  }
0xd1: {  	_ =	shalt  }
tec
execute0_lowered:
.L_overlay_start_1:
0x0: {  	(tag) =	ssettag $0x1  }
0x1: {  	s7 =	rddreg [dreg:$0x0]  }
0x2: {  	s0 =	rddreg [dreg:$0x1];
	s1 =	simm.s32 $0x0;
	s3 =	srdreg.scid  }
0x3: {  	s12 =	simm.s32 $0x80;
	s13 =	simm.s32 $0x2880;
	s14 =	simm.s32 $0x1  }
0x4: {  	s15 =	simm.s32 $0x2;
	s16 =	simm.s32 $0x5280;
	s17 =	simm.s32 $0x0  }
0x5: {  	[smem:$0x7FF] =	sst s1;
	s2 =	sadd.s32 $0x74200, s7;
	s4 =	sadd.s32 $0x11A00, s7  }
0x6: {  	s5 =	sadd.s32 $0x64200, s7;
	s8 =	sand.u32 $0x1, s3;
	s6 =	sadd.s32 $0xC4200, s7  }
0x7: {  	s3 =	stileid.u32;
	s7 =	sadd.s32 $0xC6A00, s7;
	s9 =	ssub.s32 $0x2, s8  }
0x8: {  	s11 =	sshll.u32 s3, $0x8;
	s8 =	sshll.u32 s8, $0x7;
	s10 =	sshrl.u32 s9, $0x1  }
0x9: {  	_ =	strace $0x8000004A;
	s8 =	sor.u32 s8, s11;
	s9 =	ssub.s32 s9, s10  }
0xa: {  	s11 =	simm.s32 $0x50;
	s10 =	simm.s32 $0x3;
	s9 =	smax.u32 s9, $0x1  }
.LBB2_1:
0xb: {  	s18 =	simm.s32 $0x0  }
.LBB2_2:
0xc: {  	s19 =	sshll.u32 s18, $0x2  }
0xd: {  	s20 =	sadd.s32 s8, s19  }
0xe: {  	s19 =	smul.u32 $0x14, s20;
	_ =	sdelay $0x1  }
0xf: {  	s19 =	sshrl.u32 s19, $0x3  }
0x10: {  	s21 =	sadd.s32 s6, s19;
	s19 =	simm.s32 $0x0  }
0x11: {  	[tilespmem:s19], [sflag:$0x3] =	stream.linear.gather [hbm4b:s21+s19], $0x50, $0x38;
	[tilespmem:$0x5480] =	vst v63  }
0x12: {  	_ =	swait.ge [sflag:s10], $0x50  }
0x13: {  	s31 =	sshll.u32 s18, $0x6;
	s20 =	sshll.u32 s20, $0x4;
	[sflag:s10] =	ssyncset.done $0x0  }
0x14: {  	s20 =	sand.u32 $0xFF80, s20;
	s21 =	sand.u32 $0x40, s31;
	[sflag:s10] =	ssyncadd.s32 $0xFFFFFFB0  }
0x15: {  	[tilespmem:s12], [sflag:$0x1] =	stream.indirect.gather [hbm4b:s2+s11], $0x80, s19, s11, $0xb8;
	[tilespmem:$0x5480] =	vst v63  }
0x16: {  	s20 =	sor.u32 s21, s20  }
0x17: {  	[tilespmem:s13], [sflag:$0x2] =	stream.indirect.gather [hbm4b:s4+s11], $0x80, s19, s11, $0xb8;
	[tilespmem:$0x5480] =	vst v63  }
0x18: {  	s21 =	simm.s32 $0x5080;
	s22 =	sadd.s32 s5, s20  }
0x19: {  	[tilespmem:s21], [sflag:$0x3] =	stream.linear.gather [hbm4b:s22+s19], $0x200, $0x38;
	[tilespmem:$0x5480] =	vst v63  }
0x1a: {  	_ =	swait.ge [sflag:s10], $0x200  }
0x1b: {  	[sflag:s10] =	ssyncset.done $0x0  }
0x1c: {  	[sflag:s10] =	ssyncadd.s32 $0xFFFFFE00  }
0x1d: {  	_ =	swait.ge [sflag:s14], $0x2800  }
0x1e: {  	[sflag:s14] =	ssyncset.done $0x0  }
0x1f: {  	[sflag:s14] =	ssyncadd.s32 $0xFFFFD800  }
0x20: {  	_ =	swait.ge [sflag:s15], $0x2800  }
0x21: {  	s23 =	simm.s32 $0x580;
	[sflag:s15] =	ssyncset.done $0x0  }
0x22: {  	s24 =	simm.s32 $0x2D80;
	s22 =	simm.s32 $0x5280;
	[sflag:s15] =	ssyncadd.s32 $0xFFFFD800  }
.LBB2_3:
0x23: {  	v0 =	vmov s23;
	_ =	sdelay $0x2  }
0x24: {  	v1 =	vmov s21  }
0x25: {  	s25 =	simm.s32 $0x0  }
0x26: {  	v2 =	vld.idx.msk [tilespmem:v0+s25+$0xFFFFFB80 ss:$0x1], $0xffff  }
0x27: {  	v3 =	vld.idx.msk [tilespmem:v0+s25+$0xFFFFFD80 ss:$0x1], $0xffff  }
0x28: {  	v4 =	vld.idx.msk [tilespmem:v0+s25+$0xFFFFFB00 ss:$0x1], $0xffff  }
0x29: {  	v5 =	vld.idx.msk [tilespmem:v1+s25+$0x0 ss:$0x1], $0xffff  }
0x2a: {  	v6 =	vld.idx.msk [tilespmem:v0+s25+$0xFFFFFC00 ss:$0x1], $0xffff  }
0x2b: {  	v7 =	vld.idx.msk [tilespmem:v0+s25+$0xFFFFFD00 ss:$0x1], $0xffff  }
0x2c: {  	v8 =	vld.idx.msk [tilespmem:v0+s25+$0xFFFFFC80 ss:$0x1], $0xffff  }
0x2d: {  	v9 =	vld.idx.msk [tilespmem:v0+s25+$0xFFFFFF80 ss:$0x1], $0xffff  }
0x2e: {  	v10 =	vld.idx.msk [tilespmem:v0+s25+$0x80 ss:$0x1], $0xffff  }
0x2f: {  	v11 =	vld.idx.msk [tilespmem:v0+s25+$0xFFFFFF00 ss:$0x1], $0xffff  }
0x30: {  	v12 =	vld.idx.msk [tilespmem:v0+s25+$0xFFFFFE00 ss:$0x1], $0xffff  }
0x31: {  	v15 =	vld.idx.msk [tilespmem:v0+s25+$0xFFFFFE80 ss:$0x1], $0xffff  }
0x32: {  	v17 =	vld.idx.msk [tilespmem:v0+s25+$0x0 ss:$0x1], $0xffff  }
0x33: {  	v19 =	vld.idx.msk [tilespmem:v0+s25+$0x200 ss:$0x1], $0xffff;
	v4 =	vadd.f32 v4, v5;
	v2 =	vadd.f32 v2, v5  }
0x34: {  	v21 =	vld.idx.msk [tilespmem:v0+s25+$0x180 ss:$0x1], $0xffff;
	v6 =	vadd.f32 v6, v5;
	v3 =	vadd.f32 v3, v5  }
0x35: {  	v41 =	vld.idx.msk [tilespmem:v0+s25+$0x280 ss:$0x1], $0xffff;
	v7 =	vadd.f32 v7, v5;
	v9 =	vadd.f32 v9, v5  }
0x36: {  	v23 =	vld.idx.msk [tilespmem:v0+s25+$0x300 ss:$0x1], $0xffff;
	v10 =	vadd.f32 v10, v5;
	v11 =	vadd.f32 v11, v5  }
0x37: {  	v46 =	vld.idx.msk [tilespmem:v0+s25+$0x380 ss:$0x1], $0xffff;
	v8 =	vadd.f32 v8, v5;
	v15 =	vadd.f32 v15, v5  }
0x38: {  	v12 =	vadd.f32 v12, v5;
	v38 =	vadd.f32 v17, v5  }
0x39: {  	v45 =	vadd.f32 v21, v5;
	v19 =	vadd.f32 v19, v5  }
0x3a: {  	v17 =	vadd.f32 v41, v5;
	v13 =	vmul.f32 $2.000000030e-01, v4;
	v14 =	vmul.f32 $2.000000030e-01, v2  }
0x3b: {  	v23 =	vadd.f32 v23, v5;
	v16 =	vmul.f32 $2.000000030e-01, v6;
	v18 =	vmul.f32 $2.000000030e-01, v3  }
0x3c: {  	v21 =	vadd.f32 v46, v5;
	v36 =	vmul.f32 $2.000000030e-01, v7;
	v37 =	vmul.f32 $2.000000030e-01, v11  }
0x3d: {  	v39 =	vmul.f32 $2.000000030e-01, v8;
	v4 =	vmax.f32 v4, v13;
	v2 =	vmax.f32 v2, v14  }
0x3e: {  	v20 =	vmul.f32 $2.000000030e-01, v15;
	v6 =	vmax.f32 v6, v16;
	v13 =	vmax.f32 v4, v2  }
0x3f: {  	v40 =	vmul.f32 $2.000000030e-01, v12;
	v14 =	vld.idx.msk [tilespmem:v0+s25+$0x100 ss:$0x1], $0xffff;
	v8 =	vmax.f32 v8, v39;
	v13 =	vmax.f32 v13, v6  }
0x40: {  	v22 =	vmul.f32 $2.000000030e-01, v10;
	v7 =	vmax.f32 v7, v36;
	v13 =	vmax.f32 v13, v8  }
0x41: {  	v42 =	vmul.f32 $2.000000030e-01, v38;
	v3 =	vmax.f32 v3, v18;
	v13 =	vmax.f32 v13, v7  }
0x42: {  	v44 =	vmul.f32 $2.000000030e-01, v9;
	v12 =	vmax.f32 v12, v40;
	v13 =	vmax.f32 v13, v3  }
0x43: {  	v24 =	vmul.f32 $2.000000030e-01, v45;
	v15 =	vmax.f32 v15, v20;
	v13 =	vmax.f32 v13, v12  }
0x44: {  	v11 =	vmax.f32 v11, v37;
	v14 =	vadd.f32 v14, v5;
	v13 =	vmax.f32 v13, v15  }
0x45: {  	v47 =	vld.idx.msk [tilespmem:v0+s25+$0x400 ss:$0x1], $0xffff;
	v25 =	vmul.f32 $2.000000030e-01, v19;
	v9 =	vmax.f32 v9, v44;
	v13 =	vmax.f32 v13, v11  }
0x46: {  	v48 =	vld.idx.msk [tilespmem:v0+s25+$0x480 ss:$0x1], $0xffff;
	v16 =	vmax.f32 v38, v42;
	v43 =	vmul.f32 $2.000000030e-01, v14;
	v13 =	vmax.f32 v13, v9  }
0x47: {  	v26 =	vmul.f32 $2.000000030e-01, v17;
	v10 =	vmax.f32 v10, v22;
	v13 =	vmax.f32 v13, v16  }
0x48: {  	v49 =	vmul.f32 $2.000000030e-01, v23;
	v14 =	vmax.f32 v14, v43;
	v13 =	vmax.f32 v13, v10  }
0x49: {  	v50 =	vmul.f32 $2.000000030e-01, v21;
	v20 =	vmax.f32 v45, v24;
	v13 =	vmax.f32 v13, v14  }
0x4a: {  	v19 =	vmax.f32 v19, v25;
	v22 =	vadd.f32 v47, v5;
	v13 =	vmax.f32 v13, v20  }
0x4b: {  	v17 =	vmax.f32 v17, v26;
	v5 =	vadd.f32 v48, v5;
	v13 =	vmax.f32 v13, v19  }
0x4c: {  	v23 =	vmax.f32 v23, v49;
	v51 =	vmul.f32 $2.000000030e-01, v22;
	v13 =	vmax.f32 v13, v17  }
0x4d: {  	v18 =	vmax.f32 v21, v50;
	v52 =	vmul.f32 $2.000000030e-01, v5;
	v13 =	vmax.f32 v13, v23  }
0x4e: {  	v53 =	vmax.f32 v22, v51;
	v13 =	vmax.f32 v13, v18  }
0x4f: {  	v5 =	vmax.f32 v5, v52;
	v13 =	vmax.f32 v13, v53  }
0x50: {  	v13 =	vmax.f32 v13, v5  }
0x51: {  	v4 =	vsub.f32 v4, v13;
	_ =	sdelay $0x1  }
0x52: {  	v54 =	vsub.f32 v2, v13;
	v4 =	vmul.f32 $1.442695020e+00, v4  }
0x53: {  	v2 =	vmov s24  }
0x54: {  	v6 =	vsub.f32 v6, v13;
	v22 =	vmul.f32 $1.442695020e+00, v54;
	(erf) = vpow2.f32 v4;
	_ =	sdelay $0x1  }
0x55: {  	v6 =	vmul.f32 $1.442695020e+00, v6;
	v4 =	vsub.f32 v8, v13;
	(erf) = vpow2.f32 v22;
	_ =	sdelay $0x1  }
0x56: {  	v7 =	vsub.f32 v7, v13;
	v4 =	vmul.f32 $1.442695020e+00, v4;
	(erf) = vpow2.f32 v6  }
0x57: {  	v3 =	vsub.f32 v3, v13;
	v6 =	vld.idx.msk [tilespmem:v2+s25+$0xFFFFFB00 ss:$0x1], $0xffff  }
0x58: {  	v7 =	vmul.f32 $1.442695020e+00, v7;
	v8 =	vsub.f32 v12, v13;
	(erf) = vpow2.f32 v4  }
0x59: {  	v11 =	vsub.f32 v11, v13;
	v3 =	vmul.f32 $1.442695020e+00, v3;
	v12 =	vld.idx.msk [tilespmem:v2+s25+$0xFFFFFB80 ss:$0x1], $0xffff  }
0x5a: {  	v8 =	vmul.f32 $1.442695020e+00, v8;
	(erf) = vpow2.f32 v7  }
0x5b: {  	v4 =	vsub.f32 v15, v13;
	v7 =	vsub.f32 v9, v13;
	v9 =	vmul.f32 $1.442695020e+00, v11;
	v11 =	vld.idx.msk [tilespmem:v2+s25+$0xFFFFFC00 ss:$0x1], $0xffff;
	v15 =	vpop (erf)  }
0x5c: {  	(erf) = vpow2.f32 v3;
	v55 =	vadd.f32 $0.0e+00, v15;
	v6 =	vmul.f32 v15, v6  }
0x5d: {  	v10 =	vsub.f32 v10, v13;
	v4 =	vmul.f32 $1.442695020e+00, v4;
	(erf) = vpow2.f32 v8;
	v15 =	vld.idx.msk [tilespmem:v2+s25+$0xFFFFFC80 ss:$0x1], $0xffff;
	v56 =	vpop (erf)  }
0x5e: {  	v12 =	vmul.f32 v56, v12;
	v6 =	vadd.f32 $0.0e+00, v6;
	v8 =	vadd.f32 v55, v56  }
0x5f: {  	v10 =	vmul.f32 $1.442695020e+00, v10;
	v57 =	vld.idx.msk [tilespmem:v2+s25+$0xFFFFFD00 ss:$0x1], $0xffff;
	v3 =	vsub.f32 v16, v13;
	(erf) = vpow2.f32 v4;
	v58 =	vpop (erf)  }
0x60: {  	v4 =	vadd.f32 v6, v12;
	v6 =	vadd.f32 v8, v58;
	v8 =	vmul.f32 v58, v11  }
0x61: {  	v7 =	vmul.f32 $1.442695020e+00, v7;
	v11 =	vsub.f32 v14, v13;
	v12 =	vld.idx.msk [tilespmem:v2+s25+$0xFFFFFD80 ss:$0x1], $0xffff;
	v14 =	vpop (erf);
	(erf) = vpow2.f32 v9  }
0x62: {  	v4 =	vadd.f32 v4, v8;
	v6 =	vadd.f32 v6, v14;
	v8 =	vmul.f32 v14, v15  }
0x63: {  	v3 =	vmul.f32 $1.442695020e+00, v3;
	v14 =	vld.idx.msk [tilespmem:v2+s25+$0xFFFFFE00 ss:$0x1], $0xffff;
	v15 =	vpop (erf);
	(erf) = vpow2.f32 v7  }
0x64: {  	v7 =	vmul.f32 v15, v57;
	v4 =	vadd.f32 v4, v8;
	v6 =	vadd.f32 v6, v15  }
0x65: {  	v9 =	vsub.f32 v20, v13;
	v11 =	vmul.f32 $1.442695020e+00, v11;
	v59 =	vpop (erf);
	(erf) = vpow2.f32 v3;
	v15 =	vld.idx.msk [tilespmem:v2+s25+$0xFFFFFE80 ss:$0x1], $0xffff  }
0x66: {  	v3 =	vadd.f32 v4, v7;
	v4 =	vadd.f32 v6, v59;
	v6 =	vmul.f32 v59, v12;
	v12 =	vld.idx.msk [tilespmem:v2+s25+$0xFFFFFF00 ss:$0x1], $0xffff  }
0x67: {  	v9 =	vmul.f32 $1.442695020e+00, v9;
	v8 =	vsub.f32 v19, v13;
	v60 =	vpop (erf);
	(erf) = vpow2.f32 v10  }
0x68: {  	v3 =	vadd.f32 v3, v6;
	v4 =	vadd.f32 v4, v60;
	v6 =	vmul.f32 v14, v60  }
0x69: {  	v61 =	vpop (erf);
	(erf) = vpow2.f32 v11;
	v11 =	vsub.f32 v18, v13;
	v7 =	vsub.f32 v17, v13  }
0x6a: {  	v14 =	vld.idx.msk [tilespmem:v2+s25+$0xFFFFFF80 ss:$0x1], $0xffff;
	v62 =	vpop (erf);
	v3 =	vadd.f32 v3, v6;
	v4 =	vadd.f32 v4, v61;
	v6 =	vmul.f32 v15, v61  }
0x6b: {  	(erf) = vpow2.f32 v9;
	v15 =	vld.idx.msk [tilespmem:v2+s25+$0x0 ss:$0x1], $0xffff;
	v9 =	vmul.f32 v12, v62;
	v12 =	vsub.f32 v53, v13  }
0x6c: {  	v8 =	vmul.f32 $1.442695020e+00, v8;
	v3 =	vadd.f32 v3, v6;
	v6 =	vadd.f32 v4, v62  }
0x6d: {  	v10 =	vsub.f32 v23, v13;
	v7 =	vmul.f32 $1.442695020e+00, v7;
	v63 =	vpop (erf)  }
0x6e: {  	(erf) = vpow2.f32 v8;
	v4 =	vmul.f32 $1.442695020e+00, v11;
	v6 =	vadd.f32 v6, v63  }
0x6f: {  	v11 =	vld.idx.msk [tilespmem:v2+s25+$0x80 ss:$0x1], $0xffff;
	v3 =	vadd.f32 v3, v9;
	v9 =	vsub.f32 v5, v13;
	v5 =	vmul.f32 $1.442695020e+00, v12;
	v12 =	vpop (erf)  }
0x70: {  	v8 =	vmul.f32 v14, v63;
	v14 =	vadd.f32 v6, v12;
	v12 =	vmul.f32 v15, v12  }
0x71: {  	v10 =	vmul.f32 $1.442695020e+00, v10;
	(erf) = vpow2.f32 v7;
	v7 =	vld.idx.msk [tilespmem:v2+s25+$0x100 ss:$0x1], $0xffff  }
0x72: {  	v13 =	vadd.f32 v3, v8  }
0x73: {  	(erf) = vpow2.f32 v10;
	v3 =	vmov s22;
	v6 =	vmul.f32 $1.442695020e+00, v9;
	v8 =	vld.idx.msk [tilespmem:v2+s25+$0x180 ss:$0x1], $0xffff;
	v9 =	vpop (erf)  }
0x74: {  	s26 =	simm.s32 $0x40;
	v10 =	vadd.f32 v13, v12;
	v13 =	vadd.f32 v14, v9;
	v11 =	vmul.f32 v11, v9;
	v9 =	vld.idx.msk [tilespmem:v2+s25+$0x200 ss:$0x1], $0xffff;
	v12 =	vpop (erf)  }
.LBB2_4:
0x75: {  	p0 =	sne.s32 s26, $0x1C0;
	(erf) = vpow2.f32 v4;
	s28 =	smov.u32 s26;
	s26 =	sadd.s32 $0x40, s26  }
0x76: {  	v7 =	vmul.f32 v7, v12;
	v4 =	vadd.f32 v10, v11;
	v13 =	vadd.f32 v13, v12;
	v11 =	vld.idx.msk [tilespmem:v2+s25+$0x280 ss:$0x1], $0xffff;
	v12 =	vpop (erf)  }
0x77: {  	(erf) = vpow2.f32 v5  }
0x78: {  	v4 =	vadd.f32 v4, v7;
	v5 =	vadd.f32 v13, v12;
	v7 =	vmul.f32 v8, v12;
	v8 =	vld.idx.msk [tilespmem:v2+s25+$0x300 ss:$0x1], $0xffff;
	v10 =	vpop (erf)  }
0x79: {  	(erf) = vpow2.f32 v6  }
0x7a: {  	v6 =	vmul.f32 v9, v10;
	v4 =	vadd.f32 v4, v7;
	v5 =	vadd.f32 v5, v10;
	v7 =	vld.idx.msk [tilespmem:v2+s25+$0x380 ss:$0x1], $0xffff;
	v9 =	vpop (erf);
	_ =	sdelay $0x1  }
0x7b: {  	v4 =	vadd.f32 v4, v6;
	v5 =	vadd.f32 v5, v9;
	v6 =	vmul.f32 v11, v9;
	v9 =	vld.idx.msk [tilespmem:v2+s25+$0x400 ss:$0x1], $0xffff;
	v10 =	vpop (erf);
	_ =	sdelay $0x1  }
0x7c: {  	v4 =	vadd.f32 v4, v6;
	v5 =	vadd.f32 v5, v10;
	v6 =	vmul.f32 v8, v10;
	v8 =	vpop (erf)  }
0x7d: {  	s28 =	sshra.s32 s28, $0x2  }
0x7e: {  	v4 =	vadd.f32 v4, v6;
	v5 =	vadd.f32 v5, v8;
	v6 =	vmul.f32 v7, v8;
	v7 =	vpop (erf);
	_ =	sdelay $0x1  }
0x7f: {  	v4 =	vadd.f32 v4, v6;
	v5 =	vadd.f32 v5, v7;
	v6 =	vmul.f32 v9, v7;
	v7 =	vpop (erf);
	_ =	sdelay $0x1  }
0x80: {  	v4 =	vadd.f32 v4, v6;
	v5 =	vadd.f32 v5, v7;
	_ =	sdelay $0x1  }
0x81: {  	v6 =	vld.idx.msk [tilespmem:v2+s25+$0x480 ss:$0x1], $0xffff;
	(erf) = vrcp.f32 v5;
	_ =	sdelay $0x5  }
0x82: {  	v6 =	vmul.f32 v6, v7;
	_ =	sdelay $0x1  }
0x83: {  	v4 =	vadd.f32 v4, v6  }
0x84: {  	v5 =	vpop (erf)  }
0x85: {  	v4 =	vmul.f32 v5, v4;
	_ =	sdelay $0x1  }
0x86: {  	v5 =	vmul.f32 $2.000000030e-01, v4;
	_ =	sdelay $0x1  }
0x87: {  	v4 =	vmax.f32 v4, v5  }
0x88: {  	[tilespmem:v3+s25+$0x0 ss:$0x1] =	vst.idx.msk $0xffff, v4;
	s25 =	smov.u32 s28  }
0x89: {  	v4 =	vld.idx.msk [tilespmem:v0+s25+$0xFFFFFB80 ss:$0x1], $0xffff  }
0x8a: {  	v5 =	vld.idx.msk [tilespmem:v0+s25+$0xFFFFFD80 ss:$0x1], $0xffff  }
0x8b: {  	v6 =	vld.idx.msk [tilespmem:v0+s25+$0xFFFFFD00 ss:$0x1], $0xffff  }
0x8c: {  	v7 =	vld.idx.msk [tilespmem:v0+s25+$0xFFFFFB00 ss:$0x1], $0xffff  }
0x8d: {  	v8 =	vld.idx.msk [tilespmem:v0+s25+$0xFFFFFC00 ss:$0x1], $0xffff  }
0x8e: {  	v9 =	vld.idx.msk [tilespmem:v1+s25+$0x0 ss:$0x1], $0xffff  }
0x8f: {  	v10 =	vld.idx.msk [tilespmem:v0+s25+$0xFFFFFC80 ss:$0x1], $0xffff  }
0x90: {  	v11 =	vld.idx.msk [tilespmem:v0+s25+$0xFFFFFE00 ss:$0x1], $0xffff  }
0x91: {  	v12 =	vld.idx.msk [tilespmem:v0+s25+$0xFFFFFF80 ss:$0x1], $0xffff  }
0x92: {  	v13 =	vld.idx.msk [tilespmem:v0+s25+$0x80 ss:$0x1], $0xffff  }
0x93: {  	v14 =	vld.idx.msk [tilespmem:v0+s25+$0xFFFFFF00 ss:$0x1], $0xffff  }
0x94: {  	v7 =	vadd.f32 v7, v9;
	v4 =	vadd.f32 v4, v9  }
0x95: {  	v8 =	vadd.f32 v8, v9;
	v5 =	vadd.f32 v5, v9;
	v15 =	vld.idx.msk [tilespmem:v0+s25+$0xFFFFFE80 ss:$0x1], $0xffff  }
0x96: {  	v6 =	vadd.f32 v6, v9;
	v16 =	vmul.f32 $2.000000030e-01, v7;
	v17 =	vmul.f32 $2.000000030e-01, v4;
	v18 =	vld.idx.msk [tilespmem:v0+s25+$0x0 ss:$0x1], $0xffff  }
0x97: {  	v19 =	vmul.f32 $2.000000030e-01, v8;
	v20 =	vmul.f32 $2.000000030e-01, v5;
	v12 =	vadd.f32 v12, v9  }
0x98: {  	v7 =	vmax.f32 v7, v16;
	v4 =	vmax.f32 v4, v17;
	v13 =	vadd.f32 v13, v9;
	v16 =	vld.idx.msk [tilespmem:v0+s25+$0x100 ss:$0x1], $0xffff  }
0x99: {  	v8 =	vmax.f32 v8, v19;
	v17 =	vmax.f32 v7, v4;
	v14 =	vadd.f32 v14, v9  }
0x9a: {  	v19 =	vmul.f32 $2.000000030e-01, v6;
	v5 =	vmax.f32 v5, v20;
	v17 =	vmax.f32 v17, v8  }
0x9b: {  	v10 =	vadd.f32 v10, v9;
	v15 =	vadd.f32 v15, v9;
	v20 =	vmul.f32 $2.000000030e-01, v14  }
0x9c: {  	v11 =	vadd.f32 v11, v9;
	v6 =	vmax.f32 v6, v19;
	v18 =	vadd.f32 v18, v9;
	v19 =	vld.idx.msk [tilespmem:v0+s25+$0x200 ss:$0x1], $0xffff  }
0x9d: {  	v21 =	vmul.f32 $2.000000030e-01, v10;
	v22 =	vmul.f32 $2.000000030e-01, v15;
	v14 =	vmax.f32 v14, v20;
	v20 =	vld.idx.msk [tilespmem:v0+s25+$0x180 ss:$0x1], $0xffff  }
0x9e: {  	v23 =	vmul.f32 $2.000000030e-01, v11;
	v24 =	vmul.f32 $2.000000030e-01, v13;
	v16 =	vadd.f32 v16, v9;
	v25 =	vld.idx.msk [tilespmem:v0+s25+$0x280 ss:$0x1], $0xffff  }
0x9f: {  	v10 =	vmax.f32 v10, v21;
	v21 =	vmul.f32 $2.000000030e-01, v18;
	v15 =	vmax.f32 v15, v22  }
0xa0: {  	v17 =	vmax.f32 v17, v10;
	v13 =	vmax.f32 v13, v24;
	v22 =	vmul.f32 $2.000000030e-01, v16;
	v24 =	vld.idx.msk [tilespmem:v0+s25+$0x300 ss:$0x1], $0xffff  }
0xa1: {  	v11 =	vmax.f32 v11, v23;
	v17 =	vmax.f32 v17, v6;
	v18 =	vmax.f32 v18, v21  }
0xa2: {  	v17 =	vmax.f32 v17, v5;
	v21 =	vmul.f32 $2.000000030e-01, v12;
	v16 =	vmax.f32 v16, v22;
	v22 =	vld.idx.msk [tilespmem:v0+s25+$0x400 ss:$0x1], $0xffff  }
0xa3: {  	v17 =	vmax.f32 v17, v11;
	v19 =	vadd.f32 v19, v9;
	v20 =	vadd.f32 v20, v9;
	v23 =	vld.idx.msk [tilespmem:v0+s25+$0x380 ss:$0x1], $0xffff  }
0xa4: {  	v17 =	vmax.f32 v17, v15;
	v12 =	vmax.f32 v12, v21;
	v21 =	vadd.f32 v25, v9;
	v25 =	vld.idx.msk [tilespmem:v0+s25+$0x480 ss:$0x1], $0xffff  }
0xa5: {  	v17 =	vmax.f32 v17, v14;
	v27 =	vmul.f32 $2.000000030e-01, v19;
	v26 =	vmul.f32 $2.000000030e-01, v20  }
0xa6: {  	v17 =	vmax.f32 v17, v12;
	v28 =	vmul.f32 $2.000000030e-01, v21;
	v24 =	vadd.f32 v24, v9  }
0xa7: {  	v17 =	vmax.f32 v17, v18;
	v19 =	vmax.f32 v19, v27;
	v20 =	vmax.f32 v20, v26  }
0xa8: {  	v17 =	vmax.f32 v17, v13;
	v21 =	vmax.f32 v21, v28;
	v26 =	vmul.f32 $2.000000030e-01, v24  }
0xa9: {  	v17 =	vmax.f32 v17, v16;
	v22 =	vadd.f32 v22, v9;
	v23 =	vadd.f32 v23, v9  }
0xaa: {  	v17 =	vmax.f32 v17, v20;
	v24 =	vmax.f32 v24, v26;
	v9 =	vadd.f32 v25, v9  }
0xab: {  	v17 =	vmax.f32 v17, v19;
	v26 =	vmul.f32 $2.000000030e-01, v22;
	v25 =	vmul.f32 $2.000000030e-01, v23  }
0xac: {  	v17 =	vmax.f32 v17, v21;
	v27 =	vmul.f32 $2.000000030e-01, v9  }
0xad: {  	v17 =	vmax.f32 v17, v24;
	v22 =	vmax.f32 v22, v26;
	v23 =	vmax.f32 v23, v25  }
0xae: {  	v17 =	vmax.f32 v17, v23;
	v9 =	vmax.f32 v9, v27  }
0xaf: {  	v17 =	vmax.f32 v17, v22  }
0xb0: {  	v17 =	vmax.f32 v17, v9  }
0xb1: {  	v7 =	vsub.f32 v7, v17;
	v4 =	vsub.f32 v4, v17  }
0xb2: {  	v8 =	vsub.f32 v8, v17;
	v10 =	vsub.f32 v10, v17  }
0xb3: {  	v6 =	vsub.f32 v6, v17;
	v7 =	vmul.f32 $1.442695020e+00, v7;
	v4 =	vmul.f32 $1.442695020e+00, v4  }
0xb4: {  	v5 =	vsub.f32 v5, v17;
	v8 =	vmul.f32 $1.442695020e+00, v8;
	v10 =	vmul.f32 $1.442695020e+00, v10  }
0xb5: {  	v11 =	vsub.f32 v11, v17;
	v6 =	vmul.f32 $1.442695020e+00, v6;
	(erf) = vpow2.f32 v7  }
0xb6: {  	v14 =	vsub.f32 v14, v17;
	v5 =	vmul.f32 $1.442695020e+00, v5;
	v7 =	vsub.f32 v15, v17  }
0xb7: {  	v12 =	vsub.f32 v12, v17;
	v11 =	vmul.f32 $1.442695020e+00, v11;
	(erf) = vpow2.f32 v4  }
0xb8: {  	v14 =	vmul.f32 $1.442695020e+00, v14;
	v7 =	vmul.f32 $1.442695020e+00, v7;
	v4 =	vsub.f32 v18, v17  }
0xb9: {  	v13 =	vsub.f32 v13, v17;
	v12 =	vmul.f32 $1.442695020e+00, v12;
	v15 =	vld.idx.msk [tilespmem:v2+s25+$0xFFFFFB00 ss:$0x1], $0xffff;
	(erf) = vpow2.f32 v8  }
0xba: {  	v8 =	vmul.f32 $1.442695020e+00, v4;
	v4 =	vsub.f32 v16, v17;
	v16 =	vsub.f32 v20, v17  }
0xbb: {  	v19 =	vsub.f32 v19, v17;
	v13 =	vmul.f32 $1.442695020e+00, v13;
	v18 =	vld.idx.msk [tilespmem:v2+s25+$0xFFFFFB80 ss:$0x1], $0xffff;
	(erf) = vpow2.f32 v10  }
0xbc: {  	v10 =	vmul.f32 $1.442695020e+00, v4;
	v16 =	vmul.f32 $1.442695020e+00, v16;
	v4 =	vsub.f32 v21, v17  }
0xbd: {  	v19 =	vmul.f32 $1.442695020e+00, v19;
	v21 =	vsub.f32 v24, v17;
	v20 =	vld.idx.msk [tilespmem:v2+s25+$0xFFFFFC00 ss:$0x1], $0xffff;
	(erf) = vpow2.f32 v6  }
0xbe: {  	v24 =	vmul.f32 $1.442695020e+00, v4;
	v4 =	vsub.f32 v23, v17;
	v6 =	vsub.f32 v22, v17;
	v22 =	vpop (erf)  }
0xbf: {  	v23 =	vadd.f32 $0.0e+00, v22;
	v15 =	vmul.f32 v22, v15;
	v22 =	vld.idx.msk [tilespmem:v2+s25+$0xFFFFFC80 ss:$0x1], $0xffff;
	(erf) = vpow2.f32 v5  }
0xc0: {  	v9 =	vsub.f32 v9, v17;
	v21 =	vmul.f32 $1.442695020e+00, v21;
	v5 =	vpop (erf);
	(erf) = vpow2.f32 v11  }
0xc1: {  	v11 =	vadd.f32 $0.0e+00, v15;
	v15 =	vadd.f32 v23, v5;
	v5 =	vmul.f32 v5, v18;
	v17 =	vld.idx.msk [tilespmem:v2+s25+$0xFFFFFD00 ss:$0x1], $0xffff  }
0xc2: {  	v4 =	vmul.f32 $1.442695020e+00, v4;
	v18 =	vpop (erf);
	(erf) = vpow2.f32 v7  }
0xc3: {  	v7 =	vadd.f32 v11, v5;
	v11 =	vadd.f32 v15, v18;
	v15 =	vmul.f32 v18, v20;
	v18 =	vld.idx.msk [tilespmem:v2+s25+$0xFFFFFD80 ss:$0x1], $0xffff  }
0xc4: {  	v5 =	vmul.f32 $1.442695020e+00, v6;
	v6 =	vpop (erf);
	(erf) = vpow2.f32 v14  }
0xc5: {  	v7 =	vadd.f32 v7, v15;
	v11 =	vadd.f32 v11, v6;
	v20 =	vmul.f32 v6, v22;
	v15 =	vld.idx.msk [tilespmem:v2+s25+$0xFFFFFE00 ss:$0x1], $0xffff  }
0xc6: {  	v6 =	vmul.f32 $1.442695020e+00, v9;
	v9 =	vpop (erf);
	(erf) = vpow2.f32 v12  }
0xc7: {  	v7 =	vadd.f32 v7, v20;
	v11 =	vadd.f32 v11, v9;
	v9 =	vmul.f32 v9, v17;
	v12 =	vld.idx.msk [tilespmem:v2+s25+$0xFFFFFE80 ss:$0x1], $0xffff  }
0xc8: {  	v14 =	vpop (erf);
	(erf) = vpow2.f32 v8  }
0xc9: {  	v7 =	vadd.f32 v7, v9;
	v8 =	vadd.f32 v11, v14;
	v9 =	vmul.f32 v14, v18;
	v11 =	vld.idx.msk [tilespmem:v2+s25+$0xFFFFFF00 ss:$0x1], $0xffff;
	v14 =	vpop (erf)  }
0xca: {  	(erf) = vpow2.f32 v13  }
0xcb: {  	v7 =	vadd.f32 v7, v9;
	v8 =	vadd.f32 v8, v14;
	v9 =	vmul.f32 v15, v14;
	v13 =	vld.idx.msk [tilespmem:v2+s25+$0xFFFFFF80 ss:$0x1], $0xffff;
	v14 =	vpop (erf)  }
0xcc: {  	(erf) = vpow2.f32 v10  }
0xcd: {  	v7 =	vadd.f32 v7, v9;
	v8 =	vadd.f32 v8, v14;
	v9 =	vmul.f32 v12, v14;
	v10 =	vld.idx.msk [tilespmem:v2+s25+$0x0 ss:$0x1], $0xffff;
	v12 =	vpop (erf)  }
0xce: {  	(erf) = vpow2.f32 v16  }
0xcf: {  	v7 =	vadd.f32 v7, v9;
	v8 =	vadd.f32 v8, v12;
	v9 =	vmul.f32 v11, v12;
	v11 =	vld.idx.msk [tilespmem:v2+s25+$0x80 ss:$0x1], $0xffff;
	v12 =	vpop (erf)  }
0xd0: {  	(erf) = vpow2.f32 v19  }
.Ltmp0:
0xd1: {  	v9 =	vadd.f32 v7, v9;
	v8 =	vadd.f32 v8, v12;
	v12 =	vmul.f32 v13, v12;
	v7 =	vld.idx.msk [tilespmem:v2+s25+$0x100 ss:$0x1], $0xffff;
	v13 =	vpop (erf);
	(pc) =	sbr.rel @p0 .LBB2_4-.Ltmp0, $4  }
0xd2: {  	(erf) = vpow2.f32 v24  }
0xd3: {  	v10 =	vmul.f32 v10, v13;
	v9 =	vadd.f32 v9, v12;
	v15 =	vadd.f32 v8, v13;
	v8 =	vld.idx.msk [tilespmem:v2+s25+$0x180 ss:$0x1], $0xffff;
	v14 =	vpop (erf)  }
0xd4: {  	(erf) = vpow2.f32 v21  }
0xd5: {  	v11 =	vmul.f32 v11, v14;
	v10 =	vadd.f32 v9, v10;
	v13 =	vadd.f32 v15, v14;
	v9 =	vld.idx.msk [tilespmem:v2+s25+$0x200 ss:$0x1], $0xffff;
	v12 =	vpop (erf)  }
0xd6: {  	_ = 	snop  }
0xd7: {  	(erf) = vpow2.f32 v4;
	v0 =	vadd.f32 v13, v12  }
0xd8: {  	v1 =	vpop (erf)  }
0xd9: {  	(erf) = vpow2.f32 v5;
	v0 =	vadd.f32 v0, v1  }
0xda: {  	v48 =	vpop (erf)  }
0xdb: {  	(erf) = vpow2.f32 v6;
	v0 =	vadd.f32 v0, v48  }
0xdc: {  	v49 =	vpop (erf)  }
0xdd: {  	v0 =	vadd.f32 v0, v49  }
0xde: {  	v50 =	vpop (erf)  }
0xdf: {  	v7 =	vmul.f32 v7, v12;
	v10 =	vadd.f32 v10, v11;
	v0 =	vadd.f32 v0, v50  }
0xe0: {  	v51 =	vld.idx.msk [tilespmem:v2+s25+$0x280 ss:$0x1], $0xffff;
	v52 =	vpop (erf)  }
0xe1: {  	v7 =	vadd.f32 v10, v7;
	v1 =	vmul.f32 v8, v1;
	v0 =	vadd.f32 v0, v52  }
0xe2: {  	v53 =	vld.idx.msk [tilespmem:v2+s25+$0x300 ss:$0x1], $0xffff;
	v54 =	vpop (erf)  }
0xe3: {  	v4 =	vmul.f32 v9, v48;
	v1 =	vadd.f32 v7, v1;
	v0 =	vadd.f32 v0, v54  }
0xe4: {  	v55 =	vld.idx.msk [tilespmem:v2+s25+$0x380 ss:$0x1], $0xffff;
	v56 =	vpop (erf)  }
0xe5: {  	v57 =	vmul.f32 v51, v49;
	v1 =	vadd.f32 v1, v4;
	v0 =	vadd.f32 v0, v56  }
0xe6: {  	v58 =	vld.idx.msk [tilespmem:v2+s25+$0x400 ss:$0x1], $0xffff  }
0xe7: {  	v59 =	vmul.f32 v53, v50;
	v1 =	vadd.f32 v1, v57;
	(erf) = vrcp.f32 v0  }
0xe8: {  	v60 =	vld.idx.msk [tilespmem:v2+s25+$0x480 ss:$0x1], $0xffff  }
0xe9: {  	v61 =	vmul.f32 v55, v52;
	v1 =	vadd.f32 v1, v59;
	_ =	sdelay $0x1  }
0xea: {  	v62 =	vmul.f32 v58, v54;
	v1 =	vadd.f32 v1, v61;
	_ =	sdelay $0x1  }
0xeb: {  	v1 =	vadd.f32 v1, v62;
	v0 =	vmul.f32 v60, v56;
	_ =	sdelay $0x1  }
0xec: {  	v0 =	vadd.f32 v1, v0  }
0xed: {  	s19 =	sadd.s32 $0x1, s19;
	v63 =	vpop (erf)  }
0xee: {  	p0 =	sne.s32 s19, $0x4;
	v0 =	vmul.f32 v63, v0  }
.Ltmp1:
0xef: {  	_ = 	snop;
	(pc) =	sbr.rel @p0 .LBB2_3-.Ltmp1, $3  }
0xf0: {  	v1 =	vmul.f32 $2.000000030e-01, v0;
	_ =	sdelay $0x1  }
0xf1: {  	s21 =	sadd.s32 $0x80, s21;
	v0 =	vmax.f32 v0, v1  }
0xf2: {  	s22 =	sadd.s32 $0x80, s22;
	s23 =	sadd.s32 $0xA00, s23;
	s24 =	sadd.s32 $0xA00, s24;
	[tilespmem:v3+s25+$0x0 ss:$0x1] =	vst.idx.msk $0xffff, v0  }
0xf3: {  	s18 =	sadd.s32 $0x1, s18  }
0xf4: {  	p0 =	sne.s32 s18, $0x20  }
.Ltmp2:
0xf5: {  	s19 =	sadd.s32 s7, s20;
	(pc) =	sbr.rel @p0 .LBB2_2-.Ltmp2, $4  }
0xf6: {  	[hbm4b:s19+s1] =	stream.linear.scatter [tilespmem:s16], [sflag:$0x3], $0x200, $0x38;
	[tilespmem:$0x5480] =	vst v63  }
0xf7: {  	_ =	swait.ge [sflag:s10], $0x200  }
0xf8: {  	[sflag:s10] =	ssyncset.done $0x0  }
0xf9: {  	[sflag:s10] =	ssyncadd.s32 $0xFFFFFE00  }
0xfa: {  	s17 =	sadd.s32 $0x1, s17  }
0xfb: {  	p0 =	sne.s32 s17, s9  }
.Ltmp3:
0xfc: {  	_ = 	snop;
	(pc) =	sbr.rel @p0 .LBB2_1-.Ltmp3, $1  }
0xfd: {  	_ =	sdelay $0x3  }
0xfe: {  	_ =	sfence.sel $0x180000  }
0xff: {  	[bflag:$0x0] =	sbarrier.arrive $0xFFFF  }
0x100: {  	p0 =	sne.s32 s3, $0x0;
	_ =	strace $0x9000004A  }
0x101: {  	s0 =	sadd.s32 @!p0 $0x100000, s0;
	[bflag:$0x2] =	sbarrier.arrive $0xFFFF  }
0x102: {  	[sflag:s0] =	ssyncadd.tile.s32 @!p0 $0x1;
	_ =	shalt  }
.Lfunc_end2:
_tile_overlayer_lowered:
.L_overlay_start_2:
0x103: {  	(tag) =	ssettag $0x2  }
0x104: {  	s0 =	rddreg [dreg:$0x0];
	s2 =	stileid.u32  }
0x105: {  	s1 =	rddreg [dreg:$0x1];
	p0 =	sne.s32 s2, $0x0  }
0x106: {  	s3 =	rddreg [dreg:$0x2];
	[bflag:$0x3] =	sbarrier.arrive $0xFFFF;
	s2 =	simm.s32 @!p0 $0x1C03  }
0x107: {  	[timem:s3], [sflag:s2] =	dma.local @!p0 [hbm:s0], s1  }
0x108: {  	s0 =	simm.s32 @!p0 $0x3  }
0x109: {  	_ =	swait.ge @!p0 [sflag:s0], s1  }
0x10a: {  	s1 =	ssub.s32 @!p0 $0x0, s1;
	[sflag:s0] =	ssyncset.done @!p0 $0x0  }
0x10b: {  	[sflag:s0] =	ssyncadd.s32 @!p0 s1  }
0x10c: {  	[bflag:$0x3] =	sbarrier.arrive $0xFFFF  }
0x10d: {  	_ =	shalt  }

// kernel: kernel.17.cloned.1.call-start
scs
__scs_entry_jumppad:
0x0: {  	(pc) =	sbr.rel $0x88, $3  }
0x1: {  	(tag) =	ssettag $0x0;
	lr =	simm.s32 $0x1  }
0x2: {  	[smem:$0x3F9E] =	sst lr;
	_ =	strace $0xD0000000  }
0x3: {  	_ = 	snop  }
0x4: {  	_ = 	snop  }
0x5: {  	_ = 	snop  }
0x6: {  	_ = 	snop  }
0x7: {  	_ = 	snop  }
__scs_overlays_trampoline_lowered:
0x8: {  	[smem:$0x3FAD] =	sst s0  }
0x9: {  	[smem:$0x3FAE] =	sst s1  }
0xa: {  	[smem:$0x3FAF] =	sst s2  }
0xb: {  	[smem:$0x3FB0] =	sst s3  }
0xc: {  	[smem:$0x3FB1] =	sst s4  }
0xd: {  	[smem:$0x3FB2] =	sst s5  }
0xe: {  	[smem:$0x3FB3] =	sst s6  }
0xf: {  	[smem:$0x3FB4] =	sst s7  }
0x10: {  	[smem:$0x3FB5] =	sst s8  }
0x11: {  	[smem:$0x3FB6] =	sst s9;
	s0 =	simm.s32 @!p0 $0x0  }
0x12: {  	s1 =	sld [smem:$0x3F9C];
	s0 =	simm.s32 @p0 $0x1  }
0x13: {  	[smem:$0x3FB7] =	sst s0;
	s0 =	simm.s32 @!p1 $0x0  }
0x14: {  	s2 =	sld [smem:$0x3F9B];
	s0 =	simm.s32 @p1 $0x1  }
0x15: {  	[smem:$0x3FB8] =	sst s0;
	s0 =	simm.s32 @!p2 $0x0  }
0x16: {  	s3 =	sld [smem:$0x3FDB];
	s0 =	simm.s32 @p2 $0x1  }
0x17: {  	s4 =	simm.s32 $0x1BF5;
	[smem:$0x3FBA] =	sst s0  }
0x18: {  	s0 =	sld [smem:$0x3F9D];
	_ =	swait.ge [sflag:s4], $0x0  }
0x19: {  	s7 =	sld [smem:$0x3F9E]  }
0x1a: {  	s8 =	sadd.s32 $0xFFFFE003, lr  }
0x1b: {  	s9 =	sadd.s32 $0xFFFFFEF7, lr;
	s5 =	simm.s32 $0xFFFFFFFF;
	p2 =	slt.u32 s8, $0xFFFFF086  }
0x1c: {  	p1 =	slt.u32 s9, $0xF7A;
	s5 =	simm.s32 @!p2 $0x0  }
0x1d: {  	s5 =	simm.s32 @p1 $0x1;
	p0 =	seq.s32 s7, s2  }
0x1e: {  	s7 =	smul.u32 @!p0 $0xF7A, s2;
	p2 =	seq.s32 @!p0 s5, $0x0  }
0x1f: {  	s9 =	smul.u32 $0xF7A, s1;
	s8 =	simm.s32 @!p0 $0x1BF5;
	p2 =	por !p2, p0  }
0x20: {  	[sflag:s8] =	ssyncset.s32 @!p0 $0xFFFFF086;
	s6 =	sadd.s32 @!p0 s3, s7;
	s7 =	simm.s32 @!p0 $0x108  }
0x21: {  	s3 =	sadd.s32 s3, s9;
	s6 =	sadd.s32 @!p0 $0x88, s6;
	s7 =	simm.s32 @p2 $0x1082  }
0x22: {  	[simem:s7], [sflag:s8] =	dma.local @!p0 [hbm:s6], $0xF7A  }
0x23: {  	s9 =	sor.u32 $0xD0000000, s2;
	s6 =	simm.s32 $0x108;
	_ =	swait.ge @!p0 [sflag:s8], $0x0  }
0x24: {  	s3 =	sadd.s32 $0x88, s3;
	s6 =	simm.s32 @!p1 $0x1082;
	[sflag:s4] =	ssyncset.s32 $0xFFFFF086  }
0x25: {  	[simem:s6], [sflag:s4] =	dma.local [hbm:s3], $0xF7A  }
0x26: {  	[smem:$0x3F9E] =	sst s1;
	(tag) =	ssettag s2;
	_ =	strace s9  }
0x27: {  	s1 =	sld [smem:$0x3FAE]  }
0x28: {  	s2 =	sld [smem:$0x3FAF]  }
0x29: {  	s4 =	sld [smem:$0x3FB1]  }
0x2a: {  	p0 =	seq.s32 s5, $0x0;
	s5 =	sld [smem:$0x3FB2]  }
0x2b: {  	s6 =	sld [smem:$0x3FB3]  }
0x2c: {  	s7 =	sld [smem:$0x3FB4]  }
0x2d: {  	s3 =	simm.s32 $0x108;
	s8 =	sld [smem:$0x3FB5]  }
0x2e: {  	s3 =	simm.s32 @!p0 $0x1082;
	s9 =	sld [smem:$0x3FB6]  }
0x2f: {  	lr =	sadd.s32 s0, s3;
	s0 =	sld [smem:$0x3FAD]  }
0x30: {  	s3 =	sld [smem:$0x3FB0]  }
0x31: {  	[smem:$0x3FB9] =	sst s10  }
0x32: {  	s10 =	sld [smem:$0x3FB7];
	_ =	sdelay $0x3  }
0x33: {  	p0 =	seq.s32 s10, $0x1;
	s10 =	sld [smem:$0x3FB9];
	_ =	sdelay $0x3  }
0x34: {  	[smem:$0x3FB9] =	sst s10  }
0x35: {  	s10 =	sld [smem:$0x3FB8];
	_ =	sdelay $0x3  }
0x36: {  	p1 =	seq.s32 s10, $0x1;
	s10 =	sld [smem:$0x3FB9];
	_ =	sdelay $0x3  }
0x37: {  	[smem:$0x3FB9] =	sst s10  }
0x38: {  	s10 =	sld [smem:$0x3FBA]  }
0x39: {  	_ = 	snop;
	(pc) =	sbr.ind lr, $3  }
0x3a: {  	_ = 	snop  }
0x3b: {  	_ = 	snop  }
0x3c: {  	p2 =	seq.s32 s10, $0x1;
	s10 =	sld [smem:$0x3FB9]  }
0x3d: {  	_ =	shalt  }
0x3e: {  	_ =	shalt  }
0x3f: {  	_ =	shalt  }
0x40: {  	_ =	shalt  }
0x41: {  	_ =	shalt  }
0x42: {  	_ =	shalt  }
0x43: {  	_ =	shalt  }
0x44: {  	_ =	shalt  }
0x45: {  	_ =	shalt  }
0x46: {  	_ =	shalt  }
0x47: {  	_ =	shalt  }
0x48: {  	_ =	shalt  }
0x49: {  	_ =	shalt  }
0x4a: {  	_ =	shalt  }
0x4b: {  	_ =	shalt  }
0x4c: {  	_ =	shalt  }
0x4d: {  	_ =	shalt  }
0x4e: {  	_ =	shalt  }
0x4f: {  	_ =	shalt  }
0x50: {  	_ =	shalt  }
0x51: {  	_ =	shalt  }
0x52: {  	_ =	shalt  }
0x53: {  	_ =	shalt  }
0x54: {  	_ =	shalt  }
0x55: {  	_ =	shalt  }
0x56: {  	_ =	shalt  }
0x57: {  	_ =	shalt  }
0x58: {  	_ =	shalt  }
0x59: {  	_ =	shalt  }
0x5a: {  	_ =	shalt  }
0x5b: {  	_ =	shalt  }
0x5c: {  	_ =	shalt  }
0x5d: {  	_ =	shalt  }
0x5e: {  	_ =	shalt  }
0x5f: {  	_ =	shalt  }
0x60: {  	_ =	shalt  }
0x61: {  	_ =	shalt  }
0x62: {  	_ =	shalt  }
0x63: {  	_ =	shalt  }
0x64: {  	_ =	shalt  }
0x65: {  	_ =	shalt  }
0x66: {  	_ =	shalt  }
0x67: {  	_ =	shalt  }
0x68: {  	_ =	shalt  }
0x69: {  	_ =	shalt  }
0x6a: {  	_ =	shalt  }
0x6b: {  	_ =	shalt  }
0x6c: {  	_ =	shalt  }
0x6d: {  	_ =	shalt  }
0x6e: {  	_ =	shalt  }
0x6f: {  	_ =	shalt  }
0x70: {  	_ =	shalt  }
0x71: {  	_ =	shalt  }
0x72: {  	_ =	shalt  }
0x73: {  	_ =	shalt  }
0x74: {  	_ =	shalt  }
0x75: {  	_ =	shalt  }
0x76: {  	_ =	shalt  }
0x77: {  	_ =	shalt  }
0x78: {  	_ =	shalt  }
0x79: {  	_ =	shalt  }
0x7a: {  	_ =	shalt  }
0x7b: {  	_ =	shalt  }
0x7c: {  	_ =	shalt  }
0x7d: {  	_ =	shalt  }
0x7e: {  	_ =	shalt  }
0x7f: {  	_ =	shalt  }
0x80: {  	_ =	shalt  }
0x81: {  	_ =	shalt  }
0x82: {  	_ =	shalt  }
0x83: {  	_ =	shalt  }
0x84: {  	_ =	shalt  }
0x85: {  	_ =	shalt  }
0x86: {  	_ =	shalt  }
0x87: {  	_ =	shalt  }
.Lfunc_end0:
.L_simem_size_0:
called_computation.2_lowered:
.L_overlay_start_0:
0x88: {  	s2 =	sld [smem:$0x3FD9]  }
0x89: {  	s3 =	sld [smem:$0x3FFE];
	_ =	sdelay $0x1  }
0x8a: {  	s1 =	srdreg.scid  }
0x8b: {  	s0 =	sand.u32 $0x1, s1  }
0x8c: {  	s16 =	sshll.u32 s0, $0xA;
	s2 =	sadd.s32 s3, s2  }
0x8d: {  	s2 =	sadd.s32 s2, s16  }
0x8e: {  	[smem:$0x3FC5] =	sst s2  }
0x8f: {  	_ = 	snop  }
0x90: {  	(tm) =	ssettm $0x1  }
0x91: {  	s17 =	sld [smem:$0x3FFB];
	_ =	sdelay $0x3  }
0x92: {  	_ =	strace s17  }
0x93: {  	s2 =	sld [smem:$0x3FFC];
	_ =	sdelay $0x3  }
0x94: {  	_ =	strace s2  }
0x95: {  	s2 =	sld [smem:$0x3FFD];
	_ =	sdelay $0x3  }
0x96: {  	_ =	strace s2  }
0x97: {  	_ =	strace $0x8FFFFFFF  }
0x98: {  	s18 =	sld [smem:$0x3FDB];
	_ =	sdelay $0x1  }
0x99: {  	s19 =	simm.s32 $_scs_section_size  }
0x9a: {  	s4 =	simm.s32 $_size__tile_overlayer_lowered;
	s5 =	simm.s32 $_tile_overlayer_lowered  }
0x9b: {  	s22 =	simm.s32 $0x1BFF;
	s21 =	sshll.u32 s5, $0x1;
	s2 =	sadd.s32 s19, s18  }
0x9c: {  	s6 =	simm.s32 $0x0;
	s20 =	sshll.u32 s4, $0x1;
	s4 =	sadd.s32 s21, s2  }
0x9d: {  	[timem:s6], [sflag:s22] =	dma.local [hbm:s4], s20  }
0x9e: {  	_ =	swait.ge [sflag:s22], s20  }
0x9f: {  	s3 =	ssub.s32 $0x0, s20;
	[sflag:s22] =	ssyncset.done $0x0  }
0xa0: {  	[sflag:s22] =	ssyncadd.s32 s3;
	_ =	sdelay $0x1  }
0xa1: {  	s23 =	simm.s32 $0x1B8B  }
0xa2: {  	_ =	swait.ge [sflag:s23], $0x1  }
0xa3: {  	[sflag:s23] =	ssyncset.done $0x0  }
0xa4: {  	s25 =	simm.s32 $0x1B8E;
	s24 =	sld [smem:$0x3FFE];
	[sflag:s23] =	ssyncadd.s32 $0xFFFFFFFF  }
0xa5: {  	s26 =	simm.s32 $execute0_lowered;
	[smem:$0x3FD2] =	sst s25  }
0xa6: {  	s4 =	sshll.u32 s26, $0x1;
	_ =	strace $0x80000046;
	[dreg:$0x1] =	wrdreg $0xFFFFFFFF  }
0xa7: {  	s28 =	simm.s32 $_size_execute0_lowered;
	s2 =	sadd.s32 s2, s4;
	[dreg:$0x0] =	wrdreg $0x0  }
0xa8: {  	s4 =	sshll.u32 s28, $0x1;
	[dreg:$0x2] =	wrdreg s2  }
0xa9: {  	[dreg:$0x3] =	wrdreg s4  }
0xaa: {  	[dreg:$0x4] =	wrdreg $0xC0  }
0xab: {  	_ =	task [dreg:s6], $0x5FFFF  }
0xac: {  	[dreg:$0x1] =	wrdreg $0xFFFFFFFF  }
0xad: {  	[dreg:$0x0] =	wrdreg $0x60  }
0xae: {  	[dreg:$0x2] =	wrdreg s24  }
0xaf: {  	[dreg:$0x3] =	wrdreg $0xB  }
0xb0: {  	_ =	task.clear_ibuf [dreg:s6], $0x4FFFF;
	_ =	strace $0x90000046  }
0xb1: {  	s29 =	simm.s32 $0xB;
	_ =	strace $0x80000048  }
0xb2: {  	_ =	swait.ge [sflag:s29], $0x1  }
0xb3: {  	[sflag:s29] =	ssyncadd.s32 $0xFFFFFFFF  }
0xb4: {  	_ =	strace $0x90000048  }
0xb5: {  	_ =	sfence  }
0xb6: {  	s30 =	sld [smem:$0x0];
	_ =	sdelay $0x2  }
0xb7: {  	s31 =	sshll.u32 s1, $0xD;
	s1 =	sshrl.u32 s1, $0x2  }
0xb8: {  	s3 =	sand.u32 $0x4000, s31;
	s1 =	sadd.s32 s1, s30  }
0xb9: {  	s0 =	sor.u32 s3, s0;
	s1 =	sshll.u32 s1, $0x11  }
0xba: {  	s0 =	sor.u32 s1, s0  }
0xbb: {  	s0 =	sadd.s32 $0x8F2B, s0  }
0xbc: {  	[sflag:s0] =	ssyncadd.remote.s32 $0x1  }
0xbd: {  	_ =	sfence.sel $0xFFFF  }
0xbe: {  	[dreg:$0x0] =	wrdreg $0xFFFFFFFF;
	(pc) =	sbr.abs _section_cstart, $3  }
0xbf: {  	[dreg:$0x1] =	wrdreg $0xFFFFFFFF  }
0xc0: {  	_ =	task.clear_ibuf [dreg:s6], $0x2FFFF;
	_ =	strace $0x9FFFFFFF  }
0xc1: {  	(tm) =	ssettm $0x7FFFFFFF  }
tec
execute0_lowered:
.L_overlay_start_1:
0x0: {  	(tag) =	ssettag $0x1  }
0x1: {  	s7 =	rddreg [dreg:$0x0]  }
0x2: {  	s0 =	rddreg [dreg:$0x1];
	s1 =	simm.s32 $0x0;
	s3 =	srdreg.scid  }
0x3: {  	s12 =	simm.s32 $0x80;
	s13 =	simm.s32 $0x2880;
	s14 =	simm.s32 $0x1  }
0x4: {  	s15 =	simm.s32 $0x2;
	s16 =	simm.s32 $0x5280;
	s17 =	simm.s32 $0x0  }
0x5: {  	[smem:$0x7FF] =	sst s1;
	s2 =	sadd.s32 $0x54200, s7;
	s4 =	sadd.s32 $0x1A00, s7  }
0x6: {  	s5 =	sadd.s32 $0x44200, s7;
	s8 =	sand.u32 $0x1, s3;
	s6 =	sadd.s32 $0x41A00, s7  }
0x7: {  	s3 =	stileid.u32;
	s7 =	sadd.s32 $0xB4200, s7;
	s9 =	ssub.s32 $0x2, s8  }
0x8: {  	s11 =	sshll.u32 s3, $0x8;
	s8 =	sshll.u32 s8, $0x7;
	s10 =	sshrl.u32 s9, $0x1  }
0x9: {  	_ =	strace $0x80000047;
	s8 =	sor.u32 s8, s11;
	s9 =	ssub.s32 s9, s10  }
0xa: {  	s11 =	simm.s32 $0x50;
	s10 =	simm.s32 $0x3;
	s9 =	smax.u32 s9, $0x1  }
.LBB2_1:
0xb: {  	s18 =	simm.s32 $0x0  }
.LBB2_2:
0xc: {  	s19 =	sshll.u32 s18, $0x2  }
0xd: {  	s20 =	sadd.s32 s8, s19  }
0xe: {  	s19 =	smul.u32 $0x14, s20;
	_ =	sdelay $0x1  }
0xf: {  	s19 =	sshrl.u32 s19, $0x3  }
0x10: {  	s21 =	sadd.s32 s6, s19;
	s19 =	simm.s32 $0x0  }
0x11: {  	[tilespmem:s19], [sflag:$0x3] =	stream.linear.gather [hbm4b:s21+s19], $0x50, $0x38;
	[tilespmem:$0x5480] =	vst v63  }
0x12: {  	_ =	swait.ge [sflag:s10], $0x50  }
0x13: {  	s31 =	sshll.u32 s18, $0x6;
	s20 =	sshll.u32 s20, $0x4;
	[sflag:s10] =	ssyncset.done $0x0  }
0x14: {  	s20 =	sand.u32 $0xFF80, s20;
	s21 =	sand.u32 $0x40, s31;
	[sflag:s10] =	ssyncadd.s32 $0xFFFFFFB0  }
0x15: {  	[tilespmem:s12], [sflag:$0x1] =	stream.indirect.gather [hbm4b:s2+s11], $0x80, s19, s11, $0xb8;
	[tilespmem:$0x5480] =	vst v63  }
0x16: {  	s20 =	sor.u32 s21, s20  }
0x17: {  	[tilespmem:s13], [sflag:$0x2] =	stream.indirect.gather [hbm4b:s4+s11], $0x80, s19, s11, $0xb8;
	[tilespmem:$0x5480] =	vst v63  }
0x18: {  	s21 =	simm.s32 $0x5080;
	s22 =	sadd.s32 s5, s20  }
0x19: {  	[tilespmem:s21], [sflag:$0x3] =	stream.linear.gather [hbm4b:s22+s19], $0x200, $0x38;
	[tilespmem:$0x5480] =	vst v63  }
0x1a: {  	_ =	swait.ge [sflag:s10], $0x200  }
0x1b: {  	[sflag:s10] =	ssyncset.done $0x0  }
0x1c: {  	[sflag:s10] =	ssyncadd.s32 $0xFFFFFE00  }
0x1d: {  	_ =	swait.ge [sflag:s14], $0x2800  }
0x1e: {  	[sflag:s14] =	ssyncset.done $0x0  }
0x1f: {  	[sflag:s14] =	ssyncadd.s32 $0xFFFFD800  }
0x20: {  	_ =	swait.ge [sflag:s15], $0x2800  }
0x21: {  	s23 =	simm.s32 $0x580;
	[sflag:s15] =	ssyncset.done $0x0  }
0x22: {  	s24 =	simm.s32 $0x2D80;
	s22 =	simm.s32 $0x5280;
	[sflag:s15] =	ssyncadd.s32 $0xFFFFD800  }
.LBB2_3:
0x23: {  	v0 =	vmov s23;
	_ =	sdelay $0x2  }
0x24: {  	v1 =	vmov s21  }
0x25: {  	s25 =	simm.s32 $0x0  }
0x26: {  	v2 =	vld.idx.msk [tilespmem:v0+s25+$0xFFFFFB80 ss:$0x1], $0xffff  }
0x27: {  	v3 =	vld.idx.msk [tilespmem:v0+s25+$0xFFFFFD80 ss:$0x1], $0xffff  }
0x28: {  	v4 =	vld.idx.msk [tilespmem:v0+s25+$0xFFFFFB00 ss:$0x1], $0xffff  }
0x29: {  	v5 =	vld.idx.msk [tilespmem:v1+s25+$0x0 ss:$0x1], $0xffff  }
0x2a: {  	v6 =	vld.idx.msk [tilespmem:v0+s25+$0xFFFFFC00 ss:$0x1], $0xffff  }
0x2b: {  	v7 =	vld.idx.msk [tilespmem:v0+s25+$0xFFFFFD00 ss:$0x1], $0xffff  }
0x2c: {  	v8 =	vld.idx.msk [tilespmem:v0+s25+$0xFFFFFC80 ss:$0x1], $0xffff  }
0x2d: {  	v9 =	vld.idx.msk [tilespmem:v0+s25+$0xFFFFFF80 ss:$0x1], $0xffff  }
0x2e: {  	v10 =	vld.idx.msk [tilespmem:v0+s25+$0x80 ss:$0x1], $0xffff  }
0x2f: {  	v11 =	vld.idx.msk [tilespmem:v0+s25+$0xFFFFFF00 ss:$0x1], $0xffff  }
0x30: {  	v12 =	vld.idx.msk [tilespmem:v0+s25+$0xFFFFFE00 ss:$0x1], $0xffff  }
0x31: {  	v15 =	vld.idx.msk [tilespmem:v0+s25+$0xFFFFFE80 ss:$0x1], $0xffff  }
0x32: {  	v17 =	vld.idx.msk [tilespmem:v0+s25+$0x0 ss:$0x1], $0xffff  }
0x33: {  	v19 =	vld.idx.msk [tilespmem:v0+s25+$0x200 ss:$0x1], $0xffff;
	v4 =	vadd.f32 v4, v5;
	v2 =	vadd.f32 v2, v5  }
0x34: {  	v21 =	vld.idx.msk [tilespmem:v0+s25+$0x180 ss:$0x1], $0xffff;
	v6 =	vadd.f32 v6, v5;
	v3 =	vadd.f32 v3, v5  }
0x35: {  	v41 =	vld.idx.msk [tilespmem:v0+s25+$0x280 ss:$0x1], $0xffff;
	v7 =	vadd.f32 v7, v5;
	v9 =	vadd.f32 v9, v5  }
0x36: {  	v23 =	vld.idx.msk [tilespmem:v0+s25+$0x300 ss:$0x1], $0xffff;
	v10 =	vadd.f32 v10, v5;
	v11 =	vadd.f32 v11, v5  }
0x37: {  	v46 =	vld.idx.msk [tilespmem:v0+s25+$0x380 ss:$0x1], $0xffff;
	v8 =	vadd.f32 v8, v5;
	v15 =	vadd.f32 v15, v5  }
0x38: {  	v12 =	vadd.f32 v12, v5;
	v38 =	vadd.f32 v17, v5  }
0x39: {  	v45 =	vadd.f32 v21, v5;
	v19 =	vadd.f32 v19, v5  }
0x3a: {  	v17 =	vadd.f32 v41, v5;
	v13 =	vmul.f32 $2.000000030e-01, v4;
	v14 =	vmul.f32 $2.000000030e-01, v2  }
0x3b: {  	v23 =	vadd.f32 v23, v5;
	v16 =	vmul.f32 $2.000000030e-01, v6;
	v18 =	vmul.f32 $2.000000030e-01, v3  }
0x3c: {  	v21 =	vadd.f32 v46, v5;
	v36 =	vmul.f32 $2.000000030e-01, v7;
	v37 =	vmul.f32 $2.000000030e-01, v11  }
0x3d: {  	v39 =	vmul.f32 $2.000000030e-01, v8;
	v4 =	vmax.f32 v4, v13;
	v2 =	vmax.f32 v2, v14  }
0x3e: {  	v20 =	vmul.f32 $2.000000030e-01, v15;
	v6 =	vmax.f32 v6, v16;
	v13 =	vmax.f32 v4, v2  }
0x3f: {  	v40 =	vmul.f32 $2.000000030e-01, v12;
	v14 =	vld.idx.msk [tilespmem:v0+s25+$0x100 ss:$0x1], $0xffff;
	v8 =	vmax.f32 v8, v39;
	v13 =	vmax.f32 v13, v6  }
0x40: {  	v22 =	vmul.f32 $2.000000030e-01, v10;
	v7 =	vmax.f32 v7, v36;
	v13 =	vmax.f32 v13, v8  }
0x41: {  	v42 =	vmul.f32 $2.000000030e-01, v38;
	v3 =	vmax.f32 v3, v18;
	v13 =	vmax.f32 v13, v7  }
0x42: {  	v44 =	vmul.f32 $2.000000030e-01, v9;
	v12 =	vmax.f32 v12, v40;
	v13 =	vmax.f32 v13, v3  }
0x43: {  	v24 =	vmul.f32 $2.000000030e-01, v45;
	v15 =	vmax.f32 v15, v20;
	v13 =	vmax.f32 v13, v12  }
0x44: {  	v11 =	vmax.f32 v11, v37;
	v14 =	vadd.f32 v14, v5;
	v13 =	vmax.f32 v13, v15  }
0x45: {  	v47 =	vld.idx.msk [tilespmem:v0+s25+$0x400 ss:$0x1], $0xffff;
	v25 =	vmul.f32 $2.000000030e-01, v19;
	v9 =	vmax.f32 v9, v44;
	v13 =	vmax.f32 v13, v11  }
0x46: {  	v48 =	vld.idx.msk [tilespmem:v0+s25+$0x480 ss:$0x1], $0xffff;
	v16 =	vmax.f32 v38, v42;
	v43 =	vmul.f32 $2.000000030e-01, v14;
	v13 =	vmax.f32 v13, v9  }
0x47: {  	v26 =	vmul.f32 $2.000000030e-01, v17;
	v10 =	vmax.f32 v10, v22;
	v13 =	vmax.f32 v13, v16  }
0x48: {  	v49 =	vmul.f32 $2.000000030e-01, v23;
	v14 =	vmax.f32 v14, v43;
	v13 =	vmax.f32 v13, v10  }
0x49: {  	v50 =	vmul.f32 $2.000000030e-01, v21;
	v20 =	vmax.f32 v45, v24;
	v13 =	vmax.f32 v13, v14  }
0x4a: {  	v19 =	vmax.f32 v19, v25;
	v22 =	vadd.f32 v47, v5;
	v13 =	vmax.f32 v13, v20  }
0x4b: {  	v17 =	vmax.f32 v17, v26;
	v5 =	vadd.f32 v48, v5;
	v13 =	vmax.f32 v13, v19  }
0x4c: {  	v23 =	vmax.f32 v23, v49;
	v51 =	vmul.f32 $2.000000030e-01, v22;
	v13 =	vmax.f32 v13, v17  }
0x4d: {  	v18 =	vmax.f32 v21, v50;
	v52 =	vmul.f32 $2.000000030e-01, v5;
	v13 =	vmax.f32 v13, v23  }
0x4e: {  	v53 =	vmax.f32 v22, v51;
	v13 =	vmax.f32 v13, v18  }
0x4f: {  	v5 =	vmax.f32 v5, v52;
	v13 =	vmax.f32 v13, v53  }
0x50: {  	v13 =	vmax.f32 v13, v5  }
0x51: {  	v4 =	vsub.f32 v4, v13;
	_ =	sdelay $0x1  }
0x52: {  	v54 =	vsub.f32 v2, v13;
	v4 =	vmul.f32 $1.442695020e+00, v4  }
0x53: {  	v2 =	vmov s24  }
0x54: {  	v6 =	vsub.f32 v6, v13;
	v22 =	vmul.f32 $1.442695020e+00, v54;
	(erf) = vpow2.f32 v4;
	_ =	sdelay $0x1  }
0x55: {  	v6 =	vmul.f32 $1.442695020e+00, v6;
	v4 =	vsub.f32 v8, v13;
	(erf) = vpow2.f32 v22;
	_ =	sdelay $0x1  }
0x56: {  	v7 =	vsub.f32 v7, v13;
	v4 =	vmul.f32 $1.442695020e+00, v4;
	(erf) = vpow2.f32 v6  }
0x57: {  	v3 =	vsub.f32 v3, v13;
	v6 =	vld.idx.msk [tilespmem:v2+s25+$0xFFFFFB00 ss:$0x1], $0xffff  }
0x58: {  	v7 =	vmul.f32 $1.442695020e+00, v7;
	v8 =	vsub.f32 v12, v13;
	(erf) = vpow2.f32 v4  }
0x59: {  	v11 =	vsub.f32 v11, v13;
	v3 =	vmul.f32 $1.442695020e+00, v3;
	v12 =	vld.idx.msk [tilespmem:v2+s25+$0xFFFFFB80 ss:$0x1], $0xffff  }
0x5a: {  	v8 =	vmul.f32 $1.442695020e+00, v8;
	(erf) = vpow2.f32 v7  }
0x5b: {  	v4 =	vsub.f32 v15, v13;
	v7 =	vsub.f32 v9, v13;
	v9 =	vmul.f32 $1.442695020e+00, v11;
	v11 =	vld.idx.msk [tilespmem:v2+s25+$0xFFFFFC00 ss:$0x1], $0xffff;
	v15 =	vpop (erf)  }
0x5c: {  	(erf) = vpow2.f32 v3;
	v55 =	vadd.f32 $0.0e+00, v15;
	v6 =	vmul.f32 v15, v6  }
0x5d: {  	v10 =	vsub.f32 v10, v13;
	v4 =	vmul.f32 $1.442695020e+00, v4;
	(erf) = vpow2.f32 v8;
	v15 =	vld.idx.msk [tilespmem:v2+s25+$0xFFFFFC80 ss:$0x1], $0xffff;
	v56 =	vpop (erf)  }
0x5e: {  	v12 =	vmul.f32 v56, v12;
	v6 =	vadd.f32 $0.0e+00, v6;
	v8 =	vadd.f32 v55, v56  }
0x5f: {  	v10 =	vmul.f32 $1.442695020e+00, v10;
	v57 =	vld.idx.msk [tilespmem:v2+s25+$0xFFFFFD00 ss:$0x1], $0xffff;
	v3 =	vsub.f32 v16, v13;
	(erf) = vpow2.f32 v4;
	v58 =	vpop (erf)  }
0x60: {  	v4 =	vadd.f32 v6, v12;
	v6 =	vadd.f32 v8, v58;
	v8 =	vmul.f32 v58, v11  }
0x61: {  	v7 =	vmul.f32 $1.442695020e+00, v7;
	v11 =	vsub.f32 v14, v13;
	v12 =	vld.idx.msk [tilespmem:v2+s25+$0xFFFFFD80 ss:$0x1], $0xffff;
	v14 =	vpop (erf);
	(erf) = vpow2.f32 v9  }
0x62: {  	v4 =	vadd.f32 v4, v8;
	v6 =	vadd.f32 v6, v14;
	v8 =	vmul.f32 v14, v15  }
0x63: {  	v3 =	vmul.f32 $1.442695020e+00, v3;
	v14 =	vld.idx.msk [tilespmem:v2+s25+$0xFFFFFE00 ss:$0x1], $0xffff;
	v15 =	vpop (erf);
	(erf) = vpow2.f32 v7  }
0x64: {  	v7 =	vmul.f32 v15, v57;
	v4 =	vadd.f32 v4, v8;
	v6 =	vadd.f32 v6, v15  }
0x65: {  	v9 =	vsub.f32 v20, v13;
	v11 =	vmul.f32 $1.442695020e+00, v11;
	v59 =	vpop (erf);
	(erf) = vpow2.f32 v3;
	v15 =	vld.idx.msk [tilespmem:v2+s25+$0xFFFFFE80 ss:$0x1], $0xffff  }
0x66: {  	v3 =	vadd.f32 v4, v7;
	v4 =	vadd.f32 v6, v59;
	v6 =	vmul.f32 v59, v12;
	v12 =	vld.idx.msk [tilespmem:v2+s25+$0xFFFFFF00 ss:$0x1], $0xffff  }
0x67: {  	v9 =	vmul.f32 $1.442695020e+00, v9;
	v8 =	vsub.f32 v19, v13;
	v60 =	vpop (erf);
	(erf) = vpow2.f32 v10  }
0x68: {  	v3 =	vadd.f32 v3, v6;
	v4 =	vadd.f32 v4, v60;
	v6 =	vmul.f32 v14, v60  }
0x69: {  	v61 =	vpop (erf);
	(erf) = vpow2.f32 v11;
	v11 =	vsub.f32 v18, v13;
	v7 =	vsub.f32 v17, v13  }
0x6a: {  	v14 =	vld.idx.msk [tilespmem:v2+s25+$0xFFFFFF80 ss:$0x1], $0xffff;
	v62 =	vpop (erf);
	v3 =	vadd.f32 v3, v6;
	v4 =	vadd.f32 v4, v61;
	v6 =	vmul.f32 v15, v61  }
0x6b: {  	(erf) = vpow2.f32 v9;
	v15 =	vld.idx.msk [tilespmem:v2+s25+$0x0 ss:$0x1], $0xffff;
	v9 =	vmul.f32 v12, v62;
	v12 =	vsub.f32 v53, v13  }
0x6c: {  	v8 =	vmul.f32 $1.442695020e+00, v8;
	v3 =	vadd.f32 v3, v6;
	v6 =	vadd.f32 v4, v62  }
0x6d: {  	v10 =	vsub.f32 v23, v13;
	v7 =	vmul.f32 $1.442695020e+00, v7;
	v63 =	vpop (erf)  }
0x6e: {  	(erf) = vpow2.f32 v8;
	v4 =	vmul.f32 $1.442695020e+00, v11;
	v6 =	vadd.f32 v6, v63  }
0x6f: {  	v11 =	vld.idx.msk [tilespmem:v2+s25+$0x80 ss:$0x1], $0xffff;
	v3 =	vadd.f32 v3, v9;
	v9 =	vsub.f32 v5, v13;
	v5 =	vmul.f32 $1.442695020e+00, v12;
	v12 =	vpop (erf)  }
0x70: {  	v8 =	vmul.f32 v14, v63;
	v14 =	vadd.f32 v6, v12;
	v12 =	vmul.f32 v15, v12  }
0x71: {  	v10 =	vmul.f32 $1.442695020e+00, v10;
	(erf) = vpow2.f32 v7;
	v7 =	vld.idx.msk [tilespmem:v2+s25+$0x100 ss:$0x1], $0xffff  }
0x72: {  	v13 =	vadd.f32 v3, v8  }
0x73: {  	(erf) = vpow2.f32 v10;
	v3 =	vmov s22;
	v6 =	vmul.f32 $1.442695020e+00, v9;
	v8 =	vld.idx.msk [tilespmem:v2+s25+$0x180 ss:$0x1], $0xffff;
	v9 =	vpop (erf)  }
0x74: {  	s26 =	simm.s32 $0x40;
	v10 =	vadd.f32 v13, v12;
	v13 =	vadd.f32 v14, v9;
	v11 =	vmul.f32 v11, v9;
	v9 =	vld.idx.msk [tilespmem:v2+s25+$0x200 ss:$0x1], $0xffff;
	v12 =	vpop (erf)  }
.LBB2_4:
0x75: {  	p0 =	sne.s32 s26, $0x1C0;
	(erf) = vpow2.f32 v4;
	s28 =	smov.u32 s26;
	s26 =	sadd.s32 $0x40, s26  }
0x76: {  	v7 =	vmul.f32 v7, v12;
	v4 =	vadd.f32 v10, v11;
	v13 =	vadd.f32 v13, v12;
	v11 =	vld.idx.msk [tilespmem:v2+s25+$0x280 ss:$0x1], $0xffff;
	v12 =	vpop (erf)  }
0x77: {  	(erf) = vpow2.f32 v5  }
0x78: {  	v4 =	vadd.f32 v4, v7;
	v5 =	vadd.f32 v13, v12;
	v7 =	vmul.f32 v8, v12;
	v8 =	vld.idx.msk [tilespmem:v2+s25+$0x300 ss:$0x1], $0xffff;
	v10 =	vpop (erf)  }
0x79: {  	(erf) = vpow2.f32 v6  }
0x7a: {  	v6 =	vmul.f32 v9, v10;
	v4 =	vadd.f32 v4, v7;
	v5 =	vadd.f32 v5, v10;
	v7 =	vld.idx.msk [tilespmem:v2+s25+$0x380 ss:$0x1], $0xffff;
	v9 =	vpop (erf);
	_ =	sdelay $0x1  }
0x7b: {  	v4 =	vadd.f32 v4, v6;
	v5 =	vadd.f32 v5, v9;
	v6 =	vmul.f32 v11, v9;
	v9 =	vld.idx.msk [tilespmem:v2+s25+$0x400 ss:$0x1], $0xffff;
	v10 =	vpop (erf);
	_ =	sdelay $0x1  }
0x7c: {  	v4 =	vadd.f32 v4, v6;
	v5 =	vadd.f32 v5, v10;
	v6 =	vmul.f32 v8, v10;
	v8 =	vpop (erf)  }
0x7d: {  	s28 =	sshra.s32 s28, $0x2  }
0x7e: {  	v4 =	vadd.f32 v4, v6;
	v5 =	vadd.f32 v5, v8;
	v6 =	vmul.f32 v7, v8;
	v7 =	vpop (erf);
	_ =	sdelay $0x1  }
0x7f: {  	v4 =	vadd.f32 v4, v6;
	v5 =	vadd.f32 v5, v7;
	v6 =	vmul.f32 v9, v7;
	v7 =	vpop (erf);
	_ =	sdelay $0x1  }
0x80: {  	v4 =	vadd.f32 v4, v6;
	v5 =	vadd.f32 v5, v7;
	_ =	sdelay $0x1  }
0x81: {  	v6 =	vld.idx.msk [tilespmem:v2+s25+$0x480 ss:$0x1], $0xffff;
	(erf) = vrcp.f32 v5;
	_ =	sdelay $0x5  }
0x82: {  	v6 =	vmul.f32 v6, v7;
	_ =	sdelay $0x1  }
0x83: {  	v4 =	vadd.f32 v4, v6  }
0x84: {  	v5 =	vpop (erf)  }
0x85: {  	v4 =	vmul.f32 v5, v4;
	_ =	sdelay $0x1  }
0x86: {  	v5 =	vmul.f32 $2.000000030e-01, v4;
	_ =	sdelay $0x1  }
0x87: {  	v4 =	vmax.f32 v4, v5  }
0x88: {  	[tilespmem:v3+s25+$0x0 ss:$0x1] =	vst.idx.msk $0xffff, v4;
	s25 =	smov.u32 s28  }
0x89: {  	v4 =	vld.idx.msk [tilespmem:v0+s25+$0xFFFFFB80 ss:$0x1], $0xffff  }
0x8a: {  	v5 =	vld.idx.msk [tilespmem:v0+s25+$0xFFFFFD80 ss:$0x1], $0xffff  }
0x8b: {  	v6 =	vld.idx.msk [tilespmem:v0+s25+$0xFFFFFD00 ss:$0x1], $0xffff  }
0x8c: {  	v7 =	vld.idx.msk [tilespmem:v0+s25+$0xFFFFFB00 ss:$0x1], $0xffff  }
0x8d: {  	v8 =	vld.idx.msk [tilespmem:v0+s25+$0xFFFFFC00 ss:$0x1], $0xffff  }
0x8e: {  	v9 =	vld.idx.msk [tilespmem:v1+s25+$0x0 ss:$0x1], $0xffff  }
0x8f: {  	v10 =	vld.idx.msk [tilespmem:v0+s25+$0xFFFFFC80 ss:$0x1], $0xffff  }
0x90: {  	v11 =	vld.idx.msk [tilespmem:v0+s25+$0xFFFFFE00 ss:$0x1], $0xffff  }
0x91: {  	v12 =	vld.idx.msk [tilespmem:v0+s25+$0xFFFFFF80 ss:$0x1], $0xffff  }
0x92: {  	v13 =	vld.idx.msk [tilespmem:v0+s25+$0x80 ss:$0x1], $0xffff  }
0x93: {  	v14 =	vld.idx.msk [tilespmem:v0+s25+$0xFFFFFF00 ss:$0x1], $0xffff  }
0x94: {  	v7 =	vadd.f32 v7, v9;
	v4 =	vadd.f32 v4, v9  }
0x95: {  	v8 =	vadd.f32 v8, v9;
	v5 =	vadd.f32 v5, v9;
	v15 =	vld.idx.msk [tilespmem:v0+s25+$0xFFFFFE80 ss:$0x1], $0xffff  }
0x96: {  	v6 =	vadd.f32 v6, v9;
	v16 =	vmul.f32 $2.000000030e-01, v7;
	v17 =	vmul.f32 $2.000000030e-01, v4;
	v18 =	vld.idx.msk [tilespmem:v0+s25+$0x0 ss:$0x1], $0xffff  }
0x97: {  	v19 =	vmul.f32 $2.000000030e-01, v8;
	v20 =	vmul.f32 $2.000000030e-01, v5;
	v12 =	vadd.f32 v12, v9  }
0x98: {  	v7 =	vmax.f32 v7, v16;
	v4 =	vmax.f32 v4, v17;
	v13 =	vadd.f32 v13, v9;
	v16 =	vld.idx.msk [tilespmem:v0+s25+$0x100 ss:$0x1], $0xffff  }
0x99: {  	v8 =	vmax.f32 v8, v19;
	v17 =	vmax.f32 v7, v4;
	v14 =	vadd.f32 v14, v9  }
0x9a: {  	v19 =	vmul.f32 $2.000000030e-01, v6;
	v5 =	vmax.f32 v5, v20;
	v17 =	vmax.f32 v17, v8  }
0x9b: {  	v10 =	vadd.f32 v10, v9;
	v15 =	vadd.f32 v15, v9;
	v20 =	vmul.f32 $2.000000030e-01, v14  }
0x9c: {  	v11 =	vadd.f32 v11, v9;
	v6 =	vmax.f32 v6, v19;
	v18 =	vadd.f32 v18, v9;
	v19 =	vld.idx.msk [tilespmem:v0+s25+$0x200 ss:$0x1], $0xffff  }
0x9d: {  	v21 =	vmul.f32 $2.000000030e-01, v10;
	v22 =	vmul.f32 $2.000000030e-01, v15;
	v14 =	vmax.f32 v14, v20;
	v20 =	vld.idx.msk [tilespmem:v0+s25+$0x180 ss:$0x1], $0xffff  }
0x9e: {  	v23 =	vmul.f32 $2.000000030e-01, v11;
	v24 =	vmul.f32 $2.000000030e-01, v13;
	v16 =	vadd.f32 v16, v9;
	v25 =	vld.idx.msk [tilespmem:v0+s25+$0x280 ss:$0x1], $0xffff  }
0x9f: {  	v10 =	vmax.f32 v10, v21;
	v21 =	vmul.f32 $2.000000030e-01, v18;
	v15 =	vmax.f32 v15, v22  }
0xa0: {  	v17 =	vmax.f32 v17, v10;
	v13 =	vmax.f32 v13, v24;
	v22 =	vmul.f32 $2.000000030e-01, v16;
	v24 =	vld.idx.msk [tilespmem:v0+s25+$0x300 ss:$0x1], $0xffff  }
0xa1: {  	v11 =	vmax.f32 v11, v23;
	v17 =	vmax.f32 v17, v6;
	v18 =	vmax.f32 v18, v21  }
0xa2: {  	v17 =	vmax.f32 v17, v5;
	v21 =	vmul.f32 $2.000000030e-01, v12;
	v16 =	vmax.f32 v16, v22;
	v22 =	vld.idx.msk [tilespmem:v0+s25+$0x400 ss:$0x1], $0xffff  }
0xa3: {  	v17 =	vmax.f32 v17, v11;
	v19 =	vadd.f32 v19, v9;
	v20 =	vadd.f32 v20, v9;
	v23 =	vld.idx.msk [tilespmem:v0+s25+$0x380 ss:$0x1], $0xffff  }
0xa4: {  	v17 =	vmax.f32 v17, v15;
	v12 =	vmax.f32 v12, v21;
	v21 =	vadd.f32 v25, v9;
	v25 =	vld.idx.msk [tilespmem:v0+s25+$0x480 ss:$0x1], $0xffff  }
0xa5: {  	v17 =	vmax.f32 v17, v14;
	v27 =	vmul.f32 $2.000000030e-01, v19;
	v26 =	vmul.f32 $2.000000030e-01, v20  }
0xa6: {  	v17 =	vmax.f32 v17, v12;
	v28 =	vmul.f32 $2.000000030e-01, v21;
	v24 =	vadd.f32 v24, v9  }
0xa7: {  	v17 =	vmax.f32 v17, v18;
	v19 =	vmax.f32 v19, v27;
	v20 =	vmax.f32 v20, v26  }
0xa8: {  	v17 =	vmax.f32 v17, v13;
	v21 =	vmax.f32 v21, v28;
	v26 =	vmul.f32 $2.000000030e-01, v24  }
0xa9: {  	v17 =	vmax.f32 v17, v16;
	v22 =	vadd.f32 v22, v9;
	v23 =	vadd.f32 v23, v9  }
0xaa: {  	v17 =	vmax.f32 v17, v20;
	v24 =	vmax.f32 v24, v26;
	v9 =	vadd.f32 v25, v9  }
0xab: {  	v17 =	vmax.f32 v17, v19;
	v26 =	vmul.f32 $2.000000030e-01, v22;
	v25 =	vmul.f32 $2.000000030e-01, v23  }
0xac: {  	v17 =	vmax.f32 v17, v21;
	v27 =	vmul.f32 $2.000000030e-01, v9  }
0xad: {  	v17 =	vmax.f32 v17, v24;
	v22 =	vmax.f32 v22, v26;
	v23 =	vmax.f32 v23, v25  }
0xae: {  	v17 =	vmax.f32 v17, v23;
	v9 =	vmax.f32 v9, v27  }
0xaf: {  	v17 =	vmax.f32 v17, v22  }
0xb0: {  	v17 =	vmax.f32 v17, v9  }
0xb1: {  	v7 =	vsub.f32 v7, v17;
	v4 =	vsub.f32 v4, v17  }
0xb2: {  	v8 =	vsub.f32 v8, v17;
	v10 =	vsub.f32 v10, v17  }
0xb3: {  	v6 =	vsub.f32 v6, v17;
	v7 =	vmul.f32 $1.442695020e+00, v7;
	v4 =	vmul.f32 $1.442695020e+00, v4  }
0xb4: {  	v5 =	vsub.f32 v5, v17;
	v8 =	vmul.f32 $1.442695020e+00, v8;
	v10 =	vmul.f32 $1.442695020e+00, v10  }
0xb5: {  	v11 =	vsub.f32 v11, v17;
	v6 =	vmul.f32 $1.442695020e+00, v6;
	(erf) = vpow2.f32 v7  }
0xb6: {  	v14 =	vsub.f32 v14, v17;
	v5 =	vmul.f32 $1.442695020e+00, v5;
	v7 =	vsub.f32 v15, v17  }
0xb7: {  	v12 =	vsub.f32 v12, v17;
	v11 =	vmul.f32 $1.442695020e+00, v11;
	(erf) = vpow2.f32 v4  }
0xb8: {  	v14 =	vmul.f32 $1.442695020e+00, v14;
	v7 =	vmul.f32 $1.442695020e+00, v7;
	v4 =	vsub.f32 v18, v17  }
0xb9: {  	v13 =	vsub.f32 v13, v17;
	v12 =	vmul.f32 $1.442695020e+00, v12;
	v15 =	vld.idx.msk [tilespmem:v2+s25+$0xFFFFFB00 ss:$0x1], $0xffff;
	(erf) = vpow2.f32 v8  }
0xba: {  	v8 =	vmul.f32 $1.442695020e+00, v4;
	v4 =	vsub.f32 v16, v17;
	v16 =	vsub.f32 v20, v17  }
0xbb: {  	v19 =	vsub.f32 v19, v17;
	v13 =	vmul.f32 $1.442695020e+00, v13;
	v18 =	vld.idx.msk [tilespmem:v2+s25+$0xFFFFFB80 ss:$0x1], $0xffff;
	(erf) = vpow2.f32 v10  }
0xbc: {  	v10 =	vmul.f32 $1.442695020e+00, v4;
	v16 =	vmul.f32 $1.442695020e+00, v16;
	v4 =	vsub.f32 v21, v17  }
0xbd: {  	v19 =	vmul.f32 $1.442695020e+00, v19;
	v21 =	vsub.f32 v24, v17;
	v20 =	vld.idx.msk [tilespmem:v2+s25+$0xFFFFFC00 ss:$0x1], $0xffff;
	(erf) = vpow2.f32 v6  }
0xbe: {  	v24 =	vmul.f32 $1.442695020e+00, v4;
	v4 =	vsub.f32 v23, v17;
	v6 =	vsub.f32 v22, v17;
	v22 =	vpop (erf)  }
0xbf: {  	v23 =	vadd.f32 $0.0e+00, v22;
	v15 =	vmul.f32 v22, v15;
	v22 =	vld.idx.msk [tilespmem:v2+s25+$0xFFFFFC80 ss:$0x1], $0xffff;
	(erf) = vpow2.f32 v5  }
0xc0: {  	v9 =	vsub.f32 v9, v17;
	v21 =	vmul.f32 $1.442695020e+00, v21;
	v5 =	vpop (erf);
	(erf) = vpow2.f32 v11  }
0xc1: {  	v11 =	vadd.f32 $0.0e+00, v15;
	v15 =	vadd.f32 v23, v5;
	v5 =	vmul.f32 v5, v18;
	v17 =	vld.idx.msk [tilespmem:v2+s25+$0xFFFFFD00 ss:$0x1], $0xffff  }
0xc2: {  	v4 =	vmul.f32 $1.442695020e+00, v4;
	v18 =	vpop (erf);
	(erf) = vpow2.f32 v7  }
0xc3: {  	v7 =	vadd.f32 v11, v5;
	v11 =	vadd.f32 v15, v18;
	v15 =	vmul.f32 v18, v20;
	v18 =	vld.idx.msk [tilespmem:v2+s25+$0xFFFFFD80 ss:$0x1], $0xffff  }
0xc4: {  	v5 =	vmul.f32 $1.442695020e+00, v6;
	v6 =	vpop (erf);
	(erf) = vpow2.f32 v14  }
0xc5: {  	v7 =	vadd.f32 v7, v15;
	v11 =	vadd.f32 v11, v6;
	v20 =	vmul.f32 v6, v22;
	v15 =	vld.idx.msk [tilespmem:v2+s25+$0xFFFFFE00 ss:$0x1], $0xffff  }
0xc6: {  	v6 =	vmul.f32 $1.442695020e+00, v9;
	v9 =	vpop (erf);
	(erf) = vpow2.f32 v12  }
0xc7: {  	v7 =	vadd.f32 v7, v20;
	v11 =	vadd.f32 v11, v9;
	v9 =	vmul.f32 v9, v17;
	v12 =	vld.idx.msk [tilespmem:v2+s25+$0xFFFFFE80 ss:$0x1], $0xffff  }
0xc8: {  	v14 =	vpop (erf);
	(erf) = vpow2.f32 v8  }
0xc9: {  	v7 =	vadd.f32 v7, v9;
	v8 =	vadd.f32 v11, v14;
	v9 =	vmul.f32 v14, v18;
	v11 =	vld.idx.msk [tilespmem:v2+s25+$0xFFFFFF00 ss:$0x1], $0xffff;
	v14 =	vpop (erf)  }
0xca: {  	(erf) = vpow2.f32 v13  }
0xcb: {  	v7 =	vadd.f32 v7, v9;
	v8 =	vadd.f32 v8, v14;
	v9 =	vmul.f32 v15, v14;
	v13 =	vld.idx.msk [tilespmem:v2+s25+$0xFFFFFF80 ss:$0x1], $0xffff;
	v14 =	vpop (erf)  }
0xcc: {  	(erf) = vpow2.f32 v10  }
0xcd: {  	v7 =	vadd.f32 v7, v9;
	v8 =	vadd.f32 v8, v14;
	v9 =	vmul.f32 v12, v14;
	v10 =	vld.idx.msk [tilespmem:v2+s25+$0x0 ss:$0x1], $0xffff;
	v12 =	vpop (erf)  }
0xce: {  	(erf) = vpow2.f32 v16  }
0xcf: {  	v7 =	vadd.f32 v7, v9;
	v8 =	vadd.f32 v8, v12;
	v9 =	vmul.f32 v11, v12;
	v11 =	vld.idx.msk [tilespmem:v2+s25+$0x80 ss:$0x1], $0xffff;
	v12 =	vpop (erf)  }
0xd0: {  	(erf) = vpow2.f32 v19  }
.Ltmp0:
0xd1: {  	v9 =	vadd.f32 v7, v9;
	v8 =	vadd.f32 v8, v12;
	v12 =	vmul.f32 v13, v12;
	v7 =	vld.idx.msk [tilespmem:v2+s25+$0x100 ss:$0x1], $0xffff;
	v13 =	vpop (erf);
	(pc) =	sbr.rel @p0 .LBB2_4-.Ltmp0, $4  }
0xd2: {  	(erf) = vpow2.f32 v24  }
0xd3: {  	v10 =	vmul.f32 v10, v13;
	v9 =	vadd.f32 v9, v12;
	v15 =	vadd.f32 v8, v13;
	v8 =	vld.idx.msk [tilespmem:v2+s25+$0x180 ss:$0x1], $0xffff;
	v14 =	vpop (erf)  }
0xd4: {  	(erf) = vpow2.f32 v21  }
0xd5: {  	v11 =	vmul.f32 v11, v14;
	v10 =	vadd.f32 v9, v10;
	v13 =	vadd.f32 v15, v14;
	v9 =	vld.idx.msk [tilespmem:v2+s25+$0x200 ss:$0x1], $0xffff;
	v12 =	vpop (erf)  }
0xd6: {  	_ = 	snop  }
0xd7: {  	(erf) = vpow2.f32 v4;
	v0 =	vadd.f32 v13, v12  }
0xd8: {  	v1 =	vpop (erf)  }
0xd9: {  	(erf) = vpow2.f32 v5;
	v0 =	vadd.f32 v0, v1  }
0xda: {  	v48 =	vpop (erf)  }
0xdb: {  	(erf) = vpow2.f32 v6;
	v0 =	vadd.f32 v0, v48  }
0xdc: {  	v49 =	vpop (erf)  }
0xdd: {  	v0 =	vadd.f32 v0, v49  }
0xde: {  	v50 =	vpop (erf)  }
0xdf: {  	v7 =	vmul.f32 v7, v12;
	v10 =	vadd.f32 v10, v11;
	v0 =	vadd.f32 v0, v50  }
0xe0: {  	v51 =	vld.idx.msk [tilespmem:v2+s25+$0x280 ss:$0x1], $0xffff;
	v52 =	vpop (erf)  }
0xe1: {  	v7 =	vadd.f32 v10, v7;
	v1 =	vmul.f32 v8, v1;
	v0 =	vadd.f32 v0, v52  }
0xe2: {  	v53 =	vld.idx.msk [tilespmem:v2+s25+$0x300 ss:$0x1], $0xffff;
	v54 =	vpop (erf)  }
0xe3: {  	v4 =	vmul.f32 v9, v48;
	v1 =	vadd.f32 v7, v1;
	v0 =	vadd.f32 v0, v54  }
0xe4: {  	v55 =	vld.idx.msk [tilespmem:v2+s25+$0x380 ss:$0x1], $0xffff;
	v56 =	vpop (erf)  }
0xe5: {  	v57 =	vmul.f32 v51, v49;
	v1 =	vadd.f32 v1, v4;
	v0 =	vadd.f32 v0, v56  }
0xe6: {  	v58 =	vld.idx.msk [tilespmem:v2+s25+$0x400 ss:$0x1], $0xffff  }
0xe7: {  	v59 =	vmul.f32 v53, v50;
	v1 =	vadd.f32 v1, v57;
	(erf) = vrcp.f32 v0  }
0xe8: {  	v60 =	vld.idx.msk [tilespmem:v2+s25+$0x480 ss:$0x1], $0xffff  }
0xe9: {  	v61 =	vmul.f32 v55, v52;
	v1 =	vadd.f32 v1, v59;
	_ =	sdelay $0x1  }
0xea: {  	v62 =	vmul.f32 v58, v54;
	v1 =	vadd.f32 v1, v61;
	_ =	sdelay $0x1  }
0xeb: {  	v1 =	vadd.f32 v1, v62;
	v0 =	vmul.f32 v60, v56;
	_ =	sdelay $0x1  }
0xec: {  	v0 =	vadd.f32 v1, v0  }
0xed: {  	s19 =	sadd.s32 $0x1, s19;
	v63 =	vpop (erf)  }
0xee: {  	p0 =	sne.s32 s19, $0x4;
	v0 =	vmul.f32 v63, v0  }
.Ltmp1:
0xef: {  	_ = 	snop;
	(pc) =	sbr.rel @p0 .LBB2_3-.Ltmp1, $3  }
0xf0: {  	v1 =	vmul.f32 $2.000000030e-01, v0;
	_ =	sdelay $0x1  }
0xf1: {  	s21 =	sadd.s32 $0x80, s21;
	v0 =	vmax.f32 v0, v1  }
0xf2: {  	s22 =	sadd.s32 $0x80, s22;
	s23 =	sadd.s32 $0xA00, s23;
	s24 =	sadd.s32 $0xA00, s24;
	[tilespmem:v3+s25+$0x0 ss:$0x1] =	vst.idx.msk $0xffff, v0  }
0xf3: {  	s18 =	sadd.s32 $0x1, s18  }
0xf4: {  	p0 =	sne.s32 s18, $0x20  }
.Ltmp2:
0xf5: {  	s19 =	sadd.s32 s7, s20;
	(pc) =	sbr.rel @p0 .LBB2_2-.Ltmp2, $4  }
0xf6: {  	[hbm4b:s19+s1] =	stream.linear.scatter [tilespmem:s16], [sflag:$0x3], $0x200, $0x38;
	[tilespmem:$0x5480] =	vst v63  }
0xf7: {  	_ =	swait.ge [sflag:s10], $0x200  }
0xf8: {  	[sflag:s10] =	ssyncset.done $0x0  }
0xf9: {  	[sflag:s10] =	ssyncadd.s32 $0xFFFFFE00  }
0xfa: {  	s17 =	sadd.s32 $0x1, s17  }
0xfb: {  	p0 =	sne.s32 s17, s9  }
.Ltmp3:
0xfc: {  	_ = 	snop;
	(pc) =	sbr.rel @p0 .LBB2_1-.Ltmp3, $1  }
0xfd: {  	_ =	sdelay $0x3  }
0xfe: {  	_ =	sfence.sel $0x180000  }
0xff: {  	[bflag:$0x0] =	sbarrier.arrive $0xFFFF  }
0x100: {  	p0 =	sne.s32 s3, $0x0;
	_ =	strace $0x90000047  }
0x101: {  	s0 =	sadd.s32 @!p0 $0x100000, s0;
	[bflag:$0x2] =	sbarrier.arrive $0xFFFF  }
0x102: {  	[sflag:s0] =	ssyncadd.tile.s32 @!p0 $0x1;
	_ =	shalt  }
.Lfunc_end2:
_tile_overlayer_lowered:
.L_overlay_start_2:
0x103: {  	(tag) =	ssettag $0x2  }
0x104: {  	s0 =	rddreg [dreg:$0x0];
	s2 =	stileid.u32  }
0x105: {  	s1 =	rddreg [dreg:$0x1];
	p0 =	sne.s32 s2, $0x0  }
0x106: {  	s3 =	rddreg [dreg:$0x2];
	[bflag:$0x3] =	sbarrier.arrive $0xFFFF;
	s2 =	simm.s32 @!p0 $0x1C03  }
0x107: {  	[timem:s3], [sflag:s2] =	dma.local @!p0 [hbm:s0], s1  }
0x108: {  	s0 =	simm.s32 @!p0 $0x3  }
0x109: {  	_ =	swait.ge @!p0 [sflag:s0], s1  }
0x10a: {  	s1 =	ssub.s32 @!p0 $0x0, s1;
	[sflag:s0] =	ssyncset.done @!p0 $0x0  }
0x10b: {  	[sflag:s0] =	ssyncadd.s32 @!p0 s1  }
0x10c: {  	[bflag:$0x3] =	sbarrier.arrive $0xFFFF  }
0x10d: {  	_ =	shalt  }

// kernel: kernel.20.cloned.1.call-start
scs
__scs_entry_jumppad:
0x0: {  	(pc) =	sbr.rel $0x88, $3  }
0x1: {  	(tag) =	ssettag $0x0;
	lr =	simm.s32 $0x1  }
0x2: {  	[smem:$0x3F9E] =	sst lr;
	_ =	strace $0xD0000000  }
0x3: {  	_ = 	snop  }
0x4: {  	_ = 	snop  }
0x5: {  	_ = 	snop  }
0x6: {  	_ = 	snop  }
0x7: {  	_ = 	snop  }
__scs_overlays_trampoline_lowered:
0x8: {  	[smem:$0x3FAD] =	sst s0  }
0x9: {  	[smem:$0x3FAE] =	sst s1  }
0xa: {  	[smem:$0x3FAF] =	sst s2  }
0xb: {  	[smem:$0x3FB0] =	sst s3  }
0xc: {  	[smem:$0x3FB1] =	sst s4  }
0xd: {  	[smem:$0x3FB2] =	sst s5  }
0xe: {  	[smem:$0x3FB3] =	sst s6  }
0xf: {  	[smem:$0x3FB4] =	sst s7  }
0x10: {  	[smem:$0x3FB5] =	sst s8  }
0x11: {  	[smem:$0x3FB6] =	sst s9;
	s0 =	simm.s32 @!p0 $0x0  }
0x12: {  	s1 =	sld [smem:$0x3F9C];
	s0 =	simm.s32 @p0 $0x1  }
0x13: {  	[smem:$0x3FB7] =	sst s0;
	s0 =	simm.s32 @!p1 $0x0  }
0x14: {  	s2 =	sld [smem:$0x3F9B];
	s0 =	simm.s32 @p1 $0x1  }
0x15: {  	[smem:$0x3FB8] =	sst s0;
	s0 =	simm.s32 @!p2 $0x0  }
0x16: {  	s3 =	sld [smem:$0x3FDB];
	s0 =	simm.s32 @p2 $0x1  }
0x17: {  	s4 =	simm.s32 $0x1BF5;
	[smem:$0x3FBA] =	sst s0  }
0x18: {  	s0 =	sld [smem:$0x3F9D];
	_ =	swait.ge [sflag:s4], $0x0  }
0x19: {  	s7 =	sld [smem:$0x3F9E]  }
0x1a: {  	s8 =	sadd.s32 $0xFFFFE003, lr  }
0x1b: {  	s9 =	sadd.s32 $0xFFFFFEF7, lr;
	s5 =	simm.s32 $0xFFFFFFFF;
	p2 =	slt.u32 s8, $0xFFFFF086  }
0x1c: {  	p1 =	slt.u32 s9, $0xF7A;
	s5 =	simm.s32 @!p2 $0x0  }
0x1d: {  	s5 =	simm.s32 @p1 $0x1;
	p0 =	seq.s32 s7, s2  }
0x1e: {  	s7 =	smul.u32 @!p0 $0xF7A, s2;
	p2 =	seq.s32 @!p0 s5, $0x0  }
0x1f: {  	s9 =	smul.u32 $0xF7A, s1;
	s8 =	simm.s32 @!p0 $0x1BF5;
	p2 =	por !p2, p0  }
0x20: {  	[sflag:s8] =	ssyncset.s32 @!p0 $0xFFFFF086;
	s6 =	sadd.s32 @!p0 s3, s7;
	s7 =	simm.s32 @!p0 $0x108  }
0x21: {  	s3 =	sadd.s32 s3, s9;
	s6 =	sadd.s32 @!p0 $0x88, s6;
	s7 =	simm.s32 @p2 $0x1082  }
0x22: {  	[simem:s7], [sflag:s8] =	dma.local @!p0 [hbm:s6], $0xF7A  }
0x23: {  	s9 =	sor.u32 $0xD0000000, s2;
	s6 =	simm.s32 $0x108;
	_ =	swait.ge @!p0 [sflag:s8], $0x0  }
0x24: {  	s3 =	sadd.s32 $0x88, s3;
	s6 =	simm.s32 @!p1 $0x1082;
	[sflag:s4] =	ssyncset.s32 $0xFFFFF086  }
0x25: {  	[simem:s6], [sflag:s4] =	dma.local [hbm:s3], $0xF7A  }
0x26: {  	[smem:$0x3F9E] =	sst s1;
	(tag) =	ssettag s2;
	_ =	strace s9  }
0x27: {  	s1 =	sld [smem:$0x3FAE]  }
0x28: {  	s2 =	sld [smem:$0x3FAF]  }
0x29: {  	s4 =	sld [smem:$0x3FB1]  }
0x2a: {  	p0 =	seq.s32 s5, $0x0;
	s5 =	sld [smem:$0x3FB2]  }
0x2b: {  	s6 =	sld [smem:$0x3FB3]  }
0x2c: {  	s7 =	sld [smem:$0x3FB4]  }
0x2d: {  	s3 =	simm.s32 $0x108;
	s8 =	sld [smem:$0x3FB5]  }
0x2e: {  	s3 =	simm.s32 @!p0 $0x1082;
	s9 =	sld [smem:$0x3FB6]  }
0x2f: {  	lr =	sadd.s32 s0, s3;
	s0 =	sld [smem:$0x3FAD]  }
0x30: {  	s3 =	sld [smem:$0x3FB0]  }
0x31: {  	[smem:$0x3FB9] =	sst s10  }
0x32: {  	s10 =	sld [smem:$0x3FB7];
	_ =	sdelay $0x3  }
0x33: {  	p0 =	seq.s32 s10, $0x1;
	s10 =	sld [smem:$0x3FB9];
	_ =	sdelay $0x3  }
0x34: {  	[smem:$0x3FB9] =	sst s10  }
0x35: {  	s10 =	sld [smem:$0x3FB8];
	_ =	sdelay $0x3  }
0x36: {  	p1 =	seq.s32 s10, $0x1;
	s10 =	sld [smem:$0x3FB9];
	_ =	sdelay $0x3  }
0x37: {  	[smem:$0x3FB9] =	sst s10  }
0x38: {  	s10 =	sld [smem:$0x3FBA]  }
0x39: {  	_ = 	snop;
	(pc) =	sbr.ind lr, $3  }
0x3a: {  	_ = 	snop  }
0x3b: {  	_ = 	snop  }
0x3c: {  	p2 =	seq.s32 s10, $0x1;
	s10 =	sld [smem:$0x3FB9]  }
0x3d: {  	_ =	shalt  }
0x3e: {  	_ =	shalt  }
0x3f: {  	_ =	shalt  }
0x40: {  	_ =	shalt  }
0x41: {  	_ =	shalt  }
0x42: {  	_ =	shalt  }
0x43: {  	_ =	shalt  }
0x44: {  	_ =	shalt  }
0x45: {  	_ =	shalt  }
0x46: {  	_ =	shalt  }
0x47: {  	_ =	shalt  }
0x48: {  	_ =	shalt  }
0x49: {  	_ =	shalt  }
0x4a: {  	_ =	shalt  }
0x4b: {  	_ =	shalt  }
0x4c: {  	_ =	shalt  }
0x4d: {  	_ =	shalt  }
0x4e: {  	_ =	shalt  }
0x4f: {  	_ =	shalt  }
0x50: {  	_ =	shalt  }
0x51: {  	_ =	shalt  }
0x52: {  	_ =	shalt  }
0x53: {  	_ =	shalt  }
0x54: {  	_ =	shalt  }
0x55: {  	_ =	shalt  }
0x56: {  	_ =	shalt  }
0x57: {  	_ =	shalt  }
0x58: {  	_ =	shalt  }
0x59: {  	_ =	shalt  }
0x5a: {  	_ =	shalt  }
0x5b: {  	_ =	shalt  }
0x5c: {  	_ =	shalt  }
0x5d: {  	_ =	shalt  }
0x5e: {  	_ =	shalt  }
0x5f: {  	_ =	shalt  }
0x60: {  	_ =	shalt  }
0x61: {  	_ =	shalt  }
0x62: {  	_ =	shalt  }
0x63: {  	_ =	shalt  }
0x64: {  	_ =	shalt  }
0x65: {  	_ =	shalt  }
0x66: {  	_ =	shalt  }
0x67: {  	_ =	shalt  }
0x68: {  	_ =	shalt  }
0x69: {  	_ =	shalt  }
0x6a: {  	_ =	shalt  }
0x6b: {  	_ =	shalt  }
0x6c: {  	_ =	shalt  }
0x6d: {  	_ =	shalt  }
0x6e: {  	_ =	shalt  }
0x6f: {  	_ =	shalt  }
0x70: {  	_ =	shalt  }
0x71: {  	_ =	shalt  }
0x72: {  	_ =	shalt  }
0x73: {  	_ =	shalt  }
0x74: {  	_ =	shalt  }
0x75: {  	_ =	shalt  }
0x76: {  	_ =	shalt  }
0x77: {  	_ =	shalt  }
0x78: {  	_ =	shalt  }
0x79: {  	_ =	shalt  }
0x7a: {  	_ =	shalt  }
0x7b: {  	_ =	shalt  }
0x7c: {  	_ =	shalt  }
0x7d: {  	_ =	shalt  }
0x7e: {  	_ =	shalt  }
0x7f: {  	_ =	shalt  }
0x80: {  	_ =	shalt  }
0x81: {  	_ =	shalt  }
0x82: {  	_ =	shalt  }
0x83: {  	_ =	shalt  }
0x84: {  	_ =	shalt  }
0x85: {  	_ =	shalt  }
0x86: {  	_ =	shalt  }
0x87: {  	_ =	shalt  }
.Lfunc_end0:
.L_simem_size_0:
called_computation.3_lowered:
.L_overlay_start_0:
0x88: {  	s2 =	sld [smem:$0x3FD9]  }
0x89: {  	s3 =	sld [smem:$0x3FFE];
	_ =	sdelay $0x1  }
0x8a: {  	s1 =	srdreg.scid  }
0x8b: {  	s0 =	sand.u32 $0x1, s1  }
0x8c: {  	s17 =	sshll.u32 s0, $0xA;
	s2 =	sadd.s32 s3, s2  }
0x8d: {  	s2 =	sadd.s32 s2, s17  }
0x8e: {  	[smem:$0x3FC5] =	sst s2  }
0x8f: {  	_ = 	snop  }
0x90: {  	(tm) =	ssettm $0x1  }
0x91: {  	s18 =	sld [smem:$0x3FFB];
	_ =	sdelay $0x3  }
0x92: {  	_ =	strace s18  }
0x93: {  	s2 =	sld [smem:$0x3FFC];
	_ =	sdelay $0x3  }
0x94: {  	_ =	strace s2  }
0x95: {  	s2 =	sld [smem:$0x3FFD];
	_ =	sdelay $0x3  }
0x96: {  	_ =	strace s2  }
0x97: {  	_ =	strace $0x8FFFFFFF  }
0x98: {  	s19 =	sld [smem:$0x3FDB];
	_ =	sdelay $0x1  }
0x99: {  	s20 =	simm.s32 $_scs_section_size  }
0x9a: {  	s4 =	simm.s32 $_size__tile_overlayer_lowered;
	s5 =	simm.s32 $_tile_overlayer_lowered  }
0x9b: {  	s6 =	simm.s32 $0x1BFF;
	s21 =	sshll.u32 s5, $0x1;
	s3 =	sadd.s32 s20, s19  }
0x9c: {  	s22 =	simm.s32 $0x0;
	s4 =	sshll.u32 s4, $0x1;
	s5 =	sadd.s32 s21, s3  }
0x9d: {  	[timem:s22], [sflag:s6] =	dma.local [hbm:s5], s4  }
0x9e: {  	_ =	swait.ge [sflag:s6], s4  }
0x9f: {  	s4 =	ssub.s32 $0x0, s4;
	[sflag:s6] =	ssyncset.done $0x0  }
0xa0: {  	[sflag:s6] =	ssyncadd.s32 s4;
	_ =	sdelay $0x1  }
0xa1: {  	s23 =	simm.s32 $0x1B8B  }
0xa2: {  	_ =	swait.ge [sflag:s23], $0x1  }
0xa3: {  	[sflag:s23] =	ssyncset.done $0x0  }
0xa4: {  	[sflag:s23] =	ssyncadd.s32 $0xFFFFFFFF  }
0xa5: {  	s4 =	sld [smem:$0x0]  }
0xa6: {  	s5 =	sand.u32 $0xFFFFFFFE, s1  }
0xa7: {  	p0 =	sne.s32 s1, s5  }
0xa8: {  	s5 =	sshll.u32 @p0 s5, $0xE  }
0xa9: {  	s5 =	sadd.s32 @p0 $0x11B8D, s5;
	s6 =	sshll.u32 @p0 s4, $0x11  }
0xaa: {  	s5 =	sor.u32 @p0 s6, s5  }
0xab: {  	[sflag:s5] =	ssyncadd.remote.s32 @p0 $0x1;
	_ =	sdelay $0x1  }
0xac: {  	s5 =	simm.s32 @p0 $0x1B8D  }
0xad: {  	_ =	swait.eq @p0 [sflag:s5], $0x1  }
0xae: {  	[sflag:s5] =	ssyncadd.s32 @p0 $0xFFFFFFFF  }
0xaf: {  	s6 =	sshll.u32 @!p0 s1, $0xE  }
0xb0: {  	s6 =	sor.u32 @!p0 $0x4000, s6;
	s5 =	simm.s32 @!p0 $0x1B8D  }
0xb1: {  	s4 =	sshll.u32 @!p0 s4, $0x11;
	s6 =	sadd.s32 @!p0 $0x11B8D, s6;
	_ =	swait.eq @!p0 [sflag:s5], $0x1  }
0xb2: {  	s4 =	sor.u32 @!p0 s4, s6;
	[sflag:s5] =	ssyncadd.s32 @!p0 $0xFFFFFFFF  }
0xb3: {  	s25 =	simm.s32 $0x1B8E;
	s24 =	sld [smem:$0x3FFE];
	[sflag:s4] =	ssyncadd.remote.s32 @!p0 $0x1  }
0xb4: {  	s26 =	simm.s32 $execute0_lowered;
	[smem:$0x3FD2] =	sst s25  }
0xb5: {  	s5 =	sshll.u32 s26, $0x1;
	_ =	strace $0x8000004C;
	[dreg:$0x1] =	wrdreg $0xFFFFFFFF  }
0xb6: {  	s28 =	simm.s32 $_size_execute0_lowered;
	s3 =	sadd.s32 s3, s5;
	[dreg:$0x0] =	wrdreg $0x0  }
0xb7: {  	s5 =	sshll.u32 s28, $0x1;
	[dreg:$0x2] =	wrdreg s3  }
0xb8: {  	[dreg:$0x3] =	wrdreg s5  }
0xb9: {  	[dreg:$0x4] =	wrdreg $0xC0  }
0xba: {  	_ =	task [dreg:s22], $0x5FFFF  }
0xbb: {  	[dreg:$0x1] =	wrdreg $0xFFFFFFFF  }
0xbc: {  	[dreg:$0x0] =	wrdreg $0x60  }
0xbd: {  	[dreg:$0x2] =	wrdreg s24  }
0xbe: {  	[dreg:$0x3] =	wrdreg $0xC  }
0xbf: {  	_ =	task.clear_ibuf [dreg:s22], $0x4FFFF;
	_ =	strace $0x9000004C  }
0xc0: {  	s29 =	simm.s32 $0xC;
	_ =	strace $0x8000004E  }
0xc1: {  	_ =	swait.ge [sflag:s29], $0x1  }
0xc2: {  	[sflag:s29] =	ssyncadd.s32 $0xFFFFFFFF  }
0xc3: {  	_ =	strace $0x9000004E  }
0xc4: {  	_ =	sfence  }
0xc5: {  	s30 =	sld [smem:$0x0];
	_ =	sdelay $0x2  }
0xc6: {  	s31 =	sshll.u32 s1, $0xD;
	s1 =	sshrl.u32 s1, $0x2  }
0xc7: {  	s4 =	sand.u32 $0x4000, s31;
	s1 =	sadd.s32 s1, s30  }
0xc8: {  	s0 =	sor.u32 s4, s0;
	s1 =	sshll.u32 s1, $0x11  }
0xc9: {  	s0 =	sor.u32 s1, s0  }
0xca: {  	s0 =	sadd.s32 $0x8F2B, s0  }
0xcb: {  	[sflag:s0] =	ssyncadd.remote.s32 $0x1  }
0xcc: {  	_ =	sfence.sel $0xFFFF  }
0xcd: {  	[dreg:$0x0] =	wrdreg $0xFFFFFFFF;
	(pc) =	sbr.abs _section_cstart, $3  }
0xce: {  	[dreg:$0x1] =	wrdreg $0xFFFFFFFF  }
0xcf: {  	_ =	task.clear_ibuf [dreg:s22], $0x2FFFF;
	_ =	strace $0x9FFFFFFF  }
0xd0: {  	(tm) =	ssettm $0x7FFFFFFF  }
0xd1: {  	_ =	shalt  }
tec
execute0_lowered:
.L_overlay_start_1:
0x0: {  	(tag) =	ssettag $0x1  }
0x1: {  	s7 =	rddreg [dreg:$0x0]  }
0x2: {  	s0 =	rddreg [dreg:$0x1];
	s1 =	simm.s32 $0x0;
	s3 =	srdreg.scid  }
0x3: {  	s12 =	simm.s32 $0x80;
	s13 =	simm.s32 $0x2880;
	s14 =	simm.s32 $0x1  }
0x4: {  	s15 =	simm.s32 $0x2;
	s16 =	simm.s32 $0x5280;
	s17 =	simm.s32 $0x0  }
0x5: {  	[smem:$0x7FF] =	sst s1;
	s2 =	sadd.s32 $0x94200, s7;
	s4 =	sadd.s32 $0x21A00, s7  }
0x6: {  	s5 =	sadd.s32 $0x84200, s7;
	s8 =	sand.u32 $0x1, s3;
	s6 =	sadd.s32 $0xD6A00, s7  }
0x7: {  	s3 =	stileid.u32;
	s7 =	sadd.s32 $0xD9200, s7;
	s9 =	ssub.s32 $0x2, s8  }
0x8: {  	s11 =	sshll.u32 s3, $0x8;
	s8 =	sshll.u32 s8, $0x7;
	s10 =	sshrl.u32 s9, $0x1  }
0x9: {  	_ =	strace $0x8000004D;
	s8 =	sor.u32 s8, s11;
	s9 =	ssub.s32 s9, s10  }
0xa: {  	s11 =	simm.s32 $0x50;
	s10 =	simm.s32 $0x3;
	s9 =	smax.u32 s9, $0x1  }
.LBB2_1:
0xb: {  	s18 =	simm.s32 $0x0  }
.LBB2_2:
0xc: {  	s19 =	sshll.u32 s18, $0x2  }
0xd: {  	s20 =	sadd.s32 s8, s19  }
0xe: {  	s19 =	smul.u32 $0x14, s20;
	_ =	sdelay $0x1  }
0xf: {  	s19 =	sshrl.u32 s19, $0x3  }
0x10: {  	s21 =	sadd.s32 s6, s19;
	s19 =	simm.s32 $0x0  }
0x11: {  	[tilespmem:s19], [sflag:$0x3] =	stream.linear.gather [hbm4b:s21+s19], $0x50, $0x38;
	[tilespmem:$0x5480] =	vst v63  }
0x12: {  	_ =	swait.ge [sflag:s10], $0x50  }
0x13: {  	s31 =	sshll.u32 s18, $0x6;
	s20 =	sshll.u32 s20, $0x4;
	[sflag:s10] =	ssyncset.done $0x0  }
0x14: {  	s20 =	sand.u32 $0xFF80, s20;
	s21 =	sand.u32 $0x40, s31;
	[sflag:s10] =	ssyncadd.s32 $0xFFFFFFB0  }
0x15: {  	[tilespmem:s12], [sflag:$0x1] =	stream.indirect.gather [hbm4b:s2+s11], $0x80, s19, s11, $0xb8;
	[tilespmem:$0x5480] =	vst v63  }
0x16: {  	s20 =	sor.u32 s21, s20  }
0x17: {  	[tilespmem:s13], [sflag:$0x2] =	stream.indirect.gather [hbm4b:s4+s11], $0x80, s19, s11, $0xb8;
	[tilespmem:$0x5480] =	vst v63  }
0x18: {  	s21 =	simm.s32 $0x5080;
	s22 =	sadd.s32 s5, s20  }
0x19: {  	[tilespmem:s21], [sflag:$0x3] =	stream.linear.gather [hbm4b:s22+s19], $0x200, $0x38;
	[tilespmem:$0x5480] =	vst v63  }
0x1a: {  	_ =	swait.ge [sflag:s10], $0x200  }
0x1b: {  	[sflag:s10] =	ssyncset.done $0x0  }
0x1c: {  	[sflag:s10] =	ssyncadd.s32 $0xFFFFFE00  }
0x1d: {  	_ =	swait.ge [sflag:s14], $0x2800  }
0x1e: {  	[sflag:s14] =	ssyncset.done $0x0  }
0x1f: {  	[sflag:s14] =	ssyncadd.s32 $0xFFFFD800  }
0x20: {  	_ =	swait.ge [sflag:s15], $0x2800  }
0x21: {  	s23 =	simm.s32 $0x580;
	[sflag:s15] =	ssyncset.done $0x0  }
0x22: {  	s24 =	simm.s32 $0x2D80;
	s22 =	simm.s32 $0x5280;
	[sflag:s15] =	ssyncadd.s32 $0xFFFFD800  }
.LBB2_3:
0x23: {  	v0 =	vmov s23;
	_ =	sdelay $0x2  }
0x24: {  	v1 =	vmov s21  }
0x25: {  	s25 =	simm.s32 $0x0  }
0x26: {  	v2 =	vld.idx.msk [tilespmem:v0+s25+$0xFFFFFB80 ss:$0x1], $0xffff  }
0x27: {  	v3 =	vld.idx.msk [tilespmem:v0+s25+$0xFFFFFD80 ss:$0x1], $0xffff  }
0x28: {  	v4 =	vld.idx.msk [tilespmem:v0+s25+$0xFFFFFB00 ss:$0x1], $0xffff  }
0x29: {  	v5 =	vld.idx.msk [tilespmem:v1+s25+$0x0 ss:$0x1], $0xffff  }
0x2a: {  	v6 =	vld.idx.msk [tilespmem:v0+s25+$0xFFFFFC00 ss:$0x1], $0xffff  }
0x2b: {  	v7 =	vld.idx.msk [tilespmem:v0+s25+$0xFFFFFD00 ss:$0x1], $0xffff  }
0x2c: {  	v8 =	vld.idx.msk [tilespmem:v0+s25+$0xFFFFFC80 ss:$0x1], $0xffff  }
0x2d: {  	v9 =	vld.idx.msk [tilespmem:v0+s25+$0xFFFFFF80 ss:$0x1], $0xffff  }
0x2e: {  	v10 =	vld.idx.msk [tilespmem:v0+s25+$0x80 ss:$0x1], $0xffff  }
0x2f: {  	v11 =	vld.idx.msk [tilespmem:v0+s25+$0xFFFFFF00 ss:$0x1], $0xffff  }
0x30: {  	v12 =	vld.idx.msk [tilespmem:v0+s25+$0xFFFFFE00 ss:$0x1], $0xffff  }
0x31: {  	v15 =	vld.idx.msk [tilespmem:v0+s25+$0xFFFFFE80 ss:$0x1], $0xffff  }
0x32: {  	v17 =	vld.idx.msk [tilespmem:v0+s25+$0x0 ss:$0x1], $0xffff  }
0x33: {  	v19 =	vld.idx.msk [tilespmem:v0+s25+$0x200 ss:$0x1], $0xffff;
	v4 =	vadd.f32 v4, v5;
	v2 =	vadd.f32 v2, v5  }
0x34: {  	v21 =	vld.idx.msk [tilespmem:v0+s25+$0x180 ss:$0x1], $0xffff;
	v6 =	vadd.f32 v6, v5;
	v3 =	vadd.f32 v3, v5  }
0x35: {  	v41 =	vld.idx.msk [tilespmem:v0+s25+$0x280 ss:$0x1], $0xffff;
	v7 =	vadd.f32 v7, v5;
	v9 =	vadd.f32 v9, v5  }
0x36: {  	v23 =	vld.idx.msk [tilespmem:v0+s25+$0x300 ss:$0x1], $0xffff;
	v10 =	vadd.f32 v10, v5;
	v11 =	vadd.f32 v11, v5  }
0x37: {  	v46 =	vld.idx.msk [tilespmem:v0+s25+$0x380 ss:$0x1], $0xffff;
	v8 =	vadd.f32 v8, v5;
	v15 =	vadd.f32 v15, v5  }
0x38: {  	v12 =	vadd.f32 v12, v5;
	v38 =	vadd.f32 v17, v5  }
0x39: {  	v45 =	vadd.f32 v21, v5;
	v19 =	vadd.f32 v19, v5  }
0x3a: {  	v17 =	vadd.f32 v41, v5;
	v13 =	vmul.f32 $2.000000030e-01, v4;
	v14 =	vmul.f32 $2.000000030e-01, v2  }
0x3b: {  	v23 =	vadd.f32 v23, v5;
	v16 =	vmul.f32 $2.000000030e-01, v6;
	v18 =	vmul.f32 $2.000000030e-01, v3  }
0x3c: {  	v21 =	vadd.f32 v46, v5;
	v36 =	vmul.f32 $2.000000030e-01, v7;
	v37 =	vmul.f32 $2.000000030e-01, v11  }
0x3d: {  	v39 =	vmul.f32 $2.000000030e-01, v8;
	v4 =	vmax.f32 v4, v13;
	v2 =	vmax.f32 v2, v14  }
0x3e: {  	v20 =	vmul.f32 $2.000000030e-01, v15;
	v6 =	vmax.f32 v6, v16;
	v13 =	vmax.f32 v4, v2  }
0x3f: {  	v40 =	vmul.f32 $2.000000030e-01, v12;
	v14 =	vld.idx.msk [tilespmem:v0+s25+$0x100 ss:$0x1], $0xffff;
	v8 =	vmax.f32 v8, v39;
	v13 =	vmax.f32 v13, v6  }
0x40: {  	v22 =	vmul.f32 $2.000000030e-01, v10;
	v7 =	vmax.f32 v7, v36;
	v13 =	vmax.f32 v13, v8  }
0x41: {  	v42 =	vmul.f32 $2.000000030e-01, v38;
	v3 =	vmax.f32 v3, v18;
	v13 =	vmax.f32 v13, v7  }
0x42: {  	v44 =	vmul.f32 $2.000000030e-01, v9;
	v12 =	vmax.f32 v12, v40;
	v13 =	vmax.f32 v13, v3  }
0x43: {  	v24 =	vmul.f32 $2.000000030e-01, v45;
	v15 =	vmax.f32 v15, v20;
	v13 =	vmax.f32 v13, v12  }
0x44: {  	v11 =	vmax.f32 v11, v37;
	v14 =	vadd.f32 v14, v5;
	v13 =	vmax.f32 v13, v15  }
0x45: {  	v47 =	vld.idx.msk [tilespmem:v0+s25+$0x400 ss:$0x1], $0xffff;
	v25 =	vmul.f32 $2.000000030e-01, v19;
	v9 =	vmax.f32 v9, v44;
	v13 =	vmax.f32 v13, v11  }
0x46: {  	v48 =	vld.idx.msk [tilespmem:v0+s25+$0x480 ss:$0x1], $0xffff;
	v16 =	vmax.f32 v38, v42;
	v43 =	vmul.f32 $2.000000030e-01, v14;
	v13 =	vmax.f32 v13, v9  }
0x47: {  	v26 =	vmul.f32 $2.000000030e-01, v17;
	v10 =	vmax.f32 v10, v22;
	v13 =	vmax.f32 v13, v16  }
0x48: {  	v49 =	vmul.f32 $2.000000030e-01, v23;
	v14 =	vmax.f32 v14, v43;
	v13 =	vmax.f32 v13, v10  }
0x49: {  	v50 =	vmul.f32 $2.000000030e-01, v21;
	v20 =	vmax.f32 v45, v24;
	v13 =	vmax.f32 v13, v14  }
0x4a: {  	v19 =	vmax.f32 v19, v25;
	v22 =	vadd.f32 v47, v5;
	v13 =	vmax.f32 v13, v20  }
0x4b: {  	v17 =	vmax.f32 v17, v26;
	v5 =	vadd.f32 v48, v5;
	v13 =	vmax.f32 v13, v19  }
0x4c: {  	v23 =	vmax.f32 v23, v49;
	v51 =	vmul.f32 $2.000000030e-01, v22;
	v13 =	vmax.f32 v13, v17  }
0x4d: {  	v18 =	vmax.f32 v21, v50;
	v52 =	vmul.f32 $2.000000030e-01, v5;
	v13 =	vmax.f32 v13, v23  }
0x4e: {  	v53 =	vmax.f32 v22, v51;
	v13 =	vmax.f32 v13, v18  }
0x4f: {  	v5 =	vmax.f32 v5, v52;
	v13 =	vmax.f32 v13, v53  }
0x50: {  	v13 =	vmax.f32 v13, v5  }
0x51: {  	v4 =	vsub.f32 v4, v13;
	_ =	sdelay $0x1  }
0x52: {  	v54 =	vsub.f32 v2, v13;
	v4 =	vmul.f32 $1.442695020e+00, v4  }
0x53: {  	v2 =	vmov s24  }
0x54: {  	v6 =	vsub.f32 v6, v13;
	v22 =	vmul.f32 $1.442695020e+00, v54;
	(erf) = vpow2.f32 v4;
	_ =	sdelay $0x1  }
0x55: {  	v6 =	vmul.f32 $1.442695020e+00, v6;
	v4 =	vsub.f32 v8, v13;
	(erf) = vpow2.f32 v22;
	_ =	sdelay $0x1  }
0x56: {  	v7 =	vsub.f32 v7, v13;
	v4 =	vmul.f32 $1.442695020e+00, v4;
	(erf) = vpow2.f32 v6  }
0x57: {  	v3 =	vsub.f32 v3, v13;
	v6 =	vld.idx.msk [tilespmem:v2+s25+$0xFFFFFB00 ss:$0x1], $0xffff  }
0x58: {  	v7 =	vmul.f32 $1.442695020e+00, v7;
	v8 =	vsub.f32 v12, v13;
	(erf) = vpow2.f32 v4  }
0x59: {  	v11 =	vsub.f32 v11, v13;
	v3 =	vmul.f32 $1.442695020e+00, v3;
	v12 =	vld.idx.msk [tilespmem:v2+s25+$0xFFFFFB80 ss:$0x1], $0xffff  }
0x5a: {  	v8 =	vmul.f32 $1.442695020e+00, v8;
	(erf) = vpow2.f32 v7  }
0x5b: {  	v4 =	vsub.f32 v15, v13;
	v7 =	vsub.f32 v9, v13;
	v9 =	vmul.f32 $1.442695020e+00, v11;
	v11 =	vld.idx.msk [tilespmem:v2+s25+$0xFFFFFC00 ss:$0x1], $0xffff;
	v15 =	vpop (erf)  }
0x5c: {  	(erf) = vpow2.f32 v3;
	v55 =	vadd.f32 $0.0e+00, v15;
	v6 =	vmul.f32 v15, v6  }
0x5d: {  	v10 =	vsub.f32 v10, v13;
	v4 =	vmul.f32 $1.442695020e+00, v4;
	(erf) = vpow2.f32 v8;
	v15 =	vld.idx.msk [tilespmem:v2+s25+$0xFFFFFC80 ss:$0x1], $0xffff;
	v56 =	vpop (erf)  }
0x5e: {  	v12 =	vmul.f32 v56, v12;
	v6 =	vadd.f32 $0.0e+00, v6;
	v8 =	vadd.f32 v55, v56  }
0x5f: {  	v10 =	vmul.f32 $1.442695020e+00, v10;
	v57 =	vld.idx.msk [tilespmem:v2+s25+$0xFFFFFD00 ss:$0x1], $0xffff;
	v3 =	vsub.f32 v16, v13;
	(erf) = vpow2.f32 v4;
	v58 =	vpop (erf)  }
0x60: {  	v4 =	vadd.f32 v6, v12;
	v6 =	vadd.f32 v8, v58;
	v8 =	vmul.f32 v58, v11  }
0x61: {  	v7 =	vmul.f32 $1.442695020e+00, v7;
	v11 =	vsub.f32 v14, v13;
	v12 =	vld.idx.msk [tilespmem:v2+s25+$0xFFFFFD80 ss:$0x1], $0xffff;
	v14 =	vpop (erf);
	(erf) = vpow2.f32 v9  }
0x62: {  	v4 =	vadd.f32 v4, v8;
	v6 =	vadd.f32 v6, v14;
	v8 =	vmul.f32 v14, v15  }
0x63: {  	v3 =	vmul.f32 $1.442695020e+00, v3;
	v14 =	vld.idx.msk [tilespmem:v2+s25+$0xFFFFFE00 ss:$0x1], $0xffff;
	v15 =	vpop (erf);
	(erf) = vpow2.f32 v7  }
0x64: {  	v7 =	vmul.f32 v15, v57;
	v4 =	vadd.f32 v4, v8;
	v6 =	vadd.f32 v6, v15  }
0x65: {  	v9 =	vsub.f32 v20, v13;
	v11 =	vmul.f32 $1.442695020e+00, v11;
	v59 =	vpop (erf);
	(erf) = vpow2.f32 v3;
	v15 =	vld.idx.msk [tilespmem:v2+s25+$0xFFFFFE80 ss:$0x1], $0xffff  }
0x66: {  	v3 =	vadd.f32 v4, v7;
	v4 =	vadd.f32 v6, v59;
	v6 =	vmul.f32 v59, v12;
	v12 =	vld.idx.msk [tilespmem:v2+s25+$0xFFFFFF00 ss:$0x1], $0xffff  }
0x67: {  	v9 =	vmul.f32 $1.442695020e+00, v9;
	v8 =	vsub.f32 v19, v13;
	v60 =	vpop (erf);
	(erf) = vpow2.f32 v10  }
0x68: {  	v3 =	vadd.f32 v3, v6;
	v4 =	vadd.f32 v4, v60;
	v6 =	vmul.f32 v14, v60  }
0x69: {  	v61 =	vpop (erf);
	(erf) = vpow2.f32 v11;
	v11 =	vsub.f32 v18, v13;
	v7 =	vsub.f32 v17, v13  }
0x6a: {  	v14 =	vld.idx.msk [tilespmem:v2+s25+$0xFFFFFF80 ss:$0x1], $0xffff;
	v62 =	vpop (erf);
	v3 =	vadd.f32 v3, v6;
	v4 =	vadd.f32 v4, v61;
	v6 =	vmul.f32 v15, v61  }
0x6b: {  	(erf) = vpow2.f32 v9;
	v15 =	vld.idx.msk [tilespmem:v2+s25+$0x0 ss:$0x1], $0xffff;
	v9 =	vmul.f32 v12, v62;
	v12 =	vsub.f32 v53, v13  }
0x6c: {  	v8 =	vmul.f32 $1.442695020e+00, v8;
	v3 =	vadd.f32 v3, v6;
	v6 =	vadd.f32 v4, v62  }
0x6d: {  	v10 =	vsub.f32 v23, v13;
	v7 =	vmul.f32 $1.442695020e+00, v7;
	v63 =	vpop (erf)  }
0x6e: {  	(erf) = vpow2.f32 v8;
	v4 =	vmul.f32 $1.442695020e+00, v11;
	v6 =	vadd.f32 v6, v63  }
0x6f: {  	v11 =	vld.idx.msk [tilespmem:v2+s25+$0x80 ss:$0x1], $0xffff;
	v3 =	vadd.f32 v3, v9;
	v9 =	vsub.f32 v5, v13;
	v5 =	vmul.f32 $1.442695020e+00, v12;
	v12 =	vpop (erf)  }
0x70: {  	v8 =	vmul.f32 v14, v63;
	v14 =	vadd.f32 v6, v12;
	v12 =	vmul.f32 v15, v12  }
0x71: {  	v10 =	vmul.f32 $1.442695020e+00, v10;
	(erf) = vpow2.f32 v7;
	v7 =	vld.idx.msk [tilespmem:v2+s25+$0x100 ss:$0x1], $0xffff  }
0x72: {  	v13 =	vadd.f32 v3, v8  }
0x73: {  	(erf) = vpow2.f32 v10;
	v3 =	vmov s22;
	v6 =	vmul.f32 $1.442695020e+00, v9;
	v8 =	vld.idx.msk [tilespmem:v2+s25+$0x180 ss:$0x1], $0xffff;
	v9 =	vpop (erf)  }
0x74: {  	s26 =	simm.s32 $0x40;
	v10 =	vadd.f32 v13, v12;
	v13 =	vadd.f32 v14, v9;
	v11 =	vmul.f32 v11, v9;
	v9 =	vld.idx.msk [tilespmem:v2+s25+$0x200 ss:$0x1], $0xffff;
	v12 =	vpop (erf)  }
.LBB2_4:
0x75: {  	p0 =	sne.s32 s26, $0x1C0;
	(erf) = vpow2.f32 v4;
	s28 =	smov.u32 s26;
	s26 =	sadd.s32 $0x40, s26  }
0x76: {  	v7 =	vmul.f32 v7, v12;
	v4 =	vadd.f32 v10, v11;
	v13 =	vadd.f32 v13, v12;
	v11 =	vld.idx.msk [tilespmem:v2+s25+$0x280 ss:$0x1], $0xffff;
	v12 =	vpop (erf)  }
0x77: {  	(erf) = vpow2.f32 v5  }
0x78: {  	v4 =	vadd.f32 v4, v7;
	v5 =	vadd.f32 v13, v12;
	v7 =	vmul.f32 v8, v12;
	v8 =	vld.idx.msk [tilespmem:v2+s25+$0x300 ss:$0x1], $0xffff;
	v10 =	vpop (erf)  }
0x79: {  	(erf) = vpow2.f32 v6  }
0x7a: {  	v6 =	vmul.f32 v9, v10;
	v4 =	vadd.f32 v4, v7;
	v5 =	vadd.f32 v5, v10;
	v7 =	vld.idx.msk [tilespmem:v2+s25+$0x380 ss:$0x1], $0xffff;
	v9 =	vpop (erf);
	_ =	sdelay $0x1  }
0x7b: {  	v4 =	vadd.f32 v4, v6;
	v5 =	vadd.f32 v5, v9;
	v6 =	vmul.f32 v11, v9;
	v9 =	vld.idx.msk [tilespmem:v2+s25+$0x400 ss:$0x1], $0xffff;
	v10 =	vpop (erf);
	_ =	sdelay $0x1  }
0x7c: {  	v4 =	vadd.f32 v4, v6;
	v5 =	vadd.f32 v5, v10;
	v6 =	vmul.f32 v8, v10;
	v8 =	vpop (erf)  }
0x7d: {  	s28 =	sshra.s32 s28, $0x2  }
0x7e: {  	v4 =	vadd.f32 v4, v6;
	v5 =	vadd.f32 v5, v8;
	v6 =	vmul.f32 v7, v8;
	v7 =	vpop (erf);
	_ =	sdelay $0x1  }
0x7f: {  	v4 =	vadd.f32 v4, v6;
	v5 =	vadd.f32 v5, v7;
	v6 =	vmul.f32 v9, v7;
	v7 =	vpop (erf);
	_ =	sdelay $0x1  }
0x80: {  	v4 =	vadd.f32 v4, v6;
	v5 =	vadd.f32 v5, v7;
	_ =	sdelay $0x1  }
0x81: {  	v6 =	vld.idx.msk [tilespmem:v2+s25+$0x480 ss:$0x1], $0xffff;
	(erf) = vrcp.f32 v5;
	_ =	sdelay $0x5  }
0x82: {  	v6 =	vmul.f32 v6, v7;
	_ =	sdelay $0x1  }
0x83: {  	v4 =	vadd.f32 v4, v6  }
0x84: {  	v5 =	vpop (erf)  }
0x85: {  	v4 =	vmul.f32 v5, v4;
	_ =	sdelay $0x1  }
0x86: {  	v5 =	vmul.f32 $2.000000030e-01, v4;
	_ =	sdelay $0x1  }
0x87: {  	v4 =	vmax.f32 v4, v5  }
0x88: {  	[tilespmem:v3+s25+$0x0 ss:$0x1] =	vst.idx.msk $0xffff, v4;
	s25 =	smov.u32 s28  }
0x89: {  	v4 =	vld.idx.msk [tilespmem:v0+s25+$0xFFFFFB80 ss:$0x1], $0xffff  }
0x8a: {  	v5 =	vld.idx.msk [tilespmem:v0+s25+$0xFFFFFD80 ss:$0x1], $0xffff  }
0x8b: {  	v6 =	vld.idx.msk [tilespmem:v0+s25+$0xFFFFFD00 ss:$0x1], $0xffff  }
0x8c: {  	v7 =	vld.idx.msk [tilespmem:v0+s25+$0xFFFFFB00 ss:$0x1], $0xffff  }
0x8d: {  	v8 =	vld.idx.msk [tilespmem:v0+s25+$0xFFFFFC00 ss:$0x1], $0xffff  }
0x8e: {  	v9 =	vld.idx.msk [tilespmem:v1+s25+$0x0 ss:$0x1], $0xffff  }
0x8f: {  	v10 =	vld.idx.msk [tilespmem:v0+s25+$0xFFFFFC80 ss:$0x1], $0xffff  }
0x90: {  	v11 =	vld.idx.msk [tilespmem:v0+s25+$0xFFFFFE00 ss:$0x1], $0xffff  }
0x91: {  	v12 =	vld.idx.msk [tilespmem:v0+s25+$0xFFFFFF80 ss:$0x1], $0xffff  }
0x92: {  	v13 =	vld.idx.msk [tilespmem:v0+s25+$0x80 ss:$0x1], $0xffff  }
0x93: {  	v14 =	vld.idx.msk [tilespmem:v0+s25+$0xFFFFFF00 ss:$0x1], $0xffff  }
0x94: {  	v7 =	vadd.f32 v7, v9;
	v4 =	vadd.f32 v4, v9  }
0x95: {  	v8 =	vadd.f32 v8, v9;
	v5 =	vadd.f32 v5, v9;
	v15 =	vld.idx.msk [tilespmem:v0+s25+$0xFFFFFE80 ss:$0x1], $0xffff  }
0x96: {  	v6 =	vadd.f32 v6, v9;
	v16 =	vmul.f32 $2.000000030e-01, v7;
	v17 =	vmul.f32 $2.000000030e-01, v4;
	v18 =	vld.idx.msk [tilespmem:v0+s25+$0x0 ss:$0x1], $0xffff  }
0x97: {  	v19 =	vmul.f32 $2.000000030e-01, v8;
	v20 =	vmul.f32 $2.000000030e-01, v5;
	v12 =	vadd.f32 v12, v9  }
0x98: {  	v7 =	vmax.f32 v7, v16;
	v4 =	vmax.f32 v4, v17;
	v13 =	vadd.f32 v13, v9;
	v16 =	vld.idx.msk [tilespmem:v0+s25+$0x100 ss:$0x1], $0xffff  }
0x99: {  	v8 =	vmax.f32 v8, v19;
	v17 =	vmax.f32 v7, v4;
	v14 =	vadd.f32 v14, v9  }
0x9a: {  	v19 =	vmul.f32 $2.000000030e-01, v6;
	v5 =	vmax.f32 v5, v20;
	v17 =	vmax.f32 v17, v8  }
0x9b: {  	v10 =	vadd.f32 v10, v9;
	v15 =	vadd.f32 v15, v9;
	v20 =	vmul.f32 $2.000000030e-01, v14  }
0x9c: {  	v11 =	vadd.f32 v11, v9;
	v6 =	vmax.f32 v6, v19;
	v18 =	vadd.f32 v18, v9;
	v19 =	vld.idx.msk [tilespmem:v0+s25+$0x200 ss:$0x1], $0xffff  }
0x9d: {  	v21 =	vmul.f32 $2.000000030e-01, v10;
	v22 =	vmul.f32 $2.000000030e-01, v15;
	v14 =	vmax.f32 v14, v20;
	v20 =	vld.idx.msk [tilespmem:v0+s25+$0x180 ss:$0x1], $0xffff  }
0x9e: {  	v23 =	vmul.f32 $2.000000030e-01, v11;
	v24 =	vmul.f32 $2.000000030e-01, v13;
	v16 =	vadd.f32 v16, v9;
	v25 =	vld.idx.msk [tilespmem:v0+s25+$0x280 ss:$0x1], $0xffff  }
0x9f: {  	v10 =	vmax.f32 v10, v21;
	v21 =	vmul.f32 $2.000000030e-01, v18;
	v15 =	vmax.f32 v15, v22  }
0xa0: {  	v17 =	vmax.f32 v17, v10;
	v13 =	vmax.f32 v13, v24;
	v22 =	vmul.f32 $2.000000030e-01, v16;
	v24 =	vld.idx.msk [tilespmem:v0+s25+$0x300 ss:$0x1], $0xffff  }
0xa1: {  	v11 =	vmax.f32 v11, v23;
	v17 =	vmax.f32 v17, v6;
	v18 =	vmax.f32 v18, v21  }
0xa2: {  	v17 =	vmax.f32 v17, v5;
	v21 =	vmul.f32 $2.000000030e-01, v12;
	v16 =	vmax.f32 v16, v22;
	v22 =	vld.idx.msk [tilespmem:v0+s25+$0x400 ss:$0x1], $0xffff  }
0xa3: {  	v17 =	vmax.f32 v17, v11;
	v19 =	vadd.f32 v19, v9;
	v20 =	vadd.f32 v20, v9;
	v23 =	vld.idx.msk [tilespmem:v0+s25+$0x380 ss:$0x1], $0xffff  }
0xa4: {  	v17 =	vmax.f32 v17, v15;
	v12 =	vmax.f32 v12, v21;
	v21 =	vadd.f32 v25, v9;
	v25 =	vld.idx.msk [tilespmem:v0+s25+$0x480 ss:$0x1], $0xffff  }
0xa5: {  	v17 =	vmax.f32 v17, v14;
	v27 =	vmul.f32 $2.000000030e-01, v19;
	v26 =	vmul.f32 $2.000000030e-01, v20  }
0xa6: {  	v17 =	vmax.f32 v17, v12;
	v28 =	vmul.f32 $2.000000030e-01, v21;
	v24 =	vadd.f32 v24, v9  }
0xa7: {  	v17 =	vmax.f32 v17, v18;
	v19 =	vmax.f32 v19, v27;
	v20 =	vmax.f32 v20, v26  }
0xa8: {  	v17 =	vmax.f32 v17, v13;
	v21 =	vmax.f32 v21, v28;
	v26 =	vmul.f32 $2.000000030e-01, v24  }
0xa9: {  	v17 =	vmax.f32 v17, v16;
	v22 =	vadd.f32 v22, v9;
	v23 =	vadd.f32 v23, v9  }
0xaa: {  	v17 =	vmax.f32 v17, v20;
	v24 =	vmax.f32 v24, v26;
	v9 =	vadd.f32 v25, v9  }
0xab: {  	v17 =	vmax.f32 v17, v19;
	v26 =	vmul.f32 $2.000000030e-01, v22;
	v25 =	vmul.f32 $2.000000030e-01, v23  }
0xac: {  	v17 =	vmax.f32 v17, v21;
	v27 =	vmul.f32 $2.000000030e-01, v9  }
0xad: {  	v17 =	vmax.f32 v17, v24;
	v22 =	vmax.f32 v22, v26;
	v23 =	vmax.f32 v23, v25  }
0xae: {  	v17 =	vmax.f32 v17, v23;
	v9 =	vmax.f32 v9, v27  }
0xaf: {  	v17 =	vmax.f32 v17, v22  }
0xb0: {  	v17 =	vmax.f32 v17, v9  }
0xb1: {  	v7 =	vsub.f32 v7, v17;
	v4 =	vsub.f32 v4, v17  }
0xb2: {  	v8 =	vsub.f32 v8, v17;
	v10 =	vsub.f32 v10, v17  }
0xb3: {  	v6 =	vsub.f32 v6, v17;
	v7 =	vmul.f32 $1.442695020e+00, v7;
	v4 =	vmul.f32 $1.442695020e+00, v4  }
0xb4: {  	v5 =	vsub.f32 v5, v17;
	v8 =	vmul.f32 $1.442695020e+00, v8;
	v10 =	vmul.f32 $1.442695020e+00, v10  }
0xb5: {  	v11 =	vsub.f32 v11, v17;
	v6 =	vmul.f32 $1.442695020e+00, v6;
	(erf) = vpow2.f32 v7  }
0xb6: {  	v14 =	vsub.f32 v14, v17;
	v5 =	vmul.f32 $1.442695020e+00, v5;
	v7 =	vsub.f32 v15, v17  }
0xb7: {  	v12 =	vsub.f32 v12, v17;
	v11 =	vmul.f32 $1.442695020e+00, v11;
	(erf) = vpow2.f32 v4  }
0xb8: {  	v14 =	vmul.f32 $1.442695020e+00, v14;
	v7 =	vmul.f32 $1.442695020e+00, v7;
	v4 =	vsub.f32 v18, v17  }
0xb9: {  	v13 =	vsub.f32 v13, v17;
	v12 =	vmul.f32 $1.442695020e+00, v12;
	v15 =	vld.idx.msk [tilespmem:v2+s25+$0xFFFFFB00 ss:$0x1], $0xffff;
	(erf) = vpow2.f32 v8  }
0xba: {  	v8 =	vmul.f32 $1.442695020e+00, v4;
	v4 =	vsub.f32 v16, v17;
	v16 =	vsub.f32 v20, v17  }
0xbb: {  	v19 =	vsub.f32 v19, v17;
	v13 =	vmul.f32 $1.442695020e+00, v13;
	v18 =	vld.idx.msk [tilespmem:v2+s25+$0xFFFFFB80 ss:$0x1], $0xffff;
	(erf) = vpow2.f32 v10  }
0xbc: {  	v10 =	vmul.f32 $1.442695020e+00, v4;
	v16 =	vmul.f32 $1.442695020e+00, v16;
	v4 =	vsub.f32 v21, v17  }
0xbd: {  	v19 =	vmul.f32 $1.442695020e+00, v19;
	v21 =	vsub.f32 v24, v17;
	v20 =	vld.idx.msk [tilespmem:v2+s25+$0xFFFFFC00 ss:$0x1], $0xffff;
	(erf) = vpow2.f32 v6  }
0xbe: {  	v24 =	vmul.f32 $1.442695020e+00, v4;
	v4 =	vsub.f32 v23, v17;
	v6 =	vsub.f32 v22, v17;
	v22 =	vpop (erf)  }
0xbf: {  	v23 =	vadd.f32 $0.0e+00, v22;
	v15 =	vmul.f32 v22, v15;
	v22 =	vld.idx.msk [tilespmem:v2+s25+$0xFFFFFC80 ss:$0x1], $0xffff;
	(erf) = vpow2.f32 v5  }
0xc0: {  	v9 =	vsub.f32 v9, v17;
	v21 =	vmul.f32 $1.442695020e+00, v21;
	v5 =	vpop (erf);
	(erf) = vpow2.f32 v11  }
0xc1: {  	v11 =	vadd.f32 $0.0e+00, v15;
	v15 =	vadd.f32 v23, v5;
	v5 =	vmul.f32 v5, v18;
	v17 =	vld.idx.msk [tilespmem:v2+s25+$0xFFFFFD00 ss:$0x1], $0xffff  }
0xc2: {  	v4 =	vmul.f32 $1.442695020e+00, v4;
	v18 =	vpop (erf);
	(erf) = vpow2.f32 v7  }
0xc3: {  	v7 =	vadd.f32 v11, v5;
	v11 =	vadd.f32 v15, v18;
	v15 =	vmul.f32 v18, v20;
	v18 =	vld.idx.msk [tilespmem:v2+s25+$0xFFFFFD80 ss:$0x1], $0xffff  }
0xc4: {  	v5 =	vmul.f32 $1.442695020e+00, v6;
	v6 =	vpop (erf);
	(erf) = vpow2.f32 v14  }
0xc5: {  	v7 =	vadd.f32 v7, v15;
	v11 =	vadd.f32 v11, v6;
	v20 =	vmul.f32 v6, v22;
	v15 =	vld.idx.msk [tilespmem:v2+s25+$0xFFFFFE00 ss:$0x1], $0xffff  }
0xc6: {  	v6 =	vmul.f32 $1.442695020e+00, v9;
	v9 =	vpop (erf);
	(erf) = vpow2.f32 v12  }
0xc7: {  	v7 =	vadd.f32 v7, v20;
	v11 =	vadd.f32 v11, v9;
	v9 =	vmul.f32 v9, v17;
	v12 =	vld.idx.msk [tilespmem:v2+s25+$0xFFFFFE80 ss:$0x1], $0xffff  }
0xc8: {  	v14 =	vpop (erf);
	(erf) = vpow2.f32 v8  }
0xc9: {  	v7 =	vadd.f32 v7, v9;
	v8 =	vadd.f32 v11, v14;
	v9 =	vmul.f32 v14, v18;
	v11 =	vld.idx.msk [tilespmem:v2+s25+$0xFFFFFF00 ss:$0x1], $0xffff;
	v14 =	vpop (erf)  }
0xca: {  	(erf) = vpow2.f32 v13  }
0xcb: {  	v7 =	vadd.f32 v7, v9;
	v8 =	vadd.f32 v8, v14;
	v9 =	vmul.f32 v15, v14;
	v13 =	vld.idx.msk [tilespmem:v2+s25+$0xFFFFFF80 ss:$0x1], $0xffff;
	v14 =	vpop (erf)  }
0xcc: {  	(erf) = vpow2.f32 v10  }
0xcd: {  	v7 =	vadd.f32 v7, v9;
	v8 =	vadd.f32 v8, v14;
	v9 =	vmul.f32 v12, v14;
	v10 =	vld.idx.msk [tilespmem:v2+s25+$0x0 ss:$0x1], $0xffff;
	v12 =	vpop (erf)  }
0xce: {  	(erf) = vpow2.f32 v16  }
0xcf: {  	v7 =	vadd.f32 v7, v9;
	v8 =	vadd.f32 v8, v12;
	v9 =	vmul.f32 v11, v12;
	v11 =	vld.idx.msk [tilespmem:v2+s25+$0x80 ss:$0x1], $0xffff;
	v12 =	vpop (erf)  }
0xd0: {  	(erf) = vpow2.f32 v19  }
.Ltmp0:
0xd1: {  	v9 =	vadd.f32 v7, v9;
	v8 =	vadd.f32 v8, v12;
	v12 =	vmul.f32 v13, v12;
	v7 =	vld.idx.msk [tilespmem:v2+s25+$0x100 ss:$0x1], $0xffff;
	v13 =	vpop (erf);
	(pc) =	sbr.rel @p0 .LBB2_4-.Ltmp0, $4  }
0xd2: {  	(erf) = vpow2.f32 v24  }
0xd3: {  	v10 =	vmul.f32 v10, v13;
	v9 =	vadd.f32 v9, v12;
	v15 =	vadd.f32 v8, v13;
	v8 =	vld.idx.msk [tilespmem:v2+s25+$0x180 ss:$0x1], $0xffff;
	v14 =	vpop (erf)  }
0xd4: {  	(erf) = vpow2.f32 v21  }
0xd5: {  	v11 =	vmul.f32 v11, v14;
	v10 =	vadd.f32 v9, v10;
	v13 =	vadd.f32 v15, v14;
	v9 =	vld.idx.msk [tilespmem:v2+s25+$0x200 ss:$0x1], $0xffff;
	v12 =	vpop (erf)  }
0xd6: {  	_ = 	snop  }
0xd7: {  	(erf) = vpow2.f32 v4;
	v0 =	vadd.f32 v13, v12  }
0xd8: {  	v1 =	vpop (erf)  }
0xd9: {  	(erf) = vpow2.f32 v5;
	v0 =	vadd.f32 v0, v1  }
0xda: {  	v48 =	vpop (erf)  }
0xdb: {  	(erf) = vpow2.f32 v6;
	v0 =	vadd.f32 v0, v48  }
0xdc: {  	v49 =	vpop (erf)  }
0xdd: {  	v0 =	vadd.f32 v0, v49  }
0xde: {  	v50 =	vpop (erf)  }
0xdf: {  	v7 =	vmul.f32 v7, v12;
	v10 =	vadd.f32 v10, v11;
	v0 =	vadd.f32 v0, v50  }
0xe0: {  	v51 =	vld.idx.msk [tilespmem:v2+s25+$0x280 ss:$0x1], $0xffff;
	v52 =	vpop (erf)  }
0xe1: {  	v7 =	vadd.f32 v10, v7;
	v1 =	vmul.f32 v8, v1;
	v0 =	vadd.f32 v0, v52  }
0xe2: {  	v53 =	vld.idx.msk [tilespmem:v2+s25+$0x300 ss:$0x1], $0xffff;
	v54 =	vpop (erf)  }
0xe3: {  	v4 =	vmul.f32 v9, v48;
	v1 =	vadd.f32 v7, v1;
	v0 =	vadd.f32 v0, v54  }
0xe4: {  	v55 =	vld.idx.msk [tilespmem:v2+s25+$0x380 ss:$0x1], $0xffff;
	v56 =	vpop (erf)  }
0xe5: {  	v57 =	vmul.f32 v51, v49;
	v1 =	vadd.f32 v1, v4;
	v0 =	vadd.f32 v0, v56  }
0xe6: {  	v58 =	vld.idx.msk [tilespmem:v2+s25+$0x400 ss:$0x1], $0xffff  }
0xe7: {  	v59 =	vmul.f32 v53, v50;
	v1 =	vadd.f32 v1, v57;
	(erf) = vrcp.f32 v0  }
0xe8: {  	v60 =	vld.idx.msk [tilespmem:v2+s25+$0x480 ss:$0x1], $0xffff  }
0xe9: {  	v61 =	vmul.f32 v55, v52;
	v1 =	vadd.f32 v1, v59;
	_ =	sdelay $0x1  }
0xea: {  	v62 =	vmul.f32 v58, v54;
	v1 =	vadd.f32 v1, v61;
	_ =	sdelay $0x1  }
0xeb: {  	v1 =	vadd.f32 v1, v62;
	v0 =	vmul.f32 v60, v56;
	_ =	sdelay $0x1  }
0xec: {  	v0 =	vadd.f32 v1, v0  }
0xed: {  	s19 =	sadd.s32 $0x1, s19;
	v63 =	vpop (erf)  }
0xee: {  	p0 =	sne.s32 s19, $0x4;
	v0 =	vmul.f32 v63, v0  }
.Ltmp1:
0xef: {  	_ = 	snop;
	(pc) =	sbr.rel @p0 .LBB2_3-.Ltmp1, $3  }
0xf0: {  	v1 =	vmul.f32 $2.000000030e-01, v0;
	_ =	sdelay $0x1  }
0xf1: {  	s21 =	sadd.s32 $0x80, s21;
	v0 =	vmax.f32 v0, v1  }
0xf2: {  	s22 =	sadd.s32 $0x80, s22;
	s23 =	sadd.s32 $0xA00, s23;
	s24 =	sadd.s32 $0xA00, s24;
	[tilespmem:v3+s25+$0x0 ss:$0x1] =	vst.idx.msk $0xffff, v0  }
0xf3: {  	s18 =	sadd.s32 $0x1, s18  }
0xf4: {  	p0 =	sne.s32 s18, $0x20  }
.Ltmp2:
0xf5: {  	s19 =	sadd.s32 s7, s20;
	(pc) =	sbr.rel @p0 .LBB2_2-.Ltmp2, $4  }
0xf6: {  	[hbm4b:s19+s1] =	stream.linear.scatter [tilespmem:s16], [sflag:$0x3], $0x200, $0x38;
	[tilespmem:$0x5480] =	vst v63  }
0xf7: {  	_ =	swait.ge [sflag:s10], $0x200  }
0xf8: {  	[sflag:s10] =	ssyncset.done $0x0  }
0xf9: {  	[sflag:s10] =	ssyncadd.s32 $0xFFFFFE00  }
0xfa: {  	s17 =	sadd.s32 $0x1, s17  }
0xfb: {  	p0 =	sne.s32 s17, s9  }
.Ltmp3:
0xfc: {  	_ = 	snop;
	(pc) =	sbr.rel @p0 .LBB2_1-.Ltmp3, $1  }
0xfd: {  	_ =	sdelay $0x3  }
0xfe: {  	_ =	sfence.sel $0x180000  }
0xff: {  	[bflag:$0x0] =	sbarrier.arrive $0xFFFF  }
0x100: {  	p0 =	sne.s32 s3, $0x0;
	_ =	strace $0x9000004D  }
0x101: {  	s0 =	sadd.s32 @!p0 $0x100000, s0;
	[bflag:$0x2] =	sbarrier.arrive $0xFFFF  }
0x102: {  	[sflag:s0] =	ssyncadd.tile.s32 @!p0 $0x1;
	_ =	shalt  }
.Lfunc_end2:
_tile_overlayer_lowered:
.L_overlay_start_2:
0x103: {  	(tag) =	ssettag $0x2  }
0x104: {  	s0 =	rddreg [dreg:$0x0];
	s2 =	stileid.u32  }
0x105: {  	s1 =	rddreg [dreg:$0x1];
	p0 =	sne.s32 s2, $0x0  }
0x106: {  	s3 =	rddreg [dreg:$0x2];
	[bflag:$0x3] =	sbarrier.arrive $0xFFFF;
	s2 =	simm.s32 @!p0 $0x1C03  }
0x107: {  	[timem:s3], [sflag:s2] =	dma.local @!p0 [hbm:s0], s1  }
0x108: {  	s0 =	simm.s32 @!p0 $0x3  }
0x109: {  	_ =	swait.ge @!p0 [sflag:s0], s1  }
0x10a: {  	s1 =	ssub.s32 @!p0 $0x0, s1;
	[sflag:s0] =	ssyncset.done @!p0 $0x0  }
0x10b: {  	[sflag:s0] =	ssyncadd.s32 @!p0 s1  }
0x10c: {  	[bflag:$0x3] =	sbarrier.arrive $0xFFFF  }
0x10d: {  	_ =	shalt  }

</sc_bundles>
